<compile_context>
chip_gen: v7x
topology: tpu7x:2x2x1
jax: 0.10.2.dev20260603
libtpu: 0.0.44.dev20260713+nightly
codegen_flags: <defaults>
</compile_context>

<pallas_src>
import functools

import jax
import jax.numpy as jnp
from jax import lax
from jax.experimental import pallas as pl
from jax.experimental.pallas import tpu as pltpu
from jax.experimental.pallas import tpu_sc as plsc

_B, _T, _F = 16, 2048, 55
_EMB = 32
_OUT = 128
_NTOK = _B * _T
_NLOOK = 10
_GROUP = 128
_NW = 32
_TPW = _NTOK // _NW
_NH = 4
_HTOK = _TPW // _NH
_BPH = _HTOK // _GROUP
_GPW = _NH * _NLOOK * _BPH
_NG = _NW * _GPW

_IDX_COLS = (2, 3, 4, 5, 6, 27, 31, 33, 41, 49)
_TAB_OF_L = (0, 0, 0, 0, 0, 1, 2, 2, 2, 3)
_PASS_COLS = ((0, 1) + tuple(range(7, 27)) + (28, 29, 30) + (32,)
              + tuple(range(34, 41)) + tuple(range(42, 49))
              + tuple(range(50, 55)))

_TOK_BLK = 512
_GRID = _NTOK // _TOK_BLK
_BLK_PER_BATCH = _T // _TOK_BLK


def _premix_body(t_ref, w_ref, m_ref):
    m_ref[...] = jnp.dot(t_ref[...], w_ref[0],
                         preferred_element_type=jnp.float32)


def _premix(t10, wemb10):
    return pl.pallas_call(
        _premix_body,
        grid=(_NLOOK,),
        in_specs=[
            pl.BlockSpec((1000, _EMB), lambda l: (l, 0)),
            pl.BlockSpec((1, _EMB, _OUT), lambda l: (l, 0, 0)),
        ],
        out_specs=pl.BlockSpec((1000, _OUT), lambda l: (l, 0)),
        out_shape=jax.ShapeDtypeStruct((_NLOOK * 1000, _OUT), jnp.float32),
    )(t10, wemb10)


def _sc_embsum(m_tab, idx2d):
    mesh = plsc.VectorSubcoreMesh(core_axis_name="c", subcore_axis_name="s")

    @functools.partial(
        pl.kernel,
        out_type=jax.ShapeDtypeStruct((_NTOK, _OUT), jnp.float32),
        mesh=mesh,
        scratch_types=[
            pltpu.VMEM((_GPW, _GROUP), jnp.int32),
            pltpu.VMEM((2 * _HTOK, _OUT), jnp.float32),
            pltpu.SemaphoreType.DMA,
            pltpu.SemaphoreType.DMA,
            pltpu.SemaphoreType.DMA,
        ],
    )
    def sc_kernel(m_hbm, idx_hbm, out_hbm, idx_v, acc_v, gsem, csem0, csem1):
        sid = lax.axis_index("s")
        wid = sid * 2 + lax.axis_index("c")
        pltpu.sync_copy(idx_hbm.at[pl.ds(wid * _GPW, _GPW)], idx_v)
        cout = [None, None]
        for h in range(_NH):
            a = h % 2
            if cout[a] is not None:
                cout[a].wait()
            g0 = []
            for bq in range(_BPH):
                g = (h * _NLOOK) * _BPH + bq
                g0.append(pltpu.async_copy(
                    m_hbm.at[idx_v.at[g]],
                    acc_v.at[pl.ds(a * _HTOK + bq * _GROUP, _GROUP)], gsem))
            adds = []
            for bq in range(_BPH):
                g0[bq].wait()
                for l in range(1, _NLOOK):
                    g = (h * _NLOOK + l) * _BPH + bq
                    adds.append(pltpu.async_copy(
                        m_hbm.at[idx_v.at[g]],
                        acc_v.at[pl.ds(a * _HTOK + bq * _GROUP, _GROUP)],
                        gsem, add=True))
            for cp in adds:
                cp.wait()
            cout[a] = pltpu.async_copy(
                acc_v.at[pl.ds(a * _HTOK, _HTOK)],
                out_hbm.at[pl.ds(wid * _TPW + h * _HTOK, _HTOK)],
                csem0 if a == 0 else csem1)
        for cp in cout:
            if cp is not None:
                cp.wait()

    return sc_kernel(m_tab, idx2d)


def _spk_body(sids_ref, spk_hbm, out_ref, sem):
    cps = []
    for bt in range(_B):
        cp = pltpu.make_async_copy(
            spk_hbm.at[pl.ds(sids_ref[bt], 1)],
            out_ref.at[pl.ds(bt, 1)], sem)
        cp.start()
        cps.append(cp)
    for cp in cps:
        cp.wait()


def _spk_fetch(sids, spk_table):
    return pl.pallas_call(
        _spk_body,
        grid_spec=pltpu.PrefetchScalarGridSpec(
            num_scalar_prefetch=1,
            in_specs=[pl.BlockSpec(memory_space=pl.ANY)],
            out_specs=pl.BlockSpec(memory_space=pltpu.MemorySpace.VMEM),
            scratch_shapes=[pltpu.SemaphoreType.DMA],
        ),
        out_shape=jax.ShapeDtypeStruct((_B, 64), jnp.float32),
    )(sids, spk_table)


def _mix_body(emb_ref, utt_ref, spk_ref, wp55_ref, wspkT_ref, b_ref, out_ref):
    acc = (emb_ref[...].astype(jnp.float32)
           + jnp.dot(utt_ref[...], wp55_ref[...],
                     preferred_element_type=jnp.float32))
    bidx = pl.program_id(0) // _BLK_PER_BATCH
    spk_row = spk_ref[pl.ds(bidx, 1), :]
    smix = jnp.dot(spk_row, wspkT_ref[...],
                   preferred_element_type=jnp.float32)
    out_ref[...] = acc + smix + b_ref[...]


def _tc_mix(embsum, utt2d, spk_rows, Wp55, WspkT, b2d):
    return pl.pallas_call(
        _mix_body,
        grid=(_GRID,),
        in_specs=[
            pl.BlockSpec((_TOK_BLK, _OUT), lambda i: (i, 0)),
            pl.BlockSpec((_TOK_BLK, _F), lambda i: (i, 0)),
            pl.BlockSpec((_B, 64), lambda i: (0, 0)),
            pl.BlockSpec((_F, _OUT), lambda i: (0, 0)),
            pl.BlockSpec((64, _OUT), lambda i: (0, 0)),
            pl.BlockSpec((1, _OUT), lambda i: (0, 0)),
        ],
        out_specs=pl.BlockSpec((_TOK_BLK, _OUT), lambda i: (i, 0)),
        out_shape=jax.ShapeDtypeStruct((_NTOK, _OUT), jnp.float32),
    )(embsum, utt2d, spk_rows, Wp55, WspkT, b2d)


def kernel(utt_conds, speakers_ids, speaker_table, phon_table, vowel_table,
           gpos_table, tobi_table, W, b):
    utt2d = utt_conds.reshape(_NTOK, _F)

    idx = (utt2d[:, jnp.array(_IDX_COLS)].astype(jnp.int32)
           + (jnp.arange(_NLOOK, dtype=jnp.int32) * 1000)[None, :])
    idx2d = (idx.reshape(_NW, _NH, _BPH, _GROUP, _NLOOK)
             .transpose(0, 1, 4, 2, 3).reshape(_NG, _GROUP))

    t10 = jnp.concatenate(
        [phon_table] * 5 + [vowel_table] + [gpos_table] * 3 + [tobi_table],
        axis=0)
    wemb10 = W[:, 64:64 + _NLOOK * _EMB].T.reshape(_NLOOK, _EMB, _OUT)
    m_tab = _premix(t10, wemb10)

    embsum = _sc_embsum(m_tab, idx2d)
    spk_rows = _spk_fetch(speakers_ids.astype(jnp.int32), speaker_table)

    WspkT = W[:, :64].T
    Wp55 = (jnp.zeros((_F, _OUT), W.dtype)
            .at[jnp.array(_PASS_COLS)].set(W[:, 64 + _NLOOK * _EMB:].T))

    out2d = _tc_mix(embsum, utt2d, spk_rows, Wp55, WspkT, b.reshape(1, _OUT))
    return out2d.reshape(_B, _T, _OUT)

# --- scband reference (transcript-rebuilt; emitter-appended) ---
"""Pipeline reference for scband-conds-mixer-11699490914704 (READ-ONLY COPY).

The authoritative reference and input builder live on the scoring server;
editing this copy changes nothing except your own understanding.
"""

import jax, jax.numpy as jnp
import numpy as np

B, T, F_IN = 16, 2048, 55
SPK_N, SPK_D = 100000, 64
LING_N = 1000
EMB = 32
OUT = 128
PHON_COLS = [2, 3, 4, 5, 6]
VOWEL_COL = 27
GPOS_COLS = [31, 33, 41]
TOBI_COL = 49
EXPANDED = F_IN - 10 + 10 * EMB  # 365
MIX_IN = EXPANDED + SPK_D  # 429


def setup_inputs(seed: int = 0) -> dict:
    key = jax.random.key(seed)
    ks = jax.random.split(key, 12)
    # utt_conds is float, but specific columns hold integer category ids (cast with .long() in torch)
    utt = jax.random.uniform(ks[0], (B, T, F_IN), dtype=jnp.float32)
    idx_cols = PHON_COLS + [VOWEL_COL] + GPOS_COLS + [TOBI_COL]
    for j, c in enumerate(idx_cols):
        vals = jax.random.randint(jax.random.fold_in(ks[1], j), (B, T), 0, LING_N)
        utt = utt.at[:, :, c].set(vals.astype(jnp.float32))
    speakers_ids = jax.random.randint(ks[2], (B,), 0, SPK_N)
    speaker_table = jax.random.normal(ks[3], (SPK_N, SPK_D), dtype=jnp.float32) * 0.02
    phon_table = jax.random.normal(ks[4], (LING_N, EMB), dtype=jnp.float32) * 0.02
    vowel_table = jax.random.normal(ks[5], (LING_N, EMB), dtype=jnp.float32) * 0.02
    gpos_table = jax.random.normal(ks[6], (LING_N, EMB), dtype=jnp.float32) * 0.02
    tobi_table = jax.random.normal(ks[7], (LING_N, EMB), dtype=jnp.float32) * 0.02
    W = jax.random.normal(ks[8], (OUT, MIX_IN), dtype=jnp.float32) * (1.0 / np.sqrt(MIX_IN))
    b = jax.random.uniform(ks[9], (OUT,), dtype=jnp.float32, minval=-0.01, maxval=0.01)
    return {
        'utt_conds': utt,
        'speakers_ids': speakers_ids,
        'speaker_table': speaker_table,
        'phon_table': phon_table,
        'vowel_table': vowel_table,
        'gpos_table': gpos_table,
        'tobi_table': tobi_table,
        'W': W,
        'b': b,
    }


def reference(utt_conds, speakers_ids, speaker_table, phon_table, vowel_table, gpos_table, tobi_table, W, b):
    # _forward_speaker_conds: embedding lookup, unsqueeze(1), expand over time
    spk = jnp.take(speaker_table, speakers_ids, axis=0)[:, None, :]
    spk = jnp.broadcast_to(spk, (utt_conds.shape[0], utt_conds.shape[1], spk.shape[-1]))
    # _forward_linguistic_features
    feats = []
    for i in PHON_COLS:
        feats.append(jnp.take(phon_table, utt_conds[:, :, i].astype(jnp.int32), axis=0))
    feats.append(jnp.take(vowel_table, utt_conds[:, :, VOWEL_COL].astype(jnp.int32), axis=0))
    for i in GPOS_COLS:
        feats.append(jnp.take(gpos_table, utt_conds[:, :, i].astype(jnp.int32), axis=0))
    feats.append(jnp.take(tobi_table, utt_conds[:, :, TOBI_COL].astype(jnp.int32), axis=0))
    feats.append(utt_conds[:, :, 0:2])
    feats.append(utt_conds[:, :, 7:27])
    feats.append(utt_conds[:, :, 28:31])
    feats.append(utt_conds[:, :, 32:33])
    feats.append(utt_conds[:, :, 34:41])
    feats.append(utt_conds[:, :, 42:49])
    feats.append(utt_conds[:, :, 50:])
    utt = jnp.concatenate(feats, axis=2)
    # conds_mix linear over concatenated speaker + utterance conds
    x = jnp.concatenate([spk, utt], axis=2)
    return x @ W.T + b

if __name__ == "__main__":
    import jax
    _d = setup_inputs()
    print(jax.jit(kernel)(*tuple(_d.values())))

</pallas_src>

<mosaic_0001>
#map = affine_map<(d0, d1) -> (0, 0)>
module attributes {stable_mosaic.version = 14 : i64} {
  func.func @sc_kernel(%arg0: i32, %arg1: i32, %arg2: memref<10000x128xf32, #tpu.memory_space<hbm>>, %arg3: memref<2560x128xi32, #tpu.memory_space<hbm>>, %arg4: memref<32768x128xf32, #tpu.memory_space<hbm>>, %arg5: memref<80x128xi32, #tpu.memory_space<vmem>>, %arg6: memref<512x128xf32, #tpu.memory_space<vmem>>, %arg7: memref<!tpu.dma_semaphore, #tpu.memory_space<semaphore_mem>>, %arg8: memref<!tpu.dma_semaphore, #tpu.memory_space<semaphore_mem>>, %arg9: memref<!tpu.dma_semaphore, #tpu.memory_space<semaphore_mem>>) attributes {dimension_semantics = [#tpu.dimension_semantics<core_parallel>, #tpu.dimension_semantics<subcore_parallel>], iteration_bounds = array<i64: 2, 16>, scalar_prefetch = 0 : i64, scratch_operands = 5 : i64, tpu.core_type = #tpu.core_type<sc_vector_subcore>, window_params = [{transform_indices = #map}, {transform_indices = #map}, {transform_indices = #map}]} {
    %mul3A = arith.constant 2 : i32
    %mul3A_0 = arith.muli %arg1, %mul3A : i32
    %add3A = arith.addi %mul3A_0, %arg0 : i32
    %mul3A_1 = arith.constant 80 : i32
    %mul3A_2 = arith.muli %add3A, %mul3A_1 : i32
    "tpu.region"() ({
      %run_scoped3A = tpu.sem_alloc : memref<!tpu.dma_semaphore, #tpu.memory_space<semaphore_mem>>
      %dma_start3A_1697 = arith.constant 0 : i32
      %dma_start3A_1698 = tpu.memref_slice %arg3[%mul3A_2, %dma_start3A_1697] : memref<2560x128xi32, #tpu.memory_space<hbm>> -> memref<80x128xi32, #tpu.memory_space<hbm>>
      %dma_start3A_1699 = arith.constant 0 : i32
      %dma_start3A_1700 = tpu.memref_slice %arg3[%mul3A_2, %dma_start3A_1699] : memref<2560x128xi32, #tpu.memory_space<hbm>> -> memref<80x128xi32, #tpu.memory_space<hbm>>
      tpu.enqueue_dma source(%dma_start3A_1700 : memref<80x128xi32, #tpu.memory_space<hbm>>) target(%arg5 : memref<80x128xi32, #tpu.memory_space<vmem>>) target_semaphore(%run_scoped3A : memref<!tpu.dma_semaphore, #tpu.memory_space<semaphore_mem>>)
      %dma_wait3A_1701 = arith.constant 0 : i32
      %dma_wait3A_1702 = tpu.memref_slice %arg3[%mul3A_2, %dma_wait3A_1701] : memref<2560x128xi32, #tpu.memory_space<hbm>> -> memref<80x128xi32, #tpu.memory_space<hbm>>
      %dma_wait3A_1703 = arith.constant 0 : i32
      %dma_wait3A_1704 = tpu.memref_slice %arg3[%mul3A_2, %dma_wait3A_1703] : memref<2560x128xi32, #tpu.memory_space<hbm>> -> memref<80x128xi32, #tpu.memory_space<hbm>>
      tpu.wait_dma2 semaphore(%run_scoped3A : memref<!tpu.dma_semaphore, #tpu.memory_space<semaphore_mem>>) src(%dma_wait3A_1704 : memref<80x128xi32, #tpu.memory_space<hbm>>) dst(%arg5 : memref<80x128xi32, #tpu.memory_space<vmem>>)
      tpu.yield
    }) : () -> ()
    %dma_start3A = arith.constant 0 : i32
    %dma_start3A_3 = arith.constant 0 : i32
    %dma_start3A_4 = arith.constant 0 : i32
    %dma_start3A_5 = tpu.memref_slice %arg6[%dma_start3A_3, %dma_start3A_4] : memref<512x128xf32, #tpu.memory_space<vmem>> -> memref<128x128xf32, #tpu.memory_space<vmem>>
    %dma_start3A_6 = arith.constant 0 : i32
    %dma_start3A_7 = tpu.memref_slice %arg5[%dma_start3A, %dma_start3A_6] : memref<80x128xi32, #tpu.memory_space<vmem>> -> memref<1x128xi32, #tpu.memory_space<vmem>>
    %dma_start3A_8 = tpu.memref_squeeze %dma_start3A_7 : memref<1x128xi32, #tpu.memory_space<vmem>> -> memref<128xi32, #tpu.memory_space<vmem>>
    %dma_start3A_9 = arith.constant 0 : i32
    %dma_start3A_10 = arith.constant 0 : i32
    %dma_start3A_11 = tpu.memref_slice %arg2[%dma_start3A_9, %dma_start3A_10] : memref<10000x128xf32, #tpu.memory_space<hbm>> -> memref<10000x128xf32, #tpu.memory_space<hbm>>
    tpu.enqueue_indirect_dma source(%dma_start3A_11 : memref<10000x128xf32, #tpu.memory_space<hbm>>) target(%dma_start3A_5 : memref<128x128xf32, #tpu.memory_space<vmem>>) offsets(%dma_start3A_8 : memref<128xi32, #tpu.memory_space<vmem>>) semaphore(%arg7 : memref<!tpu.dma_semaphore, #tpu.memory_space<semaphore_mem>>)
    %dma_start3A_12 = arith.constant 1 : i32
    %dma_start3A_13 = arith.constant 128 : i32
    %dma_start3A_14 = arith.constant 0 : i32
    %dma_start3A_15 = tpu.memref_slice %arg6[%dma_start3A_13, %dma_start3A_14] : memref<512x128xf32, #tpu.memory_space<vmem>> -> memref<128x128xf32, #tpu.memory_space<vmem>>
    %dma_start3A_16 = arith.constant 0 : i32
    %dma_start3A_17 = tpu.memref_slice %arg5[%dma_start3A_12, %dma_start3A_16] : memref<80x128xi32, #tpu.memory_space<vmem>> -> memref<1x128xi32, #tpu.memory_space<vmem>>
    %dma_start3A_18 = tpu.memref_squeeze %dma_start3A_17 : memref<1x128xi32, #tpu.memory_space<vmem>> -> memref<128xi32, #tpu.memory_space<vmem>>
    %dma_start3A_19 = arith.constant 0 : i32
    %dma_start3A_20 = arith.constant 0 : i32
    %dma_start3A_21 = tpu.memref_slice %arg2[%dma_start3A_19, %dma_start3A_20] : memref<10000x128xf32, #tpu.memory_space<hbm>> -> memref<10000x128xf32, #tpu.memory_space<hbm>>
    tpu.enqueue_indirect_dma source(%dma_start3A_21 : memref<10000x128xf32, #tpu.memory_space<hbm>>) target(%dma_start3A_15 : memref<128x128xf32, #tpu.memory_space<vmem>>) offsets(%dma_start3A_18 : memref<128xi32, #tpu.memory_space<vmem>>) semaphore(%arg7 : memref<!tpu.dma_semaphore, #tpu.memory_space<semaphore_mem>>)
    %dma_wait3A = arith.constant 0 : i32
    %dma_wait3A_22 = arith.constant 0 : i32
    %dma_wait3A_23 = arith.constant 0 : i32
    %dma_wait3A_24 = tpu.memref_slice %arg6[%dma_wait3A_22, %dma_wait3A_23] : memref<512x128xf32, #tpu.memory_space<vmem>> -> memref<128x128xf32, #tpu.memory_space<vmem>>
    %dma_wait3A_25 = arith.constant 0 : i32
    %dma_wait3A_26 = tpu.memref_slice %arg5[%dma_wait3A, %dma_wait3A_25] : memref<80x128xi32, #tpu.memory_space<vmem>> -> memref<1x128xi32, #tpu.memory_space<vmem>>
    %dma_wait3A_27 = tpu.memref_squeeze %dma_wait3A_26 : memref<1x128xi32, #tpu.memory_space<vmem>> -> memref<128xi32, #tpu.memory_space<vmem>>
    %dma_wait3A_28 = arith.constant 0 : i32
    %dma_wait3A_29 = arith.constant 0 : i32
    %dma_wait3A_30 = tpu.memref_slice %arg2[%dma_wait3A_28, %dma_wait3A_29] : memref<10000x128xf32, #tpu.memory_space<hbm>> -> memref<10000x128xf32, #tpu.memory_space<hbm>>
    tpu.wait_indirect_dma semaphore(%arg7 : memref<!tpu.dma_semaphore, #tpu.memory_space<semaphore_mem>>) src(%dma_wait3A_30 : memref<10000x128xf32, #tpu.memory_space<hbm>>) dst(%dma_wait3A_24 : memref<128x128xf32, #tpu.memory_space<vmem>>)
    %dma_start3A_31 = arith.constant 2 : i32
    %dma_start3A_32 = arith.constant 0 : i32
    %dma_start3A_33 = arith.constant 0 : i32
    %dma_start3A_34 = tpu.memref_slice %arg6[%dma_start3A_32, %dma_start3A_33] : memref<512x128xf32, #tpu.memory_space<vmem>> -> memref<128x128xf32, #tpu.memory_space<vmem>>
    %dma_start3A_35 = arith.constant 0 : i32
    %dma_start3A_36 = tpu.memref_slice %arg5[%dma_start3A_31, %dma_start3A_35] : memref<80x128xi32, #tpu.memory_space<vmem>> -> memref<1x128xi32, #tpu.memory_space<vmem>>
    %dma_start3A_37 = tpu.memref_squeeze %dma_start3A_36 : memref<1x128xi32, #tpu.memory_space<vmem>> -> memref<128xi32, #tpu.memory_space<vmem>>
    %dma_start3A_38 = arith.constant 0 : i32
    %dma_start3A_39 = arith.constant 0 : i32
    %dma_start3A_40 = tpu.memref_slice %arg2[%dma_start3A_38, %dma_start3A_39] : memref<10000x128xf32, #tpu.memory_space<hbm>> -> memref<10000x128xf32, #tpu.memory_space<hbm>>
    tpu.enqueue_indirect_dma source(%dma_start3A_40 : memref<10000x128xf32, #tpu.memory_space<hbm>>) target(%dma_start3A_34 : memref<128x128xf32, #tpu.memory_space<vmem>>) offsets(%dma_start3A_37 : memref<128xi32, #tpu.memory_space<vmem>>) semaphore(%arg7 : memref<!tpu.dma_semaphore, #tpu.memory_space<semaphore_mem>>) {add = true}
    %dma_start3A_41 = arith.constant 4 : i32
    %dma_start3A_42 = arith.constant 0 : i32
    %dma_start3A_43 = arith.constant 0 : i32
    %dma_start3A_44 = tpu.memref_slice %arg6[%dma_start3A_42, %dma_start3A_43] : memref<512x128xf32, #tpu.memory_space<vmem>> -> memref<128x128xf32, #tpu.memory_space<vmem>>
    %dma_start3A_45 = arith.constant 0 : i32
    %dma_start3A_46 = tpu.memref_slice %arg5[%dma_start3A_41, %dma_start3A_45] : memref<80x128xi32, #tpu.memory_space<vmem>> -> memref<1x128xi32, #tpu.memory_space<vmem>>
    %dma_start3A_47 = tpu.memref_squeeze %dma_start3A_46 : memref<1x128xi32, #tpu.memory_space<vmem>> -> memref<128xi32, #tpu.memory_space<vmem>>
    %dma_start3A_48 = arith.constant 0 : i32
    %dma_start3A_49 = arith.constant 0 : i32
    %dma_start3A_50 = tpu.memref_slice %arg2[%dma_start3A_48, %dma_start3A_49] : memref<10000x128xf32, #tpu.memory_space<hbm>> -> memref<10000x128xf32, #tpu.memory_space<hbm>>
    tpu.enqueue_indirect_dma source(%dma_start3A_50 : memref<10000x128xf32, #tpu.memory_space<hbm>>) target(%dma_start3A_44 : memref<128x128xf32, #tpu.memory_space<vmem>>) offsets(%dma_start3A_47 : memref<128xi32, #tpu.memory_space<vmem>>) semaphore(%arg7 : memref<!tpu.dma_semaphore, #tpu.memory_space<semaphore_mem>>) {add = true}
    %dma_start3A_51 = arith.constant 6 : i32
    %dma_start3A_52 = arith.constant 0 : i32
    %dma_start3A_53 = arith.constant 0 : i32
    %dma_start3A_54 = tpu.memref_slice %arg6[%dma_start3A_52, %dma_start3A_53] : memref<512x128xf32, #tpu.memory_space<vmem>> -> memref<128x128xf32, #tpu.memory_space<vmem>>
    %dma_start3A_55 = arith.constant 0 : i32
    %dma_start3A_56 = tpu.memref_slice %arg5[%dma_start3A_51, %dma_start3A_55] : memref<80x128xi32, #tpu.memory_space<vmem>> -> memref<1x128xi32, #tpu.memory_space<vmem>>
    %dma_start3A_57 = tpu.memref_squeeze %dma_start3A_56 : memref<1x128xi32, #tpu.memory_space<vmem>> -> memref<128xi32, #tpu.memory_space<vmem>>
    %dma_start3A_58 = arith.constant 0 : i32
    %dma_start3A_59 = arith.constant 0 : i32
    %dma_start3A_60 = tpu.memref_slice %arg2[%dma_start3A_58, %dma_start3A_59] : memref<10000x128xf32, #tpu.memory_space<hbm>> -> memref<10000x128xf32, #tpu.memory_space<hbm>>
    tpu.enqueue_indirect_dma source(%dma_start3A_60 : memref<10000x128xf32, #tpu.memory_space<hbm>>) target(%dma_start3A_54 : memref<128x128xf32, #tpu.memory_space<vmem>>) offsets(%dma_start3A_57 : memref<128xi32, #tpu.memory_space<vmem>>) semaphore(%arg7 : memref<!tpu.dma_semaphore, #tpu.memory_space<semaphore_mem>>) {add = true}
    %dma_start3A_61 = arith.constant 8 : i32
    %dma_start3A_62 = arith.constant 0 : i32
    %dma_start3A_63 = arith.constant 0 : i32
    %dma_start3A_64 = tpu.memref_slice %arg6[%dma_start3A_62, %dma_start3A_63] : memref<512x128xf32, #tpu.memory_space<vmem>> -> memref<128x128xf32, #tpu.memory_space<vmem>>
    %dma_start3A_65 = arith.constant 0 : i32
    %dma_start3A_66 = tpu.memref_slice %arg5[%dma_start3A_61, %dma_start3A_65] : memref<80x128xi32, #tpu.memory_space<vmem>> -> memref<1x128xi32, #tpu.memory_space<vmem>>
    %dma_start3A_67 = tpu.memref_squeeze %dma_start3A_66 : memref<1x128xi32, #tpu.memory_space<vmem>> -> memref<128xi32, #tpu.memory_space<vmem>>
    %dma_start3A_68 = arith.constant 0 : i32
    %dma_start3A_69 = arith.constant 0 : i32
    %dma_start3A_70 = tpu.memref_slice %arg2[%dma_start3A_68, %dma_start3A_69] : memref<10000x128xf32, #tpu.memory_space<hbm>> -> memref<10000x128xf32, #tpu.memory_space<hbm>>
    tpu.enqueue_indirect_dma source(%dma_start3A_70 : memref<10000x128xf32, #tpu.memory_space<hbm>>) target(%dma_start3A_64 : memref<128x128xf32, #tpu.memory_space<vmem>>) offsets(%dma_start3A_67 : memref<128xi32, #tpu.memory_space<vmem>>) semaphore(%arg7 : memref<!tpu.dma_semaphore, #tpu.memory_space<semaphore_mem>>) {add = true}
    %dma_start3A_71 = arith.constant 10 : i32
    %dma_start3A_72 = arith.constant 0 : i32
    %dma_start3A_73 = arith.constant 0 : i32
    %dma_start3A_74 = tpu.memref_slice %arg6[%dma_start3A_72, %dma_start3A_73] : memref<512x128xf32, #tpu.memory_space<vmem>> -> memref<128x128xf32, #tpu.memory_space<vmem>>
    %dma_start3A_75 = arith.constant 0 : i32
    %dma_start3A_76 = tpu.memref_slice %arg5[%dma_start3A_71, %dma_start3A_75] : memref<80x128xi32, #tpu.memory_space<vmem>> -> memref<1x128xi32, #tpu.memory_space<vmem>>
    %dma_start3A_77 = tpu.memref_squeeze %dma_start3A_76 : memref<1x128xi32, #tpu.memory_space<vmem>> -> memref<128xi32, #tpu.memory_space<vmem>>
    %dma_start3A_78 = arith.constant 0 : i32
    %dma_start3A_79 = arith.constant 0 : i32
    %dma_start3A_80 = tpu.memref_slice %arg2[%dma_start3A_78, %dma_start3A_79] : memref<10000x128xf32, #tpu.memory_space<hbm>> -> memref<10000x128xf32, #tpu.memory_space<hbm>>
    tpu.enqueue_indirect_dma source(%dma_start3A_80 : memref<10000x128xf32, #tpu.memory_space<hbm>>) target(%dma_start3A_74 : memref<128x128xf32, #tpu.memory_space<vmem>>) offsets(%dma_start3A_77 : memref<128xi32, #tpu.memory_space<vmem>>) semaphore(%arg7 : memref<!tpu.dma_semaphore, #tpu.memory_space<semaphore_mem>>) {add = true}
    %dma_start3A_81 = arith.constant 12 : i32
    %dma_start3A_82 = arith.constant 0 : i32
    %dma_start3A_83 = arith.constant 0 : i32
    %dma_start3A_84 = tpu.memref_slice %arg6[%dma_start3A_82, %dma_start3A_83] : memref<512x128xf32, #tpu.memory_space<vmem>> -> memref<128x128xf32, #tpu.memory_space<vmem>>
    %dma_start3A_85 = arith.constant 0 : i32
    %dma_start3A_86 = tpu.memref_slice %arg5[%dma_start3A_81, %dma_start3A_85] : memref<80x128xi32, #tpu.memory_space<vmem>> -> memref<1x128xi32, #tpu.memory_space<vmem>>
    %dma_start3A_87 = tpu.memref_squeeze %dma_start3A_86 : memref<1x128xi32, #tpu.memory_space<vmem>> -> memref<128xi32, #tpu.memory_space<vmem>>
    %dma_start3A_88 = arith.constant 0 : i32
    %dma_start3A_89 = arith.constant 0 : i32
    %dma_start3A_90 = tpu.memref_slice %arg2[%dma_start3A_88, %dma_start3A_89] : memref<10000x128xf32, #tpu.memory_space<hbm>> -> memref<10000x128xf32, #tpu.memory_space<hbm>>
    tpu.enqueue_indirect_dma source(%dma_start3A_90 : memref<10000x128xf32, #tpu.memory_space<hbm>>) target(%dma_start3A_84 : memref<128x128xf32, #tpu.memory_space<vmem>>) offsets(%dma_start3A_87 : memref<128xi32, #tpu.memory_space<vmem>>) semaphore(%arg7 : memref<!tpu.dma_semaphore, #tpu.memory_space<semaphore_mem>>) {add = true}
    %dma_start3A_91 = arith.constant 14 : i32
    %dma_start3A_92 = arith.constant 0 : i32
    %dma_start3A_93 = arith.constant 0 : i32
    %dma_start3A_94 = tpu.memref_slice %arg6[%dma_start3A_92, %dma_start3A_93] : memref<512x128xf32, #tpu.memory_space<vmem>> -> memref<128x128xf32, #tpu.memory_space<vmem>>
    %dma_start3A_95 = arith.constant 0 : i32
    %dma_start3A_96 = tpu.memref_slice %arg5[%dma_start3A_91, %dma_start3A_95] : memref<80x128xi32, #tpu.memory_space<vmem>> -> memref<1x128xi32, #tpu.memory_space<vmem>>
    %dma_start3A_97 = tpu.memref_squeeze %dma_start3A_96 : memref<1x128xi32, #tpu.memory_space<vmem>> -> memref<128xi32, #tpu.memory_space<vmem>>
    %dma_start3A_98 = arith.constant 0 : i32
    %dma_start3A_99 = arith.constant 0 : i32
    %dma_start3A_100 = tpu.memref_slice %arg2[%dma_start3A_98, %dma_start3A_99] : memref<10000x128xf32, #tpu.memory_space<hbm>> -> memref<10000x128xf32, #tpu.memory_space<hbm>>
    tpu.enqueue_indirect_dma source(%dma_start3A_100 : memref<10000x128xf32, #tpu.memory_space<hbm>>) target(%dma_start3A_94 : memref<128x128xf32, #tpu.memory_space<vmem>>) offsets(%dma_start3A_97 : memref<128xi32, #tpu.memory_space<vmem>>) semaphore(%arg7 : memref<!tpu.dma_semaphore, #tpu.memory_space<semaphore_mem>>) {add = true}
    %dma_start3A_101 = arith.constant 16 : i32
    %dma_start3A_102 = arith.constant 0 : i32
    %dma_start3A_103 = arith.constant 0 : i32
    %dma_start3A_104 = tpu.memref_slice %arg6[%dma_start3A_102, %dma_start3A_103] : memref<512x128xf32, #tpu.memory_space<vmem>> -> memref<128x128xf32, #tpu.memory_space<vmem>>
    %dma_start3A_105 = arith.constant 0 : i32
    %dma_start3A_106 = tpu.memref_slice %arg5[%dma_start3A_101, %dma_start3A_105] : memref<80x128xi32, #tpu.memory_space<vmem>> -> memref<1x128xi32, #tpu.memory_space<vmem>>
    %dma_start3A_107 = tpu.memref_squeeze %dma_start3A_106 : memref<1x128xi32, #tpu.memory_space<vmem>> -> memref<128xi32, #tpu.memory_space<vmem>>
    %dma_start3A_108 = arith.constant 0 : i32
    %dma_start3A_109 = arith.constant 0 : i32
    %dma_start3A_110 = tpu.memref_slice %arg2[%dma_start3A_108, %dma_start3A_109] : memref<10000x128xf32, #tpu.memory_space<hbm>> -> memref<10000x128xf32, #tpu.memory_space<hbm>>
    tpu.enqueue_indirect_dma source(%dma_start3A_110 : memref<10000x128xf32, #tpu.memory_space<hbm>>) target(%dma_start3A_104 : memref<128x128xf32, #tpu.memory_space<vmem>>) offsets(%dma_start3A_107 : memref<128xi32, #tpu.memory_space<vmem>>) semaphore(%arg7 : memref<!tpu.dma_semaphore, #tpu.memory_space<semaphore_mem>>) {add = true}
    %dma_start3A_111 = arith.constant 18 : i32
    %dma_start3A_112 = arith.constant 0 : i32
    %dma_start3A_113 = arith.constant 0 : i32
    %dma_start3A_114 = tpu.memref_slice %arg6[%dma_start3A_112, %dma_start3A_113] : memref<512x128xf32, #tpu.memory_space<vmem>> -> memref<128x128xf32, #tpu.memory_space<vmem>>
    %dma_start3A_115 = arith.constant 0 : i32
    %dma_start3A_116 = tpu.memref_slice %arg5[%dma_start3A_111, %dma_start3A_115] : memref<80x128xi32, #tpu.memory_space<vmem>> -> memref<1x128xi32, #tpu.memory_space<vmem>>
    %dma_start3A_117 = tpu.memref_squeeze %dma_start3A_116 : memref<1x128xi32, #tpu.memory_space<vmem>> -> memref<128xi32, #tpu.memory_space<vmem>>
    %dma_start3A_118 = arith.constant 0 : i32
    %dma_start3A_119 = arith.constant 0 : i32
    %dma_start3A_120 = tpu.memref_slice %arg2[%dma_start3A_118, %dma_start3A_119] : memref<10000x128xf32, #tpu.memory_space<hbm>> -> memref<10000x128xf32, #tpu.memory_space<hbm>>
    tpu.enqueue_indirect_dma source(%dma_start3A_120 : memref<10000x128xf32, #tpu.memory_space<hbm>>) target(%dma_start3A_114 : memref<128x128xf32, #tpu.memory_space<vmem>>) offsets(%dma_start3A_117 : memref<128xi32, #tpu.memory_space<vmem>>) semaphore(%arg7 : memref<!tpu.dma_semaphore, #tpu.memory_space<semaphore_mem>>) {add = true}
    %dma_wait3A_121 = arith.constant 1 : i32
    %dma_wait3A_122 = arith.constant 128 : i32
    %dma_wait3A_123 = arith.constant 0 : i32
    %dma_wait3A_124 = tpu.memref_slice %arg6[%dma_wait3A_122, %dma_wait3A_123] : memref<512x128xf32, #tpu.memory_space<vmem>> -> memref<128x128xf32, #tpu.memory_space<vmem>>
    %dma_wait3A_125 = arith.constant 0 : i32
    %dma_wait3A_126 = tpu.memref_slice %arg5[%dma_wait3A_121, %dma_wait3A_125] : memref<80x128xi32, #tpu.memory_space<vmem>> -> memref<1x128xi32, #tpu.memory_space<vmem>>
    %dma_wait3A_127 = tpu.memref_squeeze %dma_wait3A_126 : memref<1x128xi32, #tpu.memory_space<vmem>> -> memref<128xi32, #tpu.memory_space<vmem>>
    %dma_wait3A_128 = arith.constant 0 : i32
    %dma_wait3A_129 = arith.constant 0 : i32
    %dma_wait3A_130 = tpu.memref_slice %arg2[%dma_wait3A_128, %dma_wait3A_129] : memref<10000x128xf32, #tpu.memory_space<hbm>> -> memref<10000x128xf32, #tpu.memory_space<hbm>>
    tpu.wait_indirect_dma semaphore(%arg7 : memref<!tpu.dma_semaphore, #tpu.memory_space<semaphore_mem>>) src(%dma_wait3A_130 : memref<10000x128xf32, #tpu.memory_space<hbm>>) dst(%dma_wait3A_124 : memref<128x128xf32, #tpu.memory_space<vmem>>)
    %dma_start3A_131 = arith.constant 3 : i32
    %dma_start3A_132 = arith.constant 128 : i32
    %dma_start3A_133 = arith.constant 0 : i32
    %dma_start3A_134 = tpu.memref_slice %arg6[%dma_start3A_132, %dma_start3A_133] : memref<512x128xf32, #tpu.memory_space<vmem>> -> memref<128x128xf32, #tpu.memory_space<vmem>>
    %dma_start3A_135 = arith.constant 0 : i32
    %dma_start3A_136 = tpu.memref_slice %arg5[%dma_start3A_131, %dma_start3A_135] : memref<80x128xi32, #tpu.memory_space<vmem>> -> memref<1x128xi32, #tpu.memory_space<vmem>>
    %dma_start3A_137 = tpu.memref_squeeze %dma_start3A_136 : memref<1x128xi32, #tpu.memory_space<vmem>> -> memref<128xi32, #tpu.memory_space<vmem>>
    %dma_start3A_138 = arith.constant 0 : i32
    %dma_start3A_139 = arith.constant 0 : i32
    %dma_start3A_140 = tpu.memref_slice %arg2[%dma_start3A_138, %dma_start3A_139] : memref<10000x128xf32, #tpu.memory_space<hbm>> -> memref<10000x128xf32, #tpu.memory_space<hbm>>
    tpu.enqueue_indirect_dma source(%dma_start3A_140 : memref<10000x128xf32, #tpu.memory_space<hbm>>) target(%dma_start3A_134 : memref<128x128xf32, #tpu.memory_space<vmem>>) offsets(%dma_start3A_137 : memref<128xi32, #tpu.memory_space<vmem>>) semaphore(%arg7 : memref<!tpu.dma_semaphore, #tpu.memory_space<semaphore_mem>>) {add = true}
    %dma_start3A_141 = arith.constant 5 : i32
    %dma_start3A_142 = arith.constant 128 : i32
    %dma_start3A_143 = arith.constant 0 : i32
    %dma_start3A_144 = tpu.memref_slice %arg6[%dma_start3A_142, %dma_start3A_143] : memref<512x128xf32, #tpu.memory_space<vmem>> -> memref<128x128xf32, #tpu.memory_space<vmem>>
    %dma_start3A_145 = arith.constant 0 : i32
    %dma_start3A_146 = tpu.memref_slice %arg5[%dma_start3A_141, %dma_start3A_145] : memref<80x128xi32, #tpu.memory_space<vmem>> -> memref<1x128xi32, #tpu.memory_space<vmem>>
    %dma_start3A_147 = tpu.memref_squeeze %dma_start3A_146 : memref<1x128xi32, #tpu.memory_space<vmem>> -> memref<128xi32, #tpu.memory_space<vmem>>
    %dma_start3A_148 = arith.constant 0 : i32
    %dma_start3A_149 = arith.constant 0 : i32
    %dma_start3A_150 = tpu.memref_slice %arg2[%dma_start3A_148, %dma_start3A_149] : memref<10000x128xf32, #tpu.memory_space<hbm>> -> memref<10000x128xf32, #tpu.memory_space<hbm>>
    tpu.enqueue_indirect_dma source(%dma_start3A_150 : memref<10000x128xf32, #tpu.memory_space<hbm>>) target(%dma_start3A_144 : memref<128x128xf32, #tpu.memory_space<vmem>>) offsets(%dma_start3A_147 : memref<128xi32, #tpu.memory_space<vmem>>) semaphore(%arg7 : memref<!tpu.dma_semaphore, #tpu.memory_space<semaphore_mem>>) {add = true}
    %dma_start3A_151 = arith.constant 7 : i32
    %dma_start3A_152 = arith.constant 128 : i32
    %dma_start3A_153 = arith.constant 0 : i32
    %dma_start3A_154 = tpu.memref_slice %arg6[%dma_start3A_152, %dma_start3A_153] : memref<512x128xf32, #tpu.memory_space<vmem>> -> memref<128x128xf32, #tpu.memory_space<vmem>>
    %dma_start3A_155 = arith.constant 0 : i32
    %dma_start3A_156 = tpu.memref_slice %arg5[%dma_start3A_151, %dma_start3A_155] : memref<80x128xi32, #tpu.memory_space<vmem>> -> memref<1x128xi32, #tpu.memory_space<vmem>>
    %dma_start3A_157 = tpu.memref_squeeze %dma_start3A_156 : memref<1x128xi32, #tpu.memory_space<vmem>> -> memref<128xi32, #tpu.memory_space<vmem>>
    %dma_start3A_158 = arith.constant 0 : i32
    %dma_start3A_159 = arith.constant 0 : i32
    %dma_start3A_160 = tpu.memref_slice %arg2[%dma_start3A_158, %dma_start3A_159] : memref<10000x128xf32, #tpu.memory_space<hbm>> -> memref<10000x128xf32, #tpu.memory_space<hbm>>
    tpu.enqueue_indirect_dma source(%dma_start3A_160 : memref<10000x128xf32, #tpu.memory_space<hbm>>) target(%dma_start3A_154 : memref<128x128xf32, #tpu.memory_space<vmem>>) offsets(%dma_start3A_157 : memref<128xi32, #tpu.memory_space<vmem>>) semaphore(%arg7 : memref<!tpu.dma_semaphore, #tpu.memory_space<semaphore_mem>>) {add = true}
    %dma_start3A_161 = arith.constant 9 : i32
    %dma_start3A_162 = arith.constant 128 : i32
    %dma_start3A_163 = arith.constant 0 : i32
    %dma_start3A_164 = tpu.memref_slice %arg6[%dma_start3A_162, %dma_start3A_163] : memref<512x128xf32, #tpu.memory_space<vmem>> -> memref<128x128xf32, #tpu.memory_space<vmem>>
    %dma_start3A_165 = arith.constant 0 : i32
    %dma_start3A_166 = tpu.memref_slice %arg5[%dma_start3A_161, %dma_start3A_165] : memref<80x128xi32, #tpu.memory_space<vmem>> -> memref<1x128xi32, #tpu.memory_space<vmem>>
    %dma_start3A_167 = tpu.memref_squeeze %dma_start3A_166 : memref<1x128xi32, #tpu.memory_space<vmem>> -> memref<128xi32, #tpu.memory_space<vmem>>
    %dma_start3A_168 = arith.constant 0 : i32
    %dma_start3A_169 = arith.constant 0 : i32
    %dma_start3A_170 = tpu.memref_slice %arg2[%dma_start3A_168, %dma_start3A_169] : memref<10000x128xf32, #tpu.memory_space<hbm>> -> memref<10000x128xf32, #tpu.memory_space<hbm>>
    tpu.enqueue_indirect_dma source(%dma_start3A_170 : memref<10000x128xf32, #tpu.memory_space<hbm>>) target(%dma_start3A_164 : memref<128x128xf32, #tpu.memory_space<vmem>>) offsets(%dma_start3A_167 : memref<128xi32, #tpu.memory_space<vmem>>) semaphore(%arg7 : memref<!tpu.dma_semaphore, #tpu.memory_space<semaphore_mem>>) {add = true}
    %dma_start3A_171 = arith.constant 11 : i32
    %dma_start3A_172 = arith.constant 128 : i32
    %dma_start3A_173 = arith.constant 0 : i32
    %dma_start3A_174 = tpu.memref_slice %arg6[%dma_start3A_172, %dma_start3A_173] : memref<512x128xf32, #tpu.memory_space<vmem>> -> memref<128x128xf32, #tpu.memory_space<vmem>>
    %dma_start3A_175 = arith.constant 0 : i32
    %dma_start3A_176 = tpu.memref_slice %arg5[%dma_start3A_171, %dma_start3A_175] : memref<80x128xi32, #tpu.memory_space<vmem>> -> memref<1x128xi32, #tpu.memory_space<vmem>>
    %dma_start3A_177 = tpu.memref_squeeze %dma_start3A_176 : memref<1x128xi32, #tpu.memory_space<vmem>> -> memref<128xi32, #tpu.memory_space<vmem>>
    %dma_start3A_178 = arith.constant 0 : i32
    %dma_start3A_179 = arith.constant 0 : i32
    %dma_start3A_180 = tpu.memref_slice %arg2[%dma_start3A_178, %dma_start3A_179] : memref<10000x128xf32, #tpu.memory_space<hbm>> -> memref<10000x128xf32, #tpu.memory_space<hbm>>
    tpu.enqueue_indirect_dma source(%dma_start3A_180 : memref<10000x128xf32, #tpu.memory_space<hbm>>) target(%dma_start3A_174 : memref<128x128xf32, #tpu.memory_space<vmem>>) offsets(%dma_start3A_177 : memref<128xi32, #tpu.memory_space<vmem>>) semaphore(%arg7 : memref<!tpu.dma_semaphore, #tpu.memory_space<semaphore_mem>>) {add = true}
    %dma_start3A_181 = arith.constant 13 : i32
    %dma_start3A_182 = arith.constant 128 : i32
    %dma_start3A_183 = arith.constant 0 : i32
    %dma_start3A_184 = tpu.memref_slice %arg6[%dma_start3A_182, %dma_start3A_183] : memref<512x128xf32, #tpu.memory_space<vmem>> -> memref<128x128xf32, #tpu.memory_space<vmem>>
    %dma_start3A_185 = arith.constant 0 : i32
    %dma_start3A_186 = tpu.memref_slice %arg5[%dma_start3A_181, %dma_start3A_185] : memref<80x128xi32, #tpu.memory_space<vmem>> -> memref<1x128xi32, #tpu.memory_space<vmem>>
    %dma_start3A_187 = tpu.memref_squeeze %dma_start3A_186 : memref<1x128xi32, #tpu.memory_space<vmem>> -> memref<128xi32, #tpu.memory_space<vmem>>
    %dma_start3A_188 = arith.constant 0 : i32
    %dma_start3A_189 = arith.constant 0 : i32
    %dma_start3A_190 = tpu.memref_slice %arg2[%dma_start3A_188, %dma_start3A_189] : memref<10000x128xf32, #tpu.memory_space<hbm>> -> memref<10000x128xf32, #tpu.memory_space<hbm>>
    tpu.enqueue_indirect_dma source(%dma_start3A_190 : memref<10000x128xf32, #tpu.memory_space<hbm>>) target(%dma_start3A_184 : memref<128x128xf32, #tpu.memory_space<vmem>>) offsets(%dma_start3A_187 : memref<128xi32, #tpu.memory_space<vmem>>) semaphore(%arg7 : memref<!tpu.dma_semaphore, #tpu.memory_space<semaphore_mem>>) {add = true}
    %dma_start3A_191 = arith.constant 15 : i32
    %dma_start3A_192 = arith.constant 128 : i32
    %dma_start3A_193 = arith.constant 0 : i32
    %dma_start3A_194 = tpu.memref_slice %arg6[%dma_start3A_192, %dma_start3A_193] : memref<512x128xf32, #tpu.memory_space<vmem>> -> memref<128x128xf32, #tpu.memory_space<vmem>>
    %dma_start3A_195 = arith.constant 0 : i32
    %dma_start3A_196 = tpu.memref_slice %arg5[%dma_start3A_191, %dma_start3A_195] : memref<80x128xi32, #tpu.memory_space<vmem>> -> memref<1x128xi32, #tpu.memory_space<vmem>>
    %dma_start3A_197 = tpu.memref_squeeze %dma_start3A_196 : memref<1x128xi32, #tpu.memory_space<vmem>> -> memref<128xi32, #tpu.memory_space<vmem>>
    %dma_start3A_198 = arith.constant 0 : i32
    %dma_start3A_199 = arith.constant 0 : i32
    %dma_start3A_200 = tpu.memref_slice %arg2[%dma_start3A_198, %dma_start3A_199] : memref<10000x128xf32, #tpu.memory_space<hbm>> -> memref<10000x128xf32, #tpu.memory_space<hbm>>
    tpu.enqueue_indirect_dma source(%dma_start3A_200 : memref<10000x128xf32, #tpu.memory_space<hbm>>) target(%dma_start3A_194 : memref<128x128xf32, #tpu.memory_space<vmem>>) offsets(%dma_start3A_197 : memref<128xi32, #tpu.memory_space<vmem>>) semaphore(%arg7 : memref<!tpu.dma_semaphore, #tpu.memory_space<semaphore_mem>>) {add = true}
    %dma_start3A_201 = arith.constant 17 : i32
    %dma_start3A_202 = arith.constant 128 : i32
    %dma_start3A_203 = arith.constant 0 : i32
    %dma_start3A_204 = tpu.memref_slice %arg6[%dma_start3A_202, %dma_start3A_203] : memref<512x128xf32, #tpu.memory_space<vmem>> -> memref<128x128xf32, #tpu.memory_space<vmem>>
    %dma_start3A_205 = arith.constant 0 : i32
    %dma_start3A_206 = tpu.memref_slice %arg5[%dma_start3A_201, %dma_start3A_205] : memref<80x128xi32, #tpu.memory_space<vmem>> -> memref<1x128xi32, #tpu.memory_space<vmem>>
    %dma_start3A_207 = tpu.memref_squeeze %dma_start3A_206 : memref<1x128xi32, #tpu.memory_space<vmem>> -> memref<128xi32, #tpu.memory_space<vmem>>
    %dma_start3A_208 = arith.constant 0 : i32
    %dma_start3A_209 = arith.constant 0 : i32
    %dma_start3A_210 = tpu.memref_slice %arg2[%dma_start3A_208, %dma_start3A_209] : memref<10000x128xf32, #tpu.memory_space<hbm>> -> memref<10000x128xf32, #tpu.memory_space<hbm>>
    tpu.enqueue_indirect_dma source(%dma_start3A_210 : memref<10000x128xf32, #tpu.memory_space<hbm>>) target(%dma_start3A_204 : memref<128x128xf32, #tpu.memory_space<vmem>>) offsets(%dma_start3A_207 : memref<128xi32, #tpu.memory_space<vmem>>) semaphore(%arg7 : memref<!tpu.dma_semaphore, #tpu.memory_space<semaphore_mem>>) {add = true}
    %dma_start3A_211 = arith.constant 19 : i32
    %dma_start3A_212 = arith.constant 128 : i32
    %dma_start3A_213 = arith.constant 0 : i32
    %dma_start3A_214 = tpu.memref_slice %arg6[%dma_start3A_212, %dma_start3A_213] : memref<512x128xf32, #tpu.memory_space<vmem>> -> memref<128x128xf32, #tpu.memory_space<vmem>>
    %dma_start3A_215 = arith.constant 0 : i32
    %dma_start3A_216 = tpu.memref_slice %arg5[%dma_start3A_211, %dma_start3A_215] : memref<80x128xi32, #tpu.memory_space<vmem>> -> memref<1x128xi32, #tpu.memory_space<vmem>>
    %dma_start3A_217 = tpu.memref_squeeze %dma_start3A_216 : memref<1x128xi32, #tpu.memory_space<vmem>> -> memref<128xi32, #tpu.memory_space<vmem>>
    %dma_start3A_218 = arith.constant 0 : i32
    %dma_start3A_219 = arith.constant 0 : i32
    %dma_start3A_220 = tpu.memref_slice %arg2[%dma_start3A_218, %dma_start3A_219] : memref<10000x128xf32, #tpu.memory_space<hbm>> -> memref<10000x128xf32, #tpu.memory_space<hbm>>
    tpu.enqueue_indirect_dma source(%dma_start3A_220 : memref<10000x128xf32, #tpu.memory_space<hbm>>) target(%dma_start3A_214 : memref<128x128xf32, #tpu.memory_space<vmem>>) offsets(%dma_start3A_217 : memref<128xi32, #tpu.memory_space<vmem>>) semaphore(%arg7 : memref<!tpu.dma_semaphore, #tpu.memory_space<semaphore_mem>>) {add = true}
    %dma_wait3A_221 = arith.constant 2 : i32
    %dma_wait3A_222 = arith.constant 0 : i32
    %dma_wait3A_223 = arith.constant 0 : i32
    %dma_wait3A_224 = tpu.memref_slice %arg6[%dma_wait3A_222, %dma_wait3A_223] : memref<512x128xf32, #tpu.memory_space<vmem>> -> memref<128x128xf32, #tpu.memory_space<vmem>>
    %dma_wait3A_225 = arith.constant 0 : i32
    %dma_wait3A_226 = tpu.memref_slice %arg5[%dma_wait3A_221, %dma_wait3A_225] : memref<80x128xi32, #tpu.memory_space<vmem>> -> memref<1x128xi32, #tpu.memory_space<vmem>>
    %dma_wait3A_227 = tpu.memref_squeeze %dma_wait3A_226 : memref<1x128xi32, #tpu.memory_space<vmem>> -> memref<128xi32, #tpu.memory_space<vmem>>
    %dma_wait3A_228 = arith.constant 0 : i32
    %dma_wait3A_229 = arith.constant 0 : i32
    %dma_wait3A_230 = tpu.memref_slice %arg2[%dma_wait3A_228, %dma_wait3A_229] : memref<10000x128xf32, #tpu.memory_space<hbm>> -> memref<10000x128xf32, #tpu.memory_space<hbm>>
    tpu.wait_indirect_dma semaphore(%arg7 : memref<!tpu.dma_semaphore, #tpu.memory_space<semaphore_mem>>) src(%dma_wait3A_230 : memref<10000x128xf32, #tpu.memory_space<hbm>>) dst(%dma_wait3A_224 : memref<128x128xf32, #tpu.memory_space<vmem>>)
    %dma_wait3A_231 = arith.constant 4 : i32
    %dma_wait3A_232 = arith.constant 0 : i32
    %dma_wait3A_233 = arith.constant 0 : i32
    %dma_wait3A_234 = tpu.memref_slice %arg6[%dma_wait3A_232, %dma_wait3A_233] : memref<512x128xf32, #tpu.memory_space<vmem>> -> memref<128x128xf32, #tpu.memory_space<vmem>>
    %dma_wait3A_235 = arith.constant 0 : i32
    %dma_wait3A_236 = tpu.memref_slice %arg5[%dma_wait3A_231, %dma_wait3A_235] : memref<80x128xi32, #tpu.memory_space<vmem>> -> memref<1x128xi32, #tpu.memory_space<vmem>>
    %dma_wait3A_237 = tpu.memref_squeeze %dma_wait3A_236 : memref<1x128xi32, #tpu.memory_space<vmem>> -> memref<128xi32, #tpu.memory_space<vmem>>
    %dma_wait3A_238 = arith.constant 0 : i32
    %dma_wait3A_239 = arith.constant 0 : i32
    %dma_wait3A_240 = tpu.memref_slice %arg2[%dma_wait3A_238, %dma_wait3A_239] : memref<10000x128xf32, #tpu.memory_space<hbm>> -> memref<10000x128xf32, #tpu.memory_space<hbm>>
    tpu.wait_indirect_dma semaphore(%arg7 : memref<!tpu.dma_semaphore, #tpu.memory_space<semaphore_mem>>) src(%dma_wait3A_240 : memref<10000x128xf32, #tpu.memory_space<hbm>>) dst(%dma_wait3A_234 : memref<128x128xf32, #tpu.memory_space<vmem>>)
    %dma_wait3A_241 = arith.constant 6 : i32
    %dma_wait3A_242 = arith.constant 0 : i32
    %dma_wait3A_243 = arith.constant 0 : i32
    %dma_wait3A_244 = tpu.memref_slice %arg6[%dma_wait3A_242, %dma_wait3A_243] : memref<512x128xf32, #tpu.memory_space<vmem>> -> memref<128x128xf32, #tpu.memory_space<vmem>>
    %dma_wait3A_245 = arith.constant 0 : i32
    %dma_wait3A_246 = tpu.memref_slice %arg5[%dma_wait3A_241, %dma_wait3A_245] : memref<80x128xi32, #tpu.memory_space<vmem>> -> memref<1x128xi32, #tpu.memory_space<vmem>>
    %dma_wait3A_247 = tpu.memref_squeeze %dma_wait3A_246 : memref<1x128xi32, #tpu.memory_space<vmem>> -> memref<128xi32, #tpu.memory_space<vmem>>
    %dma_wait3A_248 = arith.constant 0 : i32
    %dma_wait3A_249 = arith.constant 0 : i32
    %dma_wait3A_250 = tpu.memref_slice %arg2[%dma_wait3A_248, %dma_wait3A_249] : memref<10000x128xf32, #tpu.memory_space<hbm>> -> memref<10000x128xf32, #tpu.memory_space<hbm>>
    tpu.wait_indirect_dma semaphore(%arg7 : memref<!tpu.dma_semaphore, #tpu.memory_space<semaphore_mem>>) src(%dma_wait3A_250 : memref<10000x128xf32, #tpu.memory_space<hbm>>) dst(%dma_wait3A_244 : memref<128x128xf32, #tpu.memory_space<vmem>>)
    %dma_wait3A_251 = arith.constant 8 : i32
    %dma_wait3A_252 = arith.constant 0 : i32
    %dma_wait3A_253 = arith.constant 0 : i32
    %dma_wait3A_254 = tpu.memref_slice %arg6[%dma_wait3A_252, %dma_wait3A_253] : memref<512x128xf32, #tpu.memory_space<vmem>> -> memref<128x128xf32, #tpu.memory_space<vmem>>
    %dma_wait3A_255 = arith.constant 0 : i32
    %dma_wait3A_256 = tpu.memref_slice %arg5[%dma_wait3A_251, %dma_wait3A_255] : memref<80x128xi32, #tpu.memory_space<vmem>> -> memref<1x128xi32, #tpu.memory_space<vmem>>
    %dma_wait3A_257 = tpu.memref_squeeze %dma_wait3A_256 : memref<1x128xi32, #tpu.memory_space<vmem>> -> memref<128xi32, #tpu.memory_space<vmem>>
    %dma_wait3A_258 = arith.constant 0 : i32
    %dma_wait3A_259 = arith.constant 0 : i32
    %dma_wait3A_260 = tpu.memref_slice %arg2[%dma_wait3A_258, %dma_wait3A_259] : memref<10000x128xf32, #tpu.memory_space<hbm>> -> memref<10000x128xf32, #tpu.memory_space<hbm>>
    tpu.wait_indirect_dma semaphore(%arg7 : memref<!tpu.dma_semaphore, #tpu.memory_space<semaphore_mem>>) src(%dma_wait3A_260 : memref<10000x128xf32, #tpu.memory_space<hbm>>) dst(%dma_wait3A_254 : memref<128x128xf32, #tpu.memory_space<vmem>>)
    %dma_wait3A_261 = arith.constant 10 : i32
    %dma_wait3A_262 = arith.constant 0 : i32
    %dma_wait3A_263 = arith.constant 0 : i32
    %dma_wait3A_264 = tpu.memref_slice %arg6[%dma_wait3A_262, %dma_wait3A_263] : memref<512x128xf32, #tpu.memory_space<vmem>> -> memref<128x128xf32, #tpu.memory_space<vmem>>
    %dma_wait3A_265 = arith.constant 0 : i32
    %dma_wait3A_266 = tpu.memref_slice %arg5[%dma_wait3A_261, %dma_wait3A_265] : memref<80x128xi32, #tpu.memory_space<vmem>> -> memref<1x128xi32, #tpu.memory_space<vmem>>
    %dma_wait3A_267 = tpu.memref_squeeze %dma_wait3A_266 : memref<1x128xi32, #tpu.memory_space<vmem>> -> memref<128xi32, #tpu.memory_space<vmem>>
    %dma_wait3A_268 = arith.constant 0 : i32
    %dma_wait3A_269 = arith.constant 0 : i32
    %dma_wait3A_270 = tpu.memref_slice %arg2[%dma_wait3A_268, %dma_wait3A_269] : memref<10000x128xf32, #tpu.memory_space<hbm>> -> memref<10000x128xf32, #tpu.memory_space<hbm>>
    tpu.wait_indirect_dma semaphore(%arg7 : memref<!tpu.dma_semaphore, #tpu.memory_space<semaphore_mem>>) src(%dma_wait3A_270 : memref<10000x128xf32, #tpu.memory_space<hbm>>) dst(%dma_wait3A_264 : memref<128x128xf32, #tpu.memory_space<vmem>>)
    %dma_wait3A_271 = arith.constant 12 : i32
    %dma_wait3A_272 = arith.constant 0 : i32
    %dma_wait3A_273 = arith.constant 0 : i32
    %dma_wait3A_274 = tpu.memref_slice %arg6[%dma_wait3A_272, %dma_wait3A_273] : memref<512x128xf32, #tpu.memory_space<vmem>> -> memref<128x128xf32, #tpu.memory_space<vmem>>
    %dma_wait3A_275 = arith.constant 0 : i32
    %dma_wait3A_276 = tpu.memref_slice %arg5[%dma_wait3A_271, %dma_wait3A_275] : memref<80x128xi32, #tpu.memory_space<vmem>> -> memref<1x128xi32, #tpu.memory_space<vmem>>
    %dma_wait3A_277 = tpu.memref_squeeze %dma_wait3A_276 : memref<1x128xi32, #tpu.memory_space<vmem>> -> memref<128xi32, #tpu.memory_space<vmem>>
    %dma_wait3A_278 = arith.constant 0 : i32
    %dma_wait3A_279 = arith.constant 0 : i32
    %dma_wait3A_280 = tpu.memref_slice %arg2[%dma_wait3A_278, %dma_wait3A_279] : memref<10000x128xf32, #tpu.memory_space<hbm>> -> memref<10000x128xf32, #tpu.memory_space<hbm>>
    tpu.wait_indirect_dma semaphore(%arg7 : memref<!tpu.dma_semaphore, #tpu.memory_space<semaphore_mem>>) src(%dma_wait3A_280 : memref<10000x128xf32, #tpu.memory_space<hbm>>) dst(%dma_wait3A_274 : memref<128x128xf32, #tpu.memory_space<vmem>>)
    %dma_wait3A_281 = arith.constant 14 : i32
    %dma_wait3A_282 = arith.constant 0 : i32
    %dma_wait3A_283 = arith.constant 0 : i32
    %dma_wait3A_284 = tpu.memref_slice %arg6[%dma_wait3A_282, %dma_wait3A_283] : memref<512x128xf32, #tpu.memory_space<vmem>> -> memref<128x128xf32, #tpu.memory_space<vmem>>
    %dma_wait3A_285 = arith.constant 0 : i32
    %dma_wait3A_286 = tpu.memref_slice %arg5[%dma_wait3A_281, %dma_wait3A_285] : memref<80x128xi32, #tpu.memory_space<vmem>> -> memref<1x128xi32, #tpu.memory_space<vmem>>
    %dma_wait3A_287 = tpu.memref_squeeze %dma_wait3A_286 : memref<1x128xi32, #tpu.memory_space<vmem>> -> memref<128xi32, #tpu.memory_space<vmem>>
    %dma_wait3A_288 = arith.constant 0 : i32
    %dma_wait3A_289 = arith.constant 0 : i32
    %dma_wait3A_290 = tpu.memref_slice %arg2[%dma_wait3A_288, %dma_wait3A_289] : memref<10000x128xf32, #tpu.memory_space<hbm>> -> memref<10000x128xf32, #tpu.memory_space<hbm>>
    tpu.wait_indirect_dma semaphore(%arg7 : memref<!tpu.dma_semaphore, #tpu.memory_space<semaphore_mem>>) src(%dma_wait3A_290 : memref<10000x128xf32, #tpu.memory_space<hbm>>) dst(%dma_wait3A_284 : memref<128x128xf32, #tpu.memory_space<vmem>>)
    %dma_wait3A_291 = arith.constant 16 : i32
    %dma_wait3A_292 = arith.constant 0 : i32
    %dma_wait3A_293 = arith.constant 0 : i32
    %dma_wait3A_294 = tpu.memref_slice %arg6[%dma_wait3A_292, %dma_wait3A_293] : memref<512x128xf32, #tpu.memory_space<vmem>> -> memref<128x128xf32, #tpu.memory_space<vmem>>
    %dma_wait3A_295 = arith.constant 0 : i32
    %dma_wait3A_296 = tpu.memref_slice %arg5[%dma_wait3A_291, %dma_wait3A_295] : memref<80x128xi32, #tpu.memory_space<vmem>> -> memref<1x128xi32, #tpu.memory_space<vmem>>
    %dma_wait3A_297 = tpu.memref_squeeze %dma_wait3A_296 : memref<1x128xi32, #tpu.memory_space<vmem>> -> memref<128xi32, #tpu.memory_space<vmem>>
    %dma_wait3A_298 = arith.constant 0 : i32
    %dma_wait3A_299 = arith.constant 0 : i32
    %dma_wait3A_300 = tpu.memref_slice %arg2[%dma_wait3A_298, %dma_wait3A_299] : memref<10000x128xf32, #tpu.memory_space<hbm>> -> memref<10000x128xf32, #tpu.memory_space<hbm>>
    tpu.wait_indirect_dma semaphore(%arg7 : memref<!tpu.dma_semaphore, #tpu.memory_space<semaphore_mem>>) src(%dma_wait3A_300 : memref<10000x128xf32, #tpu.memory_space<hbm>>) dst(%dma_wait3A_294 : memref<128x128xf32, #tpu.memory_space<vmem>>)
    %dma_wait3A_301 = arith.constant 18 : i32
    %dma_wait3A_302 = arith.constant 0 : i32
    %dma_wait3A_303 = arith.constant 0 : i32
    %dma_wait3A_304 = tpu.memref_slice %arg6[%dma_wait3A_302, %dma_wait3A_303] : memref<512x128xf32, #tpu.memory_space<vmem>> -> memref<128x128xf32, #tpu.memory_space<vmem>>
    %dma_wait3A_305 = arith.constant 0 : i32
    %dma_wait3A_306 = tpu.memref_slice %arg5[%dma_wait3A_301, %dma_wait3A_305] : memref<80x128xi32, #tpu.memory_space<vmem>> -> memref<1x128xi32, #tpu.memory_space<vmem>>
    %dma_wait3A_307 = tpu.memref_squeeze %dma_wait3A_306 : memref<1x128xi32, #tpu.memory_space<vmem>> -> memref<128xi32, #tpu.memory_space<vmem>>
    %dma_wait3A_308 = arith.constant 0 : i32
    %dma_wait3A_309 = arith.constant 0 : i32
    %dma_wait3A_310 = tpu.memref_slice %arg2[%dma_wait3A_308, %dma_wait3A_309] : memref<10000x128xf32, #tpu.memory_space<hbm>> -> memref<10000x128xf32, #tpu.memory_space<hbm>>
    tpu.wait_indirect_dma semaphore(%arg7 : memref<!tpu.dma_semaphore, #tpu.memory_space<semaphore_mem>>) src(%dma_wait3A_310 : memref<10000x128xf32, #tpu.memory_space<hbm>>) dst(%dma_wait3A_304 : memref<128x128xf32, #tpu.memory_space<vmem>>)
    %dma_wait3A_311 = arith.constant 3 : i32
    %dma_wait3A_312 = arith.constant 128 : i32
    %dma_wait3A_313 = arith.constant 0 : i32
    %dma_wait3A_314 = tpu.memref_slice %arg6[%dma_wait3A_312, %dma_wait3A_313] : memref<512x128xf32, #tpu.memory_space<vmem>> -> memref<128x128xf32, #tpu.memory_space<vmem>>
    %dma_wait3A_315 = arith.constant 0 : i32
    %dma_wait3A_316 = tpu.memref_slice %arg5[%dma_wait3A_311, %dma_wait3A_315] : memref<80x128xi32, #tpu.memory_space<vmem>> -> memref<1x128xi32, #tpu.memory_space<vmem>>
    %dma_wait3A_317 = tpu.memref_squeeze %dma_wait3A_316 : memref<1x128xi32, #tpu.memory_space<vmem>> -> memref<128xi32, #tpu.memory_space<vmem>>
    %dma_wait3A_318 = arith.constant 0 : i32
    %dma_wait3A_319 = arith.constant 0 : i32
    %dma_wait3A_320 = tpu.memref_slice %arg2[%dma_wait3A_318, %dma_wait3A_319] : memref<10000x128xf32, #tpu.memory_space<hbm>> -> memref<10000x128xf32, #tpu.memory_space<hbm>>
    tpu.wait_indirect_dma semaphore(%arg7 : memref<!tpu.dma_semaphore, #tpu.memory_space<semaphore_mem>>) src(%dma_wait3A_320 : memref<10000x128xf32, #tpu.memory_space<hbm>>) dst(%dma_wait3A_314 : memref<128x128xf32, #tpu.memory_space<vmem>>)
    %dma_wait3A_321 = arith.constant 5 : i32
    %dma_wait3A_322 = arith.constant 128 : i32
    %dma_wait3A_323 = arith.constant 0 : i32
    %dma_wait3A_324 = tpu.memref_slice %arg6[%dma_wait3A_322, %dma_wait3A_323] : memref<512x128xf32, #tpu.memory_space<vmem>> -> memref<128x128xf32, #tpu.memory_space<vmem>>
    %dma_wait3A_325 = arith.constant 0 : i32
    %dma_wait3A_326 = tpu.memref_slice %arg5[%dma_wait3A_321, %dma_wait3A_325] : memref<80x128xi32, #tpu.memory_space<vmem>> -> memref<1x128xi32, #tpu.memory_space<vmem>>
    %dma_wait3A_327 = tpu.memref_squeeze %dma_wait3A_326 : memref<1x128xi32, #tpu.memory_space<vmem>> -> memref<128xi32, #tpu.memory_space<vmem>>
    %dma_wait3A_328 = arith.constant 0 : i32
    %dma_wait3A_329 = arith.constant 0 : i32
    %dma_wait3A_330 = tpu.memref_slice %arg2[%dma_wait3A_328, %dma_wait3A_329] : memref<10000x128xf32, #tpu.memory_space<hbm>> -> memref<10000x128xf32, #tpu.memory_space<hbm>>
    tpu.wait_indirect_dma semaphore(%arg7 : memref<!tpu.dma_semaphore, #tpu.memory_space<semaphore_mem>>) src(%dma_wait3A_330 : memref<10000x128xf32, #tpu.memory_space<hbm>>) dst(%dma_wait3A_324 : memref<128x128xf32, #tpu.memory_space<vmem>>)
    %dma_wait3A_331 = arith.constant 7 : i32
    %dma_wait3A_332 = arith.constant 128 : i32
    %dma_wait3A_333 = arith.constant 0 : i32
    %dma_wait3A_334 = tpu.memref_slice %arg6[%dma_wait3A_332, %dma_wait3A_333] : memref<512x128xf32, #tpu.memory_space<vmem>> -> memref<128x128xf32, #tpu.memory_space<vmem>>
    %dma_wait3A_335 = arith.constant 0 : i32
    %dma_wait3A_336 = tpu.memref_slice %arg5[%dma_wait3A_331, %dma_wait3A_335] : memref<80x128xi32, #tpu.memory_space<vmem>> -> memref<1x128xi32, #tpu.memory_space<vmem>>
    %dma_wait3A_337 = tpu.memref_squeeze %dma_wait3A_336 : memref<1x128xi32, #tpu.memory_space<vmem>> -> memref<128xi32, #tpu.memory_space<vmem>>
    %dma_wait3A_338 = arith.constant 0 : i32
    %dma_wait3A_339 = arith.constant 0 : i32
    %dma_wait3A_340 = tpu.memref_slice %arg2[%dma_wait3A_338, %dma_wait3A_339] : memref<10000x128xf32, #tpu.memory_space<hbm>> -> memref<10000x128xf32, #tpu.memory_space<hbm>>
    tpu.wait_indirect_dma semaphore(%arg7 : memref<!tpu.dma_semaphore, #tpu.memory_space<semaphore_mem>>) src(%dma_wait3A_340 : memref<10000x128xf32, #tpu.memory_space<hbm>>) dst(%dma_wait3A_334 : memref<128x128xf32, #tpu.memory_space<vmem>>)
    %dma_wait3A_341 = arith.constant 9 : i32
    %dma_wait3A_342 = arith.constant 128 : i32
    %dma_wait3A_343 = arith.constant 0 : i32
    %dma_wait3A_344 = tpu.memref_slice %arg6[%dma_wait3A_342, %dma_wait3A_343] : memref<512x128xf32, #tpu.memory_space<vmem>> -> memref<128x128xf32, #tpu.memory_space<vmem>>
    %dma_wait3A_345 = arith.constant 0 : i32
    %dma_wait3A_346 = tpu.memref_slice %arg5[%dma_wait3A_341, %dma_wait3A_345] : memref<80x128xi32, #tpu.memory_space<vmem>> -> memref<1x128xi32, #tpu.memory_space<vmem>>
    %dma_wait3A_347 = tpu.memref_squeeze %dma_wait3A_346 : memref<1x128xi32, #tpu.memory_space<vmem>> -> memref<128xi32, #tpu.memory_space<vmem>>
    %dma_wait3A_348 = arith.constant 0 : i32
    %dma_wait3A_349 = arith.constant 0 : i32
    %dma_wait3A_350 = tpu.memref_slice %arg2[%dma_wait3A_348, %dma_wait3A_349] : memref<10000x128xf32, #tpu.memory_space<hbm>> -> memref<10000x128xf32, #tpu.memory_space<hbm>>
    tpu.wait_indirect_dma semaphore(%arg7 : memref<!tpu.dma_semaphore, #tpu.memory_space<semaphore_mem>>) src(%dma_wait3A_350 : memref<10000x128xf32, #tpu.memory_space<hbm>>) dst(%dma_wait3A_344 : memref<128x128xf32, #tpu.memory_space<vmem>>)
    %dma_wait3A_351 = arith.constant 11 : i32
    %dma_wait3A_352 = arith.constant 128 : i32
    %dma_wait3A_353 = arith.constant 0 : i32
    %dma_wait3A_354 = tpu.memref_slice %arg6[%dma_wait3A_352, %dma_wait3A_353] : memref<512x128xf32, #tpu.memory_space<vmem>> -> memref<128x128xf32, #tpu.memory_space<vmem>>
    %dma_wait3A_355 = arith.constant 0 : i32
    %dma_wait3A_356 = tpu.memref_slice %arg5[%dma_wait3A_351, %dma_wait3A_355] : memref<80x128xi32, #tpu.memory_space<vmem>> -> memref<1x128xi32, #tpu.memory_space<vmem>>
    %dma_wait3A_357 = tpu.memref_squeeze %dma_wait3A_356 : memref<1x128xi32, #tpu.memory_space<vmem>> -> memref<128xi32, #tpu.memory_space<vmem>>
    %dma_wait3A_358 = arith.constant 0 : i32
    %dma_wait3A_359 = arith.constant 0 : i32
    %dma_wait3A_360 = tpu.memref_slice %arg2[%dma_wait3A_358, %dma_wait3A_359] : memref<10000x128xf32, #tpu.memory_space<hbm>> -> memref<10000x128xf32, #tpu.memory_space<hbm>>
    tpu.wait_indirect_dma semaphore(%arg7 : memref<!tpu.dma_semaphore, #tpu.memory_space<semaphore_mem>>) src(%dma_wait3A_360 : memref<10000x128xf32, #tpu.memory_space<hbm>>) dst(%dma_wait3A_354 : memref<128x128xf32, #tpu.memory_space<vmem>>)
    %dma_wait3A_361 = arith.constant 13 : i32
    %dma_wait3A_362 = arith.constant 128 : i32
    %dma_wait3A_363 = arith.constant 0 : i32
    %dma_wait3A_364 = tpu.memref_slice %arg6[%dma_wait3A_362, %dma_wait3A_363] : memref<512x128xf32, #tpu.memory_space<vmem>> -> memref<128x128xf32, #tpu.memory_space<vmem>>
    %dma_wait3A_365 = arith.constant 0 : i32
    %dma_wait3A_366 = tpu.memref_slice %arg5[%dma_wait3A_361, %dma_wait3A_365] : memref<80x128xi32, #tpu.memory_space<vmem>> -> memref<1x128xi32, #tpu.memory_space<vmem>>
    %dma_wait3A_367 = tpu.memref_squeeze %dma_wait3A_366 : memref<1x128xi32, #tpu.memory_space<vmem>> -> memref<128xi32, #tpu.memory_space<vmem>>
    %dma_wait3A_368 = arith.constant 0 : i32
    %dma_wait3A_369 = arith.constant 0 : i32
    %dma_wait3A_370 = tpu.memref_slice %arg2[%dma_wait3A_368, %dma_wait3A_369] : memref<10000x128xf32, #tpu.memory_space<hbm>> -> memref<10000x128xf32, #tpu.memory_space<hbm>>
    tpu.wait_indirect_dma semaphore(%arg7 : memref<!tpu.dma_semaphore, #tpu.memory_space<semaphore_mem>>) src(%dma_wait3A_370 : memref<10000x128xf32, #tpu.memory_space<hbm>>) dst(%dma_wait3A_364 : memref<128x128xf32, #tpu.memory_space<vmem>>)
    %dma_wait3A_371 = arith.constant 15 : i32
    %dma_wait3A_372 = arith.constant 128 : i32
    %dma_wait3A_373 = arith.constant 0 : i32
    %dma_wait3A_374 = tpu.memref_slice %arg6[%dma_wait3A_372, %dma_wait3A_373] : memref<512x128xf32, #tpu.memory_space<vmem>> -> memref<128x128xf32, #tpu.memory_space<vmem>>
    %dma_wait3A_375 = arith.constant 0 : i32
    %dma_wait3A_376 = tpu.memref_slice %arg5[%dma_wait3A_371, %dma_wait3A_375] : memref<80x128xi32, #tpu.memory_space<vmem>> -> memref<1x128xi32, #tpu.memory_space<vmem>>
    %dma_wait3A_377 = tpu.memref_squeeze %dma_wait3A_376 : memref<1x128xi32, #tpu.memory_space<vmem>> -> memref<128xi32, #tpu.memory_space<vmem>>
    %dma_wait3A_378 = arith.constant 0 : i32
    %dma_wait3A_379 = arith.constant 0 : i32
    %dma_wait3A_380 = tpu.memref_slice %arg2[%dma_wait3A_378, %dma_wait3A_379] : memref<10000x128xf32, #tpu.memory_space<hbm>> -> memref<10000x128xf32, #tpu.memory_space<hbm>>
    tpu.wait_indirect_dma semaphore(%arg7 : memref<!tpu.dma_semaphore, #tpu.memory_space<semaphore_mem>>) src(%dma_wait3A_380 : memref<10000x128xf32, #tpu.memory_space<hbm>>) dst(%dma_wait3A_374 : memref<128x128xf32, #tpu.memory_space<vmem>>)
    %dma_wait3A_381 = arith.constant 17 : i32
    %dma_wait3A_382 = arith.constant 128 : i32
    %dma_wait3A_383 = arith.constant 0 : i32
    %dma_wait3A_384 = tpu.memref_slice %arg6[%dma_wait3A_382, %dma_wait3A_383] : memref<512x128xf32, #tpu.memory_space<vmem>> -> memref<128x128xf32, #tpu.memory_space<vmem>>
    %dma_wait3A_385 = arith.constant 0 : i32
    %dma_wait3A_386 = tpu.memref_slice %arg5[%dma_wait3A_381, %dma_wait3A_385] : memref<80x128xi32, #tpu.memory_space<vmem>> -> memref<1x128xi32, #tpu.memory_space<vmem>>
    %dma_wait3A_387 = tpu.memref_squeeze %dma_wait3A_386 : memref<1x128xi32, #tpu.memory_space<vmem>> -> memref<128xi32, #tpu.memory_space<vmem>>
    %dma_wait3A_388 = arith.constant 0 : i32
    %dma_wait3A_389 = arith.constant 0 : i32
    %dma_wait3A_390 = tpu.memref_slice %arg2[%dma_wait3A_388, %dma_wait3A_389] : memref<10000x128xf32, #tpu.memory_space<hbm>> -> memref<10000x128xf32, #tpu.memory_space<hbm>>
    tpu.wait_indirect_dma semaphore(%arg7 : memref<!tpu.dma_semaphore, #tpu.memory_space<semaphore_mem>>) src(%dma_wait3A_390 : memref<10000x128xf32, #tpu.memory_space<hbm>>) dst(%dma_wait3A_384 : memref<128x128xf32, #tpu.memory_space<vmem>>)
    %dma_wait3A_391 = arith.constant 19 : i32
    %dma_wait3A_392 = arith.constant 128 : i32
    %dma_wait3A_393 = arith.constant 0 : i32
    %dma_wait3A_394 = tpu.memref_slice %arg6[%dma_wait3A_392, %dma_wait3A_393] : memref<512x128xf32, #tpu.memory_space<vmem>> -> memref<128x128xf32, #tpu.memory_space<vmem>>
    %dma_wait3A_395 = arith.constant 0 : i32
    %dma_wait3A_396 = tpu.memref_slice %arg5[%dma_wait3A_391, %dma_wait3A_395] : memref<80x128xi32, #tpu.memory_space<vmem>> -> memref<1x128xi32, #tpu.memory_space<vmem>>
    %dma_wait3A_397 = tpu.memref_squeeze %dma_wait3A_396 : memref<1x128xi32, #tpu.memory_space<vmem>> -> memref<128xi32, #tpu.memory_space<vmem>>
    %dma_wait3A_398 = arith.constant 0 : i32
    %dma_wait3A_399 = arith.constant 0 : i32
    %dma_wait3A_400 = tpu.memref_slice %arg2[%dma_wait3A_398, %dma_wait3A_399] : memref<10000x128xf32, #tpu.memory_space<hbm>> -> memref<10000x128xf32, #tpu.memory_space<hbm>>
    tpu.wait_indirect_dma semaphore(%arg7 : memref<!tpu.dma_semaphore, #tpu.memory_space<semaphore_mem>>) src(%dma_wait3A_400 : memref<10000x128xf32, #tpu.memory_space<hbm>>) dst(%dma_wait3A_394 : memref<128x128xf32, #tpu.memory_space<vmem>>)
    %mul3A_401 = arith.constant 1024 : i32
    %mul3A_402 = arith.muli %add3A, %mul3A_401 : i32
    %add3A_403 = arith.constant 0 : i32
    %add3A_404 = arith.addi %mul3A_402, %add3A_403 : i32
    %dma_start3A_405 = arith.constant 0 : i32
    %dma_start3A_406 = arith.constant 0 : i32
    %dma_start3A_407 = tpu.memref_slice %arg6[%dma_start3A_405, %dma_start3A_406] : memref<512x128xf32, #tpu.memory_space<vmem>> -> memref<256x128xf32, #tpu.memory_space<vmem>>
    %dma_start3A_408 = arith.constant 0 : i32
    %dma_start3A_409 = tpu.memref_slice %arg4[%add3A_404, %dma_start3A_408] : memref<32768x128xf32, #tpu.memory_space<hbm>> -> memref<256x128xf32, #tpu.memory_space<hbm>>
    %dma_start3A_410 = arith.constant 0 : i32
    %dma_start3A_411 = tpu.memref_slice %arg4[%add3A_404, %dma_start3A_410] : memref<32768x128xf32, #tpu.memory_space<hbm>> -> memref<256x128xf32, #tpu.memory_space<hbm>>
    %dma_start3A_412 = arith.constant 0 : i32
    %dma_start3A_413 = arith.constant 0 : i32
    %dma_start3A_414 = tpu.memref_slice %arg6[%dma_start3A_412, %dma_start3A_413] : memref<512x128xf32, #tpu.memory_space<vmem>> -> memref<256x128xf32, #tpu.memory_space<vmem>>
    tpu.enqueue_dma source(%dma_start3A_414 : memref<256x128xf32, #tpu.memory_space<vmem>>) target(%dma_start3A_411 : memref<256x128xf32, #tpu.memory_space<hbm>>) target_semaphore(%arg8 : memref<!tpu.dma_semaphore, #tpu.memory_space<semaphore_mem>>)
    %dma_start3A_415 = arith.constant 20 : i32
    %dma_start3A_416 = arith.constant 256 : i32
    %dma_start3A_417 = arith.constant 0 : i32
    %dma_start3A_418 = tpu.memref_slice %arg6[%dma_start3A_416, %dma_start3A_417] : memref<512x128xf32, #tpu.memory_space<vmem>> -> memref<128x128xf32, #tpu.memory_space<vmem>>
    %dma_start3A_419 = arith.constant 0 : i32
    %dma_start3A_420 = tpu.memref_slice %arg5[%dma_start3A_415, %dma_start3A_419] : memref<80x128xi32, #tpu.memory_space<vmem>> -> memref<1x128xi32, #tpu.memory_space<vmem>>
    %dma_start3A_421 = tpu.memref_squeeze %dma_start3A_420 : memref<1x128xi32, #tpu.memory_space<vmem>> -> memref<128xi32, #tpu.memory_space<vmem>>
    %dma_start3A_422 = arith.constant 0 : i32
    %dma_start3A_423 = arith.constant 0 : i32
    %dma_start3A_424 = tpu.memref_slice %arg2[%dma_start3A_422, %dma_start3A_423] : memref<10000x128xf32, #tpu.memory_space<hbm>> -> memref<10000x128xf32, #tpu.memory_space<hbm>>
    tpu.enqueue_indirect_dma source(%dma_start3A_424 : memref<10000x128xf32, #tpu.memory_space<hbm>>) target(%dma_start3A_418 : memref<128x128xf32, #tpu.memory_space<vmem>>) offsets(%dma_start3A_421 : memref<128xi32, #tpu.memory_space<vmem>>) semaphore(%arg7 : memref<!tpu.dma_semaphore, #tpu.memory_space<semaphore_mem>>)
    %dma_start3A_425 = arith.constant 21 : i32
    %dma_start3A_426 = arith.constant 384 : i32
    %dma_start3A_427 = arith.constant 0 : i32
    %dma_start3A_428 = tpu.memref_slice %arg6[%dma_start3A_426, %dma_start3A_427] : memref<512x128xf32, #tpu.memory_space<vmem>> -> memref<128x128xf32, #tpu.memory_space<vmem>>
    %dma_start3A_429 = arith.constant 0 : i32
    %dma_start3A_430 = tpu.memref_slice %arg5[%dma_start3A_425, %dma_start3A_429] : memref<80x128xi32, #tpu.memory_space<vmem>> -> memref<1x128xi32, #tpu.memory_space<vmem>>
    %dma_start3A_431 = tpu.memref_squeeze %dma_start3A_430 : memref<1x128xi32, #tpu.memory_space<vmem>> -> memref<128xi32, #tpu.memory_space<vmem>>
    %dma_start3A_432 = arith.constant 0 : i32
    %dma_start3A_433 = arith.constant 0 : i32
    %dma_start3A_434 = tpu.memref_slice %arg2[%dma_start3A_432, %dma_start3A_433] : memref<10000x128xf32, #tpu.memory_space<hbm>> -> memref<10000x128xf32, #tpu.memory_space<hbm>>
    tpu.enqueue_indirect_dma source(%dma_start3A_434 : memref<10000x128xf32, #tpu.memory_space<hbm>>) target(%dma_start3A_428 : memref<128x128xf32, #tpu.memory_space<vmem>>) offsets(%dma_start3A_431 : memref<128xi32, #tpu.memory_space<vmem>>) semaphore(%arg7 : memref<!tpu.dma_semaphore, #tpu.memory_space<semaphore_mem>>)
    %dma_wait3A_435 = arith.constant 20 : i32
    %dma_wait3A_436 = arith.constant 256 : i32
    %dma_wait3A_437 = arith.constant 0 : i32
    %dma_wait3A_438 = tpu.memref_slice %arg6[%dma_wait3A_436, %dma_wait3A_437] : memref<512x128xf32, #tpu.memory_space<vmem>> -> memref<128x128xf32, #tpu.memory_space<vmem>>
    %dma_wait3A_439 = arith.constant 0 : i32
    %dma_wait3A_440 = tpu.memref_slice %arg5[%dma_wait3A_435, %dma_wait3A_439] : memref<80x128xi32, #tpu.memory_space<vmem>> -> memref<1x128xi32, #tpu.memory_space<vmem>>
    %dma_wait3A_441 = tpu.memref_squeeze %dma_wait3A_440 : memref<1x128xi32, #tpu.memory_space<vmem>> -> memref<128xi32, #tpu.memory_space<vmem>>
    %dma_wait3A_442 = arith.constant 0 : i32
    %dma_wait3A_443 = arith.constant 0 : i32
    %dma_wait3A_444 = tpu.memref_slice %arg2[%dma_wait3A_442, %dma_wait3A_443] : memref<10000x128xf32, #tpu.memory_space<hbm>> -> memref<10000x128xf32, #tpu.memory_space<hbm>>
    tpu.wait_indirect_dma semaphore(%arg7 : memref<!tpu.dma_semaphore, #tpu.memory_space<semaphore_mem>>) src(%dma_wait3A_444 : memref<10000x128xf32, #tpu.memory_space<hbm>>) dst(%dma_wait3A_438 : memref<128x128xf32, #tpu.memory_space<vmem>>)
    %dma_start3A_445 = arith.constant 22 : i32
    %dma_start3A_446 = arith.constant 256 : i32
    %dma_start3A_447 = arith.constant 0 : i32
    %dma_start3A_448 = tpu.memref_slice %arg6[%dma_start3A_446, %dma_start3A_447] : memref<512x128xf32, #tpu.memory_space<vmem>> -> memref<128x128xf32, #tpu.memory_space<vmem>>
    %dma_start3A_449 = arith.constant 0 : i32
    %dma_start3A_450 = tpu.memref_slice %arg5[%dma_start3A_445, %dma_start3A_449] : memref<80x128xi32, #tpu.memory_space<vmem>> -> memref<1x128xi32, #tpu.memory_space<vmem>>
    %dma_start3A_451 = tpu.memref_squeeze %dma_start3A_450 : memref<1x128xi32, #tpu.memory_space<vmem>> -> memref<128xi32, #tpu.memory_space<vmem>>
    %dma_start3A_452 = arith.constant 0 : i32
    %dma_start3A_453 = arith.constant 0 : i32
    %dma_start3A_454 = tpu.memref_slice %arg2[%dma_start3A_452, %dma_start3A_453] : memref<10000x128xf32, #tpu.memory_space<hbm>> -> memref<10000x128xf32, #tpu.memory_space<hbm>>
    tpu.enqueue_indirect_dma source(%dma_start3A_454 : memref<10000x128xf32, #tpu.memory_space<hbm>>) target(%dma_start3A_448 : memref<128x128xf32, #tpu.memory_space<vmem>>) offsets(%dma_start3A_451 : memref<128xi32, #tpu.memory_space<vmem>>) semaphore(%arg7 : memref<!tpu.dma_semaphore, #tpu.memory_space<semaphore_mem>>) {add = true}
    %dma_start3A_455 = arith.constant 24 : i32
    %dma_start3A_456 = arith.constant 256 : i32
    %dma_start3A_457 = arith.constant 0 : i32
    %dma_start3A_458 = tpu.memref_slice %arg6[%dma_start3A_456, %dma_start3A_457] : memref<512x128xf32, #tpu.memory_space<vmem>> -> memref<128x128xf32, #tpu.memory_space<vmem>>
    %dma_start3A_459 = arith.constant 0 : i32
    %dma_start3A_460 = tpu.memref_slice %arg5[%dma_start3A_455, %dma_start3A_459] : memref<80x128xi32, #tpu.memory_space<vmem>> -> memref<1x128xi32, #tpu.memory_space<vmem>>
    %dma_start3A_461 = tpu.memref_squeeze %dma_start3A_460 : memref<1x128xi32, #tpu.memory_space<vmem>> -> memref<128xi32, #tpu.memory_space<vmem>>
    %dma_start3A_462 = arith.constant 0 : i32
    %dma_start3A_463 = arith.constant 0 : i32
    %dma_start3A_464 = tpu.memref_slice %arg2[%dma_start3A_462, %dma_start3A_463] : memref<10000x128xf32, #tpu.memory_space<hbm>> -> memref<10000x128xf32, #tpu.memory_space<hbm>>
    tpu.enqueue_indirect_dma source(%dma_start3A_464 : memref<10000x128xf32, #tpu.memory_space<hbm>>) target(%dma_start3A_458 : memref<128x128xf32, #tpu.memory_space<vmem>>) offsets(%dma_start3A_461 : memref<128xi32, #tpu.memory_space<vmem>>) semaphore(%arg7 : memref<!tpu.dma_semaphore, #tpu.memory_space<semaphore_mem>>) {add = true}
    %dma_start3A_465 = arith.constant 26 : i32
    %dma_start3A_466 = arith.constant 256 : i32
    %dma_start3A_467 = arith.constant 0 : i32
    %dma_start3A_468 = tpu.memref_slice %arg6[%dma_start3A_466, %dma_start3A_467] : memref<512x128xf32, #tpu.memory_space<vmem>> -> memref<128x128xf32, #tpu.memory_space<vmem>>
    %dma_start3A_469 = arith.constant 0 : i32
    %dma_start3A_470 = tpu.memref_slice %arg5[%dma_start3A_465, %dma_start3A_469] : memref<80x128xi32, #tpu.memory_space<vmem>> -> memref<1x128xi32, #tpu.memory_space<vmem>>
    %dma_start3A_471 = tpu.memref_squeeze %dma_start3A_470 : memref<1x128xi32, #tpu.memory_space<vmem>> -> memref<128xi32, #tpu.memory_space<vmem>>
    %dma_start3A_472 = arith.constant 0 : i32
    %dma_start3A_473 = arith.constant 0 : i32
    %dma_start3A_474 = tpu.memref_slice %arg2[%dma_start3A_472, %dma_start3A_473] : memref<10000x128xf32, #tpu.memory_space<hbm>> -> memref<10000x128xf32, #tpu.memory_space<hbm>>
    tpu.enqueue_indirect_dma source(%dma_start3A_474 : memref<10000x128xf32, #tpu.memory_space<hbm>>) target(%dma_start3A_468 : memref<128x128xf32, #tpu.memory_space<vmem>>) offsets(%dma_start3A_471 : memref<128xi32, #tpu.memory_space<vmem>>) semaphore(%arg7 : memref<!tpu.dma_semaphore, #tpu.memory_space<semaphore_mem>>) {add = true}
    %dma_start3A_475 = arith.constant 28 : i32
    %dma_start3A_476 = arith.constant 256 : i32
    %dma_start3A_477 = arith.constant 0 : i32
    %dma_start3A_478 = tpu.memref_slice %arg6[%dma_start3A_476, %dma_start3A_477] : memref<512x128xf32, #tpu.memory_space<vmem>> -> memref<128x128xf32, #tpu.memory_space<vmem>>
    %dma_start3A_479 = arith.constant 0 : i32
    %dma_start3A_480 = tpu.memref_slice %arg5[%dma_start3A_475, %dma_start3A_479] : memref<80x128xi32, #tpu.memory_space<vmem>> -> memref<1x128xi32, #tpu.memory_space<vmem>>
    %dma_start3A_481 = tpu.memref_squeeze %dma_start3A_480 : memref<1x128xi32, #tpu.memory_space<vmem>> -> memref<128xi32, #tpu.memory_space<vmem>>
    %dma_start3A_482 = arith.constant 0 : i32
    %dma_start3A_483 = arith.constant 0 : i32
    %dma_start3A_484 = tpu.memref_slice %arg2[%dma_start3A_482, %dma_start3A_483] : memref<10000x128xf32, #tpu.memory_space<hbm>> -> memref<10000x128xf32, #tpu.memory_space<hbm>>
    tpu.enqueue_indirect_dma source(%dma_start3A_484 : memref<10000x128xf32, #tpu.memory_space<hbm>>) target(%dma_start3A_478 : memref<128x128xf32, #tpu.memory_space<vmem>>) offsets(%dma_start3A_481 : memref<128xi32, #tpu.memory_space<vmem>>) semaphore(%arg7 : memref<!tpu.dma_semaphore, #tpu.memory_space<semaphore_mem>>) {add = true}
    %dma_start3A_485 = arith.constant 30 : i32
    %dma_start3A_486 = arith.constant 256 : i32
    %dma_start3A_487 = arith.constant 0 : i32
    %dma_start3A_488 = tpu.memref_slice %arg6[%dma_start3A_486, %dma_start3A_487] : memref<512x128xf32, #tpu.memory_space<vmem>> -> memref<128x128xf32, #tpu.memory_space<vmem>>
    %dma_start3A_489 = arith.constant 0 : i32
    %dma_start3A_490 = tpu.memref_slice %arg5[%dma_start3A_485, %dma_start3A_489] : memref<80x128xi32, #tpu.memory_space<vmem>> -> memref<1x128xi32, #tpu.memory_space<vmem>>
    %dma_start3A_491 = tpu.memref_squeeze %dma_start3A_490 : memref<1x128xi32, #tpu.memory_space<vmem>> -> memref<128xi32, #tpu.memory_space<vmem>>
    %dma_start3A_492 = arith.constant 0 : i32
    %dma_start3A_493 = arith.constant 0 : i32
    %dma_start3A_494 = tpu.memref_slice %arg2[%dma_start3A_492, %dma_start3A_493] : memref<10000x128xf32, #tpu.memory_space<hbm>> -> memref<10000x128xf32, #tpu.memory_space<hbm>>
    tpu.enqueue_indirect_dma source(%dma_start3A_494 : memref<10000x128xf32, #tpu.memory_space<hbm>>) target(%dma_start3A_488 : memref<128x128xf32, #tpu.memory_space<vmem>>) offsets(%dma_start3A_491 : memref<128xi32, #tpu.memory_space<vmem>>) semaphore(%arg7 : memref<!tpu.dma_semaphore, #tpu.memory_space<semaphore_mem>>) {add = true}
    %dma_start3A_495 = arith.constant 32 : i32
    %dma_start3A_496 = arith.constant 256 : i32
    %dma_start3A_497 = arith.constant 0 : i32
    %dma_start3A_498 = tpu.memref_slice %arg6[%dma_start3A_496, %dma_start3A_497] : memref<512x128xf32, #tpu.memory_space<vmem>> -> memref<128x128xf32, #tpu.memory_space<vmem>>
    %dma_start3A_499 = arith.constant 0 : i32
    %dma_start3A_500 = tpu.memref_slice %arg5[%dma_start3A_495, %dma_start3A_499] : memref<80x128xi32, #tpu.memory_space<vmem>> -> memref<1x128xi32, #tpu.memory_space<vmem>>
    %dma_start3A_501 = tpu.memref_squeeze %dma_start3A_500 : memref<1x128xi32, #tpu.memory_space<vmem>> -> memref<128xi32, #tpu.memory_space<vmem>>
    %dma_start3A_502 = arith.constant 0 : i32
    %dma_start3A_503 = arith.constant 0 : i32
    %dma_start3A_504 = tpu.memref_slice %arg2[%dma_start3A_502, %dma_start3A_503] : memref<10000x128xf32, #tpu.memory_space<hbm>> -> memref<10000x128xf32, #tpu.memory_space<hbm>>
    tpu.enqueue_indirect_dma source(%dma_start3A_504 : memref<10000x128xf32, #tpu.memory_space<hbm>>) target(%dma_start3A_498 : memref<128x128xf32, #tpu.memory_space<vmem>>) offsets(%dma_start3A_501 : memref<128xi32, #tpu.memory_space<vmem>>) semaphore(%arg7 : memref<!tpu.dma_semaphore, #tpu.memory_space<semaphore_mem>>) {add = true}
    %dma_start3A_505 = arith.constant 34 : i32
    %dma_start3A_506 = arith.constant 256 : i32
    %dma_start3A_507 = arith.constant 0 : i32
    %dma_start3A_508 = tpu.memref_slice %arg6[%dma_start3A_506, %dma_start3A_507] : memref<512x128xf32, #tpu.memory_space<vmem>> -> memref<128x128xf32, #tpu.memory_space<vmem>>
    %dma_start3A_509 = arith.constant 0 : i32
    %dma_start3A_510 = tpu.memref_slice %arg5[%dma_start3A_505, %dma_start3A_509] : memref<80x128xi32, #tpu.memory_space<vmem>> -> memref<1x128xi32, #tpu.memory_space<vmem>>
    %dma_start3A_511 = tpu.memref_squeeze %dma_start3A_510 : memref<1x128xi32, #tpu.memory_space<vmem>> -> memref<128xi32, #tpu.memory_space<vmem>>
    %dma_start3A_512 = arith.constant 0 : i32
    %dma_start3A_513 = arith.constant 0 : i32
    %dma_start3A_514 = tpu.memref_slice %arg2[%dma_start3A_512, %dma_start3A_513] : memref<10000x128xf32, #tpu.memory_space<hbm>> -> memref<10000x128xf32, #tpu.memory_space<hbm>>
    tpu.enqueue_indirect_dma source(%dma_start3A_514 : memref<10000x128xf32, #tpu.memory_space<hbm>>) target(%dma_start3A_508 : memref<128x128xf32, #tpu.memory_space<vmem>>) offsets(%dma_start3A_511 : memref<128xi32, #tpu.memory_space<vmem>>) semaphore(%arg7 : memref<!tpu.dma_semaphore, #tpu.memory_space<semaphore_mem>>) {add = true}
    %dma_start3A_515 = arith.constant 36 : i32
    %dma_start3A_516 = arith.constant 256 : i32
    %dma_start3A_517 = arith.constant 0 : i32
    %dma_start3A_518 = tpu.memref_slice %arg6[%dma_start3A_516, %dma_start3A_517] : memref<512x128xf32, #tpu.memory_space<vmem>> -> memref<128x128xf32, #tpu.memory_space<vmem>>
    %dma_start3A_519 = arith.constant 0 : i32
    %dma_start3A_520 = tpu.memref_slice %arg5[%dma_start3A_515, %dma_start3A_519] : memref<80x128xi32, #tpu.memory_space<vmem>> -> memref<1x128xi32, #tpu.memory_space<vmem>>
    %dma_start3A_521 = tpu.memref_squeeze %dma_start3A_520 : memref<1x128xi32, #tpu.memory_space<vmem>> -> memref<128xi32, #tpu.memory_space<vmem>>
    %dma_start3A_522 = arith.constant 0 : i32
    %dma_start3A_523 = arith.constant 0 : i32
    %dma_start3A_524 = tpu.memref_slice %arg2[%dma_start3A_522, %dma_start3A_523] : memref<10000x128xf32, #tpu.memory_space<hbm>> -> memref<10000x128xf32, #tpu.memory_space<hbm>>
    tpu.enqueue_indirect_dma source(%dma_start3A_524 : memref<10000x128xf32, #tpu.memory_space<hbm>>) target(%dma_start3A_518 : memref<128x128xf32, #tpu.memory_space<vmem>>) offsets(%dma_start3A_521 : memref<128xi32, #tpu.memory_space<vmem>>) semaphore(%arg7 : memref<!tpu.dma_semaphore, #tpu.memory_space<semaphore_mem>>) {add = true}
    %dma_start3A_525 = arith.constant 38 : i32
    %dma_start3A_526 = arith.constant 256 : i32
    %dma_start3A_527 = arith.constant 0 : i32
    %dma_start3A_528 = tpu.memref_slice %arg6[%dma_start3A_526, %dma_start3A_527] : memref<512x128xf32, #tpu.memory_space<vmem>> -> memref<128x128xf32, #tpu.memory_space<vmem>>
    %dma_start3A_529 = arith.constant 0 : i32
    %dma_start3A_530 = tpu.memref_slice %arg5[%dma_start3A_525, %dma_start3A_529] : memref<80x128xi32, #tpu.memory_space<vmem>> -> memref<1x128xi32, #tpu.memory_space<vmem>>
    %dma_start3A_531 = tpu.memref_squeeze %dma_start3A_530 : memref<1x128xi32, #tpu.memory_space<vmem>> -> memref<128xi32, #tpu.memory_space<vmem>>
    %dma_start3A_532 = arith.constant 0 : i32
    %dma_start3A_533 = arith.constant 0 : i32
    %dma_start3A_534 = tpu.memref_slice %arg2[%dma_start3A_532, %dma_start3A_533] : memref<10000x128xf32, #tpu.memory_space<hbm>> -> memref<10000x128xf32, #tpu.memory_space<hbm>>
    tpu.enqueue_indirect_dma source(%dma_start3A_534 : memref<10000x128xf32, #tpu.memory_space<hbm>>) target(%dma_start3A_528 : memref<128x128xf32, #tpu.memory_space<vmem>>) offsets(%dma_start3A_531 : memref<128xi32, #tpu.memory_space<vmem>>) semaphore(%arg7 : memref<!tpu.dma_semaphore, #tpu.memory_space<semaphore_mem>>) {add = true}
    %dma_wait3A_535 = arith.constant 21 : i32
    %dma_wait3A_536 = arith.constant 384 : i32
    %dma_wait3A_537 = arith.constant 0 : i32
    %dma_wait3A_538 = tpu.memref_slice %arg6[%dma_wait3A_536, %dma_wait3A_537] : memref<512x128xf32, #tpu.memory_space<vmem>> -> memref<128x128xf32, #tpu.memory_space<vmem>>
    %dma_wait3A_539 = arith.constant 0 : i32
    %dma_wait3A_540 = tpu.memref_slice %arg5[%dma_wait3A_535, %dma_wait3A_539] : memref<80x128xi32, #tpu.memory_space<vmem>> -> memref<1x128xi32, #tpu.memory_space<vmem>>
    %dma_wait3A_541 = tpu.memref_squeeze %dma_wait3A_540 : memref<1x128xi32, #tpu.memory_space<vmem>> -> memref<128xi32, #tpu.memory_space<vmem>>
    %dma_wait3A_542 = arith.constant 0 : i32
    %dma_wait3A_543 = arith.constant 0 : i32
    %dma_wait3A_544 = tpu.memref_slice %arg2[%dma_wait3A_542, %dma_wait3A_543] : memref<10000x128xf32, #tpu.memory_space<hbm>> -> memref<10000x128xf32, #tpu.memory_space<hbm>>
    tpu.wait_indirect_dma semaphore(%arg7 : memref<!tpu.dma_semaphore, #tpu.memory_space<semaphore_mem>>) src(%dma_wait3A_544 : memref<10000x128xf32, #tpu.memory_space<hbm>>) dst(%dma_wait3A_538 : memref<128x128xf32, #tpu.memory_space<vmem>>)
    %dma_start3A_545 = arith.constant 23 : i32
    %dma_start3A_546 = arith.constant 384 : i32
    %dma_start3A_547 = arith.constant 0 : i32
    %dma_start3A_548 = tpu.memref_slice %arg6[%dma_start3A_546, %dma_start3A_547] : memref<512x128xf32, #tpu.memory_space<vmem>> -> memref<128x128xf32, #tpu.memory_space<vmem>>
    %dma_start3A_549 = arith.constant 0 : i32
    %dma_start3A_550 = tpu.memref_slice %arg5[%dma_start3A_545, %dma_start3A_549] : memref<80x128xi32, #tpu.memory_space<vmem>> -> memref<1x128xi32, #tpu.memory_space<vmem>>
    %dma_start3A_551 = tpu.memref_squeeze %dma_start3A_550 : memref<1x128xi32, #tpu.memory_space<vmem>> -> memref<128xi32, #tpu.memory_space<vmem>>
    %dma_start3A_552 = arith.constant 0 : i32
    %dma_start3A_553 = arith.constant 0 : i32
    %dma_start3A_554 = tpu.memref_slice %arg2[%dma_start3A_552, %dma_start3A_553] : memref<10000x128xf32, #tpu.memory_space<hbm>> -> memref<10000x128xf32, #tpu.memory_space<hbm>>
    tpu.enqueue_indirect_dma source(%dma_start3A_554 : memref<10000x128xf32, #tpu.memory_space<hbm>>) target(%dma_start3A_548 : memref<128x128xf32, #tpu.memory_space<vmem>>) offsets(%dma_start3A_551 : memref<128xi32, #tpu.memory_space<vmem>>) semaphore(%arg7 : memref<!tpu.dma_semaphore, #tpu.memory_space<semaphore_mem>>) {add = true}
    %dma_start3A_555 = arith.constant 25 : i32
    %dma_start3A_556 = arith.constant 384 : i32
    %dma_start3A_557 = arith.constant 0 : i32
    %dma_start3A_558 = tpu.memref_slice %arg6[%dma_start3A_556, %dma_start3A_557] : memref<512x128xf32, #tpu.memory_space<vmem>> -> memref<128x128xf32, #tpu.memory_space<vmem>>
    %dma_start3A_559 = arith.constant 0 : i32
    %dma_start3A_560 = tpu.memref_slice %arg5[%dma_start3A_555, %dma_start3A_559] : memref<80x128xi32, #tpu.memory_space<vmem>> -> memref<1x128xi32, #tpu.memory_space<vmem>>
    %dma_start3A_561 = tpu.memref_squeeze %dma_start3A_560 : memref<1x128xi32, #tpu.memory_space<vmem>> -> memref<128xi32, #tpu.memory_space<vmem>>
    %dma_start3A_562 = arith.constant 0 : i32
    %dma_start3A_563 = arith.constant 0 : i32
    %dma_start3A_564 = tpu.memref_slice %arg2[%dma_start3A_562, %dma_start3A_563] : memref<10000x128xf32, #tpu.memory_space<hbm>> -> memref<10000x128xf32, #tpu.memory_space<hbm>>
    tpu.enqueue_indirect_dma source(%dma_start3A_564 : memref<10000x128xf32, #tpu.memory_space<hbm>>) target(%dma_start3A_558 : memref<128x128xf32, #tpu.memory_space<vmem>>) offsets(%dma_start3A_561 : memref<128xi32, #tpu.memory_space<vmem>>) semaphore(%arg7 : memref<!tpu.dma_semaphore, #tpu.memory_space<semaphore_mem>>) {add = true}
    %dma_start3A_565 = arith.constant 27 : i32
    %dma_start3A_566 = arith.constant 384 : i32
    %dma_start3A_567 = arith.constant 0 : i32
    %dma_start3A_568 = tpu.memref_slice %arg6[%dma_start3A_566, %dma_start3A_567] : memref<512x128xf32, #tpu.memory_space<vmem>> -> memref<128x128xf32, #tpu.memory_space<vmem>>
    %dma_start3A_569 = arith.constant 0 : i32
    %dma_start3A_570 = tpu.memref_slice %arg5[%dma_start3A_565, %dma_start3A_569] : memref<80x128xi32, #tpu.memory_space<vmem>> -> memref<1x128xi32, #tpu.memory_space<vmem>>
    %dma_start3A_571 = tpu.memref_squeeze %dma_start3A_570 : memref<1x128xi32, #tpu.memory_space<vmem>> -> memref<128xi32, #tpu.memory_space<vmem>>
    %dma_start3A_572 = arith.constant 0 : i32
    %dma_start3A_573 = arith.constant 0 : i32
    %dma_start3A_574 = tpu.memref_slice %arg2[%dma_start3A_572, %dma_start3A_573] : memref<10000x128xf32, #tpu.memory_space<hbm>> -> memref<10000x128xf32, #tpu.memory_space<hbm>>
    tpu.enqueue_indirect_dma source(%dma_start3A_574 : memref<10000x128xf32, #tpu.memory_space<hbm>>) target(%dma_start3A_568 : memref<128x128xf32, #tpu.memory_space<vmem>>) offsets(%dma_start3A_571 : memref<128xi32, #tpu.memory_space<vmem>>) semaphore(%arg7 : memref<!tpu.dma_semaphore, #tpu.memory_space<semaphore_mem>>) {add = true}
    %dma_start3A_575 = arith.constant 29 : i32
    %dma_start3A_576 = arith.constant 384 : i32
    %dma_start3A_577 = arith.constant 0 : i32
    %dma_start3A_578 = tpu.memref_slice %arg6[%dma_start3A_576, %dma_start3A_577] : memref<512x128xf32, #tpu.memory_space<vmem>> -> memref<128x128xf32, #tpu.memory_space<vmem>>
    %dma_start3A_579 = arith.constant 0 : i32
    %dma_start3A_580 = tpu.memref_slice %arg5[%dma_start3A_575, %dma_start3A_579] : memref<80x128xi32, #tpu.memory_space<vmem>> -> memref<1x128xi32, #tpu.memory_space<vmem>>
    %dma_start3A_581 = tpu.memref_squeeze %dma_start3A_580 : memref<1x128xi32, #tpu.memory_space<vmem>> -> memref<128xi32, #tpu.memory_space<vmem>>
    %dma_start3A_582 = arith.constant 0 : i32
    %dma_start3A_583 = arith.constant 0 : i32
    %dma_start3A_584 = tpu.memref_slice %arg2[%dma_start3A_582, %dma_start3A_583] : memref<10000x128xf32, #tpu.memory_space<hbm>> -> memref<10000x128xf32, #tpu.memory_space<hbm>>
    tpu.enqueue_indirect_dma source(%dma_start3A_584 : memref<10000x128xf32, #tpu.memory_space<hbm>>) target(%dma_start3A_578 : memref<128x128xf32, #tpu.memory_space<vmem>>) offsets(%dma_start3A_581 : memref<128xi32, #tpu.memory_space<vmem>>) semaphore(%arg7 : memref<!tpu.dma_semaphore, #tpu.memory_space<semaphore_mem>>) {add = true}
    %dma_start3A_585 = arith.constant 31 : i32
    %dma_start3A_586 = arith.constant 384 : i32
    %dma_start3A_587 = arith.constant 0 : i32
    %dma_start3A_588 = tpu.memref_slice %arg6[%dma_start3A_586, %dma_start3A_587] : memref<512x128xf32, #tpu.memory_space<vmem>> -> memref<128x128xf32, #tpu.memory_space<vmem>>
    %dma_start3A_589 = arith.constant 0 : i32
    %dma_start3A_590 = tpu.memref_slice %arg5[%dma_start3A_585, %dma_start3A_589] : memref<80x128xi32, #tpu.memory_space<vmem>> -> memref<1x128xi32, #tpu.memory_space<vmem>>
    %dma_start3A_591 = tpu.memref_squeeze %dma_start3A_590 : memref<1x128xi32, #tpu.memory_space<vmem>> -> memref<128xi32, #tpu.memory_space<vmem>>
    %dma_start3A_592 = arith.constant 0 : i32
    %dma_start3A_593 = arith.constant 0 : i32
    %dma_start3A_594 = tpu.memref_slice %arg2[%dma_start3A_592, %dma_start3A_593] : memref<10000x128xf32, #tpu.memory_space<hbm>> -> memref<10000x128xf32, #tpu.memory_space<hbm>>
    tpu.enqueue_indirect_dma source(%dma_start3A_594 : memref<10000x128xf32, #tpu.memory_space<hbm>>) target(%dma_start3A_588 : memref<128x128xf32, #tpu.memory_space<vmem>>) offsets(%dma_start3A_591 : memref<128xi32, #tpu.memory_space<vmem>>) semaphore(%arg7 : memref<!tpu.dma_semaphore, #tpu.memory_space<semaphore_mem>>) {add = true}
    %dma_start3A_595 = arith.constant 33 : i32
    %dma_start3A_596 = arith.constant 384 : i32
    %dma_start3A_597 = arith.constant 0 : i32
    %dma_start3A_598 = tpu.memref_slice %arg6[%dma_start3A_596, %dma_start3A_597] : memref<512x128xf32, #tpu.memory_space<vmem>> -> memref<128x128xf32, #tpu.memory_space<vmem>>
    %dma_start3A_599 = arith.constant 0 : i32
    %dma_start3A_600 = tpu.memref_slice %arg5[%dma_start3A_595, %dma_start3A_599] : memref<80x128xi32, #tpu.memory_space<vmem>> -> memref<1x128xi32, #tpu.memory_space<vmem>>
    %dma_start3A_601 = tpu.memref_squeeze %dma_start3A_600 : memref<1x128xi32, #tpu.memory_space<vmem>> -> memref<128xi32, #tpu.memory_space<vmem>>
    %dma_start3A_602 = arith.constant 0 : i32
    %dma_start3A_603 = arith.constant 0 : i32
    %dma_start3A_604 = tpu.memref_slice %arg2[%dma_start3A_602, %dma_start3A_603] : memref<10000x128xf32, #tpu.memory_space<hbm>> -> memref<10000x128xf32, #tpu.memory_space<hbm>>
    tpu.enqueue_indirect_dma source(%dma_start3A_604 : memref<10000x128xf32, #tpu.memory_space<hbm>>) target(%dma_start3A_598 : memref<128x128xf32, #tpu.memory_space<vmem>>) offsets(%dma_start3A_601 : memref<128xi32, #tpu.memory_space<vmem>>) semaphore(%arg7 : memref<!tpu.dma_semaphore, #tpu.memory_space<semaphore_mem>>) {add = true}
    %dma_start3A_605 = arith.constant 35 : i32
    %dma_start3A_606 = arith.constant 384 : i32
    %dma_start3A_607 = arith.constant 0 : i32
    %dma_start3A_608 = tpu.memref_slice %arg6[%dma_start3A_606, %dma_start3A_607] : memref<512x128xf32, #tpu.memory_space<vmem>> -> memref<128x128xf32, #tpu.memory_space<vmem>>
    %dma_start3A_609 = arith.constant 0 : i32
    %dma_start3A_610 = tpu.memref_slice %arg5[%dma_start3A_605, %dma_start3A_609] : memref<80x128xi32, #tpu.memory_space<vmem>> -> memref<1x128xi32, #tpu.memory_space<vmem>>
    %dma_start3A_611 = tpu.memref_squeeze %dma_start3A_610 : memref<1x128xi32, #tpu.memory_space<vmem>> -> memref<128xi32, #tpu.memory_space<vmem>>
    %dma_start3A_612 = arith.constant 0 : i32
    %dma_start3A_613 = arith.constant 0 : i32
    %dma_start3A_614 = tpu.memref_slice %arg2[%dma_start3A_612, %dma_start3A_613] : memref<10000x128xf32, #tpu.memory_space<hbm>> -> memref<10000x128xf32, #tpu.memory_space<hbm>>
    tpu.enqueue_indirect_dma source(%dma_start3A_614 : memref<10000x128xf32, #tpu.memory_space<hbm>>) target(%dma_start3A_608 : memref<128x128xf32, #tpu.memory_space<vmem>>) offsets(%dma_start3A_611 : memref<128xi32, #tpu.memory_space<vmem>>) semaphore(%arg7 : memref<!tpu.dma_semaphore, #tpu.memory_space<semaphore_mem>>) {add = true}
    %dma_start3A_615 = arith.constant 37 : i32
    %dma_start3A_616 = arith.constant 384 : i32
    %dma_start3A_617 = arith.constant 0 : i32
    %dma_start3A_618 = tpu.memref_slice %arg6[%dma_start3A_616, %dma_start3A_617] : memref<512x128xf32, #tpu.memory_space<vmem>> -> memref<128x128xf32, #tpu.memory_space<vmem>>
    %dma_start3A_619 = arith.constant 0 : i32
    %dma_start3A_620 = tpu.memref_slice %arg5[%dma_start3A_615, %dma_start3A_619] : memref<80x128xi32, #tpu.memory_space<vmem>> -> memref<1x128xi32, #tpu.memory_space<vmem>>
    %dma_start3A_621 = tpu.memref_squeeze %dma_start3A_620 : memref<1x128xi32, #tpu.memory_space<vmem>> -> memref<128xi32, #tpu.memory_space<vmem>>
    %dma_start3A_622 = arith.constant 0 : i32
    %dma_start3A_623 = arith.constant 0 : i32
    %dma_start3A_624 = tpu.memref_slice %arg2[%dma_start3A_622, %dma_start3A_623] : memref<10000x128xf32, #tpu.memory_space<hbm>> -> memref<10000x128xf32, #tpu.memory_space<hbm>>
    tpu.enqueue_indirect_dma source(%dma_start3A_624 : memref<10000x128xf32, #tpu.memory_space<hbm>>) target(%dma_start3A_618 : memref<128x128xf32, #tpu.memory_space<vmem>>) offsets(%dma_start3A_621 : memref<128xi32, #tpu.memory_space<vmem>>) semaphore(%arg7 : memref<!tpu.dma_semaphore, #tpu.memory_space<semaphore_mem>>) {add = true}
    %dma_start3A_625 = arith.constant 39 : i32
    %dma_start3A_626 = arith.constant 384 : i32
    %dma_start3A_627 = arith.constant 0 : i32
    %dma_start3A_628 = tpu.memref_slice %arg6[%dma_start3A_626, %dma_start3A_627] : memref<512x128xf32, #tpu.memory_space<vmem>> -> memref<128x128xf32, #tpu.memory_space<vmem>>
    %dma_start3A_629 = arith.constant 0 : i32
    %dma_start3A_630 = tpu.memref_slice %arg5[%dma_start3A_625, %dma_start3A_629] : memref<80x128xi32, #tpu.memory_space<vmem>> -> memref<1x128xi32, #tpu.memory_space<vmem>>
    %dma_start3A_631 = tpu.memref_squeeze %dma_start3A_630 : memref<1x128xi32, #tpu.memory_space<vmem>> -> memref<128xi32, #tpu.memory_space<vmem>>
    %dma_start3A_632 = arith.constant 0 : i32
    %dma_start3A_633 = arith.constant 0 : i32
    %dma_start3A_634 = tpu.memref_slice %arg2[%dma_start3A_632, %dma_start3A_633] : memref<10000x128xf32, #tpu.memory_space<hbm>> -> memref<10000x128xf32, #tpu.memory_space<hbm>>
    tpu.enqueue_indirect_dma source(%dma_start3A_634 : memref<10000x128xf32, #tpu.memory_space<hbm>>) target(%dma_start3A_628 : memref<128x128xf32, #tpu.memory_space<vmem>>) offsets(%dma_start3A_631 : memref<128xi32, #tpu.memory_space<vmem>>) semaphore(%arg7 : memref<!tpu.dma_semaphore, #tpu.memory_space<semaphore_mem>>) {add = true}
    %dma_wait3A_635 = arith.constant 22 : i32
    %dma_wait3A_636 = arith.constant 256 : i32
    %dma_wait3A_637 = arith.constant 0 : i32
    %dma_wait3A_638 = tpu.memref_slice %arg6[%dma_wait3A_636, %dma_wait3A_637] : memref<512x128xf32, #tpu.memory_space<vmem>> -> memref<128x128xf32, #tpu.memory_space<vmem>>
    %dma_wait3A_639 = arith.constant 0 : i32
    %dma_wait3A_640 = tpu.memref_slice %arg5[%dma_wait3A_635, %dma_wait3A_639] : memref<80x128xi32, #tpu.memory_space<vmem>> -> memref<1x128xi32, #tpu.memory_space<vmem>>
    %dma_wait3A_641 = tpu.memref_squeeze %dma_wait3A_640 : memref<1x128xi32, #tpu.memory_space<vmem>> -> memref<128xi32, #tpu.memory_space<vmem>>
    %dma_wait3A_642 = arith.constant 0 : i32
    %dma_wait3A_643 = arith.constant 0 : i32
    %dma_wait3A_644 = tpu.memref_slice %arg2[%dma_wait3A_642, %dma_wait3A_643] : memref<10000x128xf32, #tpu.memory_space<hbm>> -> memref<10000x128xf32, #tpu.memory_space<hbm>>
    tpu.wait_indirect_dma semaphore(%arg7 : memref<!tpu.dma_semaphore, #tpu.memory_space<semaphore_mem>>) src(%dma_wait3A_644 : memref<10000x128xf32, #tpu.memory_space<hbm>>) dst(%dma_wait3A_638 : memref<128x128xf32, #tpu.memory_space<vmem>>)
    %dma_wait3A_645 = arith.constant 24 : i32
    %dma_wait3A_646 = arith.constant 256 : i32
    %dma_wait3A_647 = arith.constant 0 : i32
    %dma_wait3A_648 = tpu.memref_slice %arg6[%dma_wait3A_646, %dma_wait3A_647] : memref<512x128xf32, #tpu.memory_space<vmem>> -> memref<128x128xf32, #tpu.memory_space<vmem>>
    %dma_wait3A_649 = arith.constant 0 : i32
    %dma_wait3A_650 = tpu.memref_slice %arg5[%dma_wait3A_645, %dma_wait3A_649] : memref<80x128xi32, #tpu.memory_space<vmem>> -> memref<1x128xi32, #tpu.memory_space<vmem>>
    %dma_wait3A_651 = tpu.memref_squeeze %dma_wait3A_650 : memref<1x128xi32, #tpu.memory_space<vmem>> -> memref<128xi32, #tpu.memory_space<vmem>>
    %dma_wait3A_652 = arith.constant 0 : i32
    %dma_wait3A_653 = arith.constant 0 : i32
    %dma_wait3A_654 = tpu.memref_slice %arg2[%dma_wait3A_652, %dma_wait3A_653] : memref<10000x128xf32, #tpu.memory_space<hbm>> -> memref<10000x128xf32, #tpu.memory_space<hbm>>
    tpu.wait_indirect_dma semaphore(%arg7 : memref<!tpu.dma_semaphore, #tpu.memory_space<semaphore_mem>>) src(%dma_wait3A_654 : memref<10000x128xf32, #tpu.memory_space<hbm>>) dst(%dma_wait3A_648 : memref<128x128xf32, #tpu.memory_space<vmem>>)
    %dma_wait3A_655 = arith.constant 26 : i32
    %dma_wait3A_656 = arith.constant 256 : i32
    %dma_wait3A_657 = arith.constant 0 : i32
    %dma_wait3A_658 = tpu.memref_slice %arg6[%dma_wait3A_656, %dma_wait3A_657] : memref<512x128xf32, #tpu.memory_space<vmem>> -> memref<128x128xf32, #tpu.memory_space<vmem>>
    %dma_wait3A_659 = arith.constant 0 : i32
    %dma_wait3A_660 = tpu.memref_slice %arg5[%dma_wait3A_655, %dma_wait3A_659] : memref<80x128xi32, #tpu.memory_space<vmem>> -> memref<1x128xi32, #tpu.memory_space<vmem>>
    %dma_wait3A_661 = tpu.memref_squeeze %dma_wait3A_660 : memref<1x128xi32, #tpu.memory_space<vmem>> -> memref<128xi32, #tpu.memory_space<vmem>>
    %dma_wait3A_662 = arith.constant 0 : i32
    %dma_wait3A_663 = arith.constant 0 : i32
    %dma_wait3A_664 = tpu.memref_slice %arg2[%dma_wait3A_662, %dma_wait3A_663] : memref<10000x128xf32, #tpu.memory_space<hbm>> -> memref<10000x128xf32, #tpu.memory_space<hbm>>
    tpu.wait_indirect_dma semaphore(%arg7 : memref<!tpu.dma_semaphore, #tpu.memory_space<semaphore_mem>>) src(%dma_wait3A_664 : memref<10000x128xf32, #tpu.memory_space<hbm>>) dst(%dma_wait3A_658 : memref<128x128xf32, #tpu.memory_space<vmem>>)
    %dma_wait3A_665 = arith.constant 28 : i32
    %dma_wait3A_666 = arith.constant 256 : i32
    %dma_wait3A_667 = arith.constant 0 : i32
    %dma_wait3A_668 = tpu.memref_slice %arg6[%dma_wait3A_666, %dma_wait3A_667] : memref<512x128xf32, #tpu.memory_space<vmem>> -> memref<128x128xf32, #tpu.memory_space<vmem>>
    %dma_wait3A_669 = arith.constant 0 : i32
    %dma_wait3A_670 = tpu.memref_slice %arg5[%dma_wait3A_665, %dma_wait3A_669] : memref<80x128xi32, #tpu.memory_space<vmem>> -> memref<1x128xi32, #tpu.memory_space<vmem>>
    %dma_wait3A_671 = tpu.memref_squeeze %dma_wait3A_670 : memref<1x128xi32, #tpu.memory_space<vmem>> -> memref<128xi32, #tpu.memory_space<vmem>>
    %dma_wait3A_672 = arith.constant 0 : i32
    %dma_wait3A_673 = arith.constant 0 : i32
    %dma_wait3A_674 = tpu.memref_slice %arg2[%dma_wait3A_672, %dma_wait3A_673] : memref<10000x128xf32, #tpu.memory_space<hbm>> -> memref<10000x128xf32, #tpu.memory_space<hbm>>
    tpu.wait_indirect_dma semaphore(%arg7 : memref<!tpu.dma_semaphore, #tpu.memory_space<semaphore_mem>>) src(%dma_wait3A_674 : memref<10000x128xf32, #tpu.memory_space<hbm>>) dst(%dma_wait3A_668 : memref<128x128xf32, #tpu.memory_space<vmem>>)
    %dma_wait3A_675 = arith.constant 30 : i32
    %dma_wait3A_676 = arith.constant 256 : i32
    %dma_wait3A_677 = arith.constant 0 : i32
    %dma_wait3A_678 = tpu.memref_slice %arg6[%dma_wait3A_676, %dma_wait3A_677] : memref<512x128xf32, #tpu.memory_space<vmem>> -> memref<128x128xf32, #tpu.memory_space<vmem>>
    %dma_wait3A_679 = arith.constant 0 : i32
    %dma_wait3A_680 = tpu.memref_slice %arg5[%dma_wait3A_675, %dma_wait3A_679] : memref<80x128xi32, #tpu.memory_space<vmem>> -> memref<1x128xi32, #tpu.memory_space<vmem>>
    %dma_wait3A_681 = tpu.memref_squeeze %dma_wait3A_680 : memref<1x128xi32, #tpu.memory_space<vmem>> -> memref<128xi32, #tpu.memory_space<vmem>>
    %dma_wait3A_682 = arith.constant 0 : i32
    %dma_wait3A_683 = arith.constant 0 : i32
    %dma_wait3A_684 = tpu.memref_slice %arg2[%dma_wait3A_682, %dma_wait3A_683] : memref<10000x128xf32, #tpu.memory_space<hbm>> -> memref<10000x128xf32, #tpu.memory_space<hbm>>
    tpu.wait_indirect_dma semaphore(%arg7 : memref<!tpu.dma_semaphore, #tpu.memory_space<semaphore_mem>>) src(%dma_wait3A_684 : memref<10000x128xf32, #tpu.memory_space<hbm>>) dst(%dma_wait3A_678 : memref<128x128xf32, #tpu.memory_space<vmem>>)
    %dma_wait3A_685 = arith.constant 32 : i32
    %dma_wait3A_686 = arith.constant 256 : i32
    %dma_wait3A_687 = arith.constant 0 : i32
    %dma_wait3A_688 = tpu.memref_slice %arg6[%dma_wait3A_686, %dma_wait3A_687] : memref<512x128xf32, #tpu.memory_space<vmem>> -> memref<128x128xf32, #tpu.memory_space<vmem>>
    %dma_wait3A_689 = arith.constant 0 : i32
    %dma_wait3A_690 = tpu.memref_slice %arg5[%dma_wait3A_685, %dma_wait3A_689] : memref<80x128xi32, #tpu.memory_space<vmem>> -> memref<1x128xi32, #tpu.memory_space<vmem>>
    %dma_wait3A_691 = tpu.memref_squeeze %dma_wait3A_690 : memref<1x128xi32, #tpu.memory_space<vmem>> -> memref<128xi32, #tpu.memory_space<vmem>>
    %dma_wait3A_692 = arith.constant 0 : i32
    %dma_wait3A_693 = arith.constant 0 : i32
    %dma_wait3A_694 = tpu.memref_slice %arg2[%dma_wait3A_692, %dma_wait3A_693] : memref<10000x128xf32, #tpu.memory_space<hbm>> -> memref<10000x128xf32, #tpu.memory_space<hbm>>
    tpu.wait_indirect_dma semaphore(%arg7 : memref<!tpu.dma_semaphore, #tpu.memory_space<semaphore_mem>>) src(%dma_wait3A_694 : memref<10000x128xf32, #tpu.memory_space<hbm>>) dst(%dma_wait3A_688 : memref<128x128xf32, #tpu.memory_space<vmem>>)
    %dma_wait3A_695 = arith.constant 34 : i32
    %dma_wait3A_696 = arith.constant 256 : i32
    %dma_wait3A_697 = arith.constant 0 : i32
    %dma_wait3A_698 = tpu.memref_slice %arg6[%dma_wait3A_696, %dma_wait3A_697] : memref<512x128xf32, #tpu.memory_space<vmem>> -> memref<128x128xf32, #tpu.memory_space<vmem>>
    %dma_wait3A_699 = arith.constant 0 : i32
    %dma_wait3A_700 = tpu.memref_slice %arg5[%dma_wait3A_695, %dma_wait3A_699] : memref<80x128xi32, #tpu.memory_space<vmem>> -> memref<1x128xi32, #tpu.memory_space<vmem>>
    %dma_wait3A_701 = tpu.memref_squeeze %dma_wait3A_700 : memref<1x128xi32, #tpu.memory_space<vmem>> -> memref<128xi32, #tpu.memory_space<vmem>>
    %dma_wait3A_702 = arith.constant 0 : i32
    %dma_wait3A_703 = arith.constant 0 : i32
    %dma_wait3A_704 = tpu.memref_slice %arg2[%dma_wait3A_702, %dma_wait3A_703] : memref<10000x128xf32, #tpu.memory_space<hbm>> -> memref<10000x128xf32, #tpu.memory_space<hbm>>
    tpu.wait_indirect_dma semaphore(%arg7 : memref<!tpu.dma_semaphore, #tpu.memory_space<semaphore_mem>>) src(%dma_wait3A_704 : memref<10000x128xf32, #tpu.memory_space<hbm>>) dst(%dma_wait3A_698 : memref<128x128xf32, #tpu.memory_space<vmem>>)
    %dma_wait3A_705 = arith.constant 36 : i32
    %dma_wait3A_706 = arith.constant 256 : i32
    %dma_wait3A_707 = arith.constant 0 : i32
    %dma_wait3A_708 = tpu.memref_slice %arg6[%dma_wait3A_706, %dma_wait3A_707] : memref<512x128xf32, #tpu.memory_space<vmem>> -> memref<128x128xf32, #tpu.memory_space<vmem>>
    %dma_wait3A_709 = arith.constant 0 : i32
    %dma_wait3A_710 = tpu.memref_slice %arg5[%dma_wait3A_705, %dma_wait3A_709] : memref<80x128xi32, #tpu.memory_space<vmem>> -> memref<1x128xi32, #tpu.memory_space<vmem>>
    %dma_wait3A_711 = tpu.memref_squeeze %dma_wait3A_710 : memref<1x128xi32, #tpu.memory_space<vmem>> -> memref<128xi32, #tpu.memory_space<vmem>>
    %dma_wait3A_712 = arith.constant 0 : i32
    %dma_wait3A_713 = arith.constant 0 : i32
    %dma_wait3A_714 = tpu.memref_slice %arg2[%dma_wait3A_712, %dma_wait3A_713] : memref<10000x128xf32, #tpu.memory_space<hbm>> -> memref<10000x128xf32, #tpu.memory_space<hbm>>
    tpu.wait_indirect_dma semaphore(%arg7 : memref<!tpu.dma_semaphore, #tpu.memory_space<semaphore_mem>>) src(%dma_wait3A_714 : memref<10000x128xf32, #tpu.memory_space<hbm>>) dst(%dma_wait3A_708 : memref<128x128xf32, #tpu.memory_space<vmem>>)
    %dma_wait3A_715 = arith.constant 38 : i32
    %dma_wait3A_716 = arith.constant 256 : i32
    %dma_wait3A_717 = arith.constant 0 : i32
    %dma_wait3A_718 = tpu.memref_slice %arg6[%dma_wait3A_716, %dma_wait3A_717] : memref<512x128xf32, #tpu.memory_space<vmem>> -> memref<128x128xf32, #tpu.memory_space<vmem>>
    %dma_wait3A_719 = arith.constant 0 : i32
    %dma_wait3A_720 = tpu.memref_slice %arg5[%dma_wait3A_715, %dma_wait3A_719] : memref<80x128xi32, #tpu.memory_space<vmem>> -> memref<1x128xi32, #tpu.memory_space<vmem>>
    %dma_wait3A_721 = tpu.memref_squeeze %dma_wait3A_720 : memref<1x128xi32, #tpu.memory_space<vmem>> -> memref<128xi32, #tpu.memory_space<vmem>>
    %dma_wait3A_722 = arith.constant 0 : i32
    %dma_wait3A_723 = arith.constant 0 : i32
    %dma_wait3A_724 = tpu.memref_slice %arg2[%dma_wait3A_722, %dma_wait3A_723] : memref<10000x128xf32, #tpu.memory_space<hbm>> -> memref<10000x128xf32, #tpu.memory_space<hbm>>
    tpu.wait_indirect_dma semaphore(%arg7 : memref<!tpu.dma_semaphore, #tpu.memory_space<semaphore_mem>>) src(%dma_wait3A_724 : memref<10000x128xf32, #tpu.memory_space<hbm>>) dst(%dma_wait3A_718 : memref<128x128xf32, #tpu.memory_space<vmem>>)
    %dma_wait3A_725 = arith.constant 23 : i32
    %dma_wait3A_726 = arith.constant 384 : i32
    %dma_wait3A_727 = arith.constant 0 : i32
    %dma_wait3A_728 = tpu.memref_slice %arg6[%dma_wait3A_726, %dma_wait3A_727] : memref<512x128xf32, #tpu.memory_space<vmem>> -> memref<128x128xf32, #tpu.memory_space<vmem>>
    %dma_wait3A_729 = arith.constant 0 : i32
    %dma_wait3A_730 = tpu.memref_slice %arg5[%dma_wait3A_725, %dma_wait3A_729] : memref<80x128xi32, #tpu.memory_space<vmem>> -> memref<1x128xi32, #tpu.memory_space<vmem>>
    %dma_wait3A_731 = tpu.memref_squeeze %dma_wait3A_730 : memref<1x128xi32, #tpu.memory_space<vmem>> -> memref<128xi32, #tpu.memory_space<vmem>>
    %dma_wait3A_732 = arith.constant 0 : i32
    %dma_wait3A_733 = arith.constant 0 : i32
    %dma_wait3A_734 = tpu.memref_slice %arg2[%dma_wait3A_732, %dma_wait3A_733] : memref<10000x128xf32, #tpu.memory_space<hbm>> -> memref<10000x128xf32, #tpu.memory_space<hbm>>
    tpu.wait_indirect_dma semaphore(%arg7 : memref<!tpu.dma_semaphore, #tpu.memory_space<semaphore_mem>>) src(%dma_wait3A_734 : memref<10000x128xf32, #tpu.memory_space<hbm>>) dst(%dma_wait3A_728 : memref<128x128xf32, #tpu.memory_space<vmem>>)
    %dma_wait3A_735 = arith.constant 25 : i32
    %dma_wait3A_736 = arith.constant 384 : i32
    %dma_wait3A_737 = arith.constant 0 : i32
    %dma_wait3A_738 = tpu.memref_slice %arg6[%dma_wait3A_736, %dma_wait3A_737] : memref<512x128xf32, #tpu.memory_space<vmem>> -> memref<128x128xf32, #tpu.memory_space<vmem>>
    %dma_wait3A_739 = arith.constant 0 : i32
    %dma_wait3A_740 = tpu.memref_slice %arg5[%dma_wait3A_735, %dma_wait3A_739] : memref<80x128xi32, #tpu.memory_space<vmem>> -> memref<1x128xi32, #tpu.memory_space<vmem>>
    %dma_wait3A_741 = tpu.memref_squeeze %dma_wait3A_740 : memref<1x128xi32, #tpu.memory_space<vmem>> -> memref<128xi32, #tpu.memory_space<vmem>>
    %dma_wait3A_742 = arith.constant 0 : i32
    %dma_wait3A_743 = arith.constant 0 : i32
    %dma_wait3A_744 = tpu.memref_slice %arg2[%dma_wait3A_742, %dma_wait3A_743] : memref<10000x128xf32, #tpu.memory_space<hbm>> -> memref<10000x128xf32, #tpu.memory_space<hbm>>
    tpu.wait_indirect_dma semaphore(%arg7 : memref<!tpu.dma_semaphore, #tpu.memory_space<semaphore_mem>>) src(%dma_wait3A_744 : memref<10000x128xf32, #tpu.memory_space<hbm>>) dst(%dma_wait3A_738 : memref<128x128xf32, #tpu.memory_space<vmem>>)
    %dma_wait3A_745 = arith.constant 27 : i32
    %dma_wait3A_746 = arith.constant 384 : i32
    %dma_wait3A_747 = arith.constant 0 : i32
    %dma_wait3A_748 = tpu.memref_slice %arg6[%dma_wait3A_746, %dma_wait3A_747] : memref<512x128xf32, #tpu.memory_space<vmem>> -> memref<128x128xf32, #tpu.memory_space<vmem>>
    %dma_wait3A_749 = arith.constant 0 : i32
    %dma_wait3A_750 = tpu.memref_slice %arg5[%dma_wait3A_745, %dma_wait3A_749] : memref<80x128xi32, #tpu.memory_space<vmem>> -> memref<1x128xi32, #tpu.memory_space<vmem>>
    %dma_wait3A_751 = tpu.memref_squeeze %dma_wait3A_750 : memref<1x128xi32, #tpu.memory_space<vmem>> -> memref<128xi32, #tpu.memory_space<vmem>>
    %dma_wait3A_752 = arith.constant 0 : i32
    %dma_wait3A_753 = arith.constant 0 : i32
    %dma_wait3A_754 = tpu.memref_slice %arg2[%dma_wait3A_752, %dma_wait3A_753] : memref<10000x128xf32, #tpu.memory_space<hbm>> -> memref<10000x128xf32, #tpu.memory_space<hbm>>
    tpu.wait_indirect_dma semaphore(%arg7 : memref<!tpu.dma_semaphore, #tpu.memory_space<semaphore_mem>>) src(%dma_wait3A_754 : memref<10000x128xf32, #tpu.memory_space<hbm>>) dst(%dma_wait3A_748 : memref<128x128xf32, #tpu.memory_space<vmem>>)
    %dma_wait3A_755 = arith.constant 29 : i32
    %dma_wait3A_756 = arith.constant 384 : i32
    %dma_wait3A_757 = arith.constant 0 : i32
    %dma_wait3A_758 = tpu.memref_slice %arg6[%dma_wait3A_756, %dma_wait3A_757] : memref<512x128xf32, #tpu.memory_space<vmem>> -> memref<128x128xf32, #tpu.memory_space<vmem>>
    %dma_wait3A_759 = arith.constant 0 : i32
    %dma_wait3A_760 = tpu.memref_slice %arg5[%dma_wait3A_755, %dma_wait3A_759] : memref<80x128xi32, #tpu.memory_space<vmem>> -> memref<1x128xi32, #tpu.memory_space<vmem>>
    %dma_wait3A_761 = tpu.memref_squeeze %dma_wait3A_760 : memref<1x128xi32, #tpu.memory_space<vmem>> -> memref<128xi32, #tpu.memory_space<vmem>>
    %dma_wait3A_762 = arith.constant 0 : i32
    %dma_wait3A_763 = arith.constant 0 : i32
    %dma_wait3A_764 = tpu.memref_slice %arg2[%dma_wait3A_762, %dma_wait3A_763] : memref<10000x128xf32, #tpu.memory_space<hbm>> -> memref<10000x128xf32, #tpu.memory_space<hbm>>
    tpu.wait_indirect_dma semaphore(%arg7 : memref<!tpu.dma_semaphore, #tpu.memory_space<semaphore_mem>>) src(%dma_wait3A_764 : memref<10000x128xf32, #tpu.memory_space<hbm>>) dst(%dma_wait3A_758 : memref<128x128xf32, #tpu.memory_space<vmem>>)
    %dma_wait3A_765 = arith.constant 31 : i32
    %dma_wait3A_766 = arith.constant 384 : i32
    %dma_wait3A_767 = arith.constant 0 : i32
    %dma_wait3A_768 = tpu.memref_slice %arg6[%dma_wait3A_766, %dma_wait3A_767] : memref<512x128xf32, #tpu.memory_space<vmem>> -> memref<128x128xf32, #tpu.memory_space<vmem>>
    %dma_wait3A_769 = arith.constant 0 : i32
    %dma_wait3A_770 = tpu.memref_slice %arg5[%dma_wait3A_765, %dma_wait3A_769] : memref<80x128xi32, #tpu.memory_space<vmem>> -> memref<1x128xi32, #tpu.memory_space<vmem>>
    %dma_wait3A_771 = tpu.memref_squeeze %dma_wait3A_770 : memref<1x128xi32, #tpu.memory_space<vmem>> -> memref<128xi32, #tpu.memory_space<vmem>>
    %dma_wait3A_772 = arith.constant 0 : i32
    %dma_wait3A_773 = arith.constant 0 : i32
    %dma_wait3A_774 = tpu.memref_slice %arg2[%dma_wait3A_772, %dma_wait3A_773] : memref<10000x128xf32, #tpu.memory_space<hbm>> -> memref<10000x128xf32, #tpu.memory_space<hbm>>
    tpu.wait_indirect_dma semaphore(%arg7 : memref<!tpu.dma_semaphore, #tpu.memory_space<semaphore_mem>>) src(%dma_wait3A_774 : memref<10000x128xf32, #tpu.memory_space<hbm>>) dst(%dma_wait3A_768 : memref<128x128xf32, #tpu.memory_space<vmem>>)
    %dma_wait3A_775 = arith.constant 33 : i32
    %dma_wait3A_776 = arith.constant 384 : i32
    %dma_wait3A_777 = arith.constant 0 : i32
    %dma_wait3A_778 = tpu.memref_slice %arg6[%dma_wait3A_776, %dma_wait3A_777] : memref<512x128xf32, #tpu.memory_space<vmem>> -> memref<128x128xf32, #tpu.memory_space<vmem>>
    %dma_wait3A_779 = arith.constant 0 : i32
    %dma_wait3A_780 = tpu.memref_slice %arg5[%dma_wait3A_775, %dma_wait3A_779] : memref<80x128xi32, #tpu.memory_space<vmem>> -> memref<1x128xi32, #tpu.memory_space<vmem>>
    %dma_wait3A_781 = tpu.memref_squeeze %dma_wait3A_780 : memref<1x128xi32, #tpu.memory_space<vmem>> -> memref<128xi32, #tpu.memory_space<vmem>>
    %dma_wait3A_782 = arith.constant 0 : i32
    %dma_wait3A_783 = arith.constant 0 : i32
    %dma_wait3A_784 = tpu.memref_slice %arg2[%dma_wait3A_782, %dma_wait3A_783] : memref<10000x128xf32, #tpu.memory_space<hbm>> -> memref<10000x128xf32, #tpu.memory_space<hbm>>
    tpu.wait_indirect_dma semaphore(%arg7 : memref<!tpu.dma_semaphore, #tpu.memory_space<semaphore_mem>>) src(%dma_wait3A_784 : memref<10000x128xf32, #tpu.memory_space<hbm>>) dst(%dma_wait3A_778 : memref<128x128xf32, #tpu.memory_space<vmem>>)
    %dma_wait3A_785 = arith.constant 35 : i32
    %dma_wait3A_786 = arith.constant 384 : i32
    %dma_wait3A_787 = arith.constant 0 : i32
    %dma_wait3A_788 = tpu.memref_slice %arg6[%dma_wait3A_786, %dma_wait3A_787] : memref<512x128xf32, #tpu.memory_space<vmem>> -> memref<128x128xf32, #tpu.memory_space<vmem>>
    %dma_wait3A_789 = arith.constant 0 : i32
    %dma_wait3A_790 = tpu.memref_slice %arg5[%dma_wait3A_785, %dma_wait3A_789] : memref<80x128xi32, #tpu.memory_space<vmem>> -> memref<1x128xi32, #tpu.memory_space<vmem>>
    %dma_wait3A_791 = tpu.memref_squeeze %dma_wait3A_790 : memref<1x128xi32, #tpu.memory_space<vmem>> -> memref<128xi32, #tpu.memory_space<vmem>>
    %dma_wait3A_792 = arith.constant 0 : i32
    %dma_wait3A_793 = arith.constant 0 : i32
    %dma_wait3A_794 = tpu.memref_slice %arg2[%dma_wait3A_792, %dma_wait3A_793] : memref<10000x128xf32, #tpu.memory_space<hbm>> -> memref<10000x128xf32, #tpu.memory_space<hbm>>
    tpu.wait_indirect_dma semaphore(%arg7 : memref<!tpu.dma_semaphore, #tpu.memory_space<semaphore_mem>>) src(%dma_wait3A_794 : memref<10000x128xf32, #tpu.memory_space<hbm>>) dst(%dma_wait3A_788 : memref<128x128xf32, #tpu.memory_space<vmem>>)
    %dma_wait3A_795 = arith.constant 37 : i32
    %dma_wait3A_796 = arith.constant 384 : i32
    %dma_wait3A_797 = arith.constant 0 : i32
    %dma_wait3A_798 = tpu.memref_slice %arg6[%dma_wait3A_796, %dma_wait3A_797] : memref<512x128xf32, #tpu.memory_space<vmem>> -> memref<128x128xf32, #tpu.memory_space<vmem>>
    %dma_wait3A_799 = arith.constant 0 : i32
    %dma_wait3A_800 = tpu.memref_slice %arg5[%dma_wait3A_795, %dma_wait3A_799] : memref<80x128xi32, #tpu.memory_space<vmem>> -> memref<1x128xi32, #tpu.memory_space<vmem>>
    %dma_wait3A_801 = tpu.memref_squeeze %dma_wait3A_800 : memref<1x128xi32, #tpu.memory_space<vmem>> -> memref<128xi32, #tpu.memory_space<vmem>>
    %dma_wait3A_802 = arith.constant 0 : i32
    %dma_wait3A_803 = arith.constant 0 : i32
    %dma_wait3A_804 = tpu.memref_slice %arg2[%dma_wait3A_802, %dma_wait3A_803] : memref<10000x128xf32, #tpu.memory_space<hbm>> -> memref<10000x128xf32, #tpu.memory_space<hbm>>
    tpu.wait_indirect_dma semaphore(%arg7 : memref<!tpu.dma_semaphore, #tpu.memory_space<semaphore_mem>>) src(%dma_wait3A_804 : memref<10000x128xf32, #tpu.memory_space<hbm>>) dst(%dma_wait3A_798 : memref<128x128xf32, #tpu.memory_space<vmem>>)
    %dma_wait3A_805 = arith.constant 39 : i32
    %dma_wait3A_806 = arith.constant 384 : i32
    %dma_wait3A_807 = arith.constant 0 : i32
    %dma_wait3A_808 = tpu.memref_slice %arg6[%dma_wait3A_806, %dma_wait3A_807] : memref<512x128xf32, #tpu.memory_space<vmem>> -> memref<128x128xf32, #tpu.memory_space<vmem>>
    %dma_wait3A_809 = arith.constant 0 : i32
    %dma_wait3A_810 = tpu.memref_slice %arg5[%dma_wait3A_805, %dma_wait3A_809] : memref<80x128xi32, #tpu.memory_space<vmem>> -> memref<1x128xi32, #tpu.memory_space<vmem>>
    %dma_wait3A_811 = tpu.memref_squeeze %dma_wait3A_810 : memref<1x128xi32, #tpu.memory_space<vmem>> -> memref<128xi32, #tpu.memory_space<vmem>>
    %dma_wait3A_812 = arith.constant 0 : i32
    %dma_wait3A_813 = arith.constant 0 : i32
    %dma_wait3A_814 = tpu.memref_slice %arg2[%dma_wait3A_812, %dma_wait3A_813] : memref<10000x128xf32, #tpu.memory_space<hbm>> -> memref<10000x128xf32, #tpu.memory_space<hbm>>
    tpu.wait_indirect_dma semaphore(%arg7 : memref<!tpu.dma_semaphore, #tpu.memory_space<semaphore_mem>>) src(%dma_wait3A_814 : memref<10000x128xf32, #tpu.memory_space<hbm>>) dst(%dma_wait3A_808 : memref<128x128xf32, #tpu.memory_space<vmem>>)
    %mul3A_815 = arith.constant 1024 : i32
    %mul3A_816 = arith.muli %add3A, %mul3A_815 : i32
    %add3A_817 = arith.constant 256 : i32
    %add3A_818 = arith.addi %mul3A_816, %add3A_817 : i32
    %dma_start3A_819 = arith.constant 256 : i32
    %dma_start3A_820 = arith.constant 0 : i32
    %dma_start3A_821 = tpu.memref_slice %arg6[%dma_start3A_819, %dma_start3A_820] : memref<512x128xf32, #tpu.memory_space<vmem>> -> memref<256x128xf32, #tpu.memory_space<vmem>>
    %dma_start3A_822 = arith.constant 0 : i32
    %dma_start3A_823 = tpu.memref_slice %arg4[%add3A_818, %dma_start3A_822] : memref<32768x128xf32, #tpu.memory_space<hbm>> -> memref<256x128xf32, #tpu.memory_space<hbm>>
    %dma_start3A_824 = arith.constant 0 : i32
    %dma_start3A_825 = tpu.memref_slice %arg4[%add3A_818, %dma_start3A_824] : memref<32768x128xf32, #tpu.memory_space<hbm>> -> memref<256x128xf32, #tpu.memory_space<hbm>>
    %dma_start3A_826 = arith.constant 256 : i32
    %dma_start3A_827 = arith.constant 0 : i32
    %dma_start3A_828 = tpu.memref_slice %arg6[%dma_start3A_826, %dma_start3A_827] : memref<512x128xf32, #tpu.memory_space<vmem>> -> memref<256x128xf32, #tpu.memory_space<vmem>>
    tpu.enqueue_dma source(%dma_start3A_828 : memref<256x128xf32, #tpu.memory_space<vmem>>) target(%dma_start3A_825 : memref<256x128xf32, #tpu.memory_space<hbm>>) target_semaphore(%arg9 : memref<!tpu.dma_semaphore, #tpu.memory_space<semaphore_mem>>)
    %dma_wait3A_829 = arith.constant 0 : i32
    %dma_wait3A_830 = arith.constant 0 : i32
    %dma_wait3A_831 = tpu.memref_slice %arg6[%dma_wait3A_829, %dma_wait3A_830] : memref<512x128xf32, #tpu.memory_space<vmem>> -> memref<256x128xf32, #tpu.memory_space<vmem>>
    %dma_wait3A_832 = arith.constant 0 : i32
    %dma_wait3A_833 = tpu.memref_slice %arg4[%add3A_404, %dma_wait3A_832] : memref<32768x128xf32, #tpu.memory_space<hbm>> -> memref<256x128xf32, #tpu.memory_space<hbm>>
    %dma_wait3A_834 = arith.constant 0 : i32
    %dma_wait3A_835 = tpu.memref_slice %arg4[%add3A_404, %dma_wait3A_834] : memref<32768x128xf32, #tpu.memory_space<hbm>> -> memref<256x128xf32, #tpu.memory_space<hbm>>
    %dma_wait3A_836 = arith.constant 0 : i32
    %dma_wait3A_837 = arith.constant 0 : i32
    %dma_wait3A_838 = tpu.memref_slice %arg6[%dma_wait3A_836, %dma_wait3A_837] : memref<512x128xf32, #tpu.memory_space<vmem>> -> memref<256x128xf32, #tpu.memory_space<vmem>>
    tpu.wait_dma2 semaphore(%arg8 : memref<!tpu.dma_semaphore, #tpu.memory_space<semaphore_mem>>) src(%dma_wait3A_838 : memref<256x128xf32, #tpu.memory_space<vmem>>) dst(%dma_wait3A_835 : memref<256x128xf32, #tpu.memory_space<hbm>>)
    %dma_start3A_839 = arith.constant 40 : i32
    %dma_start3A_840 = arith.constant 0 : i32
    %dma_start3A_841 = arith.constant 0 : i32
    %dma_start3A_842 = tpu.memref_slice %arg6[%dma_start3A_840, %dma_start3A_841] : memref<512x128xf32, #tpu.memory_space<vmem>> -> memref<128x128xf32, #tpu.memory_space<vmem>>
    %dma_start3A_843 = arith.constant 0 : i32
    %dma_start3A_844 = tpu.memref_slice %arg5[%dma_start3A_839, %dma_start3A_843] : memref<80x128xi32, #tpu.memory_space<vmem>> -> memref<1x128xi32, #tpu.memory_space<vmem>>
    %dma_start3A_845 = tpu.memref_squeeze %dma_start3A_844 : memref<1x128xi32, #tpu.memory_space<vmem>> -> memref<128xi32, #tpu.memory_space<vmem>>
    %dma_start3A_846 = arith.constant 0 : i32
    %dma_start3A_847 = arith.constant 0 : i32
    %dma_start3A_848 = tpu.memref_slice %arg2[%dma_start3A_846, %dma_start3A_847] : memref<10000x128xf32, #tpu.memory_space<hbm>> -> memref<10000x128xf32, #tpu.memory_space<hbm>>
    tpu.enqueue_indirect_dma source(%dma_start3A_848 : memref<10000x128xf32, #tpu.memory_space<hbm>>) target(%dma_start3A_842 : memref<128x128xf32, #tpu.memory_space<vmem>>) offsets(%dma_start3A_845 : memref<128xi32, #tpu.memory_space<vmem>>) semaphore(%arg7 : memref<!tpu.dma_semaphore, #tpu.memory_space<semaphore_mem>>)
    %dma_start3A_849 = arith.constant 41 : i32
    %dma_start3A_850 = arith.constant 128 : i32
    %dma_start3A_851 = arith.constant 0 : i32
    %dma_start3A_852 = tpu.memref_slice %arg6[%dma_start3A_850, %dma_start3A_851] : memref<512x128xf32, #tpu.memory_space<vmem>> -> memref<128x128xf32, #tpu.memory_space<vmem>>
    %dma_start3A_853 = arith.constant 0 : i32
    %dma_start3A_854 = tpu.memref_slice %arg5[%dma_start3A_849, %dma_start3A_853] : memref<80x128xi32, #tpu.memory_space<vmem>> -> memref<1x128xi32, #tpu.memory_space<vmem>>
    %dma_start3A_855 = tpu.memref_squeeze %dma_start3A_854 : memref<1x128xi32, #tpu.memory_space<vmem>> -> memref<128xi32, #tpu.memory_space<vmem>>
    %dma_start3A_856 = arith.constant 0 : i32
    %dma_start3A_857 = arith.constant 0 : i32
    %dma_start3A_858 = tpu.memref_slice %arg2[%dma_start3A_856, %dma_start3A_857] : memref<10000x128xf32, #tpu.memory_space<hbm>> -> memref<10000x128xf32, #tpu.memory_space<hbm>>
    tpu.enqueue_indirect_dma source(%dma_start3A_858 : memref<10000x128xf32, #tpu.memory_space<hbm>>) target(%dma_start3A_852 : memref<128x128xf32, #tpu.memory_space<vmem>>) offsets(%dma_start3A_855 : memref<128xi32, #tpu.memory_space<vmem>>) semaphore(%arg7 : memref<!tpu.dma_semaphore, #tpu.memory_space<semaphore_mem>>)
    %dma_wait3A_859 = arith.constant 40 : i32
    %dma_wait3A_860 = arith.constant 0 : i32
    %dma_wait3A_861 = arith.constant 0 : i32
    %dma_wait3A_862 = tpu.memref_slice %arg6[%dma_wait3A_860, %dma_wait3A_861] : memref<512x128xf32, #tpu.memory_space<vmem>> -> memref<128x128xf32, #tpu.memory_space<vmem>>
    %dma_wait3A_863 = arith.constant 0 : i32
    %dma_wait3A_864 = tpu.memref_slice %arg5[%dma_wait3A_859, %dma_wait3A_863] : memref<80x128xi32, #tpu.memory_space<vmem>> -> memref<1x128xi32, #tpu.memory_space<vmem>>
    %dma_wait3A_865 = tpu.memref_squeeze %dma_wait3A_864 : memref<1x128xi32, #tpu.memory_space<vmem>> -> memref<128xi32, #tpu.memory_space<vmem>>
    %dma_wait3A_866 = arith.constant 0 : i32
    %dma_wait3A_867 = arith.constant 0 : i32
    %dma_wait3A_868 = tpu.memref_slice %arg2[%dma_wait3A_866, %dma_wait3A_867] : memref<10000x128xf32, #tpu.memory_space<hbm>> -> memref<10000x128xf32, #tpu.memory_space<hbm>>
    tpu.wait_indirect_dma semaphore(%arg7 : memref<!tpu.dma_semaphore, #tpu.memory_space<semaphore_mem>>) src(%dma_wait3A_868 : memref<10000x128xf32, #tpu.memory_space<hbm>>) dst(%dma_wait3A_862 : memref<128x128xf32, #tpu.memory_space<vmem>>)
    %dma_start3A_869 = arith.constant 42 : i32
    %dma_start3A_870 = arith.constant 0 : i32
    %dma_start3A_871 = arith.constant 0 : i32
    %dma_start3A_872 = tpu.memref_slice %arg6[%dma_start3A_870, %dma_start3A_871] : memref<512x128xf32, #tpu.memory_space<vmem>> -> memref<128x128xf32, #tpu.memory_space<vmem>>
    %dma_start3A_873 = arith.constant 0 : i32
    %dma_start3A_874 = tpu.memref_slice %arg5[%dma_start3A_869, %dma_start3A_873] : memref<80x128xi32, #tpu.memory_space<vmem>> -> memref<1x128xi32, #tpu.memory_space<vmem>>
    %dma_start3A_875 = tpu.memref_squeeze %dma_start3A_874 : memref<1x128xi32, #tpu.memory_space<vmem>> -> memref<128xi32, #tpu.memory_space<vmem>>
    %dma_start3A_876 = arith.constant 0 : i32
    %dma_start3A_877 = arith.constant 0 : i32
    %dma_start3A_878 = tpu.memref_slice %arg2[%dma_start3A_876, %dma_start3A_877] : memref<10000x128xf32, #tpu.memory_space<hbm>> -> memref<10000x128xf32, #tpu.memory_space<hbm>>
    tpu.enqueue_indirect_dma source(%dma_start3A_878 : memref<10000x128xf32, #tpu.memory_space<hbm>>) target(%dma_start3A_872 : memref<128x128xf32, #tpu.memory_space<vmem>>) offsets(%dma_start3A_875 : memref<128xi32, #tpu.memory_space<vmem>>) semaphore(%arg7 : memref<!tpu.dma_semaphore, #tpu.memory_space<semaphore_mem>>) {add = true}
    %dma_start3A_879 = arith.constant 44 : i32
    %dma_start3A_880 = arith.constant 0 : i32
    %dma_start3A_881 = arith.constant 0 : i32
    %dma_start3A_882 = tpu.memref_slice %arg6[%dma_start3A_880, %dma_start3A_881] : memref<512x128xf32, #tpu.memory_space<vmem>> -> memref<128x128xf32, #tpu.memory_space<vmem>>
    %dma_start3A_883 = arith.constant 0 : i32
    %dma_start3A_884 = tpu.memref_slice %arg5[%dma_start3A_879, %dma_start3A_883] : memref<80x128xi32, #tpu.memory_space<vmem>> -> memref<1x128xi32, #tpu.memory_space<vmem>>
    %dma_start3A_885 = tpu.memref_squeeze %dma_start3A_884 : memref<1x128xi32, #tpu.memory_space<vmem>> -> memref<128xi32, #tpu.memory_space<vmem>>
    %dma_start3A_886 = arith.constant 0 : i32
    %dma_start3A_887 = arith.constant 0 : i32
    %dma_start3A_888 = tpu.memref_slice %arg2[%dma_start3A_886, %dma_start3A_887] : memref<10000x128xf32, #tpu.memory_space<hbm>> -> memref<10000x128xf32, #tpu.memory_space<hbm>>
    tpu.enqueue_indirect_dma source(%dma_start3A_888 : memref<10000x128xf32, #tpu.memory_space<hbm>>) target(%dma_start3A_882 : memref<128x128xf32, #tpu.memory_space<vmem>>) offsets(%dma_start3A_885 : memref<128xi32, #tpu.memory_space<vmem>>) semaphore(%arg7 : memref<!tpu.dma_semaphore, #tpu.memory_space<semaphore_mem>>) {add = true}
    %dma_start3A_889 = arith.constant 46 : i32
    %dma_start3A_890 = arith.constant 0 : i32
    %dma_start3A_891 = arith.constant 0 : i32
    %dma_start3A_892 = tpu.memref_slice %arg6[%dma_start3A_890, %dma_start3A_891] : memref<512x128xf32, #tpu.memory_space<vmem>> -> memref<128x128xf32, #tpu.memory_space<vmem>>
    %dma_start3A_893 = arith.constant 0 : i32
    %dma_start3A_894 = tpu.memref_slice %arg5[%dma_start3A_889, %dma_start3A_893] : memref<80x128xi32, #tpu.memory_space<vmem>> -> memref<1x128xi32, #tpu.memory_space<vmem>>
    %dma_start3A_895 = tpu.memref_squeeze %dma_start3A_894 : memref<1x128xi32, #tpu.memory_space<vmem>> -> memref<128xi32, #tpu.memory_space<vmem>>
    %dma_start3A_896 = arith.constant 0 : i32
    %dma_start3A_897 = arith.constant 0 : i32
    %dma_start3A_898 = tpu.memref_slice %arg2[%dma_start3A_896, %dma_start3A_897] : memref<10000x128xf32, #tpu.memory_space<hbm>> -> memref<10000x128xf32, #tpu.memory_space<hbm>>
    tpu.enqueue_indirect_dma source(%dma_start3A_898 : memref<10000x128xf32, #tpu.memory_space<hbm>>) target(%dma_start3A_892 : memref<128x128xf32, #tpu.memory_space<vmem>>) offsets(%dma_start3A_895 : memref<128xi32, #tpu.memory_space<vmem>>) semaphore(%arg7 : memref<!tpu.dma_semaphore, #tpu.memory_space<semaphore_mem>>) {add = true}
    %dma_start3A_899 = arith.constant 48 : i32
    %dma_start3A_900 = arith.constant 0 : i32
    %dma_start3A_901 = arith.constant 0 : i32
    %dma_start3A_902 = tpu.memref_slice %arg6[%dma_start3A_900, %dma_start3A_901] : memref<512x128xf32, #tpu.memory_space<vmem>> -> memref<128x128xf32, #tpu.memory_space<vmem>>
    %dma_start3A_903 = arith.constant 0 : i32
    %dma_start3A_904 = tpu.memref_slice %arg5[%dma_start3A_899, %dma_start3A_903] : memref<80x128xi32, #tpu.memory_space<vmem>> -> memref<1x128xi32, #tpu.memory_space<vmem>>
    %dma_start3A_905 = tpu.memref_squeeze %dma_start3A_904 : memref<1x128xi32, #tpu.memory_space<vmem>> -> memref<128xi32, #tpu.memory_space<vmem>>
    %dma_start3A_906 = arith.constant 0 : i32
    %dma_start3A_907 = arith.constant 0 : i32
    %dma_start3A_908 = tpu.memref_slice %arg2[%dma_start3A_906, %dma_start3A_907] : memref<10000x128xf32, #tpu.memory_space<hbm>> -> memref<10000x128xf32, #tpu.memory_space<hbm>>
    tpu.enqueue_indirect_dma source(%dma_start3A_908 : memref<10000x128xf32, #tpu.memory_space<hbm>>) target(%dma_start3A_902 : memref<128x128xf32, #tpu.memory_space<vmem>>) offsets(%dma_start3A_905 : memref<128xi32, #tpu.memory_space<vmem>>) semaphore(%arg7 : memref<!tpu.dma_semaphore, #tpu.memory_space<semaphore_mem>>) {add = true}
    %dma_start3A_909 = arith.constant 50 : i32
    %dma_start3A_910 = arith.constant 0 : i32
    %dma_start3A_911 = arith.constant 0 : i32
    %dma_start3A_912 = tpu.memref_slice %arg6[%dma_start3A_910, %dma_start3A_911] : memref<512x128xf32, #tpu.memory_space<vmem>> -> memref<128x128xf32, #tpu.memory_space<vmem>>
    %dma_start3A_913 = arith.constant 0 : i32
    %dma_start3A_914 = tpu.memref_slice %arg5[%dma_start3A_909, %dma_start3A_913] : memref<80x128xi32, #tpu.memory_space<vmem>> -> memref<1x128xi32, #tpu.memory_space<vmem>>
    %dma_start3A_915 = tpu.memref_squeeze %dma_start3A_914 : memref<1x128xi32, #tpu.memory_space<vmem>> -> memref<128xi32, #tpu.memory_space<vmem>>
    %dma_start3A_916 = arith.constant 0 : i32
    %dma_start3A_917 = arith.constant 0 : i32
    %dma_start3A_918 = tpu.memref_slice %arg2[%dma_start3A_916, %dma_start3A_917] : memref<10000x128xf32, #tpu.memory_space<hbm>> -> memref<10000x128xf32, #tpu.memory_space<hbm>>
    tpu.enqueue_indirect_dma source(%dma_start3A_918 : memref<10000x128xf32, #tpu.memory_space<hbm>>) target(%dma_start3A_912 : memref<128x128xf32, #tpu.memory_space<vmem>>) offsets(%dma_start3A_915 : memref<128xi32, #tpu.memory_space<vmem>>) semaphore(%arg7 : memref<!tpu.dma_semaphore, #tpu.memory_space<semaphore_mem>>) {add = true}
    %dma_start3A_919 = arith.constant 52 : i32
    %dma_start3A_920 = arith.constant 0 : i32
    %dma_start3A_921 = arith.constant 0 : i32
    %dma_start3A_922 = tpu.memref_slice %arg6[%dma_start3A_920, %dma_start3A_921] : memref<512x128xf32, #tpu.memory_space<vmem>> -> memref<128x128xf32, #tpu.memory_space<vmem>>
    %dma_start3A_923 = arith.constant 0 : i32
    %dma_start3A_924 = tpu.memref_slice %arg5[%dma_start3A_919, %dma_start3A_923] : memref<80x128xi32, #tpu.memory_space<vmem>> -> memref<1x128xi32, #tpu.memory_space<vmem>>
    %dma_start3A_925 = tpu.memref_squeeze %dma_start3A_924 : memref<1x128xi32, #tpu.memory_space<vmem>> -> memref<128xi32, #tpu.memory_space<vmem>>
    %dma_start3A_926 = arith.constant 0 : i32
    %dma_start3A_927 = arith.constant 0 : i32
    %dma_start3A_928 = tpu.memref_slice %arg2[%dma_start3A_926, %dma_start3A_927] : memref<10000x128xf32, #tpu.memory_space<hbm>> -> memref<10000x128xf32, #tpu.memory_space<hbm>>
    tpu.enqueue_indirect_dma source(%dma_start3A_928 : memref<10000x128xf32, #tpu.memory_space<hbm>>) target(%dma_start3A_922 : memref<128x128xf32, #tpu.memory_space<vmem>>) offsets(%dma_start3A_925 : memref<128xi32, #tpu.memory_space<vmem>>) semaphore(%arg7 : memref<!tpu.dma_semaphore, #tpu.memory_space<semaphore_mem>>) {add = true}
    %dma_start3A_929 = arith.constant 54 : i32
    %dma_start3A_930 = arith.constant 0 : i32
    %dma_start3A_931 = arith.constant 0 : i32
    %dma_start3A_932 = tpu.memref_slice %arg6[%dma_start3A_930, %dma_start3A_931] : memref<512x128xf32, #tpu.memory_space<vmem>> -> memref<128x128xf32, #tpu.memory_space<vmem>>
    %dma_start3A_933 = arith.constant 0 : i32
    %dma_start3A_934 = tpu.memref_slice %arg5[%dma_start3A_929, %dma_start3A_933] : memref<80x128xi32, #tpu.memory_space<vmem>> -> memref<1x128xi32, #tpu.memory_space<vmem>>
    %dma_start3A_935 = tpu.memref_squeeze %dma_start3A_934 : memref<1x128xi32, #tpu.memory_space<vmem>> -> memref<128xi32, #tpu.memory_space<vmem>>
    %dma_start3A_936 = arith.constant 0 : i32
    %dma_start3A_937 = arith.constant 0 : i32
    %dma_start3A_938 = tpu.memref_slice %arg2[%dma_start3A_936, %dma_start3A_937] : memref<10000x128xf32, #tpu.memory_space<hbm>> -> memref<10000x128xf32, #tpu.memory_space<hbm>>
    tpu.enqueue_indirect_dma source(%dma_start3A_938 : memref<10000x128xf32, #tpu.memory_space<hbm>>) target(%dma_start3A_932 : memref<128x128xf32, #tpu.memory_space<vmem>>) offsets(%dma_start3A_935 : memref<128xi32, #tpu.memory_space<vmem>>) semaphore(%arg7 : memref<!tpu.dma_semaphore, #tpu.memory_space<semaphore_mem>>) {add = true}
    %dma_start3A_939 = arith.constant 56 : i32
    %dma_start3A_940 = arith.constant 0 : i32
    %dma_start3A_941 = arith.constant 0 : i32
    %dma_start3A_942 = tpu.memref_slice %arg6[%dma_start3A_940, %dma_start3A_941] : memref<512x128xf32, #tpu.memory_space<vmem>> -> memref<128x128xf32, #tpu.memory_space<vmem>>
    %dma_start3A_943 = arith.constant 0 : i32
    %dma_start3A_944 = tpu.memref_slice %arg5[%dma_start3A_939, %dma_start3A_943] : memref<80x128xi32, #tpu.memory_space<vmem>> -> memref<1x128xi32, #tpu.memory_space<vmem>>
    %dma_start3A_945 = tpu.memref_squeeze %dma_start3A_944 : memref<1x128xi32, #tpu.memory_space<vmem>> -> memref<128xi32, #tpu.memory_space<vmem>>
    %dma_start3A_946 = arith.constant 0 : i32
    %dma_start3A_947 = arith.constant 0 : i32
    %dma_start3A_948 = tpu.memref_slice %arg2[%dma_start3A_946, %dma_start3A_947] : memref<10000x128xf32, #tpu.memory_space<hbm>> -> memref<10000x128xf32, #tpu.memory_space<hbm>>
    tpu.enqueue_indirect_dma source(%dma_start3A_948 : memref<10000x128xf32, #tpu.memory_space<hbm>>) target(%dma_start3A_942 : memref<128x128xf32, #tpu.memory_space<vmem>>) offsets(%dma_start3A_945 : memref<128xi32, #tpu.memory_space<vmem>>) semaphore(%arg7 : memref<!tpu.dma_semaphore, #tpu.memory_space<semaphore_mem>>) {add = true}
    %dma_start3A_949 = arith.constant 58 : i32
    %dma_start3A_950 = arith.constant 0 : i32
    %dma_start3A_951 = arith.constant 0 : i32
    %dma_start3A_952 = tpu.memref_slice %arg6[%dma_start3A_950, %dma_start3A_951] : memref<512x128xf32, #tpu.memory_space<vmem>> -> memref<128x128xf32, #tpu.memory_space<vmem>>
    %dma_start3A_953 = arith.constant 0 : i32
    %dma_start3A_954 = tpu.memref_slice %arg5[%dma_start3A_949, %dma_start3A_953] : memref<80x128xi32, #tpu.memory_space<vmem>> -> memref<1x128xi32, #tpu.memory_space<vmem>>
    %dma_start3A_955 = tpu.memref_squeeze %dma_start3A_954 : memref<1x128xi32, #tpu.memory_space<vmem>> -> memref<128xi32, #tpu.memory_space<vmem>>
    %dma_start3A_956 = arith.constant 0 : i32
    %dma_start3A_957 = arith.constant 0 : i32
    %dma_start3A_958 = tpu.memref_slice %arg2[%dma_start3A_956, %dma_start3A_957] : memref<10000x128xf32, #tpu.memory_space<hbm>> -> memref<10000x128xf32, #tpu.memory_space<hbm>>
    tpu.enqueue_indirect_dma source(%dma_start3A_958 : memref<10000x128xf32, #tpu.memory_space<hbm>>) target(%dma_start3A_952 : memref<128x128xf32, #tpu.memory_space<vmem>>) offsets(%dma_start3A_955 : memref<128xi32, #tpu.memory_space<vmem>>) semaphore(%arg7 : memref<!tpu.dma_semaphore, #tpu.memory_space<semaphore_mem>>) {add = true}
    %dma_wait3A_959 = arith.constant 41 : i32
    %dma_wait3A_960 = arith.constant 128 : i32
    %dma_wait3A_961 = arith.constant 0 : i32
    %dma_wait3A_962 = tpu.memref_slice %arg6[%dma_wait3A_960, %dma_wait3A_961] : memref<512x128xf32, #tpu.memory_space<vmem>> -> memref<128x128xf32, #tpu.memory_space<vmem>>
    %dma_wait3A_963 = arith.constant 0 : i32
    %dma_wait3A_964 = tpu.memref_slice %arg5[%dma_wait3A_959, %dma_wait3A_963] : memref<80x128xi32, #tpu.memory_space<vmem>> -> memref<1x128xi32, #tpu.memory_space<vmem>>
    %dma_wait3A_965 = tpu.memref_squeeze %dma_wait3A_964 : memref<1x128xi32, #tpu.memory_space<vmem>> -> memref<128xi32, #tpu.memory_space<vmem>>
    %dma_wait3A_966 = arith.constant 0 : i32
    %dma_wait3A_967 = arith.constant 0 : i32
    %dma_wait3A_968 = tpu.memref_slice %arg2[%dma_wait3A_966, %dma_wait3A_967] : memref<10000x128xf32, #tpu.memory_space<hbm>> -> memref<10000x128xf32, #tpu.memory_space<hbm>>
    tpu.wait_indirect_dma semaphore(%arg7 : memref<!tpu.dma_semaphore, #tpu.memory_space<semaphore_mem>>) src(%dma_wait3A_968 : memref<10000x128xf32, #tpu.memory_space<hbm>>) dst(%dma_wait3A_962 : memref<128x128xf32, #tpu.memory_space<vmem>>)
    %dma_start3A_969 = arith.constant 43 : i32
    %dma_start3A_970 = arith.constant 128 : i32
    %dma_start3A_971 = arith.constant 0 : i32
    %dma_start3A_972 = tpu.memref_slice %arg6[%dma_start3A_970, %dma_start3A_971] : memref<512x128xf32, #tpu.memory_space<vmem>> -> memref<128x128xf32, #tpu.memory_space<vmem>>
    %dma_start3A_973 = arith.constant 0 : i32
    %dma_start3A_974 = tpu.memref_slice %arg5[%dma_start3A_969, %dma_start3A_973] : memref<80x128xi32, #tpu.memory_space<vmem>> -> memref<1x128xi32, #tpu.memory_space<vmem>>
    %dma_start3A_975 = tpu.memref_squeeze %dma_start3A_974 : memref<1x128xi32, #tpu.memory_space<vmem>> -> memref<128xi32, #tpu.memory_space<vmem>>
    %dma_start3A_976 = arith.constant 0 : i32
    %dma_start3A_977 = arith.constant 0 : i32
    %dma_start3A_978 = tpu.memref_slice %arg2[%dma_start3A_976, %dma_start3A_977] : memref<10000x128xf32, #tpu.memory_space<hbm>> -> memref<10000x128xf32, #tpu.memory_space<hbm>>
    tpu.enqueue_indirect_dma source(%dma_start3A_978 : memref<10000x128xf32, #tpu.memory_space<hbm>>) target(%dma_start3A_972 : memref<128x128xf32, #tpu.memory_space<vmem>>) offsets(%dma_start3A_975 : memref<128xi32, #tpu.memory_space<vmem>>) semaphore(%arg7 : memref<!tpu.dma_semaphore, #tpu.memory_space<semaphore_mem>>) {add = true}
    %dma_start3A_979 = arith.constant 45 : i32
    %dma_start3A_980 = arith.constant 128 : i32
    %dma_start3A_981 = arith.constant 0 : i32
    %dma_start3A_982 = tpu.memref_slice %arg6[%dma_start3A_980, %dma_start3A_981] : memref<512x128xf32, #tpu.memory_space<vmem>> -> memref<128x128xf32, #tpu.memory_space<vmem>>
    %dma_start3A_983 = arith.constant 0 : i32
    %dma_start3A_984 = tpu.memref_slice %arg5[%dma_start3A_979, %dma_start3A_983] : memref<80x128xi32, #tpu.memory_space<vmem>> -> memref<1x128xi32, #tpu.memory_space<vmem>>
    %dma_start3A_985 = tpu.memref_squeeze %dma_start3A_984 : memref<1x128xi32, #tpu.memory_space<vmem>> -> memref<128xi32, #tpu.memory_space<vmem>>
    %dma_start3A_986 = arith.constant 0 : i32
    %dma_start3A_987 = arith.constant 0 : i32
    %dma_start3A_988 = tpu.memref_slice %arg2[%dma_start3A_986, %dma_start3A_987] : memref<10000x128xf32, #tpu.memory_space<hbm>> -> memref<10000x128xf32, #tpu.memory_space<hbm>>
    tpu.enqueue_indirect_dma source(%dma_start3A_988 : memref<10000x128xf32, #tpu.memory_space<hbm>>) target(%dma_start3A_982 : memref<128x128xf32, #tpu.memory_space<vmem>>) offsets(%dma_start3A_985 : memref<128xi32, #tpu.memory_space<vmem>>) semaphore(%arg7 : memref<!tpu.dma_semaphore, #tpu.memory_space<semaphore_mem>>) {add = true}
    %dma_start3A_989 = arith.constant 47 : i32
    %dma_start3A_990 = arith.constant 128 : i32
    %dma_start3A_991 = arith.constant 0 : i32
    %dma_start3A_992 = tpu.memref_slice %arg6[%dma_start3A_990, %dma_start3A_991] : memref<512x128xf32, #tpu.memory_space<vmem>> -> memref<128x128xf32, #tpu.memory_space<vmem>>
    %dma_start3A_993 = arith.constant 0 : i32
    %dma_start3A_994 = tpu.memref_slice %arg5[%dma_start3A_989, %dma_start3A_993] : memref<80x128xi32, #tpu.memory_space<vmem>> -> memref<1x128xi32, #tpu.memory_space<vmem>>
    %dma_start3A_995 = tpu.memref_squeeze %dma_start3A_994 : memref<1x128xi32, #tpu.memory_space<vmem>> -> memref<128xi32, #tpu.memory_space<vmem>>
    %dma_start3A_996 = arith.constant 0 : i32
    %dma_start3A_997 = arith.constant 0 : i32
    %dma_start3A_998 = tpu.memref_slice %arg2[%dma_start3A_996, %dma_start3A_997] : memref<10000x128xf32, #tpu.memory_space<hbm>> -> memref<10000x128xf32, #tpu.memory_space<hbm>>
    tpu.enqueue_indirect_dma source(%dma_start3A_998 : memref<10000x128xf32, #tpu.memory_space<hbm>>) target(%dma_start3A_992 : memref<128x128xf32, #tpu.memory_space<vmem>>) offsets(%dma_start3A_995 : memref<128xi32, #tpu.memory_space<vmem>>) semaphore(%arg7 : memref<!tpu.dma_semaphore, #tpu.memory_space<semaphore_mem>>) {add = true}
    %dma_start3A_999 = arith.constant 49 : i32
    %dma_start3A_1000 = arith.constant 128 : i32
    %dma_start3A_1001 = arith.constant 0 : i32
    %dma_start3A_1002 = tpu.memref_slice %arg6[%dma_start3A_1000, %dma_start3A_1001] : memref<512x128xf32, #tpu.memory_space<vmem>> -> memref<128x128xf32, #tpu.memory_space<vmem>>
    %dma_start3A_1003 = arith.constant 0 : i32
    %dma_start3A_1004 = tpu.memref_slice %arg5[%dma_start3A_999, %dma_start3A_1003] : memref<80x128xi32, #tpu.memory_space<vmem>> -> memref<1x128xi32, #tpu.memory_space<vmem>>
    %dma_start3A_1005 = tpu.memref_squeeze %dma_start3A_1004 : memref<1x128xi32, #tpu.memory_space<vmem>> -> memref<128xi32, #tpu.memory_space<vmem>>
    %dma_start3A_1006 = arith.constant 0 : i32
    %dma_start3A_1007 = arith.constant 0 : i32
    %dma_start3A_1008 = tpu.memref_slice %arg2[%dma_start3A_1006, %dma_start3A_1007] : memref<10000x128xf32, #tpu.memory_space<hbm>> -> memref<10000x128xf32, #tpu.memory_space<hbm>>
    tpu.enqueue_indirect_dma source(%dma_start3A_1008 : memref<10000x128xf32, #tpu.memory_space<hbm>>) target(%dma_start3A_1002 : memref<128x128xf32, #tpu.memory_space<vmem>>) offsets(%dma_start3A_1005 : memref<128xi32, #tpu.memory_space<vmem>>) semaphore(%arg7 : memref<!tpu.dma_semaphore, #tpu.memory_space<semaphore_mem>>) {add = true}
    %dma_start3A_1009 = arith.constant 51 : i32
    %dma_start3A_1010 = arith.constant 128 : i32
    %dma_start3A_1011 = arith.constant 0 : i32
    %dma_start3A_1012 = tpu.memref_slice %arg6[%dma_start3A_1010, %dma_start3A_1011] : memref<512x128xf32, #tpu.memory_space<vmem>> -> memref<128x128xf32, #tpu.memory_space<vmem>>
    %dma_start3A_1013 = arith.constant 0 : i32
    %dma_start3A_1014 = tpu.memref_slice %arg5[%dma_start3A_1009, %dma_start3A_1013] : memref<80x128xi32, #tpu.memory_space<vmem>> -> memref<1x128xi32, #tpu.memory_space<vmem>>
    %dma_start3A_1015 = tpu.memref_squeeze %dma_start3A_1014 : memref<1x128xi32, #tpu.memory_space<vmem>> -> memref<128xi32, #tpu.memory_space<vmem>>
    %dma_start3A_1016 = arith.constant 0 : i32
    %dma_start3A_1017 = arith.constant 0 : i32
    %dma_start3A_1018 = tpu.memref_slice %arg2[%dma_start3A_1016, %dma_start3A_1017] : memref<10000x128xf32, #tpu.memory_space<hbm>> -> memref<10000x128xf32, #tpu.memory_space<hbm>>
    tpu.enqueue_indirect_dma source(%dma_start3A_1018 : memref<10000x128xf32, #tpu.memory_space<hbm>>) target(%dma_start3A_1012 : memref<128x128xf32, #tpu.memory_space<vmem>>) offsets(%dma_start3A_1015 : memref<128xi32, #tpu.memory_space<vmem>>) semaphore(%arg7 : memref<!tpu.dma_semaphore, #tpu.memory_space<semaphore_mem>>) {add = true}
    %dma_start3A_1019 = arith.constant 53 : i32
    %dma_start3A_1020 = arith.constant 128 : i32
    %dma_start3A_1021 = arith.constant 0 : i32
    %dma_start3A_1022 = tpu.memref_slice %arg6[%dma_start3A_1020, %dma_start3A_1021] : memref<512x128xf32, #tpu.memory_space<vmem>> -> memref<128x128xf32, #tpu.memory_space<vmem>>
    %dma_start3A_1023 = arith.constant 0 : i32
    %dma_start3A_1024 = tpu.memref_slice %arg5[%dma_start3A_1019, %dma_start3A_1023] : memref<80x128xi32, #tpu.memory_space<vmem>> -> memref<1x128xi32, #tpu.memory_space<vmem>>
    %dma_start3A_1025 = tpu.memref_squeeze %dma_start3A_1024 : memref<1x128xi32, #tpu.memory_space<vmem>> -> memref<128xi32, #tpu.memory_space<vmem>>
    %dma_start3A_1026 = arith.constant 0 : i32
    %dma_start3A_1027 = arith.constant 0 : i32
    %dma_start3A_1028 = tpu.memref_slice %arg2[%dma_start3A_1026, %dma_start3A_1027] : memref<10000x128xf32, #tpu.memory_space<hbm>> -> memref<10000x128xf32, #tpu.memory_space<hbm>>
    tpu.enqueue_indirect_dma source(%dma_start3A_1028 : memref<10000x128xf32, #tpu.memory_space<hbm>>) target(%dma_start3A_1022 : memref<128x128xf32, #tpu.memory_space<vmem>>) offsets(%dma_start3A_1025 : memref<128xi32, #tpu.memory_space<vmem>>) semaphore(%arg7 : memref<!tpu.dma_semaphore, #tpu.memory_space<semaphore_mem>>) {add = true}
    %dma_start3A_1029 = arith.constant 55 : i32
    %dma_start3A_1030 = arith.constant 128 : i32
    %dma_start3A_1031 = arith.constant 0 : i32
    %dma_start3A_1032 = tpu.memref_slice %arg6[%dma_start3A_1030, %dma_start3A_1031] : memref<512x128xf32, #tpu.memory_space<vmem>> -> memref<128x128xf32, #tpu.memory_space<vmem>>
    %dma_start3A_1033 = arith.constant 0 : i32
    %dma_start3A_1034 = tpu.memref_slice %arg5[%dma_start3A_1029, %dma_start3A_1033] : memref<80x128xi32, #tpu.memory_space<vmem>> -> memref<1x128xi32, #tpu.memory_space<vmem>>
    %dma_start3A_1035 = tpu.memref_squeeze %dma_start3A_1034 : memref<1x128xi32, #tpu.memory_space<vmem>> -> memref<128xi32, #tpu.memory_space<vmem>>
    %dma_start3A_1036 = arith.constant 0 : i32
    %dma_start3A_1037 = arith.constant 0 : i32
    %dma_start3A_1038 = tpu.memref_slice %arg2[%dma_start3A_1036, %dma_start3A_1037] : memref<10000x128xf32, #tpu.memory_space<hbm>> -> memref<10000x128xf32, #tpu.memory_space<hbm>>
    tpu.enqueue_indirect_dma source(%dma_start3A_1038 : memref<10000x128xf32, #tpu.memory_space<hbm>>) target(%dma_start3A_1032 : memref<128x128xf32, #tpu.memory_space<vmem>>) offsets(%dma_start3A_1035 : memref<128xi32, #tpu.memory_space<vmem>>) semaphore(%arg7 : memref<!tpu.dma_semaphore, #tpu.memory_space<semaphore_mem>>) {add = true}
    %dma_start3A_1039 = arith.constant 57 : i32
    %dma_start3A_1040 = arith.constant 128 : i32
    %dma_start3A_1041 = arith.constant 0 : i32
    %dma_start3A_1042 = tpu.memref_slice %arg6[%dma_start3A_1040, %dma_start3A_1041] : memref<512x128xf32, #tpu.memory_space<vmem>> -> memref<128x128xf32, #tpu.memory_space<vmem>>
    %dma_start3A_1043 = arith.constant 0 : i32
    %dma_start3A_1044 = tpu.memref_slice %arg5[%dma_start3A_1039, %dma_start3A_1043] : memref<80x128xi32, #tpu.memory_space<vmem>> -> memref<1x128xi32, #tpu.memory_space<vmem>>
    %dma_start3A_1045 = tpu.memref_squeeze %dma_start3A_1044 : memref<1x128xi32, #tpu.memory_space<vmem>> -> memref<128xi32, #tpu.memory_space<vmem>>
    %dma_start3A_1046 = arith.constant 0 : i32
    %dma_start3A_1047 = arith.constant 0 : i32
    %dma_start3A_1048 = tpu.memref_slice %arg2[%dma_start3A_1046, %dma_start3A_1047] : memref<10000x128xf32, #tpu.memory_space<hbm>> -> memref<10000x128xf32, #tpu.memory_space<hbm>>
    tpu.enqueue_indirect_dma source(%dma_start3A_1048 : memref<10000x128xf32, #tpu.memory_space<hbm>>) target(%dma_start3A_1042 : memref<128x128xf32, #tpu.memory_space<vmem>>) offsets(%dma_start3A_1045 : memref<128xi32, #tpu.memory_space<vmem>>) semaphore(%arg7 : memref<!tpu.dma_semaphore, #tpu.memory_space<semaphore_mem>>) {add = true}
    %dma_start3A_1049 = arith.constant 59 : i32
    %dma_start3A_1050 = arith.constant 128 : i32
    %dma_start3A_1051 = arith.constant 0 : i32
    %dma_start3A_1052 = tpu.memref_slice %arg6[%dma_start3A_1050, %dma_start3A_1051] : memref<512x128xf32, #tpu.memory_space<vmem>> -> memref<128x128xf32, #tpu.memory_space<vmem>>
    %dma_start3A_1053 = arith.constant 0 : i32
    %dma_start3A_1054 = tpu.memref_slice %arg5[%dma_start3A_1049, %dma_start3A_1053] : memref<80x128xi32, #tpu.memory_space<vmem>> -> memref<1x128xi32, #tpu.memory_space<vmem>>
    %dma_start3A_1055 = tpu.memref_squeeze %dma_start3A_1054 : memref<1x128xi32, #tpu.memory_space<vmem>> -> memref<128xi32, #tpu.memory_space<vmem>>
    %dma_start3A_1056 = arith.constant 0 : i32
    %dma_start3A_1057 = arith.constant 0 : i32
    %dma_start3A_1058 = tpu.memref_slice %arg2[%dma_start3A_1056, %dma_start3A_1057] : memref<10000x128xf32, #tpu.memory_space<hbm>> -> memref<10000x128xf32, #tpu.memory_space<hbm>>
    tpu.enqueue_indirect_dma source(%dma_start3A_1058 : memref<10000x128xf32, #tpu.memory_space<hbm>>) target(%dma_start3A_1052 : memref<128x128xf32, #tpu.memory_space<vmem>>) offsets(%dma_start3A_1055 : memref<128xi32, #tpu.memory_space<vmem>>) semaphore(%arg7 : memref<!tpu.dma_semaphore, #tpu.memory_space<semaphore_mem>>) {add = true}
    %dma_wait3A_1059 = arith.constant 42 : i32
    %dma_wait3A_1060 = arith.constant 0 : i32
    %dma_wait3A_1061 = arith.constant 0 : i32
    %dma_wait3A_1062 = tpu.memref_slice %arg6[%dma_wait3A_1060, %dma_wait3A_1061] : memref<512x128xf32, #tpu.memory_space<vmem>> -> memref<128x128xf32, #tpu.memory_space<vmem>>
    %dma_wait3A_1063 = arith.constant 0 : i32
    %dma_wait3A_1064 = tpu.memref_slice %arg5[%dma_wait3A_1059, %dma_wait3A_1063] : memref<80x128xi32, #tpu.memory_space<vmem>> -> memref<1x128xi32, #tpu.memory_space<vmem>>
    %dma_wait3A_1065 = tpu.memref_squeeze %dma_wait3A_1064 : memref<1x128xi32, #tpu.memory_space<vmem>> -> memref<128xi32, #tpu.memory_space<vmem>>
    %dma_wait3A_1066 = arith.constant 0 : i32
    %dma_wait3A_1067 = arith.constant 0 : i32
    %dma_wait3A_1068 = tpu.memref_slice %arg2[%dma_wait3A_1066, %dma_wait3A_1067] : memref<10000x128xf32, #tpu.memory_space<hbm>> -> memref<10000x128xf32, #tpu.memory_space<hbm>>
    tpu.wait_indirect_dma semaphore(%arg7 : memref<!tpu.dma_semaphore, #tpu.memory_space<semaphore_mem>>) src(%dma_wait3A_1068 : memref<10000x128xf32, #tpu.memory_space<hbm>>) dst(%dma_wait3A_1062 : memref<128x128xf32, #tpu.memory_space<vmem>>)
    %dma_wait3A_1069 = arith.constant 44 : i32
    %dma_wait3A_1070 = arith.constant 0 : i32
    %dma_wait3A_1071 = arith.constant 0 : i32
    %dma_wait3A_1072 = tpu.memref_slice %arg6[%dma_wait3A_1070, %dma_wait3A_1071] : memref<512x128xf32, #tpu.memory_space<vmem>> -> memref<128x128xf32, #tpu.memory_space<vmem>>
    %dma_wait3A_1073 = arith.constant 0 : i32
    %dma_wait3A_1074 = tpu.memref_slice %arg5[%dma_wait3A_1069, %dma_wait3A_1073] : memref<80x128xi32, #tpu.memory_space<vmem>> -> memref<1x128xi32, #tpu.memory_space<vmem>>
    %dma_wait3A_1075 = tpu.memref_squeeze %dma_wait3A_1074 : memref<1x128xi32, #tpu.memory_space<vmem>> -> memref<128xi32, #tpu.memory_space<vmem>>
    %dma_wait3A_1076 = arith.constant 0 : i32
    %dma_wait3A_1077 = arith.constant 0 : i32
    %dma_wait3A_1078 = tpu.memref_slice %arg2[%dma_wait3A_1076, %dma_wait3A_1077] : memref<10000x128xf32, #tpu.memory_space<hbm>> -> memref<10000x128xf32, #tpu.memory_space<hbm>>
    tpu.wait_indirect_dma semaphore(%arg7 : memref<!tpu.dma_semaphore, #tpu.memory_space<semaphore_mem>>) src(%dma_wait3A_1078 : memref<10000x128xf32, #tpu.memory_space<hbm>>) dst(%dma_wait3A_1072 : memref<128x128xf32, #tpu.memory_space<vmem>>)
    %dma_wait3A_1079 = arith.constant 46 : i32
    %dma_wait3A_1080 = arith.constant 0 : i32
    %dma_wait3A_1081 = arith.constant 0 : i32
    %dma_wait3A_1082 = tpu.memref_slice %arg6[%dma_wait3A_1080, %dma_wait3A_1081] : memref<512x128xf32, #tpu.memory_space<vmem>> -> memref<128x128xf32, #tpu.memory_space<vmem>>
    %dma_wait3A_1083 = arith.constant 0 : i32
    %dma_wait3A_1084 = tpu.memref_slice %arg5[%dma_wait3A_1079, %dma_wait3A_1083] : memref<80x128xi32, #tpu.memory_space<vmem>> -> memref<1x128xi32, #tpu.memory_space<vmem>>
    %dma_wait3A_1085 = tpu.memref_squeeze %dma_wait3A_1084 : memref<1x128xi32, #tpu.memory_space<vmem>> -> memref<128xi32, #tpu.memory_space<vmem>>
    %dma_wait3A_1086 = arith.constant 0 : i32
    %dma_wait3A_1087 = arith.constant 0 : i32
    %dma_wait3A_1088 = tpu.memref_slice %arg2[%dma_wait3A_1086, %dma_wait3A_1087] : memref<10000x128xf32, #tpu.memory_space<hbm>> -> memref<10000x128xf32, #tpu.memory_space<hbm>>
    tpu.wait_indirect_dma semaphore(%arg7 : memref<!tpu.dma_semaphore, #tpu.memory_space<semaphore_mem>>) src(%dma_wait3A_1088 : memref<10000x128xf32, #tpu.memory_space<hbm>>) dst(%dma_wait3A_1082 : memref<128x128xf32, #tpu.memory_space<vmem>>)
    %dma_wait3A_1089 = arith.constant 48 : i32
    %dma_wait3A_1090 = arith.constant 0 : i32
    %dma_wait3A_1091 = arith.constant 0 : i32
    %dma_wait3A_1092 = tpu.memref_slice %arg6[%dma_wait3A_1090, %dma_wait3A_1091] : memref<512x128xf32, #tpu.memory_space<vmem>> -> memref<128x128xf32, #tpu.memory_space<vmem>>
    %dma_wait3A_1093 = arith.constant 0 : i32
    %dma_wait3A_1094 = tpu.memref_slice %arg5[%dma_wait3A_1089, %dma_wait3A_1093] : memref<80x128xi32, #tpu.memory_space<vmem>> -> memref<1x128xi32, #tpu.memory_space<vmem>>
    %dma_wait3A_1095 = tpu.memref_squeeze %dma_wait3A_1094 : memref<1x128xi32, #tpu.memory_space<vmem>> -> memref<128xi32, #tpu.memory_space<vmem>>
    %dma_wait3A_1096 = arith.constant 0 : i32
    %dma_wait3A_1097 = arith.constant 0 : i32
    %dma_wait3A_1098 = tpu.memref_slice %arg2[%dma_wait3A_1096, %dma_wait3A_1097] : memref<10000x128xf32, #tpu.memory_space<hbm>> -> memref<10000x128xf32, #tpu.memory_space<hbm>>
    tpu.wait_indirect_dma semaphore(%arg7 : memref<!tpu.dma_semaphore, #tpu.memory_space<semaphore_mem>>) src(%dma_wait3A_1098 : memref<10000x128xf32, #tpu.memory_space<hbm>>) dst(%dma_wait3A_1092 : memref<128x128xf32, #tpu.memory_space<vmem>>)
    %dma_wait3A_1099 = arith.constant 50 : i32
    %dma_wait3A_1100 = arith.constant 0 : i32
    %dma_wait3A_1101 = arith.constant 0 : i32
    %dma_wait3A_1102 = tpu.memref_slice %arg6[%dma_wait3A_1100, %dma_wait3A_1101] : memref<512x128xf32, #tpu.memory_space<vmem>> -> memref<128x128xf32, #tpu.memory_space<vmem>>
    %dma_wait3A_1103 = arith.constant 0 : i32
    %dma_wait3A_1104 = tpu.memref_slice %arg5[%dma_wait3A_1099, %dma_wait3A_1103] : memref<80x128xi32, #tpu.memory_space<vmem>> -> memref<1x128xi32, #tpu.memory_space<vmem>>
    %dma_wait3A_1105 = tpu.memref_squeeze %dma_wait3A_1104 : memref<1x128xi32, #tpu.memory_space<vmem>> -> memref<128xi32, #tpu.memory_space<vmem>>
    %dma_wait3A_1106 = arith.constant 0 : i32
    %dma_wait3A_1107 = arith.constant 0 : i32
    %dma_wait3A_1108 = tpu.memref_slice %arg2[%dma_wait3A_1106, %dma_wait3A_1107] : memref<10000x128xf32, #tpu.memory_space<hbm>> -> memref<10000x128xf32, #tpu.memory_space<hbm>>
    tpu.wait_indirect_dma semaphore(%arg7 : memref<!tpu.dma_semaphore, #tpu.memory_space<semaphore_mem>>) src(%dma_wait3A_1108 : memref<10000x128xf32, #tpu.memory_space<hbm>>) dst(%dma_wait3A_1102 : memref<128x128xf32, #tpu.memory_space<vmem>>)
    %dma_wait3A_1109 = arith.constant 52 : i32
    %dma_wait3A_1110 = arith.constant 0 : i32
    %dma_wait3A_1111 = arith.constant 0 : i32
    %dma_wait3A_1112 = tpu.memref_slice %arg6[%dma_wait3A_1110, %dma_wait3A_1111] : memref<512x128xf32, #tpu.memory_space<vmem>> -> memref<128x128xf32, #tpu.memory_space<vmem>>
    %dma_wait3A_1113 = arith.constant 0 : i32
    %dma_wait3A_1114 = tpu.memref_slice %arg5[%dma_wait3A_1109, %dma_wait3A_1113] : memref<80x128xi32, #tpu.memory_space<vmem>> -> memref<1x128xi32, #tpu.memory_space<vmem>>
    %dma_wait3A_1115 = tpu.memref_squeeze %dma_wait3A_1114 : memref<1x128xi32, #tpu.memory_space<vmem>> -> memref<128xi32, #tpu.memory_space<vmem>>
    %dma_wait3A_1116 = arith.constant 0 : i32
    %dma_wait3A_1117 = arith.constant 0 : i32
    %dma_wait3A_1118 = tpu.memref_slice %arg2[%dma_wait3A_1116, %dma_wait3A_1117] : memref<10000x128xf32, #tpu.memory_space<hbm>> -> memref<10000x128xf32, #tpu.memory_space<hbm>>
    tpu.wait_indirect_dma semaphore(%arg7 : memref<!tpu.dma_semaphore, #tpu.memory_space<semaphore_mem>>) src(%dma_wait3A_1118 : memref<10000x128xf32, #tpu.memory_space<hbm>>) dst(%dma_wait3A_1112 : memref<128x128xf32, #tpu.memory_space<vmem>>)
    %dma_wait3A_1119 = arith.constant 54 : i32
    %dma_wait3A_1120 = arith.constant 0 : i32
    %dma_wait3A_1121 = arith.constant 0 : i32
    %dma_wait3A_1122 = tpu.memref_slice %arg6[%dma_wait3A_1120, %dma_wait3A_1121] : memref<512x128xf32, #tpu.memory_space<vmem>> -> memref<128x128xf32, #tpu.memory_space<vmem>>
    %dma_wait3A_1123 = arith.constant 0 : i32
    %dma_wait3A_1124 = tpu.memref_slice %arg5[%dma_wait3A_1119, %dma_wait3A_1123] : memref<80x128xi32, #tpu.memory_space<vmem>> -> memref<1x128xi32, #tpu.memory_space<vmem>>
    %dma_wait3A_1125 = tpu.memref_squeeze %dma_wait3A_1124 : memref<1x128xi32, #tpu.memory_space<vmem>> -> memref<128xi32, #tpu.memory_space<vmem>>
    %dma_wait3A_1126 = arith.constant 0 : i32
    %dma_wait3A_1127 = arith.constant 0 : i32
    %dma_wait3A_1128 = tpu.memref_slice %arg2[%dma_wait3A_1126, %dma_wait3A_1127] : memref<10000x128xf32, #tpu.memory_space<hbm>> -> memref<10000x128xf32, #tpu.memory_space<hbm>>
    tpu.wait_indirect_dma semaphore(%arg7 : memref<!tpu.dma_semaphore, #tpu.memory_space<semaphore_mem>>) src(%dma_wait3A_1128 : memref<10000x128xf32, #tpu.memory_space<hbm>>) dst(%dma_wait3A_1122 : memref<128x128xf32, #tpu.memory_space<vmem>>)
    %dma_wait3A_1129 = arith.constant 56 : i32
    %dma_wait3A_1130 = arith.constant 0 : i32
    %dma_wait3A_1131 = arith.constant 0 : i32
    %dma_wait3A_1132 = tpu.memref_slice %arg6[%dma_wait3A_1130, %dma_wait3A_1131] : memref<512x128xf32, #tpu.memory_space<vmem>> -> memref<128x128xf32, #tpu.memory_space<vmem>>
    %dma_wait3A_1133 = arith.constant 0 : i32
    %dma_wait3A_1134 = tpu.memref_slice %arg5[%dma_wait3A_1129, %dma_wait3A_1133] : memref<80x128xi32, #tpu.memory_space<vmem>> -> memref<1x128xi32, #tpu.memory_space<vmem>>
    %dma_wait3A_1135 = tpu.memref_squeeze %dma_wait3A_1134 : memref<1x128xi32, #tpu.memory_space<vmem>> -> memref<128xi32, #tpu.memory_space<vmem>>
    %dma_wait3A_1136 = arith.constant 0 : i32
    %dma_wait3A_1137 = arith.constant 0 : i32
    %dma_wait3A_1138 = tpu.memref_slice %arg2[%dma_wait3A_1136, %dma_wait3A_1137] : memref<10000x128xf32, #tpu.memory_space<hbm>> -> memref<10000x128xf32, #tpu.memory_space<hbm>>
    tpu.wait_indirect_dma semaphore(%arg7 : memref<!tpu.dma_semaphore, #tpu.memory_space<semaphore_mem>>) src(%dma_wait3A_1138 : memref<10000x128xf32, #tpu.memory_space<hbm>>) dst(%dma_wait3A_1132 : memref<128x128xf32, #tpu.memory_space<vmem>>)
    %dma_wait3A_1139 = arith.constant 58 : i32
    %dma_wait3A_1140 = arith.constant 0 : i32
    %dma_wait3A_1141 = arith.constant 0 : i32
    %dma_wait3A_1142 = tpu.memref_slice %arg6[%dma_wait3A_1140, %dma_wait3A_1141] : memref<512x128xf32, #tpu.memory_space<vmem>> -> memref<128x128xf32, #tpu.memory_space<vmem>>
    %dma_wait3A_1143 = arith.constant 0 : i32
    %dma_wait3A_1144 = tpu.memref_slice %arg5[%dma_wait3A_1139, %dma_wait3A_1143] : memref<80x128xi32, #tpu.memory_space<vmem>> -> memref<1x128xi32, #tpu.memory_space<vmem>>
    %dma_wait3A_1145 = tpu.memref_squeeze %dma_wait3A_1144 : memref<1x128xi32, #tpu.memory_space<vmem>> -> memref<128xi32, #tpu.memory_space<vmem>>
    %dma_wait3A_1146 = arith.constant 0 : i32
    %dma_wait3A_1147 = arith.constant 0 : i32
    %dma_wait3A_1148 = tpu.memref_slice %arg2[%dma_wait3A_1146, %dma_wait3A_1147] : memref<10000x128xf32, #tpu.memory_space<hbm>> -> memref<10000x128xf32, #tpu.memory_space<hbm>>
    tpu.wait_indirect_dma semaphore(%arg7 : memref<!tpu.dma_semaphore, #tpu.memory_space<semaphore_mem>>) src(%dma_wait3A_1148 : memref<10000x128xf32, #tpu.memory_space<hbm>>) dst(%dma_wait3A_1142 : memref<128x128xf32, #tpu.memory_space<vmem>>)
    %dma_wait3A_1149 = arith.constant 43 : i32
    %dma_wait3A_1150 = arith.constant 128 : i32
    %dma_wait3A_1151 = arith.constant 0 : i32
    %dma_wait3A_1152 = tpu.memref_slice %arg6[%dma_wait3A_1150, %dma_wait3A_1151] : memref<512x128xf32, #tpu.memory_space<vmem>> -> memref<128x128xf32, #tpu.memory_space<vmem>>
    %dma_wait3A_1153 = arith.constant 0 : i32
    %dma_wait3A_1154 = tpu.memref_slice %arg5[%dma_wait3A_1149, %dma_wait3A_1153] : memref<80x128xi32, #tpu.memory_space<vmem>> -> memref<1x128xi32, #tpu.memory_space<vmem>>
    %dma_wait3A_1155 = tpu.memref_squeeze %dma_wait3A_1154 : memref<1x128xi32, #tpu.memory_space<vmem>> -> memref<128xi32, #tpu.memory_space<vmem>>
    %dma_wait3A_1156 = arith.constant 0 : i32
    %dma_wait3A_1157 = arith.constant 0 : i32
    %dma_wait3A_1158 = tpu.memref_slice %arg2[%dma_wait3A_1156, %dma_wait3A_1157] : memref<10000x128xf32, #tpu.memory_space<hbm>> -> memref<10000x128xf32, #tpu.memory_space<hbm>>
    tpu.wait_indirect_dma semaphore(%arg7 : memref<!tpu.dma_semaphore, #tpu.memory_space<semaphore_mem>>) src(%dma_wait3A_1158 : memref<10000x128xf32, #tpu.memory_space<hbm>>) dst(%dma_wait3A_1152 : memref<128x128xf32, #tpu.memory_space<vmem>>)
    %dma_wait3A_1159 = arith.constant 45 : i32
    %dma_wait3A_1160 = arith.constant 128 : i32
    %dma_wait3A_1161 = arith.constant 0 : i32
    %dma_wait3A_1162 = tpu.memref_slice %arg6[%dma_wait3A_1160, %dma_wait3A_1161] : memref<512x128xf32, #tpu.memory_space<vmem>> -> memref<128x128xf32, #tpu.memory_space<vmem>>
    %dma_wait3A_1163 = arith.constant 0 : i32
    %dma_wait3A_1164 = tpu.memref_slice %arg5[%dma_wait3A_1159, %dma_wait3A_1163] : memref<80x128xi32, #tpu.memory_space<vmem>> -> memref<1x128xi32, #tpu.memory_space<vmem>>
    %dma_wait3A_1165 = tpu.memref_squeeze %dma_wait3A_1164 : memref<1x128xi32, #tpu.memory_space<vmem>> -> memref<128xi32, #tpu.memory_space<vmem>>
    %dma_wait3A_1166 = arith.constant 0 : i32
    %dma_wait3A_1167 = arith.constant 0 : i32
    %dma_wait3A_1168 = tpu.memref_slice %arg2[%dma_wait3A_1166, %dma_wait3A_1167] : memref<10000x128xf32, #tpu.memory_space<hbm>> -> memref<10000x128xf32, #tpu.memory_space<hbm>>
    tpu.wait_indirect_dma semaphore(%arg7 : memref<!tpu.dma_semaphore, #tpu.memory_space<semaphore_mem>>) src(%dma_wait3A_1168 : memref<10000x128xf32, #tpu.memory_space<hbm>>) dst(%dma_wait3A_1162 : memref<128x128xf32, #tpu.memory_space<vmem>>)
    %dma_wait3A_1169 = arith.constant 47 : i32
    %dma_wait3A_1170 = arith.constant 128 : i32
    %dma_wait3A_1171 = arith.constant 0 : i32
    %dma_wait3A_1172 = tpu.memref_slice %arg6[%dma_wait3A_1170, %dma_wait3A_1171] : memref<512x128xf32, #tpu.memory_space<vmem>> -> memref<128x128xf32, #tpu.memory_space<vmem>>
    %dma_wait3A_1173 = arith.constant 0 : i32
    %dma_wait3A_1174 = tpu.memref_slice %arg5[%dma_wait3A_1169, %dma_wait3A_1173] : memref<80x128xi32, #tpu.memory_space<vmem>> -> memref<1x128xi32, #tpu.memory_space<vmem>>
    %dma_wait3A_1175 = tpu.memref_squeeze %dma_wait3A_1174 : memref<1x128xi32, #tpu.memory_space<vmem>> -> memref<128xi32, #tpu.memory_space<vmem>>
    %dma_wait3A_1176 = arith.constant 0 : i32
    %dma_wait3A_1177 = arith.constant 0 : i32
    %dma_wait3A_1178 = tpu.memref_slice %arg2[%dma_wait3A_1176, %dma_wait3A_1177] : memref<10000x128xf32, #tpu.memory_space<hbm>> -> memref<10000x128xf32, #tpu.memory_space<hbm>>
    tpu.wait_indirect_dma semaphore(%arg7 : memref<!tpu.dma_semaphore, #tpu.memory_space<semaphore_mem>>) src(%dma_wait3A_1178 : memref<10000x128xf32, #tpu.memory_space<hbm>>) dst(%dma_wait3A_1172 : memref<128x128xf32, #tpu.memory_space<vmem>>)
    %dma_wait3A_1179 = arith.constant 49 : i32
    %dma_wait3A_1180 = arith.constant 128 : i32
    %dma_wait3A_1181 = arith.constant 0 : i32
    %dma_wait3A_1182 = tpu.memref_slice %arg6[%dma_wait3A_1180, %dma_wait3A_1181] : memref<512x128xf32, #tpu.memory_space<vmem>> -> memref<128x128xf32, #tpu.memory_space<vmem>>
    %dma_wait3A_1183 = arith.constant 0 : i32
    %dma_wait3A_1184 = tpu.memref_slice %arg5[%dma_wait3A_1179, %dma_wait3A_1183] : memref<80x128xi32, #tpu.memory_space<vmem>> -> memref<1x128xi32, #tpu.memory_space<vmem>>
    %dma_wait3A_1185 = tpu.memref_squeeze %dma_wait3A_1184 : memref<1x128xi32, #tpu.memory_space<vmem>> -> memref<128xi32, #tpu.memory_space<vmem>>
    %dma_wait3A_1186 = arith.constant 0 : i32
    %dma_wait3A_1187 = arith.constant 0 : i32
    %dma_wait3A_1188 = tpu.memref_slice %arg2[%dma_wait3A_1186, %dma_wait3A_1187] : memref<10000x128xf32, #tpu.memory_space<hbm>> -> memref<10000x128xf32, #tpu.memory_space<hbm>>
    tpu.wait_indirect_dma semaphore(%arg7 : memref<!tpu.dma_semaphore, #tpu.memory_space<semaphore_mem>>) src(%dma_wait3A_1188 : memref<10000x128xf32, #tpu.memory_space<hbm>>) dst(%dma_wait3A_1182 : memref<128x128xf32, #tpu.memory_space<vmem>>)
    %dma_wait3A_1189 = arith.constant 51 : i32
    %dma_wait3A_1190 = arith.constant 128 : i32
    %dma_wait3A_1191 = arith.constant 0 : i32
    %dma_wait3A_1192 = tpu.memref_slice %arg6[%dma_wait3A_1190, %dma_wait3A_1191] : memref<512x128xf32, #tpu.memory_space<vmem>> -> memref<128x128xf32, #tpu.memory_space<vmem>>
    %dma_wait3A_1193 = arith.constant 0 : i32
    %dma_wait3A_1194 = tpu.memref_slice %arg5[%dma_wait3A_1189, %dma_wait3A_1193] : memref<80x128xi32, #tpu.memory_space<vmem>> -> memref<1x128xi32, #tpu.memory_space<vmem>>
    %dma_wait3A_1195 = tpu.memref_squeeze %dma_wait3A_1194 : memref<1x128xi32, #tpu.memory_space<vmem>> -> memref<128xi32, #tpu.memory_space<vmem>>
    %dma_wait3A_1196 = arith.constant 0 : i32
    %dma_wait3A_1197 = arith.constant 0 : i32
    %dma_wait3A_1198 = tpu.memref_slice %arg2[%dma_wait3A_1196, %dma_wait3A_1197] : memref<10000x128xf32, #tpu.memory_space<hbm>> -> memref<10000x128xf32, #tpu.memory_space<hbm>>
    tpu.wait_indirect_dma semaphore(%arg7 : memref<!tpu.dma_semaphore, #tpu.memory_space<semaphore_mem>>) src(%dma_wait3A_1198 : memref<10000x128xf32, #tpu.memory_space<hbm>>) dst(%dma_wait3A_1192 : memref<128x128xf32, #tpu.memory_space<vmem>>)
    %dma_wait3A_1199 = arith.constant 53 : i32
    %dma_wait3A_1200 = arith.constant 128 : i32
    %dma_wait3A_1201 = arith.constant 0 : i32
    %dma_wait3A_1202 = tpu.memref_slice %arg6[%dma_wait3A_1200, %dma_wait3A_1201] : memref<512x128xf32, #tpu.memory_space<vmem>> -> memref<128x128xf32, #tpu.memory_space<vmem>>
    %dma_wait3A_1203 = arith.constant 0 : i32
    %dma_wait3A_1204 = tpu.memref_slice %arg5[%dma_wait3A_1199, %dma_wait3A_1203] : memref<80x128xi32, #tpu.memory_space<vmem>> -> memref<1x128xi32, #tpu.memory_space<vmem>>
    %dma_wait3A_1205 = tpu.memref_squeeze %dma_wait3A_1204 : memref<1x128xi32, #tpu.memory_space<vmem>> -> memref<128xi32, #tpu.memory_space<vmem>>
    %dma_wait3A_1206 = arith.constant 0 : i32
    %dma_wait3A_1207 = arith.constant 0 : i32
    %dma_wait3A_1208 = tpu.memref_slice %arg2[%dma_wait3A_1206, %dma_wait3A_1207] : memref<10000x128xf32, #tpu.memory_space<hbm>> -> memref<10000x128xf32, #tpu.memory_space<hbm>>
    tpu.wait_indirect_dma semaphore(%arg7 : memref<!tpu.dma_semaphore, #tpu.memory_space<semaphore_mem>>) src(%dma_wait3A_1208 : memref<10000x128xf32, #tpu.memory_space<hbm>>) dst(%dma_wait3A_1202 : memref<128x128xf32, #tpu.memory_space<vmem>>)
    %dma_wait3A_1209 = arith.constant 55 : i32
    %dma_wait3A_1210 = arith.constant 128 : i32
    %dma_wait3A_1211 = arith.constant 0 : i32
    %dma_wait3A_1212 = tpu.memref_slice %arg6[%dma_wait3A_1210, %dma_wait3A_1211] : memref<512x128xf32, #tpu.memory_space<vmem>> -> memref<128x128xf32, #tpu.memory_space<vmem>>
    %dma_wait3A_1213 = arith.constant 0 : i32
    %dma_wait3A_1214 = tpu.memref_slice %arg5[%dma_wait3A_1209, %dma_wait3A_1213] : memref<80x128xi32, #tpu.memory_space<vmem>> -> memref<1x128xi32, #tpu.memory_space<vmem>>
    %dma_wait3A_1215 = tpu.memref_squeeze %dma_wait3A_1214 : memref<1x128xi32, #tpu.memory_space<vmem>> -> memref<128xi32, #tpu.memory_space<vmem>>
    %dma_wait3A_1216 = arith.constant 0 : i32
    %dma_wait3A_1217 = arith.constant 0 : i32
    %dma_wait3A_1218 = tpu.memref_slice %arg2[%dma_wait3A_1216, %dma_wait3A_1217] : memref<10000x128xf32, #tpu.memory_space<hbm>> -> memref<10000x128xf32, #tpu.memory_space<hbm>>
    tpu.wait_indirect_dma semaphore(%arg7 : memref<!tpu.dma_semaphore, #tpu.memory_space<semaphore_mem>>) src(%dma_wait3A_1218 : memref<10000x128xf32, #tpu.memory_space<hbm>>) dst(%dma_wait3A_1212 : memref<128x128xf32, #tpu.memory_space<vmem>>)
    %dma_wait3A_1219 = arith.constant 57 : i32
    %dma_wait3A_1220 = arith.constant 128 : i32
    %dma_wait3A_1221 = arith.constant 0 : i32
    %dma_wait3A_1222 = tpu.memref_slice %arg6[%dma_wait3A_1220, %dma_wait3A_1221] : memref<512x128xf32, #tpu.memory_space<vmem>> -> memref<128x128xf32, #tpu.memory_space<vmem>>
    %dma_wait3A_1223 = arith.constant 0 : i32
    %dma_wait3A_1224 = tpu.memref_slice %arg5[%dma_wait3A_1219, %dma_wait3A_1223] : memref<80x128xi32, #tpu.memory_space<vmem>> -> memref<1x128xi32, #tpu.memory_space<vmem>>
    %dma_wait3A_1225 = tpu.memref_squeeze %dma_wait3A_1224 : memref<1x128xi32, #tpu.memory_space<vmem>> -> memref<128xi32, #tpu.memory_space<vmem>>
    %dma_wait3A_1226 = arith.constant 0 : i32
    %dma_wait3A_1227 = arith.constant 0 : i32
    %dma_wait3A_1228 = tpu.memref_slice %arg2[%dma_wait3A_1226, %dma_wait3A_1227] : memref<10000x128xf32, #tpu.memory_space<hbm>> -> memref<10000x128xf32, #tpu.memory_space<hbm>>
    tpu.wait_indirect_dma semaphore(%arg7 : memref<!tpu.dma_semaphore, #tpu.memory_space<semaphore_mem>>) src(%dma_wait3A_1228 : memref<10000x128xf32, #tpu.memory_space<hbm>>) dst(%dma_wait3A_1222 : memref<128x128xf32, #tpu.memory_space<vmem>>)
    %dma_wait3A_1229 = arith.constant 59 : i32
    %dma_wait3A_1230 = arith.constant 128 : i32
    %dma_wait3A_1231 = arith.constant 0 : i32
    %dma_wait3A_1232 = tpu.memref_slice %arg6[%dma_wait3A_1230, %dma_wait3A_1231] : memref<512x128xf32, #tpu.memory_space<vmem>> -> memref<128x128xf32, #tpu.memory_space<vmem>>
    %dma_wait3A_1233 = arith.constant 0 : i32
    %dma_wait3A_1234 = tpu.memref_slice %arg5[%dma_wait3A_1229, %dma_wait3A_1233] : memref<80x128xi32, #tpu.memory_space<vmem>> -> memref<1x128xi32, #tpu.memory_space<vmem>>
    %dma_wait3A_1235 = tpu.memref_squeeze %dma_wait3A_1234 : memref<1x128xi32, #tpu.memory_space<vmem>> -> memref<128xi32, #tpu.memory_space<vmem>>
    %dma_wait3A_1236 = arith.constant 0 : i32
    %dma_wait3A_1237 = arith.constant 0 : i32
    %dma_wait3A_1238 = tpu.memref_slice %arg2[%dma_wait3A_1236, %dma_wait3A_1237] : memref<10000x128xf32, #tpu.memory_space<hbm>> -> memref<10000x128xf32, #tpu.memory_space<hbm>>
    tpu.wait_indirect_dma semaphore(%arg7 : memref<!tpu.dma_semaphore, #tpu.memory_space<semaphore_mem>>) src(%dma_wait3A_1238 : memref<10000x128xf32, #tpu.memory_space<hbm>>) dst(%dma_wait3A_1232 : memref<128x128xf32, #tpu.memory_space<vmem>>)
    %mul3A_1239 = arith.constant 1024 : i32
    %mul3A_1240 = arith.muli %add3A, %mul3A_1239 : i32
    %add3A_1241 = arith.constant 512 : i32
    %add3A_1242 = arith.addi %mul3A_1240, %add3A_1241 : i32
    %dma_start3A_1243 = arith.constant 0 : i32
    %dma_start3A_1244 = arith.constant 0 : i32
    %dma_start3A_1245 = tpu.memref_slice %arg6[%dma_start3A_1243, %dma_start3A_1244] : memref<512x128xf32, #tpu.memory_space<vmem>> -> memref<256x128xf32, #tpu.memory_space<vmem>>
    %dma_start3A_1246 = arith.constant 0 : i32
    %dma_start3A_1247 = tpu.memref_slice %arg4[%add3A_1242, %dma_start3A_1246] : memref<32768x128xf32, #tpu.memory_space<hbm>> -> memref<256x128xf32, #tpu.memory_space<hbm>>
    %dma_start3A_1248 = arith.constant 0 : i32
    %dma_start3A_1249 = tpu.memref_slice %arg4[%add3A_1242, %dma_start3A_1248] : memref<32768x128xf32, #tpu.memory_space<hbm>> -> memref<256x128xf32, #tpu.memory_space<hbm>>
    %dma_start3A_1250 = arith.constant 0 : i32
    %dma_start3A_1251 = arith.constant 0 : i32
    %dma_start3A_1252 = tpu.memref_slice %arg6[%dma_start3A_1250, %dma_start3A_1251] : memref<512x128xf32, #tpu.memory_space<vmem>> -> memref<256x128xf32, #tpu.memory_space<vmem>>
    tpu.enqueue_dma source(%dma_start3A_1252 : memref<256x128xf32, #tpu.memory_space<vmem>>) target(%dma_start3A_1249 : memref<256x128xf32, #tpu.memory_space<hbm>>) target_semaphore(%arg8 : memref<!tpu.dma_semaphore, #tpu.memory_space<semaphore_mem>>)
    %dma_wait3A_1253 = arith.constant 256 : i32
    %dma_wait3A_1254 = arith.constant 0 : i32
    %dma_wait3A_1255 = tpu.memref_slice %arg6[%dma_wait3A_1253, %dma_wait3A_1254] : memref<512x128xf32, #tpu.memory_space<vmem>> -> memref<256x128xf32, #tpu.memory_space<vmem>>
    %dma_wait3A_1256 = arith.constant 0 : i32
    %dma_wait3A_1257 = tpu.memref_slice %arg4[%add3A_818, %dma_wait3A_1256] : memref<32768x128xf32, #tpu.memory_space<hbm>> -> memref<256x128xf32, #tpu.memory_space<hbm>>
    %dma_wait3A_1258 = arith.constant 0 : i32
    %dma_wait3A_1259 = tpu.memref_slice %arg4[%add3A_818, %dma_wait3A_1258] : memref<32768x128xf32, #tpu.memory_space<hbm>> -> memref<256x128xf32, #tpu.memory_space<hbm>>
    %dma_wait3A_1260 = arith.constant 256 : i32
    %dma_wait3A_1261 = arith.constant 0 : i32
    %dma_wait3A_1262 = tpu.memref_slice %arg6[%dma_wait3A_1260, %dma_wait3A_1261] : memref<512x128xf32, #tpu.memory_space<vmem>> -> memref<256x128xf32, #tpu.memory_space<vmem>>
    tpu.wait_dma2 semaphore(%arg9 : memref<!tpu.dma_semaphore, #tpu.memory_space<semaphore_mem>>) src(%dma_wait3A_1262 : memref<256x128xf32, #tpu.memory_space<vmem>>) dst(%dma_wait3A_1259 : memref<256x128xf32, #tpu.memory_space<hbm>>)
    %dma_start3A_1263 = arith.constant 60 : i32
    %dma_start3A_1264 = arith.constant 256 : i32
    %dma_start3A_1265 = arith.constant 0 : i32
    %dma_start3A_1266 = tpu.memref_slice %arg6[%dma_start3A_1264, %dma_start3A_1265] : memref<512x128xf32, #tpu.memory_space<vmem>> -> memref<128x128xf32, #tpu.memory_space<vmem>>
    %dma_start3A_1267 = arith.constant 0 : i32
    %dma_start3A_1268 = tpu.memref_slice %arg5[%dma_start3A_1263, %dma_start3A_1267] : memref<80x128xi32, #tpu.memory_space<vmem>> -> memref<1x128xi32, #tpu.memory_space<vmem>>
    %dma_start3A_1269 = tpu.memref_squeeze %dma_start3A_1268 : memref<1x128xi32, #tpu.memory_space<vmem>> -> memref<128xi32, #tpu.memory_space<vmem>>
    %dma_start3A_1270 = arith.constant 0 : i32
    %dma_start3A_1271 = arith.constant 0 : i32
    %dma_start3A_1272 = tpu.memref_slice %arg2[%dma_start3A_1270, %dma_start3A_1271] : memref<10000x128xf32, #tpu.memory_space<hbm>> -> memref<10000x128xf32, #tpu.memory_space<hbm>>
    tpu.enqueue_indirect_dma source(%dma_start3A_1272 : memref<10000x128xf32, #tpu.memory_space<hbm>>) target(%dma_start3A_1266 : memref<128x128xf32, #tpu.memory_space<vmem>>) offsets(%dma_start3A_1269 : memref<128xi32, #tpu.memory_space<vmem>>) semaphore(%arg7 : memref<!tpu.dma_semaphore, #tpu.memory_space<semaphore_mem>>)
    %dma_start3A_1273 = arith.constant 61 : i32
    %dma_start3A_1274 = arith.constant 384 : i32
    %dma_start3A_1275 = arith.constant 0 : i32
    %dma_start3A_1276 = tpu.memref_slice %arg6[%dma_start3A_1274, %dma_start3A_1275] : memref<512x128xf32, #tpu.memory_space<vmem>> -> memref<128x128xf32, #tpu.memory_space<vmem>>
    %dma_start3A_1277 = arith.constant 0 : i32
    %dma_start3A_1278 = tpu.memref_slice %arg5[%dma_start3A_1273, %dma_start3A_1277] : memref<80x128xi32, #tpu.memory_space<vmem>> -> memref<1x128xi32, #tpu.memory_space<vmem>>
    %dma_start3A_1279 = tpu.memref_squeeze %dma_start3A_1278 : memref<1x128xi32, #tpu.memory_space<vmem>> -> memref<128xi32, #tpu.memory_space<vmem>>
    %dma_start3A_1280 = arith.constant 0 : i32
    %dma_start3A_1281 = arith.constant 0 : i32
    %dma_start3A_1282 = tpu.memref_slice %arg2[%dma_start3A_1280, %dma_start3A_1281] : memref<10000x128xf32, #tpu.memory_space<hbm>> -> memref<10000x128xf32, #tpu.memory_space<hbm>>
    tpu.enqueue_indirect_dma source(%dma_start3A_1282 : memref<10000x128xf32, #tpu.memory_space<hbm>>) target(%dma_start3A_1276 : memref<128x128xf32, #tpu.memory_space<vmem>>) offsets(%dma_start3A_1279 : memref<128xi32, #tpu.memory_space<vmem>>) semaphore(%arg7 : memref<!tpu.dma_semaphore, #tpu.memory_space<semaphore_mem>>)
    %dma_wait3A_1283 = arith.constant 60 : i32
    %dma_wait3A_1284 = arith.constant 256 : i32
    %dma_wait3A_1285 = arith.constant 0 : i32
    %dma_wait3A_1286 = tpu.memref_slice %arg6[%dma_wait3A_1284, %dma_wait3A_1285] : memref<512x128xf32, #tpu.memory_space<vmem>> -> memref<128x128xf32, #tpu.memory_space<vmem>>
    %dma_wait3A_1287 = arith.constant 0 : i32
    %dma_wait3A_1288 = tpu.memref_slice %arg5[%dma_wait3A_1283, %dma_wait3A_1287] : memref<80x128xi32, #tpu.memory_space<vmem>> -> memref<1x128xi32, #tpu.memory_space<vmem>>
    %dma_wait3A_1289 = tpu.memref_squeeze %dma_wait3A_1288 : memref<1x128xi32, #tpu.memory_space<vmem>> -> memref<128xi32, #tpu.memory_space<vmem>>
    %dma_wait3A_1290 = arith.constant 0 : i32
    %dma_wait3A_1291 = arith.constant 0 : i32
    %dma_wait3A_1292 = tpu.memref_slice %arg2[%dma_wait3A_1290, %dma_wait3A_1291] : memref<10000x128xf32, #tpu.memory_space<hbm>> -> memref<10000x128xf32, #tpu.memory_space<hbm>>
    tpu.wait_indirect_dma semaphore(%arg7 : memref<!tpu.dma_semaphore, #tpu.memory_space<semaphore_mem>>) src(%dma_wait3A_1292 : memref<10000x128xf32, #tpu.memory_space<hbm>>) dst(%dma_wait3A_1286 : memref<128x128xf32, #tpu.memory_space<vmem>>)
    %dma_start3A_1293 = arith.constant 62 : i32
    %dma_start3A_1294 = arith.constant 256 : i32
    %dma_start3A_1295 = arith.constant 0 : i32
    %dma_start3A_1296 = tpu.memref_slice %arg6[%dma_start3A_1294, %dma_start3A_1295] : memref<512x128xf32, #tpu.memory_space<vmem>> -> memref<128x128xf32, #tpu.memory_space<vmem>>
    %dma_start3A_1297 = arith.constant 0 : i32
    %dma_start3A_1298 = tpu.memref_slice %arg5[%dma_start3A_1293, %dma_start3A_1297] : memref<80x128xi32, #tpu.memory_space<vmem>> -> memref<1x128xi32, #tpu.memory_space<vmem>>
    %dma_start3A_1299 = tpu.memref_squeeze %dma_start3A_1298 : memref<1x128xi32, #tpu.memory_space<vmem>> -> memref<128xi32, #tpu.memory_space<vmem>>
    %dma_start3A_1300 = arith.constant 0 : i32
    %dma_start3A_1301 = arith.constant 0 : i32
    %dma_start3A_1302 = tpu.memref_slice %arg2[%dma_start3A_1300, %dma_start3A_1301] : memref<10000x128xf32, #tpu.memory_space<hbm>> -> memref<10000x128xf32, #tpu.memory_space<hbm>>
    tpu.enqueue_indirect_dma source(%dma_start3A_1302 : memref<10000x128xf32, #tpu.memory_space<hbm>>) target(%dma_start3A_1296 : memref<128x128xf32, #tpu.memory_space<vmem>>) offsets(%dma_start3A_1299 : memref<128xi32, #tpu.memory_space<vmem>>) semaphore(%arg7 : memref<!tpu.dma_semaphore, #tpu.memory_space<semaphore_mem>>) {add = true}
    %dma_start3A_1303 = arith.constant 64 : i32
    %dma_start3A_1304 = arith.constant 256 : i32
    %dma_start3A_1305 = arith.constant 0 : i32
    %dma_start3A_1306 = tpu.memref_slice %arg6[%dma_start3A_1304, %dma_start3A_1305] : memref<512x128xf32, #tpu.memory_space<vmem>> -> memref<128x128xf32, #tpu.memory_space<vmem>>
    %dma_start3A_1307 = arith.constant 0 : i32
    %dma_start3A_1308 = tpu.memref_slice %arg5[%dma_start3A_1303, %dma_start3A_1307] : memref<80x128xi32, #tpu.memory_space<vmem>> -> memref<1x128xi32, #tpu.memory_space<vmem>>
    %dma_start3A_1309 = tpu.memref_squeeze %dma_start3A_1308 : memref<1x128xi32, #tpu.memory_space<vmem>> -> memref<128xi32, #tpu.memory_space<vmem>>
    %dma_start3A_1310 = arith.constant 0 : i32
    %dma_start3A_1311 = arith.constant 0 : i32
    %dma_start3A_1312 = tpu.memref_slice %arg2[%dma_start3A_1310, %dma_start3A_1311] : memref<10000x128xf32, #tpu.memory_space<hbm>> -> memref<10000x128xf32, #tpu.memory_space<hbm>>
    tpu.enqueue_indirect_dma source(%dma_start3A_1312 : memref<10000x128xf32, #tpu.memory_space<hbm>>) target(%dma_start3A_1306 : memref<128x128xf32, #tpu.memory_space<vmem>>) offsets(%dma_start3A_1309 : memref<128xi32, #tpu.memory_space<vmem>>) semaphore(%arg7 : memref<!tpu.dma_semaphore, #tpu.memory_space<semaphore_mem>>) {add = true}
    %dma_start3A_1313 = arith.constant 66 : i32
    %dma_start3A_1314 = arith.constant 256 : i32
    %dma_start3A_1315 = arith.constant 0 : i32
    %dma_start3A_1316 = tpu.memref_slice %arg6[%dma_start3A_1314, %dma_start3A_1315] : memref<512x128xf32, #tpu.memory_space<vmem>> -> memref<128x128xf32, #tpu.memory_space<vmem>>
    %dma_start3A_1317 = arith.constant 0 : i32
    %dma_start3A_1318 = tpu.memref_slice %arg5[%dma_start3A_1313, %dma_start3A_1317] : memref<80x128xi32, #tpu.memory_space<vmem>> -> memref<1x128xi32, #tpu.memory_space<vmem>>
    %dma_start3A_1319 = tpu.memref_squeeze %dma_start3A_1318 : memref<1x128xi32, #tpu.memory_space<vmem>> -> memref<128xi32, #tpu.memory_space<vmem>>
    %dma_start3A_1320 = arith.constant 0 : i32
    %dma_start3A_1321 = arith.constant 0 : i32
    %dma_start3A_1322 = tpu.memref_slice %arg2[%dma_start3A_1320, %dma_start3A_1321] : memref<10000x128xf32, #tpu.memory_space<hbm>> -> memref<10000x128xf32, #tpu.memory_space<hbm>>
    tpu.enqueue_indirect_dma source(%dma_start3A_1322 : memref<10000x128xf32, #tpu.memory_space<hbm>>) target(%dma_start3A_1316 : memref<128x128xf32, #tpu.memory_space<vmem>>) offsets(%dma_start3A_1319 : memref<128xi32, #tpu.memory_space<vmem>>) semaphore(%arg7 : memref<!tpu.dma_semaphore, #tpu.memory_space<semaphore_mem>>) {add = true}
    %dma_start3A_1323 = arith.constant 68 : i32
    %dma_start3A_1324 = arith.constant 256 : i32
    %dma_start3A_1325 = arith.constant 0 : i32
    %dma_start3A_1326 = tpu.memref_slice %arg6[%dma_start3A_1324, %dma_start3A_1325] : memref<512x128xf32, #tpu.memory_space<vmem>> -> memref<128x128xf32, #tpu.memory_space<vmem>>
    %dma_start3A_1327 = arith.constant 0 : i32
    %dma_start3A_1328 = tpu.memref_slice %arg5[%dma_start3A_1323, %dma_start3A_1327] : memref<80x128xi32, #tpu.memory_space<vmem>> -> memref<1x128xi32, #tpu.memory_space<vmem>>
    %dma_start3A_1329 = tpu.memref_squeeze %dma_start3A_1328 : memref<1x128xi32, #tpu.memory_space<vmem>> -> memref<128xi32, #tpu.memory_space<vmem>>
    %dma_start3A_1330 = arith.constant 0 : i32
    %dma_start3A_1331 = arith.constant 0 : i32
    %dma_start3A_1332 = tpu.memref_slice %arg2[%dma_start3A_1330, %dma_start3A_1331] : memref<10000x128xf32, #tpu.memory_space<hbm>> -> memref<10000x128xf32, #tpu.memory_space<hbm>>
    tpu.enqueue_indirect_dma source(%dma_start3A_1332 : memref<10000x128xf32, #tpu.memory_space<hbm>>) target(%dma_start3A_1326 : memref<128x128xf32, #tpu.memory_space<vmem>>) offsets(%dma_start3A_1329 : memref<128xi32, #tpu.memory_space<vmem>>) semaphore(%arg7 : memref<!tpu.dma_semaphore, #tpu.memory_space<semaphore_mem>>) {add = true}
    %dma_start3A_1333 = arith.constant 70 : i32
    %dma_start3A_1334 = arith.constant 256 : i32
    %dma_start3A_1335 = arith.constant 0 : i32
    %dma_start3A_1336 = tpu.memref_slice %arg6[%dma_start3A_1334, %dma_start3A_1335] : memref<512x128xf32, #tpu.memory_space<vmem>> -> memref<128x128xf32, #tpu.memory_space<vmem>>
    %dma_start3A_1337 = arith.constant 0 : i32
    %dma_start3A_1338 = tpu.memref_slice %arg5[%dma_start3A_1333, %dma_start3A_1337] : memref<80x128xi32, #tpu.memory_space<vmem>> -> memref<1x128xi32, #tpu.memory_space<vmem>>
    %dma_start3A_1339 = tpu.memref_squeeze %dma_start3A_1338 : memref<1x128xi32, #tpu.memory_space<vmem>> -> memref<128xi32, #tpu.memory_space<vmem>>
    %dma_start3A_1340 = arith.constant 0 : i32
    %dma_start3A_1341 = arith.constant 0 : i32
    %dma_start3A_1342 = tpu.memref_slice %arg2[%dma_start3A_1340, %dma_start3A_1341] : memref<10000x128xf32, #tpu.memory_space<hbm>> -> memref<10000x128xf32, #tpu.memory_space<hbm>>
    tpu.enqueue_indirect_dma source(%dma_start3A_1342 : memref<10000x128xf32, #tpu.memory_space<hbm>>) target(%dma_start3A_1336 : memref<128x128xf32, #tpu.memory_space<vmem>>) offsets(%dma_start3A_1339 : memref<128xi32, #tpu.memory_space<vmem>>) semaphore(%arg7 : memref<!tpu.dma_semaphore, #tpu.memory_space<semaphore_mem>>) {add = true}
    %dma_start3A_1343 = arith.constant 72 : i32
    %dma_start3A_1344 = arith.constant 256 : i32
    %dma_start3A_1345 = arith.constant 0 : i32
    %dma_start3A_1346 = tpu.memref_slice %arg6[%dma_start3A_1344, %dma_start3A_1345] : memref<512x128xf32, #tpu.memory_space<vmem>> -> memref<128x128xf32, #tpu.memory_space<vmem>>
    %dma_start3A_1347 = arith.constant 0 : i32
    %dma_start3A_1348 = tpu.memref_slice %arg5[%dma_start3A_1343, %dma_start3A_1347] : memref<80x128xi32, #tpu.memory_space<vmem>> -> memref<1x128xi32, #tpu.memory_space<vmem>>
    %dma_start3A_1349 = tpu.memref_squeeze %dma_start3A_1348 : memref<1x128xi32, #tpu.memory_space<vmem>> -> memref<128xi32, #tpu.memory_space<vmem>>
    %dma_start3A_1350 = arith.constant 0 : i32
    %dma_start3A_1351 = arith.constant 0 : i32
    %dma_start3A_1352 = tpu.memref_slice %arg2[%dma_start3A_1350, %dma_start3A_1351] : memref<10000x128xf32, #tpu.memory_space<hbm>> -> memref<10000x128xf32, #tpu.memory_space<hbm>>
    tpu.enqueue_indirect_dma source(%dma_start3A_1352 : memref<10000x128xf32, #tpu.memory_space<hbm>>) target(%dma_start3A_1346 : memref<128x128xf32, #tpu.memory_space<vmem>>) offsets(%dma_start3A_1349 : memref<128xi32, #tpu.memory_space<vmem>>) semaphore(%arg7 : memref<!tpu.dma_semaphore, #tpu.memory_space<semaphore_mem>>) {add = true}
    %dma_start3A_1353 = arith.constant 74 : i32
    %dma_start3A_1354 = arith.constant 256 : i32
    %dma_start3A_1355 = arith.constant 0 : i32
    %dma_start3A_1356 = tpu.memref_slice %arg6[%dma_start3A_1354, %dma_start3A_1355] : memref<512x128xf32, #tpu.memory_space<vmem>> -> memref<128x128xf32, #tpu.memory_space<vmem>>
    %dma_start3A_1357 = arith.constant 0 : i32
    %dma_start3A_1358 = tpu.memref_slice %arg5[%dma_start3A_1353, %dma_start3A_1357] : memref<80x128xi32, #tpu.memory_space<vmem>> -> memref<1x128xi32, #tpu.memory_space<vmem>>
    %dma_start3A_1359 = tpu.memref_squeeze %dma_start3A_1358 : memref<1x128xi32, #tpu.memory_space<vmem>> -> memref<128xi32, #tpu.memory_space<vmem>>
    %dma_start3A_1360 = arith.constant 0 : i32
    %dma_start3A_1361 = arith.constant 0 : i32
    %dma_start3A_1362 = tpu.memref_slice %arg2[%dma_start3A_1360, %dma_start3A_1361] : memref<10000x128xf32, #tpu.memory_space<hbm>> -> memref<10000x128xf32, #tpu.memory_space<hbm>>
    tpu.enqueue_indirect_dma source(%dma_start3A_1362 : memref<10000x128xf32, #tpu.memory_space<hbm>>) target(%dma_start3A_1356 : memref<128x128xf32, #tpu.memory_space<vmem>>) offsets(%dma_start3A_1359 : memref<128xi32, #tpu.memory_space<vmem>>) semaphore(%arg7 : memref<!tpu.dma_semaphore, #tpu.memory_space<semaphore_mem>>) {add = true}
    %dma_start3A_1363 = arith.constant 76 : i32
    %dma_start3A_1364 = arith.constant 256 : i32
    %dma_start3A_1365 = arith.constant 0 : i32
    %dma_start3A_1366 = tpu.memref_slice %arg6[%dma_start3A_1364, %dma_start3A_1365] : memref<512x128xf32, #tpu.memory_space<vmem>> -> memref<128x128xf32, #tpu.memory_space<vmem>>
    %dma_start3A_1367 = arith.constant 0 : i32
    %dma_start3A_1368 = tpu.memref_slice %arg5[%dma_start3A_1363, %dma_start3A_1367] : memref<80x128xi32, #tpu.memory_space<vmem>> -> memref<1x128xi32, #tpu.memory_space<vmem>>
    %dma_start3A_1369 = tpu.memref_squeeze %dma_start3A_1368 : memref<1x128xi32, #tpu.memory_space<vmem>> -> memref<128xi32, #tpu.memory_space<vmem>>
    %dma_start3A_1370 = arith.constant 0 : i32
    %dma_start3A_1371 = arith.constant 0 : i32
    %dma_start3A_1372 = tpu.memref_slice %arg2[%dma_start3A_1370, %dma_start3A_1371] : memref<10000x128xf32, #tpu.memory_space<hbm>> -> memref<10000x128xf32, #tpu.memory_space<hbm>>
    tpu.enqueue_indirect_dma source(%dma_start3A_1372 : memref<10000x128xf32, #tpu.memory_space<hbm>>) target(%dma_start3A_1366 : memref<128x128xf32, #tpu.memory_space<vmem>>) offsets(%dma_start3A_1369 : memref<128xi32, #tpu.memory_space<vmem>>) semaphore(%arg7 : memref<!tpu.dma_semaphore, #tpu.memory_space<semaphore_mem>>) {add = true}
    %dma_start3A_1373 = arith.constant 78 : i32
    %dma_start3A_1374 = arith.constant 256 : i32
    %dma_start3A_1375 = arith.constant 0 : i32
    %dma_start3A_1376 = tpu.memref_slice %arg6[%dma_start3A_1374, %dma_start3A_1375] : memref<512x128xf32, #tpu.memory_space<vmem>> -> memref<128x128xf32, #tpu.memory_space<vmem>>
    %dma_start3A_1377 = arith.constant 0 : i32
    %dma_start3A_1378 = tpu.memref_slice %arg5[%dma_start3A_1373, %dma_start3A_1377] : memref<80x128xi32, #tpu.memory_space<vmem>> -> memref<1x128xi32, #tpu.memory_space<vmem>>
    %dma_start3A_1379 = tpu.memref_squeeze %dma_start3A_1378 : memref<1x128xi32, #tpu.memory_space<vmem>> -> memref<128xi32, #tpu.memory_space<vmem>>
    %dma_start3A_1380 = arith.constant 0 : i32
    %dma_start3A_1381 = arith.constant 0 : i32
    %dma_start3A_1382 = tpu.memref_slice %arg2[%dma_start3A_1380, %dma_start3A_1381] : memref<10000x128xf32, #tpu.memory_space<hbm>> -> memref<10000x128xf32, #tpu.memory_space<hbm>>
    tpu.enqueue_indirect_dma source(%dma_start3A_1382 : memref<10000x128xf32, #tpu.memory_space<hbm>>) target(%dma_start3A_1376 : memref<128x128xf32, #tpu.memory_space<vmem>>) offsets(%dma_start3A_1379 : memref<128xi32, #tpu.memory_space<vmem>>) semaphore(%arg7 : memref<!tpu.dma_semaphore, #tpu.memory_space<semaphore_mem>>) {add = true}
    %dma_wait3A_1383 = arith.constant 61 : i32
    %dma_wait3A_1384 = arith.constant 384 : i32
    %dma_wait3A_1385 = arith.constant 0 : i32
    %dma_wait3A_1386 = tpu.memref_slice %arg6[%dma_wait3A_1384, %dma_wait3A_1385] : memref<512x128xf32, #tpu.memory_space<vmem>> -> memref<128x128xf32, #tpu.memory_space<vmem>>
    %dma_wait3A_1387 = arith.constant 0 : i32
    %dma_wait3A_1388 = tpu.memref_slice %arg5[%dma_wait3A_1383, %dma_wait3A_1387] : memref<80x128xi32, #tpu.memory_space<vmem>> -> memref<1x128xi32, #tpu.memory_space<vmem>>
    %dma_wait3A_1389 = tpu.memref_squeeze %dma_wait3A_1388 : memref<1x128xi32, #tpu.memory_space<vmem>> -> memref<128xi32, #tpu.memory_space<vmem>>
    %dma_wait3A_1390 = arith.constant 0 : i32
    %dma_wait3A_1391 = arith.constant 0 : i32
    %dma_wait3A_1392 = tpu.memref_slice %arg2[%dma_wait3A_1390, %dma_wait3A_1391] : memref<10000x128xf32, #tpu.memory_space<hbm>> -> memref<10000x128xf32, #tpu.memory_space<hbm>>
    tpu.wait_indirect_dma semaphore(%arg7 : memref<!tpu.dma_semaphore, #tpu.memory_space<semaphore_mem>>) src(%dma_wait3A_1392 : memref<10000x128xf32, #tpu.memory_space<hbm>>) dst(%dma_wait3A_1386 : memref<128x128xf32, #tpu.memory_space<vmem>>)
    %dma_start3A_1393 = arith.constant 63 : i32
    %dma_start3A_1394 = arith.constant 384 : i32
    %dma_start3A_1395 = arith.constant 0 : i32
    %dma_start3A_1396 = tpu.memref_slice %arg6[%dma_start3A_1394, %dma_start3A_1395] : memref<512x128xf32, #tpu.memory_space<vmem>> -> memref<128x128xf32, #tpu.memory_space<vmem>>
    %dma_start3A_1397 = arith.constant 0 : i32
    %dma_start3A_1398 = tpu.memref_slice %arg5[%dma_start3A_1393, %dma_start3A_1397] : memref<80x128xi32, #tpu.memory_space<vmem>> -> memref<1x128xi32, #tpu.memory_space<vmem>>
    %dma_start3A_1399 = tpu.memref_squeeze %dma_start3A_1398 : memref<1x128xi32, #tpu.memory_space<vmem>> -> memref<128xi32, #tpu.memory_space<vmem>>
    %dma_start3A_1400 = arith.constant 0 : i32
    %dma_start3A_1401 = arith.constant 0 : i32
    %dma_start3A_1402 = tpu.memref_slice %arg2[%dma_start3A_1400, %dma_start3A_1401] : memref<10000x128xf32, #tpu.memory_space<hbm>> -> memref<10000x128xf32, #tpu.memory_space<hbm>>
    tpu.enqueue_indirect_dma source(%dma_start3A_1402 : memref<10000x128xf32, #tpu.memory_space<hbm>>) target(%dma_start3A_1396 : memref<128x128xf32, #tpu.memory_space<vmem>>) offsets(%dma_start3A_1399 : memref<128xi32, #tpu.memory_space<vmem>>) semaphore(%arg7 : memref<!tpu.dma_semaphore, #tpu.memory_space<semaphore_mem>>) {add = true}
    %dma_start3A_1403 = arith.constant 65 : i32
    %dma_start3A_1404 = arith.constant 384 : i32
    %dma_start3A_1405 = arith.constant 0 : i32
    %dma_start3A_1406 = tpu.memref_slice %arg6[%dma_start3A_1404, %dma_start3A_1405] : memref<512x128xf32, #tpu.memory_space<vmem>> -> memref<128x128xf32, #tpu.memory_space<vmem>>
    %dma_start3A_1407 = arith.constant 0 : i32
    %dma_start3A_1408 = tpu.memref_slice %arg5[%dma_start3A_1403, %dma_start3A_1407] : memref<80x128xi32, #tpu.memory_space<vmem>> -> memref<1x128xi32, #tpu.memory_space<vmem>>
    %dma_start3A_1409 = tpu.memref_squeeze %dma_start3A_1408 : memref<1x128xi32, #tpu.memory_space<vmem>> -> memref<128xi32, #tpu.memory_space<vmem>>
    %dma_start3A_1410 = arith.constant 0 : i32
    %dma_start3A_1411 = arith.constant 0 : i32
    %dma_start3A_1412 = tpu.memref_slice %arg2[%dma_start3A_1410, %dma_start3A_1411] : memref<10000x128xf32, #tpu.memory_space<hbm>> -> memref<10000x128xf32, #tpu.memory_space<hbm>>
    tpu.enqueue_indirect_dma source(%dma_start3A_1412 : memref<10000x128xf32, #tpu.memory_space<hbm>>) target(%dma_start3A_1406 : memref<128x128xf32, #tpu.memory_space<vmem>>) offsets(%dma_start3A_1409 : memref<128xi32, #tpu.memory_space<vmem>>) semaphore(%arg7 : memref<!tpu.dma_semaphore, #tpu.memory_space<semaphore_mem>>) {add = true}
    %dma_start3A_1413 = arith.constant 67 : i32
    %dma_start3A_1414 = arith.constant 384 : i32
    %dma_start3A_1415 = arith.constant 0 : i32
    %dma_start3A_1416 = tpu.memref_slice %arg6[%dma_start3A_1414, %dma_start3A_1415] : memref<512x128xf32, #tpu.memory_space<vmem>> -> memref<128x128xf32, #tpu.memory_space<vmem>>
    %dma_start3A_1417 = arith.constant 0 : i32
    %dma_start3A_1418 = tpu.memref_slice %arg5[%dma_start3A_1413, %dma_start3A_1417] : memref<80x128xi32, #tpu.memory_space<vmem>> -> memref<1x128xi32, #tpu.memory_space<vmem>>
    %dma_start3A_1419 = tpu.memref_squeeze %dma_start3A_1418 : memref<1x128xi32, #tpu.memory_space<vmem>> -> memref<128xi32, #tpu.memory_space<vmem>>
    %dma_start3A_1420 = arith.constant 0 : i32
    %dma_start3A_1421 = arith.constant 0 : i32
    %dma_start3A_1422 = tpu.memref_slice %arg2[%dma_start3A_1420, %dma_start3A_1421] : memref<10000x128xf32, #tpu.memory_space<hbm>> -> memref<10000x128xf32, #tpu.memory_space<hbm>>
    tpu.enqueue_indirect_dma source(%dma_start3A_1422 : memref<10000x128xf32, #tpu.memory_space<hbm>>) target(%dma_start3A_1416 : memref<128x128xf32, #tpu.memory_space<vmem>>) offsets(%dma_start3A_1419 : memref<128xi32, #tpu.memory_space<vmem>>) semaphore(%arg7 : memref<!tpu.dma_semaphore, #tpu.memory_space<semaphore_mem>>) {add = true}
    %dma_start3A_1423 = arith.constant 69 : i32
    %dma_start3A_1424 = arith.constant 384 : i32
    %dma_start3A_1425 = arith.constant 0 : i32
    %dma_start3A_1426 = tpu.memref_slice %arg6[%dma_start3A_1424, %dma_start3A_1425] : memref<512x128xf32, #tpu.memory_space<vmem>> -> memref<128x128xf32, #tpu.memory_space<vmem>>
    %dma_start3A_1427 = arith.constant 0 : i32
    %dma_start3A_1428 = tpu.memref_slice %arg5[%dma_start3A_1423, %dma_start3A_1427] : memref<80x128xi32, #tpu.memory_space<vmem>> -> memref<1x128xi32, #tpu.memory_space<vmem>>
    %dma_start3A_1429 = tpu.memref_squeeze %dma_start3A_1428 : memref<1x128xi32, #tpu.memory_space<vmem>> -> memref<128xi32, #tpu.memory_space<vmem>>
    %dma_start3A_1430 = arith.constant 0 : i32
    %dma_start3A_1431 = arith.constant 0 : i32
    %dma_start3A_1432 = tpu.memref_slice %arg2[%dma_start3A_1430, %dma_start3A_1431] : memref<10000x128xf32, #tpu.memory_space<hbm>> -> memref<10000x128xf32, #tpu.memory_space<hbm>>
    tpu.enqueue_indirect_dma source(%dma_start3A_1432 : memref<10000x128xf32, #tpu.memory_space<hbm>>) target(%dma_start3A_1426 : memref<128x128xf32, #tpu.memory_space<vmem>>) offsets(%dma_start3A_1429 : memref<128xi32, #tpu.memory_space<vmem>>) semaphore(%arg7 : memref<!tpu.dma_semaphore, #tpu.memory_space<semaphore_mem>>) {add = true}
    %dma_start3A_1433 = arith.constant 71 : i32
    %dma_start3A_1434 = arith.constant 384 : i32
    %dma_start3A_1435 = arith.constant 0 : i32
    %dma_start3A_1436 = tpu.memref_slice %arg6[%dma_start3A_1434, %dma_start3A_1435] : memref<512x128xf32, #tpu.memory_space<vmem>> -> memref<128x128xf32, #tpu.memory_space<vmem>>
    %dma_start3A_1437 = arith.constant 0 : i32
    %dma_start3A_1438 = tpu.memref_slice %arg5[%dma_start3A_1433, %dma_start3A_1437] : memref<80x128xi32, #tpu.memory_space<vmem>> -> memref<1x128xi32, #tpu.memory_space<vmem>>
    %dma_start3A_1439 = tpu.memref_squeeze %dma_start3A_1438 : memref<1x128xi32, #tpu.memory_space<vmem>> -> memref<128xi32, #tpu.memory_space<vmem>>
    %dma_start3A_1440 = arith.constant 0 : i32
    %dma_start3A_1441 = arith.constant 0 : i32
    %dma_start3A_1442 = tpu.memref_slice %arg2[%dma_start3A_1440, %dma_start3A_1441] : memref<10000x128xf32, #tpu.memory_space<hbm>> -> memref<10000x128xf32, #tpu.memory_space<hbm>>
    tpu.enqueue_indirect_dma source(%dma_start3A_1442 : memref<10000x128xf32, #tpu.memory_space<hbm>>) target(%dma_start3A_1436 : memref<128x128xf32, #tpu.memory_space<vmem>>) offsets(%dma_start3A_1439 : memref<128xi32, #tpu.memory_space<vmem>>) semaphore(%arg7 : memref<!tpu.dma_semaphore, #tpu.memory_space<semaphore_mem>>) {add = true}
    %dma_start3A_1443 = arith.constant 73 : i32
    %dma_start3A_1444 = arith.constant 384 : i32
    %dma_start3A_1445 = arith.constant 0 : i32
    %dma_start3A_1446 = tpu.memref_slice %arg6[%dma_start3A_1444, %dma_start3A_1445] : memref<512x128xf32, #tpu.memory_space<vmem>> -> memref<128x128xf32, #tpu.memory_space<vmem>>
    %dma_start3A_1447 = arith.constant 0 : i32
    %dma_start3A_1448 = tpu.memref_slice %arg5[%dma_start3A_1443, %dma_start3A_1447] : memref<80x128xi32, #tpu.memory_space<vmem>> -> memref<1x128xi32, #tpu.memory_space<vmem>>
    %dma_start3A_1449 = tpu.memref_squeeze %dma_start3A_1448 : memref<1x128xi32, #tpu.memory_space<vmem>> -> memref<128xi32, #tpu.memory_space<vmem>>
    %dma_start3A_1450 = arith.constant 0 : i32
    %dma_start3A_1451 = arith.constant 0 : i32
    %dma_start3A_1452 = tpu.memref_slice %arg2[%dma_start3A_1450, %dma_start3A_1451] : memref<10000x128xf32, #tpu.memory_space<hbm>> -> memref<10000x128xf32, #tpu.memory_space<hbm>>
    tpu.enqueue_indirect_dma source(%dma_start3A_1452 : memref<10000x128xf32, #tpu.memory_space<hbm>>) target(%dma_start3A_1446 : memref<128x128xf32, #tpu.memory_space<vmem>>) offsets(%dma_start3A_1449 : memref<128xi32, #tpu.memory_space<vmem>>) semaphore(%arg7 : memref<!tpu.dma_semaphore, #tpu.memory_space<semaphore_mem>>) {add = true}
    %dma_start3A_1453 = arith.constant 75 : i32
    %dma_start3A_1454 = arith.constant 384 : i32
    %dma_start3A_1455 = arith.constant 0 : i32
    %dma_start3A_1456 = tpu.memref_slice %arg6[%dma_start3A_1454, %dma_start3A_1455] : memref<512x128xf32, #tpu.memory_space<vmem>> -> memref<128x128xf32, #tpu.memory_space<vmem>>
    %dma_start3A_1457 = arith.constant 0 : i32
    %dma_start3A_1458 = tpu.memref_slice %arg5[%dma_start3A_1453, %dma_start3A_1457] : memref<80x128xi32, #tpu.memory_space<vmem>> -> memref<1x128xi32, #tpu.memory_space<vmem>>
    %dma_start3A_1459 = tpu.memref_squeeze %dma_start3A_1458 : memref<1x128xi32, #tpu.memory_space<vmem>> -> memref<128xi32, #tpu.memory_space<vmem>>
    %dma_start3A_1460 = arith.constant 0 : i32
    %dma_start3A_1461 = arith.constant 0 : i32
    %dma_start3A_1462 = tpu.memref_slice %arg2[%dma_start3A_1460, %dma_start3A_1461] : memref<10000x128xf32, #tpu.memory_space<hbm>> -> memref<10000x128xf32, #tpu.memory_space<hbm>>
    tpu.enqueue_indirect_dma source(%dma_start3A_1462 : memref<10000x128xf32, #tpu.memory_space<hbm>>) target(%dma_start3A_1456 : memref<128x128xf32, #tpu.memory_space<vmem>>) offsets(%dma_start3A_1459 : memref<128xi32, #tpu.memory_space<vmem>>) semaphore(%arg7 : memref<!tpu.dma_semaphore, #tpu.memory_space<semaphore_mem>>) {add = true}
    %dma_start3A_1463 = arith.constant 77 : i32
    %dma_start3A_1464 = arith.constant 384 : i32
    %dma_start3A_1465 = arith.constant 0 : i32
    %dma_start3A_1466 = tpu.memref_slice %arg6[%dma_start3A_1464, %dma_start3A_1465] : memref<512x128xf32, #tpu.memory_space<vmem>> -> memref<128x128xf32, #tpu.memory_space<vmem>>
    %dma_start3A_1467 = arith.constant 0 : i32
    %dma_start3A_1468 = tpu.memref_slice %arg5[%dma_start3A_1463, %dma_start3A_1467] : memref<80x128xi32, #tpu.memory_space<vmem>> -> memref<1x128xi32, #tpu.memory_space<vmem>>
    %dma_start3A_1469 = tpu.memref_squeeze %dma_start3A_1468 : memref<1x128xi32, #tpu.memory_space<vmem>> -> memref<128xi32, #tpu.memory_space<vmem>>
    %dma_start3A_1470 = arith.constant 0 : i32
    %dma_start3A_1471 = arith.constant 0 : i32
    %dma_start3A_1472 = tpu.memref_slice %arg2[%dma_start3A_1470, %dma_start3A_1471] : memref<10000x128xf32, #tpu.memory_space<hbm>> -> memref<10000x128xf32, #tpu.memory_space<hbm>>
    tpu.enqueue_indirect_dma source(%dma_start3A_1472 : memref<10000x128xf32, #tpu.memory_space<hbm>>) target(%dma_start3A_1466 : memref<128x128xf32, #tpu.memory_space<vmem>>) offsets(%dma_start3A_1469 : memref<128xi32, #tpu.memory_space<vmem>>) semaphore(%arg7 : memref<!tpu.dma_semaphore, #tpu.memory_space<semaphore_mem>>) {add = true}
    %dma_start3A_1473 = arith.constant 79 : i32
    %dma_start3A_1474 = arith.constant 384 : i32
    %dma_start3A_1475 = arith.constant 0 : i32
    %dma_start3A_1476 = tpu.memref_slice %arg6[%dma_start3A_1474, %dma_start3A_1475] : memref<512x128xf32, #tpu.memory_space<vmem>> -> memref<128x128xf32, #tpu.memory_space<vmem>>
    %dma_start3A_1477 = arith.constant 0 : i32
    %dma_start3A_1478 = tpu.memref_slice %arg5[%dma_start3A_1473, %dma_start3A_1477] : memref<80x128xi32, #tpu.memory_space<vmem>> -> memref<1x128xi32, #tpu.memory_space<vmem>>
    %dma_start3A_1479 = tpu.memref_squeeze %dma_start3A_1478 : memref<1x128xi32, #tpu.memory_space<vmem>> -> memref<128xi32, #tpu.memory_space<vmem>>
    %dma_start3A_1480 = arith.constant 0 : i32
    %dma_start3A_1481 = arith.constant 0 : i32
    %dma_start3A_1482 = tpu.memref_slice %arg2[%dma_start3A_1480, %dma_start3A_1481] : memref<10000x128xf32, #tpu.memory_space<hbm>> -> memref<10000x128xf32, #tpu.memory_space<hbm>>
    tpu.enqueue_indirect_dma source(%dma_start3A_1482 : memref<10000x128xf32, #tpu.memory_space<hbm>>) target(%dma_start3A_1476 : memref<128x128xf32, #tpu.memory_space<vmem>>) offsets(%dma_start3A_1479 : memref<128xi32, #tpu.memory_space<vmem>>) semaphore(%arg7 : memref<!tpu.dma_semaphore, #tpu.memory_space<semaphore_mem>>) {add = true}
    %dma_wait3A_1483 = arith.constant 62 : i32
    %dma_wait3A_1484 = arith.constant 256 : i32
    %dma_wait3A_1485 = arith.constant 0 : i32
    %dma_wait3A_1486 = tpu.memref_slice %arg6[%dma_wait3A_1484, %dma_wait3A_1485] : memref<512x128xf32, #tpu.memory_space<vmem>> -> memref<128x128xf32, #tpu.memory_space<vmem>>
    %dma_wait3A_1487 = arith.constant 0 : i32
    %dma_wait3A_1488 = tpu.memref_slice %arg5[%dma_wait3A_1483, %dma_wait3A_1487] : memref<80x128xi32, #tpu.memory_space<vmem>> -> memref<1x128xi32, #tpu.memory_space<vmem>>
    %dma_wait3A_1489 = tpu.memref_squeeze %dma_wait3A_1488 : memref<1x128xi32, #tpu.memory_space<vmem>> -> memref<128xi32, #tpu.memory_space<vmem>>
    %dma_wait3A_1490 = arith.constant 0 : i32
    %dma_wait3A_1491 = arith.constant 0 : i32
    %dma_wait3A_1492 = tpu.memref_slice %arg2[%dma_wait3A_1490, %dma_wait3A_1491] : memref<10000x128xf32, #tpu.memory_space<hbm>> -> memref<10000x128xf32, #tpu.memory_space<hbm>>
    tpu.wait_indirect_dma semaphore(%arg7 : memref<!tpu.dma_semaphore, #tpu.memory_space<semaphore_mem>>) src(%dma_wait3A_1492 : memref<10000x128xf32, #tpu.memory_space<hbm>>) dst(%dma_wait3A_1486 : memref<128x128xf32, #tpu.memory_space<vmem>>)
    %dma_wait3A_1493 = arith.constant 64 : i32
    %dma_wait3A_1494 = arith.constant 256 : i32
    %dma_wait3A_1495 = arith.constant 0 : i32
    %dma_wait3A_1496 = tpu.memref_slice %arg6[%dma_wait3A_1494, %dma_wait3A_1495] : memref<512x128xf32, #tpu.memory_space<vmem>> -> memref<128x128xf32, #tpu.memory_space<vmem>>
    %dma_wait3A_1497 = arith.constant 0 : i32
    %dma_wait3A_1498 = tpu.memref_slice %arg5[%dma_wait3A_1493, %dma_wait3A_1497] : memref<80x128xi32, #tpu.memory_space<vmem>> -> memref<1x128xi32, #tpu.memory_space<vmem>>
    %dma_wait3A_1499 = tpu.memref_squeeze %dma_wait3A_1498 : memref<1x128xi32, #tpu.memory_space<vmem>> -> memref<128xi32, #tpu.memory_space<vmem>>
    %dma_wait3A_1500 = arith.constant 0 : i32
    %dma_wait3A_1501 = arith.constant 0 : i32
    %dma_wait3A_1502 = tpu.memref_slice %arg2[%dma_wait3A_1500, %dma_wait3A_1501] : memref<10000x128xf32, #tpu.memory_space<hbm>> -> memref<10000x128xf32, #tpu.memory_space<hbm>>
    tpu.wait_indirect_dma semaphore(%arg7 : memref<!tpu.dma_semaphore, #tpu.memory_space<semaphore_mem>>) src(%dma_wait3A_1502 : memref<10000x128xf32, #tpu.memory_space<hbm>>) dst(%dma_wait3A_1496 : memref<128x128xf32, #tpu.memory_space<vmem>>)
    %dma_wait3A_1503 = arith.constant 66 : i32
    %dma_wait3A_1504 = arith.constant 256 : i32
    %dma_wait3A_1505 = arith.constant 0 : i32
    %dma_wait3A_1506 = tpu.memref_slice %arg6[%dma_wait3A_1504, %dma_wait3A_1505] : memref<512x128xf32, #tpu.memory_space<vmem>> -> memref<128x128xf32, #tpu.memory_space<vmem>>
    %dma_wait3A_1507 = arith.constant 0 : i32
    %dma_wait3A_1508 = tpu.memref_slice %arg5[%dma_wait3A_1503, %dma_wait3A_1507] : memref<80x128xi32, #tpu.memory_space<vmem>> -> memref<1x128xi32, #tpu.memory_space<vmem>>
    %dma_wait3A_1509 = tpu.memref_squeeze %dma_wait3A_1508 : memref<1x128xi32, #tpu.memory_space<vmem>> -> memref<128xi32, #tpu.memory_space<vmem>>
    %dma_wait3A_1510 = arith.constant 0 : i32
    %dma_wait3A_1511 = arith.constant 0 : i32
    %dma_wait3A_1512 = tpu.memref_slice %arg2[%dma_wait3A_1510, %dma_wait3A_1511] : memref<10000x128xf32, #tpu.memory_space<hbm>> -> memref<10000x128xf32, #tpu.memory_space<hbm>>
    tpu.wait_indirect_dma semaphore(%arg7 : memref<!tpu.dma_semaphore, #tpu.memory_space<semaphore_mem>>) src(%dma_wait3A_1512 : memref<10000x128xf32, #tpu.memory_space<hbm>>) dst(%dma_wait3A_1506 : memref<128x128xf32, #tpu.memory_space<vmem>>)
    %dma_wait3A_1513 = arith.constant 68 : i32
    %dma_wait3A_1514 = arith.constant 256 : i32
    %dma_wait3A_1515 = arith.constant 0 : i32
    %dma_wait3A_1516 = tpu.memref_slice %arg6[%dma_wait3A_1514, %dma_wait3A_1515] : memref<512x128xf32, #tpu.memory_space<vmem>> -> memref<128x128xf32, #tpu.memory_space<vmem>>
    %dma_wait3A_1517 = arith.constant 0 : i32
    %dma_wait3A_1518 = tpu.memref_slice %arg5[%dma_wait3A_1513, %dma_wait3A_1517] : memref<80x128xi32, #tpu.memory_space<vmem>> -> memref<1x128xi32, #tpu.memory_space<vmem>>
    %dma_wait3A_1519 = tpu.memref_squeeze %dma_wait3A_1518 : memref<1x128xi32, #tpu.memory_space<vmem>> -> memref<128xi32, #tpu.memory_space<vmem>>
    %dma_wait3A_1520 = arith.constant 0 : i32
    %dma_wait3A_1521 = arith.constant 0 : i32
    %dma_wait3A_1522 = tpu.memref_slice %arg2[%dma_wait3A_1520, %dma_wait3A_1521] : memref<10000x128xf32, #tpu.memory_space<hbm>> -> memref<10000x128xf32, #tpu.memory_space<hbm>>
    tpu.wait_indirect_dma semaphore(%arg7 : memref<!tpu.dma_semaphore, #tpu.memory_space<semaphore_mem>>) src(%dma_wait3A_1522 : memref<10000x128xf32, #tpu.memory_space<hbm>>) dst(%dma_wait3A_1516 : memref<128x128xf32, #tpu.memory_space<vmem>>)
    %dma_wait3A_1523 = arith.constant 70 : i32
    %dma_wait3A_1524 = arith.constant 256 : i32
    %dma_wait3A_1525 = arith.constant 0 : i32
    %dma_wait3A_1526 = tpu.memref_slice %arg6[%dma_wait3A_1524, %dma_wait3A_1525] : memref<512x128xf32, #tpu.memory_space<vmem>> -> memref<128x128xf32, #tpu.memory_space<vmem>>
    %dma_wait3A_1527 = arith.constant 0 : i32
    %dma_wait3A_1528 = tpu.memref_slice %arg5[%dma_wait3A_1523, %dma_wait3A_1527] : memref<80x128xi32, #tpu.memory_space<vmem>> -> memref<1x128xi32, #tpu.memory_space<vmem>>
    %dma_wait3A_1529 = tpu.memref_squeeze %dma_wait3A_1528 : memref<1x128xi32, #tpu.memory_space<vmem>> -> memref<128xi32, #tpu.memory_space<vmem>>
    %dma_wait3A_1530 = arith.constant 0 : i32
    %dma_wait3A_1531 = arith.constant 0 : i32
    %dma_wait3A_1532 = tpu.memref_slice %arg2[%dma_wait3A_1530, %dma_wait3A_1531] : memref<10000x128xf32, #tpu.memory_space<hbm>> -> memref<10000x128xf32, #tpu.memory_space<hbm>>
    tpu.wait_indirect_dma semaphore(%arg7 : memref<!tpu.dma_semaphore, #tpu.memory_space<semaphore_mem>>) src(%dma_wait3A_1532 : memref<10000x128xf32, #tpu.memory_space<hbm>>) dst(%dma_wait3A_1526 : memref<128x128xf32, #tpu.memory_space<vmem>>)
    %dma_wait3A_1533 = arith.constant 72 : i32
    %dma_wait3A_1534 = arith.constant 256 : i32
    %dma_wait3A_1535 = arith.constant 0 : i32
    %dma_wait3A_1536 = tpu.memref_slice %arg6[%dma_wait3A_1534, %dma_wait3A_1535] : memref<512x128xf32, #tpu.memory_space<vmem>> -> memref<128x128xf32, #tpu.memory_space<vmem>>
    %dma_wait3A_1537 = arith.constant 0 : i32
    %dma_wait3A_1538 = tpu.memref_slice %arg5[%dma_wait3A_1533, %dma_wait3A_1537] : memref<80x128xi32, #tpu.memory_space<vmem>> -> memref<1x128xi32, #tpu.memory_space<vmem>>
    %dma_wait3A_1539 = tpu.memref_squeeze %dma_wait3A_1538 : memref<1x128xi32, #tpu.memory_space<vmem>> -> memref<128xi32, #tpu.memory_space<vmem>>
    %dma_wait3A_1540 = arith.constant 0 : i32
    %dma_wait3A_1541 = arith.constant 0 : i32
    %dma_wait3A_1542 = tpu.memref_slice %arg2[%dma_wait3A_1540, %dma_wait3A_1541] : memref<10000x128xf32, #tpu.memory_space<hbm>> -> memref<10000x128xf32, #tpu.memory_space<hbm>>
    tpu.wait_indirect_dma semaphore(%arg7 : memref<!tpu.dma_semaphore, #tpu.memory_space<semaphore_mem>>) src(%dma_wait3A_1542 : memref<10000x128xf32, #tpu.memory_space<hbm>>) dst(%dma_wait3A_1536 : memref<128x128xf32, #tpu.memory_space<vmem>>)
    %dma_wait3A_1543 = arith.constant 74 : i32
    %dma_wait3A_1544 = arith.constant 256 : i32
    %dma_wait3A_1545 = arith.constant 0 : i32
    %dma_wait3A_1546 = tpu.memref_slice %arg6[%dma_wait3A_1544, %dma_wait3A_1545] : memref<512x128xf32, #tpu.memory_space<vmem>> -> memref<128x128xf32, #tpu.memory_space<vmem>>
    %dma_wait3A_1547 = arith.constant 0 : i32
    %dma_wait3A_1548 = tpu.memref_slice %arg5[%dma_wait3A_1543, %dma_wait3A_1547] : memref<80x128xi32, #tpu.memory_space<vmem>> -> memref<1x128xi32, #tpu.memory_space<vmem>>
    %dma_wait3A_1549 = tpu.memref_squeeze %dma_wait3A_1548 : memref<1x128xi32, #tpu.memory_space<vmem>> -> memref<128xi32, #tpu.memory_space<vmem>>
    %dma_wait3A_1550 = arith.constant 0 : i32
    %dma_wait3A_1551 = arith.constant 0 : i32
    %dma_wait3A_1552 = tpu.memref_slice %arg2[%dma_wait3A_1550, %dma_wait3A_1551] : memref<10000x128xf32, #tpu.memory_space<hbm>> -> memref<10000x128xf32, #tpu.memory_space<hbm>>
    tpu.wait_indirect_dma semaphore(%arg7 : memref<!tpu.dma_semaphore, #tpu.memory_space<semaphore_mem>>) src(%dma_wait3A_1552 : memref<10000x128xf32, #tpu.memory_space<hbm>>) dst(%dma_wait3A_1546 : memref<128x128xf32, #tpu.memory_space<vmem>>)
    %dma_wait3A_1553 = arith.constant 76 : i32
    %dma_wait3A_1554 = arith.constant 256 : i32
    %dma_wait3A_1555 = arith.constant 0 : i32
    %dma_wait3A_1556 = tpu.memref_slice %arg6[%dma_wait3A_1554, %dma_wait3A_1555] : memref<512x128xf32, #tpu.memory_space<vmem>> -> memref<128x128xf32, #tpu.memory_space<vmem>>
    %dma_wait3A_1557 = arith.constant 0 : i32
    %dma_wait3A_1558 = tpu.memref_slice %arg5[%dma_wait3A_1553, %dma_wait3A_1557] : memref<80x128xi32, #tpu.memory_space<vmem>> -> memref<1x128xi32, #tpu.memory_space<vmem>>
    %dma_wait3A_1559 = tpu.memref_squeeze %dma_wait3A_1558 : memref<1x128xi32, #tpu.memory_space<vmem>> -> memref<128xi32, #tpu.memory_space<vmem>>
    %dma_wait3A_1560 = arith.constant 0 : i32
    %dma_wait3A_1561 = arith.constant 0 : i32
    %dma_wait3A_1562 = tpu.memref_slice %arg2[%dma_wait3A_1560, %dma_wait3A_1561] : memref<10000x128xf32, #tpu.memory_space<hbm>> -> memref<10000x128xf32, #tpu.memory_space<hbm>>
    tpu.wait_indirect_dma semaphore(%arg7 : memref<!tpu.dma_semaphore, #tpu.memory_space<semaphore_mem>>) src(%dma_wait3A_1562 : memref<10000x128xf32, #tpu.memory_space<hbm>>) dst(%dma_wait3A_1556 : memref<128x128xf32, #tpu.memory_space<vmem>>)
    %dma_wait3A_1563 = arith.constant 78 : i32
    %dma_wait3A_1564 = arith.constant 256 : i32
    %dma_wait3A_1565 = arith.constant 0 : i32
    %dma_wait3A_1566 = tpu.memref_slice %arg6[%dma_wait3A_1564, %dma_wait3A_1565] : memref<512x128xf32, #tpu.memory_space<vmem>> -> memref<128x128xf32, #tpu.memory_space<vmem>>
    %dma_wait3A_1567 = arith.constant 0 : i32
    %dma_wait3A_1568 = tpu.memref_slice %arg5[%dma_wait3A_1563, %dma_wait3A_1567] : memref<80x128xi32, #tpu.memory_space<vmem>> -> memref<1x128xi32, #tpu.memory_space<vmem>>
    %dma_wait3A_1569 = tpu.memref_squeeze %dma_wait3A_1568 : memref<1x128xi32, #tpu.memory_space<vmem>> -> memref<128xi32, #tpu.memory_space<vmem>>
    %dma_wait3A_1570 = arith.constant 0 : i32
    %dma_wait3A_1571 = arith.constant 0 : i32
    %dma_wait3A_1572 = tpu.memref_slice %arg2[%dma_wait3A_1570, %dma_wait3A_1571] : memref<10000x128xf32, #tpu.memory_space<hbm>> -> memref<10000x128xf32, #tpu.memory_space<hbm>>
    tpu.wait_indirect_dma semaphore(%arg7 : memref<!tpu.dma_semaphore, #tpu.memory_space<semaphore_mem>>) src(%dma_wait3A_1572 : memref<10000x128xf32, #tpu.memory_space<hbm>>) dst(%dma_wait3A_1566 : memref<128x128xf32, #tpu.memory_space<vmem>>)
    %dma_wait3A_1573 = arith.constant 63 : i32
    %dma_wait3A_1574 = arith.constant 384 : i32
    %dma_wait3A_1575 = arith.constant 0 : i32
    %dma_wait3A_1576 = tpu.memref_slice %arg6[%dma_wait3A_1574, %dma_wait3A_1575] : memref<512x128xf32, #tpu.memory_space<vmem>> -> memref<128x128xf32, #tpu.memory_space<vmem>>
    %dma_wait3A_1577 = arith.constant 0 : i32
    %dma_wait3A_1578 = tpu.memref_slice %arg5[%dma_wait3A_1573, %dma_wait3A_1577] : memref<80x128xi32, #tpu.memory_space<vmem>> -> memref<1x128xi32, #tpu.memory_space<vmem>>
    %dma_wait3A_1579 = tpu.memref_squeeze %dma_wait3A_1578 : memref<1x128xi32, #tpu.memory_space<vmem>> -> memref<128xi32, #tpu.memory_space<vmem>>
    %dma_wait3A_1580 = arith.constant 0 : i32
    %dma_wait3A_1581 = arith.constant 0 : i32
    %dma_wait3A_1582 = tpu.memref_slice %arg2[%dma_wait3A_1580, %dma_wait3A_1581] : memref<10000x128xf32, #tpu.memory_space<hbm>> -> memref<10000x128xf32, #tpu.memory_space<hbm>>
    tpu.wait_indirect_dma semaphore(%arg7 : memref<!tpu.dma_semaphore, #tpu.memory_space<semaphore_mem>>) src(%dma_wait3A_1582 : memref<10000x128xf32, #tpu.memory_space<hbm>>) dst(%dma_wait3A_1576 : memref<128x128xf32, #tpu.memory_space<vmem>>)
    %dma_wait3A_1583 = arith.constant 65 : i32
    %dma_wait3A_1584 = arith.constant 384 : i32
    %dma_wait3A_1585 = arith.constant 0 : i32
    %dma_wait3A_1586 = tpu.memref_slice %arg6[%dma_wait3A_1584, %dma_wait3A_1585] : memref<512x128xf32, #tpu.memory_space<vmem>> -> memref<128x128xf32, #tpu.memory_space<vmem>>
    %dma_wait3A_1587 = arith.constant 0 : i32
    %dma_wait3A_1588 = tpu.memref_slice %arg5[%dma_wait3A_1583, %dma_wait3A_1587] : memref<80x128xi32, #tpu.memory_space<vmem>> -> memref<1x128xi32, #tpu.memory_space<vmem>>
    %dma_wait3A_1589 = tpu.memref_squeeze %dma_wait3A_1588 : memref<1x128xi32, #tpu.memory_space<vmem>> -> memref<128xi32, #tpu.memory_space<vmem>>
    %dma_wait3A_1590 = arith.constant 0 : i32
    %dma_wait3A_1591 = arith.constant 0 : i32
    %dma_wait3A_1592 = tpu.memref_slice %arg2[%dma_wait3A_1590, %dma_wait3A_1591] : memref<10000x128xf32, #tpu.memory_space<hbm>> -> memref<10000x128xf32, #tpu.memory_space<hbm>>
    tpu.wait_indirect_dma semaphore(%arg7 : memref<!tpu.dma_semaphore, #tpu.memory_space<semaphore_mem>>) src(%dma_wait3A_1592 : memref<10000x128xf32, #tpu.memory_space<hbm>>) dst(%dma_wait3A_1586 : memref<128x128xf32, #tpu.memory_space<vmem>>)
    %dma_wait3A_1593 = arith.constant 67 : i32
    %dma_wait3A_1594 = arith.constant 384 : i32
    %dma_wait3A_1595 = arith.constant 0 : i32
    %dma_wait3A_1596 = tpu.memref_slice %arg6[%dma_wait3A_1594, %dma_wait3A_1595] : memref<512x128xf32, #tpu.memory_space<vmem>> -> memref<128x128xf32, #tpu.memory_space<vmem>>
    %dma_wait3A_1597 = arith.constant 0 : i32
    %dma_wait3A_1598 = tpu.memref_slice %arg5[%dma_wait3A_1593, %dma_wait3A_1597] : memref<80x128xi32, #tpu.memory_space<vmem>> -> memref<1x128xi32, #tpu.memory_space<vmem>>
    %dma_wait3A_1599 = tpu.memref_squeeze %dma_wait3A_1598 : memref<1x128xi32, #tpu.memory_space<vmem>> -> memref<128xi32, #tpu.memory_space<vmem>>
    %dma_wait3A_1600 = arith.constant 0 : i32
    %dma_wait3A_1601 = arith.constant 0 : i32
    %dma_wait3A_1602 = tpu.memref_slice %arg2[%dma_wait3A_1600, %dma_wait3A_1601] : memref<10000x128xf32, #tpu.memory_space<hbm>> -> memref<10000x128xf32, #tpu.memory_space<hbm>>
    tpu.wait_indirect_dma semaphore(%arg7 : memref<!tpu.dma_semaphore, #tpu.memory_space<semaphore_mem>>) src(%dma_wait3A_1602 : memref<10000x128xf32, #tpu.memory_space<hbm>>) dst(%dma_wait3A_1596 : memref<128x128xf32, #tpu.memory_space<vmem>>)
    %dma_wait3A_1603 = arith.constant 69 : i32
    %dma_wait3A_1604 = arith.constant 384 : i32
    %dma_wait3A_1605 = arith.constant 0 : i32
    %dma_wait3A_1606 = tpu.memref_slice %arg6[%dma_wait3A_1604, %dma_wait3A_1605] : memref<512x128xf32, #tpu.memory_space<vmem>> -> memref<128x128xf32, #tpu.memory_space<vmem>>
    %dma_wait3A_1607 = arith.constant 0 : i32
    %dma_wait3A_1608 = tpu.memref_slice %arg5[%dma_wait3A_1603, %dma_wait3A_1607] : memref<80x128xi32, #tpu.memory_space<vmem>> -> memref<1x128xi32, #tpu.memory_space<vmem>>
    %dma_wait3A_1609 = tpu.memref_squeeze %dma_wait3A_1608 : memref<1x128xi32, #tpu.memory_space<vmem>> -> memref<128xi32, #tpu.memory_space<vmem>>
    %dma_wait3A_1610 = arith.constant 0 : i32
    %dma_wait3A_1611 = arith.constant 0 : i32
    %dma_wait3A_1612 = tpu.memref_slice %arg2[%dma_wait3A_1610, %dma_wait3A_1611] : memref<10000x128xf32, #tpu.memory_space<hbm>> -> memref<10000x128xf32, #tpu.memory_space<hbm>>
    tpu.wait_indirect_dma semaphore(%arg7 : memref<!tpu.dma_semaphore, #tpu.memory_space<semaphore_mem>>) src(%dma_wait3A_1612 : memref<10000x128xf32, #tpu.memory_space<hbm>>) dst(%dma_wait3A_1606 : memref<128x128xf32, #tpu.memory_space<vmem>>)
    %dma_wait3A_1613 = arith.constant 71 : i32
    %dma_wait3A_1614 = arith.constant 384 : i32
    %dma_wait3A_1615 = arith.constant 0 : i32
    %dma_wait3A_1616 = tpu.memref_slice %arg6[%dma_wait3A_1614, %dma_wait3A_1615] : memref<512x128xf32, #tpu.memory_space<vmem>> -> memref<128x128xf32, #tpu.memory_space<vmem>>
    %dma_wait3A_1617 = arith.constant 0 : i32
    %dma_wait3A_1618 = tpu.memref_slice %arg5[%dma_wait3A_1613, %dma_wait3A_1617] : memref<80x128xi32, #tpu.memory_space<vmem>> -> memref<1x128xi32, #tpu.memory_space<vmem>>
    %dma_wait3A_1619 = tpu.memref_squeeze %dma_wait3A_1618 : memref<1x128xi32, #tpu.memory_space<vmem>> -> memref<128xi32, #tpu.memory_space<vmem>>
    %dma_wait3A_1620 = arith.constant 0 : i32
    %dma_wait3A_1621 = arith.constant 0 : i32
    %dma_wait3A_1622 = tpu.memref_slice %arg2[%dma_wait3A_1620, %dma_wait3A_1621] : memref<10000x128xf32, #tpu.memory_space<hbm>> -> memref<10000x128xf32, #tpu.memory_space<hbm>>
    tpu.wait_indirect_dma semaphore(%arg7 : memref<!tpu.dma_semaphore, #tpu.memory_space<semaphore_mem>>) src(%dma_wait3A_1622 : memref<10000x128xf32, #tpu.memory_space<hbm>>) dst(%dma_wait3A_1616 : memref<128x128xf32, #tpu.memory_space<vmem>>)
    %dma_wait3A_1623 = arith.constant 73 : i32
    %dma_wait3A_1624 = arith.constant 384 : i32
    %dma_wait3A_1625 = arith.constant 0 : i32
    %dma_wait3A_1626 = tpu.memref_slice %arg6[%dma_wait3A_1624, %dma_wait3A_1625] : memref<512x128xf32, #tpu.memory_space<vmem>> -> memref<128x128xf32, #tpu.memory_space<vmem>>
    %dma_wait3A_1627 = arith.constant 0 : i32
    %dma_wait3A_1628 = tpu.memref_slice %arg5[%dma_wait3A_1623, %dma_wait3A_1627] : memref<80x128xi32, #tpu.memory_space<vmem>> -> memref<1x128xi32, #tpu.memory_space<vmem>>
    %dma_wait3A_1629 = tpu.memref_squeeze %dma_wait3A_1628 : memref<1x128xi32, #tpu.memory_space<vmem>> -> memref<128xi32, #tpu.memory_space<vmem>>
    %dma_wait3A_1630 = arith.constant 0 : i32
    %dma_wait3A_1631 = arith.constant 0 : i32
    %dma_wait3A_1632 = tpu.memref_slice %arg2[%dma_wait3A_1630, %dma_wait3A_1631] : memref<10000x128xf32, #tpu.memory_space<hbm>> -> memref<10000x128xf32, #tpu.memory_space<hbm>>
    tpu.wait_indirect_dma semaphore(%arg7 : memref<!tpu.dma_semaphore, #tpu.memory_space<semaphore_mem>>) src(%dma_wait3A_1632 : memref<10000x128xf32, #tpu.memory_space<hbm>>) dst(%dma_wait3A_1626 : memref<128x128xf32, #tpu.memory_space<vmem>>)
    %dma_wait3A_1633 = arith.constant 75 : i32
    %dma_wait3A_1634 = arith.constant 384 : i32
    %dma_wait3A_1635 = arith.constant 0 : i32
    %dma_wait3A_1636 = tpu.memref_slice %arg6[%dma_wait3A_1634, %dma_wait3A_1635] : memref<512x128xf32, #tpu.memory_space<vmem>> -> memref<128x128xf32, #tpu.memory_space<vmem>>
    %dma_wait3A_1637 = arith.constant 0 : i32
    %dma_wait3A_1638 = tpu.memref_slice %arg5[%dma_wait3A_1633, %dma_wait3A_1637] : memref<80x128xi32, #tpu.memory_space<vmem>> -> memref<1x128xi32, #tpu.memory_space<vmem>>
    %dma_wait3A_1639 = tpu.memref_squeeze %dma_wait3A_1638 : memref<1x128xi32, #tpu.memory_space<vmem>> -> memref<128xi32, #tpu.memory_space<vmem>>
    %dma_wait3A_1640 = arith.constant 0 : i32
    %dma_wait3A_1641 = arith.constant 0 : i32
    %dma_wait3A_1642 = tpu.memref_slice %arg2[%dma_wait3A_1640, %dma_wait3A_1641] : memref<10000x128xf32, #tpu.memory_space<hbm>> -> memref<10000x128xf32, #tpu.memory_space<hbm>>
    tpu.wait_indirect_dma semaphore(%arg7 : memref<!tpu.dma_semaphore, #tpu.memory_space<semaphore_mem>>) src(%dma_wait3A_1642 : memref<10000x128xf32, #tpu.memory_space<hbm>>) dst(%dma_wait3A_1636 : memref<128x128xf32, #tpu.memory_space<vmem>>)
    %dma_wait3A_1643 = arith.constant 77 : i32
    %dma_wait3A_1644 = arith.constant 384 : i32
    %dma_wait3A_1645 = arith.constant 0 : i32
    %dma_wait3A_1646 = tpu.memref_slice %arg6[%dma_wait3A_1644, %dma_wait3A_1645] : memref<512x128xf32, #tpu.memory_space<vmem>> -> memref<128x128xf32, #tpu.memory_space<vmem>>
    %dma_wait3A_1647 = arith.constant 0 : i32
    %dma_wait3A_1648 = tpu.memref_slice %arg5[%dma_wait3A_1643, %dma_wait3A_1647] : memref<80x128xi32, #tpu.memory_space<vmem>> -> memref<1x128xi32, #tpu.memory_space<vmem>>
    %dma_wait3A_1649 = tpu.memref_squeeze %dma_wait3A_1648 : memref<1x128xi32, #tpu.memory_space<vmem>> -> memref<128xi32, #tpu.memory_space<vmem>>
    %dma_wait3A_1650 = arith.constant 0 : i32
    %dma_wait3A_1651 = arith.constant 0 : i32
    %dma_wait3A_1652 = tpu.memref_slice %arg2[%dma_wait3A_1650, %dma_wait3A_1651] : memref<10000x128xf32, #tpu.memory_space<hbm>> -> memref<10000x128xf32, #tpu.memory_space<hbm>>
    tpu.wait_indirect_dma semaphore(%arg7 : memref<!tpu.dma_semaphore, #tpu.memory_space<semaphore_mem>>) src(%dma_wait3A_1652 : memref<10000x128xf32, #tpu.memory_space<hbm>>) dst(%dma_wait3A_1646 : memref<128x128xf32, #tpu.memory_space<vmem>>)
    %dma_wait3A_1653 = arith.constant 79 : i32
    %dma_wait3A_1654 = arith.constant 384 : i32
    %dma_wait3A_1655 = arith.constant 0 : i32
    %dma_wait3A_1656 = tpu.memref_slice %arg6[%dma_wait3A_1654, %dma_wait3A_1655] : memref<512x128xf32, #tpu.memory_space<vmem>> -> memref<128x128xf32, #tpu.memory_space<vmem>>
    %dma_wait3A_1657 = arith.constant 0 : i32
    %dma_wait3A_1658 = tpu.memref_slice %arg5[%dma_wait3A_1653, %dma_wait3A_1657] : memref<80x128xi32, #tpu.memory_space<vmem>> -> memref<1x128xi32, #tpu.memory_space<vmem>>
    %dma_wait3A_1659 = tpu.memref_squeeze %dma_wait3A_1658 : memref<1x128xi32, #tpu.memory_space<vmem>> -> memref<128xi32, #tpu.memory_space<vmem>>
    %dma_wait3A_1660 = arith.constant 0 : i32
    %dma_wait3A_1661 = arith.constant 0 : i32
    %dma_wait3A_1662 = tpu.memref_slice %arg2[%dma_wait3A_1660, %dma_wait3A_1661] : memref<10000x128xf32, #tpu.memory_space<hbm>> -> memref<10000x128xf32, #tpu.memory_space<hbm>>
    tpu.wait_indirect_dma semaphore(%arg7 : memref<!tpu.dma_semaphore, #tpu.memory_space<semaphore_mem>>) src(%dma_wait3A_1662 : memref<10000x128xf32, #tpu.memory_space<hbm>>) dst(%dma_wait3A_1656 : memref<128x128xf32, #tpu.memory_space<vmem>>)
    %mul3A_1663 = arith.constant 1024 : i32
    %mul3A_1664 = arith.muli %add3A, %mul3A_1663 : i32
    %add3A_1665 = arith.constant 768 : i32
    %add3A_1666 = arith.addi %mul3A_1664, %add3A_1665 : i32
    %dma_start3A_1667 = arith.constant 256 : i32
    %dma_start3A_1668 = arith.constant 0 : i32
    %dma_start3A_1669 = tpu.memref_slice %arg6[%dma_start3A_1667, %dma_start3A_1668] : memref<512x128xf32, #tpu.memory_space<vmem>> -> memref<256x128xf32, #tpu.memory_space<vmem>>
    %dma_start3A_1670 = arith.constant 0 : i32
    %dma_start3A_1671 = tpu.memref_slice %arg4[%add3A_1666, %dma_start3A_1670] : memref<32768x128xf32, #tpu.memory_space<hbm>> -> memref<256x128xf32, #tpu.memory_space<hbm>>
    %dma_start3A_1672 = arith.constant 0 : i32
    %dma_start3A_1673 = tpu.memref_slice %arg4[%add3A_1666, %dma_start3A_1672] : memref<32768x128xf32, #tpu.memory_space<hbm>> -> memref<256x128xf32, #tpu.memory_space<hbm>>
    %dma_start3A_1674 = arith.constant 256 : i32
    %dma_start3A_1675 = arith.constant 0 : i32
    %dma_start3A_1676 = tpu.memref_slice %arg6[%dma_start3A_1674, %dma_start3A_1675] : memref<512x128xf32, #tpu.memory_space<vmem>> -> memref<256x128xf32, #tpu.memory_space<vmem>>
    tpu.enqueue_dma source(%dma_start3A_1676 : memref<256x128xf32, #tpu.memory_space<vmem>>) target(%dma_start3A_1673 : memref<256x128xf32, #tpu.memory_space<hbm>>) target_semaphore(%arg9 : memref<!tpu.dma_semaphore, #tpu.memory_space<semaphore_mem>>)
    %dma_wait3A_1677 = arith.constant 0 : i32
    %dma_wait3A_1678 = arith.constant 0 : i32
    %dma_wait3A_1679 = tpu.memref_slice %arg6[%dma_wait3A_1677, %dma_wait3A_1678] : memref<512x128xf32, #tpu.memory_space<vmem>> -> memref<256x128xf32, #tpu.memory_space<vmem>>
    %dma_wait3A_1680 = arith.constant 0 : i32
    %dma_wait3A_1681 = tpu.memref_slice %arg4[%add3A_1242, %dma_wait3A_1680] : memref<32768x128xf32, #tpu.memory_space<hbm>> -> memref<256x128xf32, #tpu.memory_space<hbm>>
    %dma_wait3A_1682 = arith.constant 0 : i32
    %dma_wait3A_1683 = tpu.memref_slice %arg4[%add3A_1242, %dma_wait3A_1682] : memref<32768x128xf32, #tpu.memory_space<hbm>> -> memref<256x128xf32, #tpu.memory_space<hbm>>
    %dma_wait3A_1684 = arith.constant 0 : i32
    %dma_wait3A_1685 = arith.constant 0 : i32
    %dma_wait3A_1686 = tpu.memref_slice %arg6[%dma_wait3A_1684, %dma_wait3A_1685] : memref<512x128xf32, #tpu.memory_space<vmem>> -> memref<256x128xf32, #tpu.memory_space<vmem>>
    tpu.wait_dma2 semaphore(%arg8 : memref<!tpu.dma_semaphore, #tpu.memory_space<semaphore_mem>>) src(%dma_wait3A_1686 : memref<256x128xf32, #tpu.memory_space<vmem>>) dst(%dma_wait3A_1683 : memref<256x128xf32, #tpu.memory_space<hbm>>)
    %dma_wait3A_1687 = arith.constant 256 : i32
    %dma_wait3A_1688 = arith.constant 0 : i32
    %dma_wait3A_1689 = tpu.memref_slice %arg6[%dma_wait3A_1687, %dma_wait3A_1688] : memref<512x128xf32, #tpu.memory_space<vmem>> -> memref<256x128xf32, #tpu.memory_space<vmem>>
    %dma_wait3A_1690 = arith.constant 0 : i32
    %dma_wait3A_1691 = tpu.memref_slice %arg4[%add3A_1666, %dma_wait3A_1690] : memref<32768x128xf32, #tpu.memory_space<hbm>> -> memref<256x128xf32, #tpu.memory_space<hbm>>
    %dma_wait3A_1692 = arith.constant 0 : i32
    %dma_wait3A_1693 = tpu.memref_slice %arg4[%add3A_1666, %dma_wait3A_1692] : memref<32768x128xf32, #tpu.memory_space<hbm>> -> memref<256x128xf32, #tpu.memory_space<hbm>>
    %dma_wait3A_1694 = arith.constant 256 : i32
    %dma_wait3A_1695 = arith.constant 0 : i32
    %dma_wait3A_1696 = tpu.memref_slice %arg6[%dma_wait3A_1694, %dma_wait3A_1695] : memref<512x128xf32, #tpu.memory_space<vmem>> -> memref<256x128xf32, #tpu.memory_space<vmem>>
    tpu.wait_dma2 semaphore(%arg9 : memref<!tpu.dma_semaphore, #tpu.memory_space<semaphore_mem>>) src(%dma_wait3A_1696 : memref<256x128xf32, #tpu.memory_space<vmem>>) dst(%dma_wait3A_1693 : memref<256x128xf32, #tpu.memory_space<hbm>>)
    return
  }
}

module attributes {stable_mosaic.version = 14 : i64} {
  func.func @_premix_body(%arg0: i32, %arg1: memref<1000x32xf32, #tpu.memory_space<vmem>>, %arg2: memref<1x32x128xf32, #tpu.memory_space<vmem>>, %arg3: memref<1000x128xf32, #tpu.memory_space<vmem>>) attributes {dimension_semantics = [#tpu.dimension_semantics<arbitrary>], iteration_bounds = array<i64: 10>, scalar_prefetch = 0 : i64, scratch_operands = 0 : i64, tpu.core_type = #tpu.core_type<tc>, window_params = [{transform_indices = @transform_0, window_bounds = array<i64: 1000, 32>}, {transform_indices = @transform_1, window_bounds = array<i64: 1, 32, 128>}, {transform_indices = @transform_2, window_bounds = array<i64: 1000, 128>}]} {
    %get3A = arith.constant 0 : index
    %get3A_0 = arith.constant 0 : index
    %get3A_1 = vector.load %arg1[%get3A, %get3A_0] : memref<1000x32xf32, #tpu.memory_space<vmem>>, vector<1000x32xf32>
    %get3A_2 = arith.constant 0 : index
    %get3A_3 = arith.constant 0 : index
    %get3A_4 = arith.constant 0 : index
    %get3A_5 = vector.load %arg2[%get3A_2, %get3A_3, %get3A_4] : memref<1x32x128xf32, #tpu.memory_space<vmem>>, vector<1x32x128xf32>
    %get3A_6 = vector.shape_cast %get3A_5 : vector<1x32x128xf32> to vector<32x128xf32>
    %dot_general3A = arith.constant dense<0.000000e+00> : vector<1000x128xf32>
    %dot_general3A_7 = tpu.matmul %get3A_1, %get3A_6, %dot_general3A {dimension_numbers = #tpu.dot_dimension_numbers<[1], [0], [0], [1], [0, 0, 1, 1], [], []>, transpose_lhs_hint = false} : vector<1000x32xf32>, vector<32x128xf32>, vector<1000x128xf32> -> vector<1000x128xf32>
    %swap3A = arith.constant 0 : index
    %swap3A_8 = arith.constant 0 : index
    %swap3A_9 = vector.load %arg3[%swap3A, %swap3A_8] : memref<1000x128xf32, #tpu.memory_space<vmem>>, vector<1000x128xf32>
    tpu.vector_store %arg3[%swap3A, %swap3A_8], %dot_general3A_7 {strides = array<i32>} : memref<1000x128xf32, #tpu.memory_space<vmem>>, vector<1000x128xf32>,
    return
  }
  func.func @transform_0(%arg0: i32) -> (i32, i32) {
    %c0_i32 = arith.constant 0 : i32
    %c0_i32_0 = arith.constant 0 : i32
    return %arg0, %c0_i32 : i32, i32
  }
  func.func @transform_1(%arg0: i32) -> (i32, i32, i32) {
    %c0_i32 = arith.constant 0 : i32
    %c0_i32_0 = arith.constant 0 : i32
    %c0_i32_1 = arith.constant 0 : i32
    return %arg0, %c0_i32, %c0_i32_0 : i32, i32, i32
  }
  func.func @transform_2(%arg0: i32) -> (i32, i32) {
    %c0_i32 = arith.constant 0 : i32
    %c0_i32_0 = arith.constant 0 : i32
    return %arg0, %c0_i32 : i32, i32
  }
}

module attributes {stable_mosaic.version = 14 : i64} {
  func.func @_spk_body(%arg0: memref<16xi32, #tpu.memory_space<smem>>, %arg1: memref<100000x64xf32, #tpu.memory_space<any>>, %arg2: memref<16x64xf32, #tpu.memory_space<vmem>>, %arg3: memref<!tpu.dma_semaphore, #tpu.memory_space<semaphore_mem>>) attributes {dimension_semantics = [], scalar_prefetch = 1 : i64, scratch_operands = 1 : i64, tpu.core_type = #tpu.core_type<tc>} {
    %get3A = arith.constant 0 : index
    %get3A_0 = memref.load %arg0[%get3A] : memref<16xi32, #tpu.memory_space<smem>>
    %dma_start3A = arith.constant 0 : i32
    %dma_start3A_1 = arith.constant 0 : i32
    %dma_start3A_2 = tpu.memref_slice %arg2[%dma_start3A, %dma_start3A_1] : memref<16x64xf32, #tpu.memory_space<vmem>> -> memref<1x64xf32, #tpu.memory_space<vmem>>
    %dma_start3A_3 = arith.constant 0 : i32
    %dma_start3A_4 = tpu.memref_slice %arg1[%get3A_0, %dma_start3A_3] : memref<100000x64xf32, #tpu.memory_space<any>> -> memref<1x64xf32, #tpu.memory_space<any>>
    tpu.enqueue_dma source(%dma_start3A_4 : memref<1x64xf32, #tpu.memory_space<any>>) target(%dma_start3A_2 : memref<1x64xf32, #tpu.memory_space<vmem>>) target_semaphore(%arg3 : memref<!tpu.dma_semaphore, #tpu.memory_space<semaphore_mem>>)
    %get3A_5 = arith.constant 1 : index
    %get3A_6 = memref.load %arg0[%get3A_5] : memref<16xi32, #tpu.memory_space<smem>>
    %dma_start3A_7 = arith.constant 1 : i32
    %dma_start3A_8 = arith.constant 0 : i32
    %dma_start3A_9 = tpu.memref_slice %arg2[%dma_start3A_7, %dma_start3A_8] : memref<16x64xf32, #tpu.memory_space<vmem>> -> memref<1x64xf32, #tpu.memory_space<vmem>>
    %dma_start3A_10 = arith.constant 0 : i32
    %dma_start3A_11 = tpu.memref_slice %arg1[%get3A_6, %dma_start3A_10] : memref<100000x64xf32, #tpu.memory_space<any>> -> memref<1x64xf32, #tpu.memory_space<any>>
    tpu.enqueue_dma source(%dma_start3A_11 : memref<1x64xf32, #tpu.memory_space<any>>) target(%dma_start3A_9 : memref<1x64xf32, #tpu.memory_space<vmem>>) target_semaphore(%arg3 : memref<!tpu.dma_semaphore, #tpu.memory_space<semaphore_mem>>)
    %get3A_12 = arith.constant 2 : index
    %get3A_13 = memref.load %arg0[%get3A_12] : memref<16xi32, #tpu.memory_space<smem>>
    %dma_start3A_14 = arith.constant 2 : i32
    %dma_start3A_15 = arith.constant 0 : i32
    %dma_start3A_16 = tpu.memref_slice %arg2[%dma_start3A_14, %dma_start3A_15] : memref<16x64xf32, #tpu.memory_space<vmem>> -> memref<1x64xf32, #tpu.memory_space<vmem>>
    %dma_start3A_17 = arith.constant 0 : i32
    %dma_start3A_18 = tpu.memref_slice %arg1[%get3A_13, %dma_start3A_17] : memref<100000x64xf32, #tpu.memory_space<any>> -> memref<1x64xf32, #tpu.memory_space<any>>
    tpu.enqueue_dma source(%dma_start3A_18 : memref<1x64xf32, #tpu.memory_space<any>>) target(%dma_start3A_16 : memref<1x64xf32, #tpu.memory_space<vmem>>) target_semaphore(%arg3 : memref<!tpu.dma_semaphore, #tpu.memory_space<semaphore_mem>>)
    %get3A_19 = arith.constant 3 : index
    %get3A_20 = memref.load %arg0[%get3A_19] : memref<16xi32, #tpu.memory_space<smem>>
    %dma_start3A_21 = arith.constant 3 : i32
    %dma_start3A_22 = arith.constant 0 : i32
    %dma_start3A_23 = tpu.memref_slice %arg2[%dma_start3A_21, %dma_start3A_22] : memref<16x64xf32, #tpu.memory_space<vmem>> -> memref<1x64xf32, #tpu.memory_space<vmem>>
    %dma_start3A_24 = arith.constant 0 : i32
    %dma_start3A_25 = tpu.memref_slice %arg1[%get3A_20, %dma_start3A_24] : memref<100000x64xf32, #tpu.memory_space<any>> -> memref<1x64xf32, #tpu.memory_space<any>>
    tpu.enqueue_dma source(%dma_start3A_25 : memref<1x64xf32, #tpu.memory_space<any>>) target(%dma_start3A_23 : memref<1x64xf32, #tpu.memory_space<vmem>>) target_semaphore(%arg3 : memref<!tpu.dma_semaphore, #tpu.memory_space<semaphore_mem>>)
    %get3A_26 = arith.constant 4 : index
    %get3A_27 = memref.load %arg0[%get3A_26] : memref<16xi32, #tpu.memory_space<smem>>
    %dma_start3A_28 = arith.constant 4 : i32
    %dma_start3A_29 = arith.constant 0 : i32
    %dma_start3A_30 = tpu.memref_slice %arg2[%dma_start3A_28, %dma_start3A_29] : memref<16x64xf32, #tpu.memory_space<vmem>> -> memref<1x64xf32, #tpu.memory_space<vmem>>
    %dma_start3A_31 = arith.constant 0 : i32
    %dma_start3A_32 = tpu.memref_slice %arg1[%get3A_27, %dma_start3A_31] : memref<100000x64xf32, #tpu.memory_space<any>> -> memref<1x64xf32, #tpu.memory_space<any>>
    tpu.enqueue_dma source(%dma_start3A_32 : memref<1x64xf32, #tpu.memory_space<any>>) target(%dma_start3A_30 : memref<1x64xf32, #tpu.memory_space<vmem>>) target_semaphore(%arg3 : memref<!tpu.dma_semaphore, #tpu.memory_space<semaphore_mem>>)
    %get3A_33 = arith.constant 5 : index
    %get3A_34 = memref.load %arg0[%get3A_33] : memref<16xi32, #tpu.memory_space<smem>>
    %dma_start3A_35 = arith.constant 5 : i32
    %dma_start3A_36 = arith.constant 0 : i32
    %dma_start3A_37 = tpu.memref_slice %arg2[%dma_start3A_35, %dma_start3A_36] : memref<16x64xf32, #tpu.memory_space<vmem>> -> memref<1x64xf32, #tpu.memory_space<vmem>>
    %dma_start3A_38 = arith.constant 0 : i32
    %dma_start3A_39 = tpu.memref_slice %arg1[%get3A_34, %dma_start3A_38] : memref<100000x64xf32, #tpu.memory_space<any>> -> memref<1x64xf32, #tpu.memory_space<any>>
    tpu.enqueue_dma source(%dma_start3A_39 : memref<1x64xf32, #tpu.memory_space<any>>) target(%dma_start3A_37 : memref<1x64xf32, #tpu.memory_space<vmem>>) target_semaphore(%arg3 : memref<!tpu.dma_semaphore, #tpu.memory_space<semaphore_mem>>)
    %get3A_40 = arith.constant 6 : index
    %get3A_41 = memref.load %arg0[%get3A_40] : memref<16xi32, #tpu.memory_space<smem>>
    %dma_start3A_42 = arith.constant 6 : i32
    %dma_start3A_43 = arith.constant 0 : i32
    %dma_start3A_44 = tpu.memref_slice %arg2[%dma_start3A_42, %dma_start3A_43] : memref<16x64xf32, #tpu.memory_space<vmem>> -> memref<1x64xf32, #tpu.memory_space<vmem>>
    %dma_start3A_45 = arith.constant 0 : i32
    %dma_start3A_46 = tpu.memref_slice %arg1[%get3A_41, %dma_start3A_45] : memref<100000x64xf32, #tpu.memory_space<any>> -> memref<1x64xf32, #tpu.memory_space<any>>
    tpu.enqueue_dma source(%dma_start3A_46 : memref<1x64xf32, #tpu.memory_space<any>>) target(%dma_start3A_44 : memref<1x64xf32, #tpu.memory_space<vmem>>) target_semaphore(%arg3 : memref<!tpu.dma_semaphore, #tpu.memory_space<semaphore_mem>>)
    %get3A_47 = arith.constant 7 : index
    %get3A_48 = memref.load %arg0[%get3A_47] : memref<16xi32, #tpu.memory_space<smem>>
    %dma_start3A_49 = arith.constant 7 : i32
    %dma_start3A_50 = arith.constant 0 : i32
    %dma_start3A_51 = tpu.memref_slice %arg2[%dma_start3A_49, %dma_start3A_50] : memref<16x64xf32, #tpu.memory_space<vmem>> -> memref<1x64xf32, #tpu.memory_space<vmem>>
    %dma_start3A_52 = arith.constant 0 : i32
    %dma_start3A_53 = tpu.memref_slice %arg1[%get3A_48, %dma_start3A_52] : memref<100000x64xf32, #tpu.memory_space<any>> -> memref<1x64xf32, #tpu.memory_space<any>>
    tpu.enqueue_dma source(%dma_start3A_53 : memref<1x64xf32, #tpu.memory_space<any>>) target(%dma_start3A_51 : memref<1x64xf32, #tpu.memory_space<vmem>>) target_semaphore(%arg3 : memref<!tpu.dma_semaphore, #tpu.memory_space<semaphore_mem>>)
    %get3A_54 = arith.constant 8 : index
    %get3A_55 = memref.load %arg0[%get3A_54] : memref<16xi32, #tpu.memory_space<smem>>
    %dma_start3A_56 = arith.constant 8 : i32
    %dma_start3A_57 = arith.constant 0 : i32
    %dma_start3A_58 = tpu.memref_slice %arg2[%dma_start3A_56, %dma_start3A_57] : memref<16x64xf32, #tpu.memory_space<vmem>> -> memref<1x64xf32, #tpu.memory_space<vmem>>
    %dma_start3A_59 = arith.constant 0 : i32
    %dma_start3A_60 = tpu.memref_slice %arg1[%get3A_55, %dma_start3A_59] : memref<100000x64xf32, #tpu.memory_space<any>> -> memref<1x64xf32, #tpu.memory_space<any>>
    tpu.enqueue_dma source(%dma_start3A_60 : memref<1x64xf32, #tpu.memory_space<any>>) target(%dma_start3A_58 : memref<1x64xf32, #tpu.memory_space<vmem>>) target_semaphore(%arg3 : memref<!tpu.dma_semaphore, #tpu.memory_space<semaphore_mem>>)
    %get3A_61 = arith.constant 9 : index
    %get3A_62 = memref.load %arg0[%get3A_61] : memref<16xi32, #tpu.memory_space<smem>>
    %dma_start3A_63 = arith.constant 9 : i32
    %dma_start3A_64 = arith.constant 0 : i32
    %dma_start3A_65 = tpu.memref_slice %arg2[%dma_start3A_63, %dma_start3A_64] : memref<16x64xf32, #tpu.memory_space<vmem>> -> memref<1x64xf32, #tpu.memory_space<vmem>>
    %dma_start3A_66 = arith.constant 0 : i32
    %dma_start3A_67 = tpu.memref_slice %arg1[%get3A_62, %dma_start3A_66] : memref<100000x64xf32, #tpu.memory_space<any>> -> memref<1x64xf32, #tpu.memory_space<any>>
    tpu.enqueue_dma source(%dma_start3A_67 : memref<1x64xf32, #tpu.memory_space<any>>) target(%dma_start3A_65 : memref<1x64xf32, #tpu.memory_space<vmem>>) target_semaphore(%arg3 : memref<!tpu.dma_semaphore, #tpu.memory_space<semaphore_mem>>)
    %get3A_68 = arith.constant 10 : index
    %get3A_69 = memref.load %arg0[%get3A_68] : memref<16xi32, #tpu.memory_space<smem>>
    %dma_start3A_70 = arith.constant 10 : i32
    %dma_start3A_71 = arith.constant 0 : i32
    %dma_start3A_72 = tpu.memref_slice %arg2[%dma_start3A_70, %dma_start3A_71] : memref<16x64xf32, #tpu.memory_space<vmem>> -> memref<1x64xf32, #tpu.memory_space<vmem>>
    %dma_start3A_73 = arith.constant 0 : i32
    %dma_start3A_74 = tpu.memref_slice %arg1[%get3A_69, %dma_start3A_73] : memref<100000x64xf32, #tpu.memory_space<any>> -> memref<1x64xf32, #tpu.memory_space<any>>
    tpu.enqueue_dma source(%dma_start3A_74 : memref<1x64xf32, #tpu.memory_space<any>>) target(%dma_start3A_72 : memref<1x64xf32, #tpu.memory_space<vmem>>) target_semaphore(%arg3 : memref<!tpu.dma_semaphore, #tpu.memory_space<semaphore_mem>>)
    %get3A_75 = arith.constant 11 : index
    %get3A_76 = memref.load %arg0[%get3A_75] : memref<16xi32, #tpu.memory_space<smem>>
    %dma_start3A_77 = arith.constant 11 : i32
    %dma_start3A_78 = arith.constant 0 : i32
    %dma_start3A_79 = tpu.memref_slice %arg2[%dma_start3A_77, %dma_start3A_78] : memref<16x64xf32, #tpu.memory_space<vmem>> -> memref<1x64xf32, #tpu.memory_space<vmem>>
    %dma_start3A_80 = arith.constant 0 : i32
    %dma_start3A_81 = tpu.memref_slice %arg1[%get3A_76, %dma_start3A_80] : memref<100000x64xf32, #tpu.memory_space<any>> -> memref<1x64xf32, #tpu.memory_space<any>>
    tpu.enqueue_dma source(%dma_start3A_81 : memref<1x64xf32, #tpu.memory_space<any>>) target(%dma_start3A_79 : memref<1x64xf32, #tpu.memory_space<vmem>>) target_semaphore(%arg3 : memref<!tpu.dma_semaphore, #tpu.memory_space<semaphore_mem>>)
    %get3A_82 = arith.constant 12 : index
    %get3A_83 = memref.load %arg0[%get3A_82] : memref<16xi32, #tpu.memory_space<smem>>
    %dma_start3A_84 = arith.constant 12 : i32
    %dma_start3A_85 = arith.constant 0 : i32
    %dma_start3A_86 = tpu.memref_slice %arg2[%dma_start3A_84, %dma_start3A_85] : memref<16x64xf32, #tpu.memory_space<vmem>> -> memref<1x64xf32, #tpu.memory_space<vmem>>
    %dma_start3A_87 = arith.constant 0 : i32
    %dma_start3A_88 = tpu.memref_slice %arg1[%get3A_83, %dma_start3A_87] : memref<100000x64xf32, #tpu.memory_space<any>> -> memref<1x64xf32, #tpu.memory_space<any>>
    tpu.enqueue_dma source(%dma_start3A_88 : memref<1x64xf32, #tpu.memory_space<any>>) target(%dma_start3A_86 : memref<1x64xf32, #tpu.memory_space<vmem>>) target_semaphore(%arg3 : memref<!tpu.dma_semaphore, #tpu.memory_space<semaphore_mem>>)
    %get3A_89 = arith.constant 13 : index
    %get3A_90 = memref.load %arg0[%get3A_89] : memref<16xi32, #tpu.memory_space<smem>>
    %dma_start3A_91 = arith.constant 13 : i32
    %dma_start3A_92 = arith.constant 0 : i32
    %dma_start3A_93 = tpu.memref_slice %arg2[%dma_start3A_91, %dma_start3A_92] : memref<16x64xf32, #tpu.memory_space<vmem>> -> memref<1x64xf32, #tpu.memory_space<vmem>>
    %dma_start3A_94 = arith.constant 0 : i32
    %dma_start3A_95 = tpu.memref_slice %arg1[%get3A_90, %dma_start3A_94] : memref<100000x64xf32, #tpu.memory_space<any>> -> memref<1x64xf32, #tpu.memory_space<any>>
    tpu.enqueue_dma source(%dma_start3A_95 : memref<1x64xf32, #tpu.memory_space<any>>) target(%dma_start3A_93 : memref<1x64xf32, #tpu.memory_space<vmem>>) target_semaphore(%arg3 : memref<!tpu.dma_semaphore, #tpu.memory_space<semaphore_mem>>)
    %get3A_96 = arith.constant 14 : index
    %get3A_97 = memref.load %arg0[%get3A_96] : memref<16xi32, #tpu.memory_space<smem>>
    %dma_start3A_98 = arith.constant 14 : i32
    %dma_start3A_99 = arith.constant 0 : i32
    %dma_start3A_100 = tpu.memref_slice %arg2[%dma_start3A_98, %dma_start3A_99] : memref<16x64xf32, #tpu.memory_space<vmem>> -> memref<1x64xf32, #tpu.memory_space<vmem>>
    %dma_start3A_101 = arith.constant 0 : i32
    %dma_start3A_102 = tpu.memref_slice %arg1[%get3A_97, %dma_start3A_101] : memref<100000x64xf32, #tpu.memory_space<any>> -> memref<1x64xf32, #tpu.memory_space<any>>
    tpu.enqueue_dma source(%dma_start3A_102 : memref<1x64xf32, #tpu.memory_space<any>>) target(%dma_start3A_100 : memref<1x64xf32, #tpu.memory_space<vmem>>) target_semaphore(%arg3 : memref<!tpu.dma_semaphore, #tpu.memory_space<semaphore_mem>>)
    %get3A_103 = arith.constant 15 : index
    %get3A_104 = memref.load %arg0[%get3A_103] : memref<16xi32, #tpu.memory_space<smem>>
    %dma_start3A_105 = arith.constant 15 : i32
    %dma_start3A_106 = arith.constant 0 : i32
    %dma_start3A_107 = tpu.memref_slice %arg2[%dma_start3A_105, %dma_start3A_106] : memref<16x64xf32, #tpu.memory_space<vmem>> -> memref<1x64xf32, #tpu.memory_space<vmem>>
    %dma_start3A_108 = arith.constant 0 : i32
    %dma_start3A_109 = tpu.memref_slice %arg1[%get3A_104, %dma_start3A_108] : memref<100000x64xf32, #tpu.memory_space<any>> -> memref<1x64xf32, #tpu.memory_space<any>>
    tpu.enqueue_dma source(%dma_start3A_109 : memref<1x64xf32, #tpu.memory_space<any>>) target(%dma_start3A_107 : memref<1x64xf32, #tpu.memory_space<vmem>>) target_semaphore(%arg3 : memref<!tpu.dma_semaphore, #tpu.memory_space<semaphore_mem>>)
    %dma_wait3A = arith.constant 0 : i32
    %dma_wait3A_110 = arith.constant 0 : i32
    %dma_wait3A_111 = tpu.memref_slice %arg2[%dma_wait3A, %dma_wait3A_110] : memref<16x64xf32, #tpu.memory_space<vmem>> -> memref<1x64xf32, #tpu.memory_space<vmem>>
    %dma_wait3A_112 = arith.constant 0 : i32
    %dma_wait3A_113 = tpu.memref_slice %arg1[%get3A_0, %dma_wait3A_112] : memref<100000x64xf32, #tpu.memory_space<any>> -> memref<1x64xf32, #tpu.memory_space<any>>
    tpu.wait_dma2 semaphore(%arg3 : memref<!tpu.dma_semaphore, #tpu.memory_space<semaphore_mem>>) src(%dma_wait3A_113 : memref<1x64xf32, #tpu.memory_space<any>>) dst(%dma_wait3A_111 : memref<1x64xf32, #tpu.memory_space<vmem>>)
    %dma_wait3A_114 = arith.constant 1 : i32
    %dma_wait3A_115 = arith.constant 0 : i32
    %dma_wait3A_116 = tpu.memref_slice %arg2[%dma_wait3A_114, %dma_wait3A_115] : memref<16x64xf32, #tpu.memory_space<vmem>> -> memref<1x64xf32, #tpu.memory_space<vmem>>
    %dma_wait3A_117 = arith.constant 0 : i32
    %dma_wait3A_118 = tpu.memref_slice %arg1[%get3A_6, %dma_wait3A_117] : memref<100000x64xf32, #tpu.memory_space<any>> -> memref<1x64xf32, #tpu.memory_space<any>>
    tpu.wait_dma2 semaphore(%arg3 : memref<!tpu.dma_semaphore, #tpu.memory_space<semaphore_mem>>) src(%dma_wait3A_118 : memref<1x64xf32, #tpu.memory_space<any>>) dst(%dma_wait3A_116 : memref<1x64xf32, #tpu.memory_space<vmem>>)
    %dma_wait3A_119 = arith.constant 2 : i32
    %dma_wait3A_120 = arith.constant 0 : i32
    %dma_wait3A_121 = tpu.memref_slice %arg2[%dma_wait3A_119, %dma_wait3A_120] : memref<16x64xf32, #tpu.memory_space<vmem>> -> memref<1x64xf32, #tpu.memory_space<vmem>>
    %dma_wait3A_122 = arith.constant 0 : i32
    %dma_wait3A_123 = tpu.memref_slice %arg1[%get3A_13, %dma_wait3A_122] : memref<100000x64xf32, #tpu.memory_space<any>> -> memref<1x64xf32, #tpu.memory_space<any>>
    tpu.wait_dma2 semaphore(%arg3 : memref<!tpu.dma_semaphore, #tpu.memory_space<semaphore_mem>>) src(%dma_wait3A_123 : memref<1x64xf32, #tpu.memory_space<any>>) dst(%dma_wait3A_121 : memref<1x64xf32, #tpu.memory_space<vmem>>)
    %dma_wait3A_124 = arith.constant 3 : i32
    %dma_wait3A_125 = arith.constant 0 : i32
    %dma_wait3A_126 = tpu.memref_slice %arg2[%dma_wait3A_124, %dma_wait3A_125] : memref<16x64xf32, #tpu.memory_space<vmem>> -> memref<1x64xf32, #tpu.memory_space<vmem>>
    %dma_wait3A_127 = arith.constant 0 : i32
    %dma_wait3A_128 = tpu.memref_slice %arg1[%get3A_20, %dma_wait3A_127] : memref<100000x64xf32, #tpu.memory_space<any>> -> memref<1x64xf32, #tpu.memory_space<any>>
    tpu.wait_dma2 semaphore(%arg3 : memref<!tpu.dma_semaphore, #tpu.memory_space<semaphore_mem>>) src(%dma_wait3A_128 : memref<1x64xf32, #tpu.memory_space<any>>) dst(%dma_wait3A_126 : memref<1x64xf32, #tpu.memory_space<vmem>>)
    %dma_wait3A_129 = arith.constant 4 : i32
    %dma_wait3A_130 = arith.constant 0 : i32
    %dma_wait3A_131 = tpu.memref_slice %arg2[%dma_wait3A_129, %dma_wait3A_130] : memref<16x64xf32, #tpu.memory_space<vmem>> -> memref<1x64xf32, #tpu.memory_space<vmem>>
    %dma_wait3A_132 = arith.constant 0 : i32
    %dma_wait3A_133 = tpu.memref_slice %arg1[%get3A_27, %dma_wait3A_132] : memref<100000x64xf32, #tpu.memory_space<any>> -> memref<1x64xf32, #tpu.memory_space<any>>
    tpu.wait_dma2 semaphore(%arg3 : memref<!tpu.dma_semaphore, #tpu.memory_space<semaphore_mem>>) src(%dma_wait3A_133 : memref<1x64xf32, #tpu.memory_space<any>>) dst(%dma_wait3A_131 : memref<1x64xf32, #tpu.memory_space<vmem>>)
    %dma_wait3A_134 = arith.constant 5 : i32
    %dma_wait3A_135 = arith.constant 0 : i32
    %dma_wait3A_136 = tpu.memref_slice %arg2[%dma_wait3A_134, %dma_wait3A_135] : memref<16x64xf32, #tpu.memory_space<vmem>> -> memref<1x64xf32, #tpu.memory_space<vmem>>
    %dma_wait3A_137 = arith.constant 0 : i32
    %dma_wait3A_138 = tpu.memref_slice %arg1[%get3A_34, %dma_wait3A_137] : memref<100000x64xf32, #tpu.memory_space<any>> -> memref<1x64xf32, #tpu.memory_space<any>>
    tpu.wait_dma2 semaphore(%arg3 : memref<!tpu.dma_semaphore, #tpu.memory_space<semaphore_mem>>) src(%dma_wait3A_138 : memref<1x64xf32, #tpu.memory_space<any>>) dst(%dma_wait3A_136 : memref<1x64xf32, #tpu.memory_space<vmem>>)
    %dma_wait3A_139 = arith.constant 6 : i32
    %dma_wait3A_140 = arith.constant 0 : i32
    %dma_wait3A_141 = tpu.memref_slice %arg2[%dma_wait3A_139, %dma_wait3A_140] : memref<16x64xf32, #tpu.memory_space<vmem>> -> memref<1x64xf32, #tpu.memory_space<vmem>>
    %dma_wait3A_142 = arith.constant 0 : i32
    %dma_wait3A_143 = tpu.memref_slice %arg1[%get3A_41, %dma_wait3A_142] : memref<100000x64xf32, #tpu.memory_space<any>> -> memref<1x64xf32, #tpu.memory_space<any>>
    tpu.wait_dma2 semaphore(%arg3 : memref<!tpu.dma_semaphore, #tpu.memory_space<semaphore_mem>>) src(%dma_wait3A_143 : memref<1x64xf32, #tpu.memory_space<any>>) dst(%dma_wait3A_141 : memref<1x64xf32, #tpu.memory_space<vmem>>)
    %dma_wait3A_144 = arith.constant 7 : i32
    %dma_wait3A_145 = arith.constant 0 : i32
    %dma_wait3A_146 = tpu.memref_slice %arg2[%dma_wait3A_144, %dma_wait3A_145] : memref<16x64xf32, #tpu.memory_space<vmem>> -> memref<1x64xf32, #tpu.memory_space<vmem>>
    %dma_wait3A_147 = arith.constant 0 : i32
    %dma_wait3A_148 = tpu.memref_slice %arg1[%get3A_48, %dma_wait3A_147] : memref<100000x64xf32, #tpu.memory_space<any>> -> memref<1x64xf32, #tpu.memory_space<any>>
    tpu.wait_dma2 semaphore(%arg3 : memref<!tpu.dma_semaphore, #tpu.memory_space<semaphore_mem>>) src(%dma_wait3A_148 : memref<1x64xf32, #tpu.memory_space<any>>) dst(%dma_wait3A_146 : memref<1x64xf32, #tpu.memory_space<vmem>>)
    %dma_wait3A_149 = arith.constant 8 : i32
    %dma_wait3A_150 = arith.constant 0 : i32
    %dma_wait3A_151 = tpu.memref_slice %arg2[%dma_wait3A_149, %dma_wait3A_150] : memref<16x64xf32, #tpu.memory_space<vmem>> -> memref<1x64xf32, #tpu.memory_space<vmem>>
    %dma_wait3A_152 = arith.constant 0 : i32
    %dma_wait3A_153 = tpu.memref_slice %arg1[%get3A_55, %dma_wait3A_152] : memref<100000x64xf32, #tpu.memory_space<any>> -> memref<1x64xf32, #tpu.memory_space<any>>
    tpu.wait_dma2 semaphore(%arg3 : memref<!tpu.dma_semaphore, #tpu.memory_space<semaphore_mem>>) src(%dma_wait3A_153 : memref<1x64xf32, #tpu.memory_space<any>>) dst(%dma_wait3A_151 : memref<1x64xf32, #tpu.memory_space<vmem>>)
    %dma_wait3A_154 = arith.constant 9 : i32
    %dma_wait3A_155 = arith.constant 0 : i32
    %dma_wait3A_156 = tpu.memref_slice %arg2[%dma_wait3A_154, %dma_wait3A_155] : memref<16x64xf32, #tpu.memory_space<vmem>> -> memref<1x64xf32, #tpu.memory_space<vmem>>
    %dma_wait3A_157 = arith.constant 0 : i32
    %dma_wait3A_158 = tpu.memref_slice %arg1[%get3A_62, %dma_wait3A_157] : memref<100000x64xf32, #tpu.memory_space<any>> -> memref<1x64xf32, #tpu.memory_space<any>>
    tpu.wait_dma2 semaphore(%arg3 : memref<!tpu.dma_semaphore, #tpu.memory_space<semaphore_mem>>) src(%dma_wait3A_158 : memref<1x64xf32, #tpu.memory_space<any>>) dst(%dma_wait3A_156 : memref<1x64xf32, #tpu.memory_space<vmem>>)
    %dma_wait3A_159 = arith.constant 10 : i32
    %dma_wait3A_160 = arith.constant 0 : i32
    %dma_wait3A_161 = tpu.memref_slice %arg2[%dma_wait3A_159, %dma_wait3A_160] : memref<16x64xf32, #tpu.memory_space<vmem>> -> memref<1x64xf32, #tpu.memory_space<vmem>>
    %dma_wait3A_162 = arith.constant 0 : i32
    %dma_wait3A_163 = tpu.memref_slice %arg1[%get3A_69, %dma_wait3A_162] : memref<100000x64xf32, #tpu.memory_space<any>> -> memref<1x64xf32, #tpu.memory_space<any>>
    tpu.wait_dma2 semaphore(%arg3 : memref<!tpu.dma_semaphore, #tpu.memory_space<semaphore_mem>>) src(%dma_wait3A_163 : memref<1x64xf32, #tpu.memory_space<any>>) dst(%dma_wait3A_161 : memref<1x64xf32, #tpu.memory_space<vmem>>)
    %dma_wait3A_164 = arith.constant 11 : i32
    %dma_wait3A_165 = arith.constant 0 : i32
    %dma_wait3A_166 = tpu.memref_slice %arg2[%dma_wait3A_164, %dma_wait3A_165] : memref<16x64xf32, #tpu.memory_space<vmem>> -> memref<1x64xf32, #tpu.memory_space<vmem>>
    %dma_wait3A_167 = arith.constant 0 : i32
    %dma_wait3A_168 = tpu.memref_slice %arg1[%get3A_76, %dma_wait3A_167] : memref<100000x64xf32, #tpu.memory_space<any>> -> memref<1x64xf32, #tpu.memory_space<any>>
    tpu.wait_dma2 semaphore(%arg3 : memref<!tpu.dma_semaphore, #tpu.memory_space<semaphore_mem>>) src(%dma_wait3A_168 : memref<1x64xf32, #tpu.memory_space<any>>) dst(%dma_wait3A_166 : memref<1x64xf32, #tpu.memory_space<vmem>>)
    %dma_wait3A_169 = arith.constant 12 : i32
    %dma_wait3A_170 = arith.constant 0 : i32
    %dma_wait3A_171 = tpu.memref_slice %arg2[%dma_wait3A_169, %dma_wait3A_170] : memref<16x64xf32, #tpu.memory_space<vmem>> -> memref<1x64xf32, #tpu.memory_space<vmem>>
    %dma_wait3A_172 = arith.constant 0 : i32
    %dma_wait3A_173 = tpu.memref_slice %arg1[%get3A_83, %dma_wait3A_172] : memref<100000x64xf32, #tpu.memory_space<any>> -> memref<1x64xf32, #tpu.memory_space<any>>
    tpu.wait_dma2 semaphore(%arg3 : memref<!tpu.dma_semaphore, #tpu.memory_space<semaphore_mem>>) src(%dma_wait3A_173 : memref<1x64xf32, #tpu.memory_space<any>>) dst(%dma_wait3A_171 : memref<1x64xf32, #tpu.memory_space<vmem>>)
    %dma_wait3A_174 = arith.constant 13 : i32
    %dma_wait3A_175 = arith.constant 0 : i32
    %dma_wait3A_176 = tpu.memref_slice %arg2[%dma_wait3A_174, %dma_wait3A_175] : memref<16x64xf32, #tpu.memory_space<vmem>> -> memref<1x64xf32, #tpu.memory_space<vmem>>
    %dma_wait3A_177 = arith.constant 0 : i32
    %dma_wait3A_178 = tpu.memref_slice %arg1[%get3A_90, %dma_wait3A_177] : memref<100000x64xf32, #tpu.memory_space<any>> -> memref<1x64xf32, #tpu.memory_space<any>>
    tpu.wait_dma2 semaphore(%arg3 : memref<!tpu.dma_semaphore, #tpu.memory_space<semaphore_mem>>) src(%dma_wait3A_178 : memref<1x64xf32, #tpu.memory_space<any>>) dst(%dma_wait3A_176 : memref<1x64xf32, #tpu.memory_space<vmem>>)
    %dma_wait3A_179 = arith.constant 14 : i32
    %dma_wait3A_180 = arith.constant 0 : i32
    %dma_wait3A_181 = tpu.memref_slice %arg2[%dma_wait3A_179, %dma_wait3A_180] : memref<16x64xf32, #tpu.memory_space<vmem>> -> memref<1x64xf32, #tpu.memory_space<vmem>>
    %dma_wait3A_182 = arith.constant 0 : i32
    %dma_wait3A_183 = tpu.memref_slice %arg1[%get3A_97, %dma_wait3A_182] : memref<100000x64xf32, #tpu.memory_space<any>> -> memref<1x64xf32, #tpu.memory_space<any>>
    tpu.wait_dma2 semaphore(%arg3 : memref<!tpu.dma_semaphore, #tpu.memory_space<semaphore_mem>>) src(%dma_wait3A_183 : memref<1x64xf32, #tpu.memory_space<any>>) dst(%dma_wait3A_181 : memref<1x64xf32, #tpu.memory_space<vmem>>)
    %dma_wait3A_184 = arith.constant 15 : i32
    %dma_wait3A_185 = arith.constant 0 : i32
    %dma_wait3A_186 = tpu.memref_slice %arg2[%dma_wait3A_184, %dma_wait3A_185] : memref<16x64xf32, #tpu.memory_space<vmem>> -> memref<1x64xf32, #tpu.memory_space<vmem>>
    %dma_wait3A_187 = arith.constant 0 : i32
    %dma_wait3A_188 = tpu.memref_slice %arg1[%get3A_104, %dma_wait3A_187] : memref<100000x64xf32, #tpu.memory_space<any>> -> memref<1x64xf32, #tpu.memory_space<any>>
    tpu.wait_dma2 semaphore(%arg3 : memref<!tpu.dma_semaphore, #tpu.memory_space<semaphore_mem>>) src(%dma_wait3A_188 : memref<1x64xf32, #tpu.memory_space<any>>) dst(%dma_wait3A_186 : memref<1x64xf32, #tpu.memory_space<vmem>>)
    return
  }
}

module attributes {stable_mosaic.version = 14 : i64} {
  func.func @_mix_body(%arg0: i32, %arg1: memref<512x128xf32, #tpu.memory_space<vmem>>, %arg2: memref<512x55xf32, #tpu.memory_space<vmem>>, %arg3: memref<16x64xf32, #tpu.memory_space<vmem>>, %arg4: memref<55x128xf32, #tpu.memory_space<vmem>>, %arg5: memref<64x128xf32, #tpu.memory_space<vmem>>, %arg6: memref<1x128xf32, #tpu.memory_space<vmem>>, %arg7: memref<512x128xf32, #tpu.memory_space<vmem>>) attributes {dimension_semantics = [#tpu.dimension_semantics<arbitrary>], iteration_bounds = array<i64: 64>, scalar_prefetch = 0 : i64, scratch_operands = 0 : i64, tpu.core_type = #tpu.core_type<tc>, window_params = [{transform_indices = @transform_0, window_bounds = array<i64: 512, 128>}, {transform_indices = @transform_1, window_bounds = array<i64: 512, 55>}, {pipeline_mode = #tpu.pipeline_mode<synchronous>, transform_indices = @transform_2, window_bounds = array<i64: 16, 64>}, {pipeline_mode = #tpu.pipeline_mode<synchronous>, transform_indices = @transform_3, window_bounds = array<i64: 55, 128>}, {pipeline_mode = #tpu.pipeline_mode<synchronous>, transform_indices = @transform_4, window_bounds = array<i64: 64, 128>}, {pipeline_mode = #tpu.pipeline_mode<synchronous>, transform_indices = @transform_5, window_bounds = array<i64: 1, 128>}, {transform_indices = @transform_6, window_bounds = array<i64: 512, 128>}]} {
    %get3A = arith.constant 0 : index
    %get3A_0 = arith.constant 0 : index
    %get3A_1 = vector.load %arg1[%get3A, %get3A_0] : memref<512x128xf32, #tpu.memory_space<vmem>>, vector<512x128xf32>
    %get3A_2 = arith.constant 0 : index
    %get3A_3 = arith.constant 0 : index
    %get3A_4 = vector.load %arg2[%get3A_2, %get3A_3] : memref<512x55xf32, #tpu.memory_space<vmem>>, vector<512x55xf32>
    %get3A_5 = arith.constant 0 : index
    %get3A_6 = arith.constant 0 : index
    %get3A_7 = vector.load %arg4[%get3A_5, %get3A_6] : memref<55x128xf32, #tpu.memory_space<vmem>>, vector<55x128xf32>
    %dot_general3A = arith.constant dense<0.000000e+00> : vector<512x128xf32>
    %dot_general3A_8 = tpu.matmul %get3A_4, %get3A_7, %dot_general3A {dimension_numbers = #tpu.dot_dimension_numbers<[1], [0], [0], [1], [0, 0, 1, 1], [], []>, transpose_lhs_hint = false} : vector<512x55xf32>, vector<55x128xf32>, vector<512x128xf32> -> vector<512x128xf32>
    %add3A = arith.addf %get3A_1, %dot_general3A_8 : vector<512x128xf32>
    %jit3A = arith.constant 4 : i32
    %div3A = arith.divsi %arg0, %jit3A : i32
    %sign3A = arith.constant 0 : i32
    %sign3A_9 = arith.cmpi sgt, %arg0, %sign3A : i32
    %sign3A_10 = arith.extui %sign3A_9 : i1 to i32
    %sign3A_11 = arith.constant 0 : i32
    %sign3A_12 = arith.cmpi slt, %arg0, %sign3A_11 : i32
    %sign3A_13 = arith.extui %sign3A_12 : i1 to i32
    %sign3A_14 = arith.subi %sign3A_10, %sign3A_13 : i32
    %sign3A_15 = arith.constant 0 : i32
    %sign3A_16 = arith.cmpi sgt, %jit3A, %sign3A_15 : i32
    %sign3A_17 = arith.extui %sign3A_16 : i1 to i32
    %sign3A_18 = arith.constant 0 : i32
    %sign3A_19 = arith.cmpi slt, %jit3A, %sign3A_18 : i32
    %sign3A_20 = arith.extui %sign3A_19 : i1 to i32
    %sign3A_21 = arith.subi %sign3A_17, %sign3A_20 : i32
    %ne3A = arith.cmpi ne, %sign3A_14, %sign3A_21 : i32
    %rem3A = arith.remsi %arg0, %jit3A : i32
    %ne3A_22 = arith.constant 0 : i32
    %ne3A_23 = arith.cmpi ne, %rem3A, %ne3A_22 : i32
    %and3A = arith.andi %ne3A, %ne3A_23 : i1
    %sub3A = arith.constant 1 : i32
    %sub3A_24 = arith.subi %div3A, %sub3A : i32
    %select_n3A = arith.select %and3A, %sub3A_24, %div3A : i32
    %get3A_25 = arith.index_cast %select_n3A : i32 to index
    %get3A_26 = arith.constant 0 : index
    %get3A_27 = vector.load %arg3[%get3A_25, %get3A_26] : memref<16x64xf32, #tpu.memory_space<vmem>>, vector<1x64xf32>
    %get3A_28 = arith.constant 0 : index
    %get3A_29 = arith.constant 0 : index
    %get3A_30 = vector.load %arg5[%get3A_28, %get3A_29] : memref<64x128xf32, #tpu.memory_space<vmem>>, vector<64x128xf32>
    %dot_general3A_31 = arith.constant dense<0.000000e+00> : vector<1x128xf32>
    %dot_general3A_32 = tpu.matmul %get3A_27, %get3A_30, %dot_general3A_31 {dimension_numbers = #tpu.dot_dimension_numbers<[1], [0], [0], [1], [0, 0, 1, 1], [], []>, transpose_lhs_hint = false} : vector<1x64xf32>, vector<64x128xf32>, vector<1x128xf32> -> vector<1x128xf32>
    %add3A_33 = vector.broadcast %dot_general3A_32 : vector<1x128xf32> to vector<512x128xf32>
    %add3A_34 = arith.addf %add3A, %add3A_33 : vector<512x128xf32>
    %get3A_35 = arith.constant 0 : index
    %get3A_36 = arith.constant 0 : index
    %get3A_37 = vector.load %arg6[%get3A_35, %get3A_36] : memref<1x128xf32, #tpu.memory_space<vmem>>, vector<1x128xf32>
    %add3A_38 = vector.broadcast %get3A_37 : vector<1x128xf32> to vector<512x128xf32>
    %add3A_39 = arith.addf %add3A_34, %add3A_38 : vector<512x128xf32>
    %swap3A = arith.constant 0 : index
    %swap3A_40 = arith.constant 0 : index
    %swap3A_41 = vector.load %arg7[%swap3A, %swap3A_40] : memref<512x128xf32, #tpu.memory_space<vmem>>, vector<512x128xf32>
    tpu.vector_store %arg7[%swap3A, %swap3A_40], %add3A_39 {strides = array<i32>} : memref<512x128xf32, #tpu.memory_space<vmem>>, vector<512x128xf32>,
    return
  }
  func.func @transform_0(%arg0: i32) -> (i32, i32) {
    %c0_i32 = arith.constant 0 : i32
    %c0_i32_0 = arith.constant 0 : i32
    return %arg0, %c0_i32 : i32, i32
  }
  func.func @transform_1(%arg0: i32) -> (i32, i32) {
    %c0_i32 = arith.constant 0 : i32
    %c0_i32_0 = arith.constant 0 : i32
    return %arg0, %c0_i32 : i32, i32
  }
  func.func @transform_2(%arg0: i32) -> (i32, i32) {
    %c0_i32 = arith.constant 0 : i32
    %c0_i32_0 = arith.constant 0 : i32
    %c0_i32_1 = arith.constant 0 : i32
    return %c0_i32, %c0_i32_0 : i32, i32
  }
  func.func @transform_3(%arg0: i32) -> (i32, i32) {
    %c0_i32 = arith.constant 0 : i32
    %c0_i32_0 = arith.constant 0 : i32
    %c0_i32_1 = arith.constant 0 : i32
    return %c0_i32, %c0_i32_0 : i32, i32
  }
  func.func @transform_4(%arg0: i32) -> (i32, i32) {
    %c0_i32 = arith.constant 0 : i32
    %c0_i32_0 = arith.constant 0 : i32
    %c0_i32_1 = arith.constant 0 : i32
    return %c0_i32, %c0_i32_0 : i32, i32
  }
  func.func @transform_5(%arg0: i32) -> (i32, i32) {
    %c0_i32 = arith.constant 0 : i32
    %c0_i32_0 = arith.constant 0 : i32
    %c0_i32_1 = arith.constant 0 : i32
    return %c0_i32, %c0_i32_0 : i32, i32
  }
  func.func @transform_6(%arg0: i32) -> (i32, i32) {
    %c0_i32 = arith.constant 0 : i32
    %c0_i32_0 = arith.constant 0 : i32
    return %arg0, %c0_i32 : i32, i32
  }
}

</mosaic_0001>

<sc_bundles>
// kernel: kernel.6.cloned.1.call-start
scs
__scs_entry_jumppad:
0x0: {  	(pc) =	sbr.rel $0x88, $3  }
0x1: {  	(tag) =	ssettag $0x0;
	lr =	simm.s32 $0x1  }
0x2: {  	[smem:$0x3F98] =	sst lr;
	_ =	strace $0xD0000000  }
0x3: {  	_ = 	snop  }
0x4: {  	_ = 	snop  }
0x5: {  	_ = 	snop  }
0x6: {  	_ = 	snop  }
0x7: {  	_ = 	snop  }
__scs_overlays_trampoline_lowered:
0x8: {  	[smem:$0x3FA7] =	sst s0  }
0x9: {  	[smem:$0x3FA8] =	sst s1  }
0xa: {  	[smem:$0x3FA9] =	sst s2  }
0xb: {  	[smem:$0x3FAA] =	sst s3  }
0xc: {  	[smem:$0x3FAB] =	sst s4  }
0xd: {  	[smem:$0x3FAC] =	sst s5  }
0xe: {  	[smem:$0x3FAD] =	sst s6  }
0xf: {  	[smem:$0x3FAE] =	sst s7  }
0x10: {  	[smem:$0x3FAF] =	sst s8  }
0x11: {  	[smem:$0x3FB0] =	sst s9;
	s0 =	simm.s32 @!p0 $0x0  }
0x12: {  	s1 =	sld [smem:$0x3F96];
	s0 =	simm.s32 @p0 $0x1  }
0x13: {  	[smem:$0x3FB1] =	sst s0;
	s0 =	simm.s32 @!p1 $0x0  }
0x14: {  	s2 =	sld [smem:$0x3F95];
	s0 =	simm.s32 @p1 $0x1  }
0x15: {  	[smem:$0x3FB2] =	sst s0;
	s0 =	simm.s32 @!p2 $0x0  }
0x16: {  	s3 =	sld [smem:$0x3FDB];
	s0 =	simm.s32 @p2 $0x1  }
0x17: {  	s4 =	simm.s32 $0x1BF5;
	[smem:$0x3FB4] =	sst s0  }
0x18: {  	s0 =	sld [smem:$0x3F97];
	_ =	swait.ge [sflag:s4], $0x0  }
0x19: {  	s7 =	sld [smem:$0x3F98]  }
0x1a: {  	s8 =	sadd.s32 $0xFFFFE003, lr  }
0x1b: {  	s9 =	sadd.s32 $0xFFFFFEF7, lr;
	s5 =	simm.s32 $0xFFFFFFFF;
	p2 =	slt.u32 s8, $0xFFFFF086  }
0x1c: {  	p1 =	slt.u32 s9, $0xF7A;
	s5 =	simm.s32 @!p2 $0x0  }
0x1d: {  	s5 =	simm.s32 @p1 $0x1;
	p0 =	seq.s32 s7, s2  }
0x1e: {  	s7 =	smul.u32 @!p0 $0xF7A, s2;
	p2 =	seq.s32 @!p0 s5, $0x0  }
0x1f: {  	s9 =	smul.u32 $0xF7A, s1;
	s8 =	simm.s32 @!p0 $0x1BF5;
	p2 =	por !p2, p0  }
0x20: {  	[sflag:s8] =	ssyncset.s32 @!p0 $0xFFFFF086;
	s6 =	sadd.s32 @!p0 s3, s7;
	s7 =	simm.s32 @!p0 $0x108  }
0x21: {  	s3 =	sadd.s32 s3, s9;
	s6 =	sadd.s32 @!p0 $0x88, s6;
	s7 =	simm.s32 @p2 $0x1082  }
0x22: {  	[simem:s7], [sflag:s8] =	dma.local @!p0 [hbm:s6], $0xF7A  }
0x23: {  	s9 =	sor.u32 $0xD0000000, s2;
	s6 =	simm.s32 $0x108;
	_ =	swait.ge @!p0 [sflag:s8], $0x0  }
0x24: {  	s3 =	sadd.s32 $0x88, s3;
	s6 =	simm.s32 @!p1 $0x1082;
	[sflag:s4] =	ssyncset.s32 $0xFFFFF086  }
0x25: {  	[simem:s6], [sflag:s4] =	dma.local [hbm:s3], $0xF7A  }
0x26: {  	[smem:$0x3F98] =	sst s1;
	(tag) =	ssettag s2;
	_ =	strace s9  }
0x27: {  	s1 =	sld [smem:$0x3FA8]  }
0x28: {  	s2 =	sld [smem:$0x3FA9]  }
0x29: {  	s4 =	sld [smem:$0x3FAB]  }
0x2a: {  	p0 =	seq.s32 s5, $0x0;
	s5 =	sld [smem:$0x3FAC]  }
0x2b: {  	s6 =	sld [smem:$0x3FAD]  }
0x2c: {  	s7 =	sld [smem:$0x3FAE]  }
0x2d: {  	s3 =	simm.s32 $0x108;
	s8 =	sld [smem:$0x3FAF]  }
0x2e: {  	s3 =	simm.s32 @!p0 $0x1082;
	s9 =	sld [smem:$0x3FB0]  }
0x2f: {  	lr =	sadd.s32 s0, s3;
	s0 =	sld [smem:$0x3FA7]  }
0x30: {  	s3 =	sld [smem:$0x3FAA]  }
0x31: {  	[smem:$0x3FB3] =	sst s10  }
0x32: {  	s10 =	sld [smem:$0x3FB1];
	_ =	sdelay $0x3  }
0x33: {  	p0 =	seq.s32 s10, $0x1;
	s10 =	sld [smem:$0x3FB3];
	_ =	sdelay $0x3  }
0x34: {  	[smem:$0x3FB3] =	sst s10  }
0x35: {  	s10 =	sld [smem:$0x3FB2];
	_ =	sdelay $0x3  }
0x36: {  	p1 =	seq.s32 s10, $0x1;
	s10 =	sld [smem:$0x3FB3];
	_ =	sdelay $0x3  }
0x37: {  	[smem:$0x3FB3] =	sst s10  }
0x38: {  	s10 =	sld [smem:$0x3FB4]  }
0x39: {  	_ = 	snop;
	(pc) =	sbr.ind lr, $3  }
0x3a: {  	_ = 	snop  }
0x3b: {  	_ = 	snop  }
0x3c: {  	p2 =	seq.s32 s10, $0x1;
	s10 =	sld [smem:$0x3FB3]  }
0x3d: {  	_ =	shalt  }
0x3e: {  	_ =	shalt  }
0x3f: {  	_ =	shalt  }
0x40: {  	_ =	shalt  }
0x41: {  	_ =	shalt  }
0x42: {  	_ =	shalt  }
0x43: {  	_ =	shalt  }
0x44: {  	_ =	shalt  }
0x45: {  	_ =	shalt  }
0x46: {  	_ =	shalt  }
0x47: {  	_ =	shalt  }
0x48: {  	_ =	shalt  }
0x49: {  	_ =	shalt  }
0x4a: {  	_ =	shalt  }
0x4b: {  	_ =	shalt  }
0x4c: {  	_ =	shalt  }
0x4d: {  	_ =	shalt  }
0x4e: {  	_ =	shalt  }
0x4f: {  	_ =	shalt  }
0x50: {  	_ =	shalt  }
0x51: {  	_ =	shalt  }
0x52: {  	_ =	shalt  }
0x53: {  	_ =	shalt  }
0x54: {  	_ =	shalt  }
0x55: {  	_ =	shalt  }
0x56: {  	_ =	shalt  }
0x57: {  	_ =	shalt  }
0x58: {  	_ =	shalt  }
0x59: {  	_ =	shalt  }
0x5a: {  	_ =	shalt  }
0x5b: {  	_ =	shalt  }
0x5c: {  	_ =	shalt  }
0x5d: {  	_ =	shalt  }
0x5e: {  	_ =	shalt  }
0x5f: {  	_ =	shalt  }
0x60: {  	_ =	shalt  }
0x61: {  	_ =	shalt  }
0x62: {  	_ =	shalt  }
0x63: {  	_ =	shalt  }
0x64: {  	_ =	shalt  }
0x65: {  	_ =	shalt  }
0x66: {  	_ =	shalt  }
0x67: {  	_ =	shalt  }
0x68: {  	_ =	shalt  }
0x69: {  	_ =	shalt  }
0x6a: {  	_ =	shalt  }
0x6b: {  	_ =	shalt  }
0x6c: {  	_ =	shalt  }
0x6d: {  	_ =	shalt  }
0x6e: {  	_ =	shalt  }
0x6f: {  	_ =	shalt  }
0x70: {  	_ =	shalt  }
0x71: {  	_ =	shalt  }
0x72: {  	_ =	shalt  }
0x73: {  	_ =	shalt  }
0x74: {  	_ =	shalt  }
0x75: {  	_ =	shalt  }
0x76: {  	_ =	shalt  }
0x77: {  	_ =	shalt  }
0x78: {  	_ =	shalt  }
0x79: {  	_ =	shalt  }
0x7a: {  	_ =	shalt  }
0x7b: {  	_ =	shalt  }
0x7c: {  	_ =	shalt  }
0x7d: {  	_ =	shalt  }
0x7e: {  	_ =	shalt  }
0x7f: {  	_ =	shalt  }
0x80: {  	_ =	shalt  }
0x81: {  	_ =	shalt  }
0x82: {  	_ =	shalt  }
0x83: {  	_ =	shalt  }
0x84: {  	_ =	shalt  }
0x85: {  	_ =	shalt  }
0x86: {  	_ =	shalt  }
0x87: {  	_ =	shalt  }
.Lfunc_end0:
.L_simem_size_0:
called_computation_lowered:
.L_overlay_start_0:
0x88: {  	s2 =	sld [smem:$0x3FD9]  }
0x89: {  	s3 =	sld [smem:$0x3FFE];
	_ =	sdelay $0x1  }
0x8a: {  	s1 =	srdreg.scid  }
0x8b: {  	s0 =	sand.u32 $0x1, s1  }
0x8c: {  	s17 =	sshll.u32 s0, $0xA;
	s2 =	sadd.s32 s3, s2  }
0x8d: {  	s2 =	sadd.s32 s2, s17  }
0x8e: {  	[smem:$0x3FBF] =	sst s2  }
0x8f: {  	_ = 	snop  }
0x90: {  	s2 =	sld [smem:$0x3FD0];
	(tm) =	ssettm $0x1  }
0x91: {  	s18 =	sld [smem:$0x3FFB];
	_ =	sdelay $0x3  }
0x92: {  	_ =	strace s18  }
0x93: {  	s3 =	sld [smem:$0x3FFC];
	_ =	sdelay $0x3  }
0x94: {  	_ =	strace s3  }
0x95: {  	s3 =	sld [smem:$0x3FFD];
	_ =	sdelay $0x3  }
0x96: {  	_ =	strace s3  }
0x97: {  	_ =	strace $0x8FFFFFFF  }
0x98: {  	s19 =	sld [smem:$0x3FDB];
	_ =	sdelay $0x1  }
0x99: {  	s4 =	simm.s32 $_scs_section_size  }
0x9a: {  	s5 =	simm.s32 $_size__tile_overlayer_lowered;
	s6 =	simm.s32 $_tile_overlayer_lowered  }
0x9b: {  	s22 =	simm.s32 $0x1BFF;
	s21 =	sshll.u32 s6, $0x1;
	s3 =	sadd.s32 s4, s19  }
0x9c: {  	s7 =	simm.s32 $0x0;
	s20 =	sshll.u32 s5, $0x1;
	s5 =	sadd.s32 s21, s3  }
0x9d: {  	[timem:s7], [sflag:s22] =	dma.local [hbm:s5], s20  }
0x9e: {  	_ =	swait.ge [sflag:s22], s20  }
0x9f: {  	s4 =	ssub.s32 $0x0, s20;
	[sflag:s22] =	ssyncset.done $0x0  }
0xa0: {  	[sflag:s22] =	ssyncadd.s32 s4;
	_ =	sdelay $0x1  }
0xa1: {  	s23 =	simm.s32 $0x1B8B  }
0xa2: {  	_ =	swait.ge [sflag:s23], $0x1  }
0xa3: {  	[sflag:s23] =	ssyncset.done $0x0  }
0xa4: {  	s25 =	simm.s32 $0x1B8E;
	s24 =	sld [smem:$0x3FFE];
	[sflag:s23] =	ssyncadd.s32 $0xFFFFFFFF  }
0xa5: {  	s26 =	simm.s32 $execute0_lowered;
	[smem:$0x3FD2] =	sst s25  }
0xa6: {  	s5 =	sshll.u32 s26, $0x1;
	_ =	strace $0x80000046;
	[dreg:$0x1] =	wrdreg $0xFFFFFFFF  }
0xa7: {  	s28 =	simm.s32 $_size_execute0_lowered;
	s3 =	sadd.s32 s3, s5;
	[dreg:$0x0] =	wrdreg $0x0  }
0xa8: {  	s5 =	sshll.u32 s28, $0x1;
	[dreg:$0x2] =	wrdreg s3  }
0xa9: {  	[dreg:$0x3] =	wrdreg s5  }
0xaa: {  	[dreg:$0x4] =	wrdreg $0xC0  }
0xab: {  	_ =	task [dreg:s7], $0x5FFFF  }
0xac: {  	[dreg:$0x1] =	wrdreg $0xFFFFFFFF  }
0xad: {  	[dreg:$0x0] =	wrdreg $0x60  }
0xae: {  	[dreg:$0x2] =	wrdreg s24  }
0xaf: {  	[dreg:$0x3] =	wrdreg s2  }
0xb0: {  	[dreg:$0x4] =	wrdreg $0x9  }
0xb1: {  	_ =	task.clear_ibuf [dreg:s7], $0x5FFFF;
	_ =	strace $0x90000046  }
0xb2: {  	s29 =	simm.s32 $0x9;
	_ =	strace $0x80000048  }
0xb3: {  	_ =	swait.ge [sflag:s29], $0x1  }
0xb4: {  	[sflag:s29] =	ssyncadd.s32 $0xFFFFFFFF  }
0xb5: {  	_ =	strace $0x90000048  }
0xb6: {  	_ =	sfence  }
0xb7: {  	s30 =	sld [smem:$0x0];
	_ =	sdelay $0x2  }
0xb8: {  	s31 =	sshll.u32 s1, $0xD;
	s1 =	sshrl.u32 s1, $0x2  }
0xb9: {  	s3 =	sand.u32 $0x4000, s31;
	s1 =	sadd.s32 s1, s30  }
0xba: {  	s0 =	sor.u32 s3, s0;
	s1 =	sshll.u32 s1, $0x11  }
0xbb: {  	s0 =	sor.u32 s1, s0  }
0xbc: {  	s0 =	sadd.s32 $0x8F2B, s0  }
0xbd: {  	[sflag:s0] =	ssyncadd.remote.s32 $0x1  }
0xbe: {  	_ =	sfence.sel $0xFFFF  }
0xbf: {  	[dreg:$0x0] =	wrdreg $0xFFFFFFFF;
	(pc) =	sbr.abs _section_cstart, $3  }
0xc0: {  	[dreg:$0x1] =	wrdreg $0xFFFFFFFF  }
0xc1: {  	_ =	task.clear_ibuf [dreg:s7], $0x2FFFF;
	_ =	strace $0x9FFFFFFF  }
0xc2: {  	(tm) =	ssettm $0x7FFFFFFF  }
0xc3: {  	_ =	shalt  }
tec
execute0_lowered:
.L_overlay_start_1:
0x0: {  	(tag) =	ssettag $0x1  }
0x1: {  	s3 =	rddreg [dreg:$0x0]  }
0x2: {  	s4 =	rddreg [dreg:$0x1];
	s2 =	simm.s32 $0x0  }
0x3: {  	s8 =	simm.s32 $0x100;
	[smem:$0x7FF] =	sst s2  }
0x4: {  	s9 =	simm.s32 $0x200;
	_ =	strace $0x80000047;
	[dreg:$0x7] =	wrdreg s8  }
0x5: {  	s10 =	simm.s32 $0x300;
	[dreg:$0x8] =	wrdreg s9  }
0x6: {  	s12 =	simm.s32 $0x400;
	[dreg:$0x9] =	wrdreg s10  }
0x7: {  	s13 =	simm.s32 $0x500;
	[dreg:$0xa] =	wrdreg s12  }
0x8: {  	s14 =	simm.s32 $0x600;
	[dreg:$0xb] =	wrdreg s13  }
0x9: {  	s15 =	simm.s32 $0x700;
	[dreg:$0xc] =	wrdreg s14  }
0xa: {  	s16 =	simm.s32 $0x800;
	[dreg:$0xd] =	wrdreg s15  }
0xb: {  	s17 =	simm.s32 $0x900;
	[dreg:$0xe] =	wrdreg s16  }
0xc: {  	s18 =	simm.s32 $0x180;
	[dreg:$0xf] =	wrdreg s17  }
0xd: {  	s19 =	simm.s32 $0x280;
	[dreg:$0x10] =	wrdreg s18  }
0xe: {  	s20 =	simm.s32 $0x380;
	[dreg:$0x11] =	wrdreg s19  }
0xf: {  	s21 =	simm.s32 $0x480;
	[dreg:$0x12] =	wrdreg s20  }
0x10: {  	s22 =	simm.s32 $0x580;
	[dreg:$0x13] =	wrdreg s21  }
0x11: {  	s23 =	simm.s32 $0x680;
	[dreg:$0x14] =	wrdreg s22  }
0x12: {  	s24 =	simm.s32 $0x780;
	[dreg:$0x15] =	wrdreg s23  }
0x13: {  	s25 =	simm.s32 $0x880;
	[dreg:$0x16] =	wrdreg s24  }
0x14: {  	s26 =	simm.s32 $0x980;
	[dreg:$0x17] =	wrdreg s25  }
0x15: {  	[dreg:$0x18] =	wrdreg s26;
	s8 =	simm.s32 $0xD00  }
0x16: {  	s9 =	simm.s32 $0xE00;
	[dreg:$0x1d] =	wrdreg s8  }
0x17: {  	s10 =	simm.s32 $0xF00;
	[dreg:$0x1e] =	wrdreg s9  }
0x18: {  	s12 =	simm.s32 $0x1000;
	[dreg:$0x1f] =	wrdreg s10  }
0x19: {  	s13 =	simm.s32 $0x1100;
	[smem:$0x7DA] =	sst s12  }
0x1a: {  	s14 =	simm.s32 $0x1200;
	[smem:$0x7DB] =	sst s13  }
0x1b: {  	s15 =	simm.s32 $0x1300;
	[smem:$0x7DC] =	sst s14  }
0x1c: {  	s16 =	simm.s32 $0xB80;
	[smem:$0x7DD] =	sst s15  }
0x1d: {  	s17 =	simm.s32 $0xC80;
	[smem:$0x7DE] =	sst s16  }
0x1e: {  	s18 =	simm.s32 $0xD80;
	[smem:$0x7DF] =	sst s17  }
0x1f: {  	s19 =	simm.s32 $0xE80;
	[smem:$0x7E0] =	sst s18  }
0x20: {  	s20 =	simm.s32 $0xF80;
	[smem:$0x7E1] =	sst s19  }
0x21: {  	s21 =	simm.s32 $0x1080;
	[smem:$0x7E2] =	sst s20  }
0x22: {  	s22 =	simm.s32 $0x1180;
	[smem:$0x7E3] =	sst s21  }
0x23: {  	s23 =	simm.s32 $0x1280;
	[smem:$0x7E4] =	sst s22  }
0x24: {  	s24 =	simm.s32 $0x1380;
	[smem:$0x7E5] =	sst s23  }
0x25: {  	s25 =	simm.s32 $0x1400;
	[smem:$0x7E6] =	sst s24  }
0x26: {  	s0 =	srdreg.scid;
	s26 =	simm.s32 $0x1480;
	[smem:$0x7E7] =	sst s25  }
0x27: {  	s11 =	stileid.u32;
	[smem:$0x7E8] =	sst s26;
	s8 =	simm.s32 $0x1900  }
0x28: {  	s31 =	simm.s32 $0x4;
	s9 =	simm.s32 $0x1A00;
	[smem:$0x7ED] =	sst s8  }
0x29: {  	s29 =	simm.s32 $0x6800;
	s10 =	simm.s32 $0x1B00;
	[smem:$0x7EE] =	sst s9  }
0x2a: {  	p0 =	por $0x0, $0x0;
	s12 =	simm.s32 $0x1C00;
	[smem:$0x7EF] =	sst s10  }
0x2b: {  	s28 =	simm.s32 $0x2680;
	s13 =	simm.s32 $0x1D00;
	[smem:$0x7F0] =	sst s12  }
0x2c: {  	s1 =	sand.u32 $0x1, s0;
	s14 =	simm.s32 $0x1580;
	[smem:$0x7F1] =	sst s13  }
0x2d: {  	s5 =	sshll.u32 s11, $0x1;
	s15 =	simm.s32 $0x1680;
	[smem:$0x7F2] =	sst s14  }
0x2e: {  	s0 =	sor.u32 s1, s5;
	s17 =	simm.s32 $0x1780;
	[smem:$0x7F3] =	sst s15  }
0x2f: {  	s1 =	ssub.s32 $0x2, s1;
	s18 =	simm.s32 $0x1880;
	[smem:$0x7F4] =	sst s17  }
0x30: {  	s5 =	smul.u32 $0x500, s0;
	s19 =	simm.s32 $0x1980;
	[smem:$0x7F5] =	sst s18  }
0x31: {  	s0 =	sshll.u32 s0, $0xE;
	s20 =	simm.s32 $0x1A80;
	[smem:$0x7F6] =	sst s19  }
0x32: {  	s16 =	sshrl.u32 s1, $0x1;
	s21 =	simm.s32 $0x1B80;
	[smem:$0x7F7] =	sst s20  }
0x33: {  	s22 =	simm.s32 $0x1C80;
	s23 =	simm.s32 $0x1D80;
	[smem:$0x7F8] =	sst s21  }
0x34: {  	s24 =	simm.s32 $0x1E00;
	s25 =	simm.s32 $0x1E80;
	[smem:$0x7F9] =	sst s22  }
0x35: {  	s26 =	simm.s32 $0x1F00;
	s30 =	sadd.s32 s4, s0;
	[smem:$0x7FA] =	sst s23  }
0x36: {  	s4 =	simm.s32 $0xA00;
	s1 =	ssub.s32 s1, s16;
	[smem:$0x7FB] =	sst s24  }
0x37: {  	s8 =	simm.s32 $0x80;
	s10 =	simm.s32 $0x2800;
	[smem:$0x7FC] =	sst s25  }
0x38: {  	s9 =	simm.s32 $0xE800;
	[smem:$0x7FD] =	sst s26;
	s16 =	simm.s32 $0x2100  }
0x39: {  	s17 =	simm.s32 $0x2200;
	s18 =	simm.s32 $0x2300;
	s19 =	simm.s32 $0x2400  }
0x3a: {  	s20 =	simm.s32 $0x2500;
	s21 =	simm.s32 $0x2600;
	s22 =	simm.s32 $0x2700  }
0x3b: {  	s12 =	simm.s32 $0x1F80;
	s13 =	simm.s32 $0x2080;
	s14 =	simm.s32 $0x2180  }
0x3c: {  	s23 =	simm.s32 $0x2280;
	s0 =	sadd.s32 $0x1000, s30;
	[dreg:$0x19] =	wrdreg s4  }
0x3d: {  	s24 =	simm.s32 $0x2380;
	s6 =	sadd.s32 $0x2000, s30;
	[dreg:$0x4] =	wrdreg s0  }
0x3e: {  	s25 =	simm.s32 $0x2480;
	s7 =	sadd.s32 $0x3000, s30;
	[dreg:$0x5] =	wrdreg s6  }
0x3f: {  	s5 =	sadd.s32 s5, s3;
	s4 =	simm.s32 $0x1500;
	[dreg:$0x6] =	wrdreg s7  }
0x40: {  	s26 =	simm.s32 $0x2580;
	s5 =	sadd.s32 $0x83400, s5;
	[smem:$0x7E9] =	sst s4  }
0x41: {  	s15 =	simm.s32 $0x2780;
	s6 =	simm.s32 $0xB00;
	[dreg:$0x3] =	wrdreg s5  }
0x42: {  	s1 =	smax.u32 s1, $0x1;
	s7 =	simm.s32 $0xC00;
	[dreg:$0x1b] =	wrdreg s6  }
0x43: {  	p1 =	sne.s32 s1, $0x1;
	s5 =	simm.s32 $0xA80;
	[dreg:$0x1c] =	wrdreg s7  }
.Ltmp0:
0x44: {  	s6 =	simm.s32 $0x1700;
	[dreg:$0x1a] =	wrdreg s5;
	(pc) =	sbr.rel @!p1 .LBB2_1-.Ltmp0, $4  }
0x45: {  	s4 =	simm.s32 $0xA800;
	s7 =	simm.s32 $0x1800;
	[smem:$0x7EB] =	sst s6  }
0x46: {  	s1 =	sadd.s32 $0xFFFFFFFF, s1;
	s5 =	simm.s32 $0x1600;
	[smem:$0x7EC] =	sst s7  }
0x47: {  	s7 =	sadd.s32 $0x8D400, s3;
	s3 =	simm.s32 $0x1;
	s0 =	rddreg [dreg:$0x3]  }
0x48: {  	s6 =	simm.s32 $0x2;
	[smem:$0x7EA] =	sst s5;
	s5 =	simm.s32 $0x3  }
0x49: {  	[tilespmem:s2], [sflag:$0x4] =	stream.linear.gather [hbm4b:s0+s2], $0x2800, $0x38;
	[tilespmem:$0x12800] =	vst v63  }
0x4a: {  	_ =	swait.ge [sflag:s31], $0x2800  }
0x4b: {  	[sflag:s31] =	ssyncset.done $0x0  }
0x4c: {  	[sflag:s31] =	ssyncadd.s32 $0xFFFFD800  }
0x4d: {  	[tilespmem:s10], [sflag:$0x1] =	stream.indirect.gather [hbm4b:s7+s8], $0x80, s2, s8, $0xb8;
	[tilespmem:$0x12800] =	vst v63  }
0x4e: {  	_ = 	snop  }
0x4f: {  	[tilespmem:s29], [sflag:$0x1] =	stream.indirect.gather [hbm4b:s7+s8], $0x80, s8, s8, $0xb8;
	[tilespmem:$0x12800] =	vst v63  }
0x50: {  	_ =	swait.ge [sflag:s3], $0x4000  }
0x51: {  	[sflag:s3] =	ssyncset.done $0x0  }
0x52: {  	s0 =	rddreg [dreg:$0x7];
	[sflag:s3] =	ssyncadd.s32 $0xFFFFC000  }
0x53: {  	[tilespmem:s10], [sflag:$0x1] =	stream.indirect.gather.add.f32 [hbm:s7], $0x80, s0, s8, $0xb8;
	[tilespmem:$0x12800] =	vst v63  }
0x54: {  	s11 =	smov.u32 s1;
	s1 =	rddreg [dreg:$0x8]  }
0x55: {  	[tilespmem:s10], [sflag:$0x1] =	stream.indirect.gather.add.f32 [hbm:s7], $0x80, s1, s8, $0xb8;
	[tilespmem:$0x12800] =	vst v63  }
0x56: {  	s0 =	rddreg [dreg:$0x9]  }
0x57: {  	[tilespmem:s10], [sflag:$0x1] =	stream.indirect.gather.add.f32 [hbm:s7], $0x80, s0, s8, $0xb8;
	[tilespmem:$0x12800] =	vst v63  }
0x58: {  	s1 =	rddreg [dreg:$0xa]  }
0x59: {  	[tilespmem:s10], [sflag:$0x1] =	stream.indirect.gather.add.f32 [hbm:s7], $0x80, s1, s8, $0xb8;
	[tilespmem:$0x12800] =	vst v63  }
0x5a: {  	s0 =	rddreg [dreg:$0xb]  }
0x5b: {  	[tilespmem:s10], [sflag:$0x1] =	stream.indirect.gather.add.f32 [hbm:s7], $0x80, s0, s8, $0xb8;
	[tilespmem:$0x12800] =	vst v63  }
0x5c: {  	s1 =	rddreg [dreg:$0xc]  }
0x5d: {  	[tilespmem:s10], [sflag:$0x1] =	stream.indirect.gather.add.f32 [hbm:s7], $0x80, s1, s8, $0xb8;
	[tilespmem:$0x12800] =	vst v63  }
0x5e: {  	s0 =	rddreg [dreg:$0xd]  }
0x5f: {  	[tilespmem:s10], [sflag:$0x1] =	stream.indirect.gather.add.f32 [hbm:s7], $0x80, s0, s8, $0xb8;
	[tilespmem:$0x12800] =	vst v63  }
0x60: {  	s1 =	rddreg [dreg:$0xe]  }
0x61: {  	[tilespmem:s10], [sflag:$0x1] =	stream.indirect.gather.add.f32 [hbm:s7], $0x80, s1, s8, $0xb8;
	[tilespmem:$0x12800] =	vst v63  }
0x62: {  	s0 =	rddreg [dreg:$0xf]  }
0x63: {  	[tilespmem:s10], [sflag:$0x1] =	stream.indirect.gather.add.f32 [hbm:s7], $0x80, s0, s8, $0xb8;
	[tilespmem:$0x12800] =	vst v63  }
0x64: {  	_ =	swait.ge [sflag:s3], $0x4000  }
0x65: {  	[sflag:s3] =	ssyncset.done $0x0  }
0x66: {  	s0 =	rddreg [dreg:$0x10];
	[sflag:s3] =	ssyncadd.s32 $0xFFFFC000  }
0x67: {  	[tilespmem:s29], [sflag:$0x1] =	stream.indirect.gather.add.f32 [hbm:s7], $0x80, s0, s8, $0xb8;
	[tilespmem:$0x12800] =	vst v63  }
0x68: {  	s1 =	rddreg [dreg:$0x11]  }
0x69: {  	[tilespmem:s29], [sflag:$0x1] =	stream.indirect.gather.add.f32 [hbm:s7], $0x80, s1, s8, $0xb8;
	[tilespmem:$0x12800] =	vst v63  }
0x6a: {  	s0 =	rddreg [dreg:$0x12]  }
0x6b: {  	[tilespmem:s29], [sflag:$0x1] =	stream.indirect.gather.add.f32 [hbm:s7], $0x80, s0, s8, $0xb8;
	[tilespmem:$0x12800] =	vst v63  }
0x6c: {  	s1 =	rddreg [dreg:$0x13]  }
0x6d: {  	[tilespmem:s29], [sflag:$0x1] =	stream.indirect.gather.add.f32 [hbm:s7], $0x80, s1, s8, $0xb8;
	[tilespmem:$0x12800] =	vst v63  }
0x6e: {  	s0 =	rddreg [dreg:$0x14]  }
0x6f: {  	[tilespmem:s29], [sflag:$0x1] =	stream.indirect.gather.add.f32 [hbm:s7], $0x80, s0, s8, $0xb8;
	[tilespmem:$0x12800] =	vst v63  }
0x70: {  	s1 =	rddreg [dreg:$0x15]  }
0x71: {  	[tilespmem:s29], [sflag:$0x1] =	stream.indirect.gather.add.f32 [hbm:s7], $0x80, s1, s8, $0xb8;
	[tilespmem:$0x12800] =	vst v63  }
0x72: {  	s0 =	rddreg [dreg:$0x16]  }
0x73: {  	[tilespmem:s29], [sflag:$0x1] =	stream.indirect.gather.add.f32 [hbm:s7], $0x80, s0, s8, $0xb8;
	[tilespmem:$0x12800] =	vst v63  }
0x74: {  	s1 =	rddreg [dreg:$0x17]  }
0x75: {  	[tilespmem:s29], [sflag:$0x1] =	stream.indirect.gather.add.f32 [hbm:s7], $0x80, s1, s8, $0xb8;
	[tilespmem:$0x12800] =	vst v63  }
0x76: {  	s0 =	rddreg [dreg:$0x18]  }
0x77: {  	[tilespmem:s29], [sflag:$0x1] =	stream.indirect.gather.add.f32 [hbm:s7], $0x80, s0, s8, $0xb8;
	[tilespmem:$0x12800] =	vst v63  }
0x78: {  	_ =	swait.ge [sflag:s3], $0x4000  }
0x79: {  	[sflag:s3] =	ssyncset.done $0x0  }
0x7a: {  	[sflag:s3] =	ssyncadd.s32 $0xFFFFC000  }
0x7b: {  	_ =	swait.ge [sflag:s3], $0x4000  }
0x7c: {  	[sflag:s3] =	ssyncset.done $0x0  }
0x7d: {  	[sflag:s3] =	ssyncadd.s32 $0xFFFFC000  }
0x7e: {  	_ =	swait.ge [sflag:s3], $0x4000  }
0x7f: {  	[sflag:s3] =	ssyncset.done $0x0  }
0x80: {  	[sflag:s3] =	ssyncadd.s32 $0xFFFFC000  }
0x81: {  	_ =	swait.ge [sflag:s3], $0x4000  }
0x82: {  	[sflag:s3] =	ssyncset.done $0x0  }
0x83: {  	[sflag:s3] =	ssyncadd.s32 $0xFFFFC000  }
0x84: {  	_ =	swait.ge [sflag:s3], $0x4000  }
0x85: {  	[sflag:s3] =	ssyncset.done $0x0  }
0x86: {  	[sflag:s3] =	ssyncadd.s32 $0xFFFFC000  }
0x87: {  	_ =	swait.ge [sflag:s3], $0x4000  }
0x88: {  	[sflag:s3] =	ssyncset.done $0x0  }
0x89: {  	[sflag:s3] =	ssyncadd.s32 $0xFFFFC000  }
0x8a: {  	_ =	swait.ge [sflag:s3], $0x4000  }
0x8b: {  	[sflag:s3] =	ssyncset.done $0x0  }
0x8c: {  	[sflag:s3] =	ssyncadd.s32 $0xFFFFC000  }
0x8d: {  	_ =	swait.ge [sflag:s3], $0x4000  }
0x8e: {  	[sflag:s3] =	ssyncset.done $0x0  }
0x8f: {  	[sflag:s3] =	ssyncadd.s32 $0xFFFFC000  }
0x90: {  	_ =	swait.ge [sflag:s3], $0x4000  }
0x91: {  	[sflag:s3] =	ssyncset.done $0x0  }
0x92: {  	[sflag:s3] =	ssyncadd.s32 $0xFFFFC000  }
0x93: {  	_ =	swait.ge [sflag:s3], $0x4000  }
0x94: {  	[sflag:s3] =	ssyncset.done $0x0  }
0x95: {  	[sflag:s3] =	ssyncadd.s32 $0xFFFFC000  }
0x96: {  	_ =	swait.ge [sflag:s3], $0x4000  }
0x97: {  	[sflag:s3] =	ssyncset.done $0x0  }
0x98: {  	[sflag:s3] =	ssyncadd.s32 $0xFFFFC000  }
0x99: {  	_ =	swait.ge [sflag:s3], $0x4000  }
0x9a: {  	[sflag:s3] =	ssyncset.done $0x0  }
0x9b: {  	[sflag:s3] =	ssyncadd.s32 $0xFFFFC000  }
0x9c: {  	_ =	swait.ge [sflag:s3], $0x4000  }
0x9d: {  	[sflag:s3] =	ssyncset.done $0x0  }
0x9e: {  	[sflag:s3] =	ssyncadd.s32 $0xFFFFC000  }
0x9f: {  	_ =	swait.ge [sflag:s3], $0x4000  }
0xa0: {  	[sflag:s3] =	ssyncset.done $0x0  }
0xa1: {  	[sflag:s3] =	ssyncadd.s32 $0xFFFFC000  }
0xa2: {  	_ =	swait.ge [sflag:s3], $0x4000  }
0xa3: {  	[sflag:s3] =	ssyncset.done $0x0  }
0xa4: {  	[sflag:s3] =	ssyncadd.s32 $0xFFFFC000  }
0xa5: {  	_ =	swait.ge [sflag:s3], $0x4000  }
0xa6: {  	[sflag:s3] =	ssyncset.done $0x0  }
0xa7: {  	[sflag:s3] =	ssyncadd.s32 $0xFFFFC000  }
0xa8: {  	_ =	swait.ge [sflag:s3], $0x4000  }
0xa9: {  	[sflag:s3] =	ssyncset.done $0x0  }
0xaa: {  	[sflag:s3] =	ssyncadd.s32 $0xFFFFC000  }
0xab: {  	_ =	swait.ge [sflag:s3], $0x4000  }
0xac: {  	[sflag:s3] =	ssyncset.done $0x0  }
0xad: {  	[sflag:s3] =	ssyncadd.s32 $0xFFFFC000  }
0xae: {  	[hbm4b:s30+s2] =	stream.linear.scatter [tilespmem:s10], [sflag:$0x2], $0x8000, $0x38;
	[tilespmem:$0x12800] =	vst v63  }
0xaf: {  	s0 =	rddreg [dreg:$0x19]  }
0xb0: {  	[tilespmem:s4], [sflag:$0x1] =	stream.indirect.gather [hbm4b:s7+s8], $0x80, s0, s8, $0xb8;
	[tilespmem:$0x12800] =	vst v63  }
0xb1: {  	s1 =	rddreg [dreg:$0x1a]  }
0xb2: {  	[tilespmem:s9], [sflag:$0x1] =	stream.indirect.gather [hbm4b:s7+s8], $0x80, s1, s8, $0xb8;
	[tilespmem:$0x12800] =	vst v63  }
0xb3: {  	_ =	swait.ge [sflag:s3], $0x4000  }
0xb4: {  	s0 =	rddreg [dreg:$0x1b];
	[sflag:s3] =	ssyncset.done $0x0  }
0xb5: {  	s1 =	rddreg [dreg:$0x1c];
	[sflag:s3] =	ssyncadd.s32 $0xFFFFC000  }
0xb6: {  	[tilespmem:s4], [sflag:$0x1] =	stream.indirect.gather.add.f32 [hbm:s7], $0x80, s0, s8, $0xb8;
	[tilespmem:$0x12800] =	vst v63  }
0xb7: {  	s0 =	rddreg [dreg:$0x1d]  }
0xb8: {  	[tilespmem:s4], [sflag:$0x1] =	stream.indirect.gather.add.f32 [hbm:s7], $0x80, s1, s8, $0xb8;
	[tilespmem:$0x12800] =	vst v63  }
0xb9: {  	s1 =	rddreg [dreg:$0x1e]  }
0xba: {  	[tilespmem:s4], [sflag:$0x1] =	stream.indirect.gather.add.f32 [hbm:s7], $0x80, s0, s8, $0xb8;
	[tilespmem:$0x12800] =	vst v63  }
0xbb: {  	s0 =	rddreg [dreg:$0x1f]  }
0xbc: {  	[tilespmem:s4], [sflag:$0x1] =	stream.indirect.gather.add.f32 [hbm:s7], $0x80, s1, s8, $0xb8;
	[tilespmem:$0x12800] =	vst v63  }
0xbd: {  	s1 =	sld [smem:$0x7DA]  }
0xbe: {  	[tilespmem:s4], [sflag:$0x1] =	stream.indirect.gather.add.f32 [hbm:s7], $0x80, s0, s8, $0xb8;
	[tilespmem:$0x12800] =	vst v63  }
0xbf: {  	s0 =	sld [smem:$0x7DB]  }
0xc0: {  	[tilespmem:s4], [sflag:$0x1] =	stream.indirect.gather.add.f32 [hbm:s7], $0x80, s1, s8, $0xb8;
	[tilespmem:$0x12800] =	vst v63  }
0xc1: {  	s1 =	sld [smem:$0x7DC]  }
0xc2: {  	[tilespmem:s4], [sflag:$0x1] =	stream.indirect.gather.add.f32 [hbm:s7], $0x80, s0, s8, $0xb8;
	[tilespmem:$0x12800] =	vst v63  }
0xc3: {  	s0 =	sld [smem:$0x7DD]  }
0xc4: {  	[tilespmem:s4], [sflag:$0x1] =	stream.indirect.gather.add.f32 [hbm:s7], $0x80, s1, s8, $0xb8;
	[tilespmem:$0x12800] =	vst v63  }
0xc5: {  	_ = 	snop  }
0xc6: {  	[tilespmem:s4], [sflag:$0x1] =	stream.indirect.gather.add.f32 [hbm:s7], $0x80, s0, s8, $0xb8;
	[tilespmem:$0x12800] =	vst v63  }
0xc7: {  	_ =	swait.ge [sflag:s3], $0x4000  }
0xc8: {  	s0 =	sld [smem:$0x7DE]  }
0xc9: {  	[sflag:s3] =	ssyncset.done $0x0  }
0xca: {  	s1 =	sld [smem:$0x7DF];
	[sflag:s3] =	ssyncadd.s32 $0xFFFFC000  }
0xcb: {  	[tilespmem:s9], [sflag:$0x1] =	stream.indirect.gather.add.f32 [hbm:s7], $0x80, s0, s8, $0xb8;
	[tilespmem:$0x12800] =	vst v63  }
0xcc: {  	s0 =	sld [smem:$0x7E0]  }
0xcd: {  	[tilespmem:s9], [sflag:$0x1] =	stream.indirect.gather.add.f32 [hbm:s7], $0x80, s1, s8, $0xb8;
	[tilespmem:$0x12800] =	vst v63  }
0xce: {  	s1 =	sld [smem:$0x7E1]  }
0xcf: {  	[tilespmem:s9], [sflag:$0x1] =	stream.indirect.gather.add.f32 [hbm:s7], $0x80, s0, s8, $0xb8;
	[tilespmem:$0x12800] =	vst v63  }
0xd0: {  	s0 =	sld [smem:$0x7E2]  }
0xd1: {  	[tilespmem:s9], [sflag:$0x1] =	stream.indirect.gather.add.f32 [hbm:s7], $0x80, s1, s8, $0xb8;
	[tilespmem:$0x12800] =	vst v63  }
0xd2: {  	s1 =	sld [smem:$0x7E3]  }
0xd3: {  	[tilespmem:s9], [sflag:$0x1] =	stream.indirect.gather.add.f32 [hbm:s7], $0x80, s0, s8, $0xb8;
	[tilespmem:$0x12800] =	vst v63  }
0xd4: {  	s0 =	sld [smem:$0x7E4]  }
0xd5: {  	[tilespmem:s9], [sflag:$0x1] =	stream.indirect.gather.add.f32 [hbm:s7], $0x80, s1, s8, $0xb8;
	[tilespmem:$0x12800] =	vst v63  }
0xd6: {  	s1 =	sld [smem:$0x7E5]  }
0xd7: {  	[tilespmem:s9], [sflag:$0x1] =	stream.indirect.gather.add.f32 [hbm:s7], $0x80, s0, s8, $0xb8;
	[tilespmem:$0x12800] =	vst v63  }
0xd8: {  	s0 =	sld [smem:$0x7E6]  }
0xd9: {  	[tilespmem:s9], [sflag:$0x1] =	stream.indirect.gather.add.f32 [hbm:s7], $0x80, s1, s8, $0xb8;
	[tilespmem:$0x12800] =	vst v63  }
0xda: {  	_ = 	snop  }
0xdb: {  	[tilespmem:s9], [sflag:$0x1] =	stream.indirect.gather.add.f32 [hbm:s7], $0x80, s0, s8, $0xb8;
	[tilespmem:$0x12800] =	vst v63  }
0xdc: {  	_ =	swait.ge [sflag:s3], $0x4000  }
0xdd: {  	[sflag:s3] =	ssyncset.done $0x0  }
0xde: {  	[sflag:s3] =	ssyncadd.s32 $0xFFFFC000  }
0xdf: {  	_ =	swait.ge [sflag:s3], $0x4000  }
0xe0: {  	[sflag:s3] =	ssyncset.done $0x0  }
0xe1: {  	[sflag:s3] =	ssyncadd.s32 $0xFFFFC000  }
0xe2: {  	_ =	swait.ge [sflag:s3], $0x4000  }
0xe3: {  	[sflag:s3] =	ssyncset.done $0x0  }
0xe4: {  	[sflag:s3] =	ssyncadd.s32 $0xFFFFC000  }
0xe5: {  	_ =	swait.ge [sflag:s3], $0x4000  }
0xe6: {  	[sflag:s3] =	ssyncset.done $0x0  }
0xe7: {  	[sflag:s3] =	ssyncadd.s32 $0xFFFFC000  }
0xe8: {  	_ =	swait.ge [sflag:s3], $0x4000  }
0xe9: {  	[sflag:s3] =	ssyncset.done $0x0  }
0xea: {  	[sflag:s3] =	ssyncadd.s32 $0xFFFFC000  }
0xeb: {  	_ =	swait.ge [sflag:s3], $0x4000  }
0xec: {  	[sflag:s3] =	ssyncset.done $0x0  }
0xed: {  	[sflag:s3] =	ssyncadd.s32 $0xFFFFC000  }
0xee: {  	_ =	swait.ge [sflag:s3], $0x4000  }
0xef: {  	[sflag:s3] =	ssyncset.done $0x0  }
0xf0: {  	[sflag:s3] =	ssyncadd.s32 $0xFFFFC000  }
0xf1: {  	_ =	swait.ge [sflag:s3], $0x4000  }
0xf2: {  	[sflag:s3] =	ssyncset.done $0x0  }
0xf3: {  	[sflag:s3] =	ssyncadd.s32 $0xFFFFC000  }
0xf4: {  	_ =	swait.ge [sflag:s3], $0x4000  }
0xf5: {  	[sflag:s3] =	ssyncset.done $0x0  }
0xf6: {  	[sflag:s3] =	ssyncadd.s32 $0xFFFFC000  }
0xf7: {  	_ =	swait.ge [sflag:s3], $0x4000  }
0xf8: {  	[sflag:s3] =	ssyncset.done $0x0  }
0xf9: {  	[sflag:s3] =	ssyncadd.s32 $0xFFFFC000  }
0xfa: {  	_ =	swait.ge [sflag:s3], $0x4000  }
0xfb: {  	[sflag:s3] =	ssyncset.done $0x0  }
0xfc: {  	[sflag:s3] =	ssyncadd.s32 $0xFFFFC000  }
0xfd: {  	_ =	swait.ge [sflag:s3], $0x4000  }
0xfe: {  	[sflag:s3] =	ssyncset.done $0x0  }
0xff: {  	[sflag:s3] =	ssyncadd.s32 $0xFFFFC000  }
0x100: {  	_ =	swait.ge [sflag:s3], $0x4000  }
0x101: {  	[sflag:s3] =	ssyncset.done $0x0  }
0x102: {  	[sflag:s3] =	ssyncadd.s32 $0xFFFFC000  }
0x103: {  	_ =	swait.ge [sflag:s3], $0x4000  }
0x104: {  	[sflag:s3] =	ssyncset.done $0x0  }
0x105: {  	[sflag:s3] =	ssyncadd.s32 $0xFFFFC000  }
0x106: {  	_ =	swait.ge [sflag:s3], $0x4000  }
0x107: {  	[sflag:s3] =	ssyncset.done $0x0  }
0x108: {  	[sflag:s3] =	ssyncadd.s32 $0xFFFFC000  }
0x109: {  	_ =	swait.ge [sflag:s3], $0x4000  }
0x10a: {  	[sflag:s3] =	ssyncset.done $0x0  }
0x10b: {  	[sflag:s3] =	ssyncadd.s32 $0xFFFFC000  }
0x10c: {  	_ =	swait.ge [sflag:s3], $0x4000  }
0x10d: {  	[sflag:s3] =	ssyncset.done $0x0  }
0x10e: {  	[sflag:s3] =	ssyncadd.s32 $0xFFFFC000  }
0x10f: {  	_ =	swait.ge [sflag:s3], $0x4000  }
0x110: {  	[sflag:s3] =	ssyncset.done $0x0  }
0x111: {  	s1 =	rddreg [dreg:$0x4];
	[sflag:s3] =	ssyncadd.s32 $0xFFFFC000  }
0x112: {  	[hbm4b:s1+s2] =	stream.linear.scatter [tilespmem:s4], [sflag:$0x3], $0x8000, $0x38;
	[tilespmem:$0x12800] =	vst v63  }
0x113: {  	_ =	swait.ge [sflag:s6], $0x8000  }
0x114: {  	s0 =	sld [smem:$0x7E7]  }
0x115: {  	[sflag:s6] =	ssyncset.done $0x0  }
0x116: {  	s1 =	sld [smem:$0x7E8];
	[sflag:s6] =	ssyncadd.s32 $0xFFFF8000  }
0x117: {  	[tilespmem:s10], [sflag:$0x1] =	stream.indirect.gather [hbm4b:s7+s8], $0x80, s0, s8, $0xb8;
	[tilespmem:$0x12800] =	vst v63  }
0x118: {  	_ = 	snop  }
0x119: {  	[tilespmem:s29], [sflag:$0x1] =	stream.indirect.gather [hbm4b:s7+s8], $0x80, s1, s8, $0xb8;
	[tilespmem:$0x12800] =	vst v63  }
0x11a: {  	_ =	swait.ge [sflag:s3], $0x4000  }
0x11b: {  	s0 =	sld [smem:$0x7E9]  }
0x11c: {  	[sflag:s3] =	ssyncset.done $0x0  }
0x11d: {  	s1 =	sld [smem:$0x7EA];
	[sflag:s3] =	ssyncadd.s32 $0xFFFFC000  }
0x11e: {  	[tilespmem:s10], [sflag:$0x1] =	stream.indirect.gather.add.f32 [hbm:s7], $0x80, s0, s8, $0xb8;
	[tilespmem:$0x12800] =	vst v63  }
0x11f: {  	s0 =	sld [smem:$0x7EB]  }
0x120: {  	[tilespmem:s10], [sflag:$0x1] =	stream.indirect.gather.add.f32 [hbm:s7], $0x80, s1, s8, $0xb8;
	[tilespmem:$0x12800] =	vst v63  }
0x121: {  	s1 =	sld [smem:$0x7EC]  }
0x122: {  	[tilespmem:s10], [sflag:$0x1] =	stream.indirect.gather.add.f32 [hbm:s7], $0x80, s0, s8, $0xb8;
	[tilespmem:$0x12800] =	vst v63  }
0x123: {  	s0 =	sld [smem:$0x7ED]  }
0x124: {  	[tilespmem:s10], [sflag:$0x1] =	stream.indirect.gather.add.f32 [hbm:s7], $0x80, s1, s8, $0xb8;
	[tilespmem:$0x12800] =	vst v63  }
0x125: {  	s1 =	sld [smem:$0x7EE]  }
0x126: {  	[tilespmem:s10], [sflag:$0x1] =	stream.indirect.gather.add.f32 [hbm:s7], $0x80, s0, s8, $0xb8;
	[tilespmem:$0x12800] =	vst v63  }
0x127: {  	s0 =	sld [smem:$0x7EF]  }
0x128: {  	[tilespmem:s10], [sflag:$0x1] =	stream.indirect.gather.add.f32 [hbm:s7], $0x80, s1, s8, $0xb8;
	[tilespmem:$0x12800] =	vst v63  }
0x129: {  	s1 =	sld [smem:$0x7F0]  }
0x12a: {  	[tilespmem:s10], [sflag:$0x1] =	stream.indirect.gather.add.f32 [hbm:s7], $0x80, s0, s8, $0xb8;
	[tilespmem:$0x12800] =	vst v63  }
0x12b: {  	s0 =	sld [smem:$0x7F1]  }
0x12c: {  	[tilespmem:s10], [sflag:$0x1] =	stream.indirect.gather.add.f32 [hbm:s7], $0x80, s1, s8, $0xb8;
	[tilespmem:$0x12800] =	vst v63  }
0x12d: {  	_ = 	snop  }
0x12e: {  	[tilespmem:s10], [sflag:$0x1] =	stream.indirect.gather.add.f32 [hbm:s7], $0x80, s0, s8, $0xb8;
	[tilespmem:$0x12800] =	vst v63  }
0x12f: {  	_ =	swait.ge [sflag:s3], $0x4000  }
0x130: {  	s0 =	sld [smem:$0x7F2]  }
0x131: {  	[sflag:s3] =	ssyncset.done $0x0  }
0x132: {  	s1 =	sld [smem:$0x7F3];
	[sflag:s3] =	ssyncadd.s32 $0xFFFFC000  }
0x133: {  	[tilespmem:s29], [sflag:$0x1] =	stream.indirect.gather.add.f32 [hbm:s7], $0x80, s0, s8, $0xb8;
	[tilespmem:$0x12800] =	vst v63  }
0x134: {  	s0 =	sld [smem:$0x7F4]  }
0x135: {  	[tilespmem:s29], [sflag:$0x1] =	stream.indirect.gather.add.f32 [hbm:s7], $0x80, s1, s8, $0xb8;
	[tilespmem:$0x12800] =	vst v63  }
0x136: {  	s1 =	sld [smem:$0x7F5]  }
0x137: {  	[tilespmem:s29], [sflag:$0x1] =	stream.indirect.gather.add.f32 [hbm:s7], $0x80, s0, s8, $0xb8;
	[tilespmem:$0x12800] =	vst v63  }
0x138: {  	s0 =	sld [smem:$0x7F6]  }
0x139: {  	[tilespmem:s29], [sflag:$0x1] =	stream.indirect.gather.add.f32 [hbm:s7], $0x80, s1, s8, $0xb8;
	[tilespmem:$0x12800] =	vst v63  }
0x13a: {  	s1 =	sld [smem:$0x7F7]  }
0x13b: {  	[tilespmem:s29], [sflag:$0x1] =	stream.indirect.gather.add.f32 [hbm:s7], $0x80, s0, s8, $0xb8;
	[tilespmem:$0x12800] =	vst v63  }
0x13c: {  	s0 =	sld [smem:$0x7F8]  }
0x13d: {  	[tilespmem:s29], [sflag:$0x1] =	stream.indirect.gather.add.f32 [hbm:s7], $0x80, s1, s8, $0xb8;
	[tilespmem:$0x12800] =	vst v63  }
0x13e: {  	s1 =	sld [smem:$0x7F9]  }
0x13f: {  	[tilespmem:s29], [sflag:$0x1] =	stream.indirect.gather.add.f32 [hbm:s7], $0x80, s0, s8, $0xb8;
	[tilespmem:$0x12800] =	vst v63  }
0x140: {  	s0 =	sld [smem:$0x7FA]  }
0x141: {  	[tilespmem:s29], [sflag:$0x1] =	stream.indirect.gather.add.f32 [hbm:s7], $0x80, s1, s8, $0xb8;
	[tilespmem:$0x12800] =	vst v63  }
0x142: {  	_ = 	snop  }
0x143: {  	[tilespmem:s29], [sflag:$0x1] =	stream.indirect.gather.add.f32 [hbm:s7], $0x80, s0, s8, $0xb8;
	[tilespmem:$0x12800] =	vst v63  }
0x144: {  	_ =	swait.ge [sflag:s3], $0x4000  }
0x145: {  	[sflag:s3] =	ssyncset.done $0x0  }
0x146: {  	[sflag:s3] =	ssyncadd.s32 $0xFFFFC000  }
0x147: {  	_ =	swait.ge [sflag:s3], $0x4000  }
0x148: {  	[sflag:s3] =	ssyncset.done $0x0  }
0x149: {  	[sflag:s3] =	ssyncadd.s32 $0xFFFFC000  }
0x14a: {  	_ =	swait.ge [sflag:s3], $0x4000  }
0x14b: {  	[sflag:s3] =	ssyncset.done $0x0  }
0x14c: {  	[sflag:s3] =	ssyncadd.s32 $0xFFFFC000  }
0x14d: {  	_ =	swait.ge [sflag:s3], $0x4000  }
0x14e: {  	[sflag:s3] =	ssyncset.done $0x0  }
0x14f: {  	[sflag:s3] =	ssyncadd.s32 $0xFFFFC000  }
0x150: {  	_ =	swait.ge [sflag:s3], $0x4000  }
0x151: {  	[sflag:s3] =	ssyncset.done $0x0  }
0x152: {  	[sflag:s3] =	ssyncadd.s32 $0xFFFFC000  }
0x153: {  	_ =	swait.ge [sflag:s3], $0x4000  }
0x154: {  	[sflag:s3] =	ssyncset.done $0x0  }
0x155: {  	[sflag:s3] =	ssyncadd.s32 $0xFFFFC000  }
0x156: {  	_ =	swait.ge [sflag:s3], $0x4000  }
0x157: {  	[sflag:s3] =	ssyncset.done $0x0  }
0x158: {  	[sflag:s3] =	ssyncadd.s32 $0xFFFFC000  }
0x159: {  	_ =	swait.ge [sflag:s3], $0x4000  }
0x15a: {  	[sflag:s3] =	ssyncset.done $0x0  }
0x15b: {  	[sflag:s3] =	ssyncadd.s32 $0xFFFFC000  }
0x15c: {  	_ =	swait.ge [sflag:s3], $0x4000  }
0x15d: {  	[sflag:s3] =	ssyncset.done $0x0  }
0x15e: {  	[sflag:s3] =	ssyncadd.s32 $0xFFFFC000  }
0x15f: {  	_ =	swait.ge [sflag:s3], $0x4000  }
0x160: {  	[sflag:s3] =	ssyncset.done $0x0  }
0x161: {  	[sflag:s3] =	ssyncadd.s32 $0xFFFFC000  }
0x162: {  	_ =	swait.ge [sflag:s3], $0x4000  }
0x163: {  	[sflag:s3] =	ssyncset.done $0x0  }
0x164: {  	[sflag:s3] =	ssyncadd.s32 $0xFFFFC000  }
0x165: {  	_ =	swait.ge [sflag:s3], $0x4000  }
0x166: {  	[sflag:s3] =	ssyncset.done $0x0  }
0x167: {  	[sflag:s3] =	ssyncadd.s32 $0xFFFFC000  }
0x168: {  	_ =	swait.ge [sflag:s3], $0x4000  }
0x169: {  	[sflag:s3] =	ssyncset.done $0x0  }
0x16a: {  	[sflag:s3] =	ssyncadd.s32 $0xFFFFC000  }
0x16b: {  	_ =	swait.ge [sflag:s3], $0x4000  }
0x16c: {  	[sflag:s3] =	ssyncset.done $0x0  }
0x16d: {  	[sflag:s3] =	ssyncadd.s32 $0xFFFFC000  }
0x16e: {  	_ =	swait.ge [sflag:s3], $0x4000  }
0x16f: {  	[sflag:s3] =	ssyncset.done $0x0  }
0x170: {  	[sflag:s3] =	ssyncadd.s32 $0xFFFFC000  }
0x171: {  	_ =	swait.ge [sflag:s3], $0x4000  }
0x172: {  	[sflag:s3] =	ssyncset.done $0x0  }
0x173: {  	[sflag:s3] =	ssyncadd.s32 $0xFFFFC000  }
0x174: {  	_ =	swait.ge [sflag:s3], $0x4000  }
0x175: {  	[sflag:s3] =	ssyncset.done $0x0  }
0x176: {  	[sflag:s3] =	ssyncadd.s32 $0xFFFFC000  }
0x177: {  	_ =	swait.ge [sflag:s3], $0x4000  }
0x178: {  	[sflag:s3] =	ssyncset.done $0x0  }
0x179: {  	s1 =	rddreg [dreg:$0x5];
	[sflag:s3] =	ssyncadd.s32 $0xFFFFC000  }
0x17a: {  	[hbm4b:s1+s2] =	stream.linear.scatter [tilespmem:s10], [sflag:$0x2], $0x8000, $0x38;
	[tilespmem:$0x12800] =	vst v63  }
0x17b: {  	_ =	swait.ge [sflag:s5], $0x8000  }
0x17c: {  	s0 =	sld [smem:$0x7FB]  }
0x17d: {  	[sflag:s5] =	ssyncset.done $0x0  }
0x17e: {  	s1 =	sld [smem:$0x7FC];
	[sflag:s5] =	ssyncadd.s32 $0xFFFF8000  }
0x17f: {  	[tilespmem:s4], [sflag:$0x1] =	stream.indirect.gather [hbm4b:s7+s8], $0x80, s0, s8, $0xb8;
	[tilespmem:$0x12800] =	vst v63  }
0x180: {  	_ = 	snop  }
0x181: {  	[tilespmem:s9], [sflag:$0x1] =	stream.indirect.gather [hbm4b:s7+s8], $0x80, s1, s8, $0xb8;
	[tilespmem:$0x12800] =	vst v63  }
0x182: {  	_ =	swait.ge [sflag:s3], $0x4000  }
0x183: {  	s1 =	sld [smem:$0x7FD]  }
0x184: {  	[sflag:s3] =	ssyncset.done $0x0  }
0x185: {  	[sflag:s3] =	ssyncadd.s32 $0xFFFFC000  }
0x186: {  	[tilespmem:s4], [sflag:$0x1] =	stream.indirect.gather.add.f32 [hbm:s7], $0x80, s1, s8, $0xb8;
	[tilespmem:$0x12800] =	vst v63  }
0x187: {  	s1 =	simm.s32 $0x2000  }
0x188: {  	[tilespmem:s4], [sflag:$0x1] =	stream.indirect.gather.add.f32 [hbm:s7], $0x80, s1, s8, $0xb8;
	[tilespmem:$0x12800] =	vst v63  }
0x189: {  	_ = 	snop  }
0x18a: {  	[tilespmem:s4], [sflag:$0x1] =	stream.indirect.gather.add.f32 [hbm:s7], $0x80, s16, s8, $0xb8;
	[tilespmem:$0x12800] =	vst v63  }
0x18b: {  	_ = 	snop  }
0x18c: {  	[tilespmem:s4], [sflag:$0x1] =	stream.indirect.gather.add.f32 [hbm:s7], $0x80, s17, s8, $0xb8;
	[tilespmem:$0x12800] =	vst v63  }
0x18d: {  	_ = 	snop  }
0x18e: {  	[tilespmem:s4], [sflag:$0x1] =	stream.indirect.gather.add.f32 [hbm:s7], $0x80, s18, s8, $0xb8;
	[tilespmem:$0x12800] =	vst v63  }
0x18f: {  	_ = 	snop  }
0x190: {  	[tilespmem:s4], [sflag:$0x1] =	stream.indirect.gather.add.f32 [hbm:s7], $0x80, s19, s8, $0xb8;
	[tilespmem:$0x12800] =	vst v63  }
0x191: {  	_ = 	snop  }
0x192: {  	[tilespmem:s4], [sflag:$0x1] =	stream.indirect.gather.add.f32 [hbm:s7], $0x80, s20, s8, $0xb8;
	[tilespmem:$0x12800] =	vst v63  }
0x193: {  	_ = 	snop  }
0x194: {  	[tilespmem:s4], [sflag:$0x1] =	stream.indirect.gather.add.f32 [hbm:s7], $0x80, s21, s8, $0xb8;
	[tilespmem:$0x12800] =	vst v63  }
0x195: {  	_ = 	snop  }
0x196: {  	[tilespmem:s4], [sflag:$0x1] =	stream.indirect.gather.add.f32 [hbm:s7], $0x80, s22, s8, $0xb8;
	[tilespmem:$0x12800] =	vst v63  }
0x197: {  	_ =	swait.ge [sflag:s3], $0x4000  }
0x198: {  	[sflag:s3] =	ssyncset.done $0x0  }
0x199: {  	[sflag:s3] =	ssyncadd.s32 $0xFFFFC000  }
0x19a: {  	[tilespmem:s9], [sflag:$0x1] =	stream.indirect.gather.add.f32 [hbm:s7], $0x80, s12, s8, $0xb8;
	[tilespmem:$0x12800] =	vst v63  }
0x19b: {  	_ = 	snop  }
0x19c: {  	[tilespmem:s9], [sflag:$0x1] =	stream.indirect.gather.add.f32 [hbm:s7], $0x80, s13, s8, $0xb8;
	[tilespmem:$0x12800] =	vst v63  }
0x19d: {  	_ = 	snop  }
0x19e: {  	[tilespmem:s9], [sflag:$0x1] =	stream.indirect.gather.add.f32 [hbm:s7], $0x80, s14, s8, $0xb8;
	[tilespmem:$0x12800] =	vst v63  }
0x19f: {  	_ = 	snop  }
0x1a0: {  	[tilespmem:s9], [sflag:$0x1] =	stream.indirect.gather.add.f32 [hbm:s7], $0x80, s23, s8, $0xb8;
	[tilespmem:$0x12800] =	vst v63  }
0x1a1: {  	_ = 	snop  }
0x1a2: {  	[tilespmem:s9], [sflag:$0x1] =	stream.indirect.gather.add.f32 [hbm:s7], $0x80, s24, s8, $0xb8;
	[tilespmem:$0x12800] =	vst v63  }
0x1a3: {  	_ = 	snop  }
0x1a4: {  	[tilespmem:s9], [sflag:$0x1] =	stream.indirect.gather.add.f32 [hbm:s7], $0x80, s25, s8, $0xb8;
	[tilespmem:$0x12800] =	vst v63  }
0x1a5: {  	_ = 	snop  }
0x1a6: {  	[tilespmem:s9], [sflag:$0x1] =	stream.indirect.gather.add.f32 [hbm:s7], $0x80, s26, s8, $0xb8;
	[tilespmem:$0x12800] =	vst v63  }
0x1a7: {  	_ = 	snop  }
0x1a8: {  	[tilespmem:s9], [sflag:$0x1] =	stream.indirect.gather.add.f32 [hbm:s7], $0x80, s28, s8, $0xb8;
	[tilespmem:$0x12800] =	vst v63  }
0x1a9: {  	_ = 	snop  }
0x1aa: {  	[tilespmem:s9], [sflag:$0x1] =	stream.indirect.gather.add.f32 [hbm:s7], $0x80, s15, s8, $0xb8;
	[tilespmem:$0x12800] =	vst v63  }
0x1ab: {  	_ =	swait.ge [sflag:s3], $0x4000  }
0x1ac: {  	[sflag:s3] =	ssyncset.done $0x0  }
0x1ad: {  	[sflag:s3] =	ssyncadd.s32 $0xFFFFC000  }
0x1ae: {  	_ =	swait.ge [sflag:s3], $0x4000  }
0x1af: {  	[sflag:s3] =	ssyncset.done $0x0  }
0x1b0: {  	[sflag:s3] =	ssyncadd.s32 $0xFFFFC000  }
0x1b1: {  	_ =	swait.ge [sflag:s3], $0x4000  }
0x1b2: {  	[sflag:s3] =	ssyncset.done $0x0  }
0x1b3: {  	[sflag:s3] =	ssyncadd.s32 $0xFFFFC000  }
0x1b4: {  	_ =	swait.ge [sflag:s3], $0x4000  }
0x1b5: {  	[sflag:s3] =	ssyncset.done $0x0  }
0x1b6: {  	[sflag:s3] =	ssyncadd.s32 $0xFFFFC000  }
0x1b7: {  	_ =	swait.ge [sflag:s3], $0x4000  }
0x1b8: {  	[sflag:s3] =	ssyncset.done $0x0  }
0x1b9: {  	[sflag:s3] =	ssyncadd.s32 $0xFFFFC000  }
0x1ba: {  	_ =	swait.ge [sflag:s3], $0x4000  }
0x1bb: {  	[sflag:s3] =	ssyncset.done $0x0  }
0x1bc: {  	[sflag:s3] =	ssyncadd.s32 $0xFFFFC000  }
0x1bd: {  	_ =	swait.ge [sflag:s3], $0x4000  }
0x1be: {  	[sflag:s3] =	ssyncset.done $0x0  }
0x1bf: {  	[sflag:s3] =	ssyncadd.s32 $0xFFFFC000  }
0x1c0: {  	_ =	swait.ge [sflag:s3], $0x4000  }
0x1c1: {  	[sflag:s3] =	ssyncset.done $0x0  }
0x1c2: {  	[sflag:s3] =	ssyncadd.s32 $0xFFFFC000  }
0x1c3: {  	_ =	swait.ge [sflag:s3], $0x4000  }
0x1c4: {  	[sflag:s3] =	ssyncset.done $0x0  }
0x1c5: {  	[sflag:s3] =	ssyncadd.s32 $0xFFFFC000  }
0x1c6: {  	_ =	swait.ge [sflag:s3], $0x4000  }
0x1c7: {  	[sflag:s3] =	ssyncset.done $0x0  }
0x1c8: {  	[sflag:s3] =	ssyncadd.s32 $0xFFFFC000  }
0x1c9: {  	_ =	swait.ge [sflag:s3], $0x4000  }
0x1ca: {  	[sflag:s3] =	ssyncset.done $0x0  }
0x1cb: {  	[sflag:s3] =	ssyncadd.s32 $0xFFFFC000  }
0x1cc: {  	_ =	swait.ge [sflag:s3], $0x4000  }
0x1cd: {  	[sflag:s3] =	ssyncset.done $0x0  }
0x1ce: {  	[sflag:s3] =	ssyncadd.s32 $0xFFFFC000  }
0x1cf: {  	_ =	swait.ge [sflag:s3], $0x4000  }
0x1d0: {  	[sflag:s3] =	ssyncset.done $0x0  }
0x1d1: {  	[sflag:s3] =	ssyncadd.s32 $0xFFFFC000  }
0x1d2: {  	_ =	swait.ge [sflag:s3], $0x4000  }
0x1d3: {  	[sflag:s3] =	ssyncset.done $0x0  }
0x1d4: {  	[sflag:s3] =	ssyncadd.s32 $0xFFFFC000  }
0x1d5: {  	_ =	swait.ge [sflag:s3], $0x4000  }
0x1d6: {  	[sflag:s3] =	ssyncset.done $0x0  }
0x1d7: {  	[sflag:s3] =	ssyncadd.s32 $0xFFFFC000  }
0x1d8: {  	_ =	swait.ge [sflag:s3], $0x4000  }
0x1d9: {  	[sflag:s3] =	ssyncset.done $0x0  }
0x1da: {  	[sflag:s3] =	ssyncadd.s32 $0xFFFFC000  }
0x1db: {  	_ =	swait.ge [sflag:s3], $0x4000  }
0x1dc: {  	[sflag:s3] =	ssyncset.done $0x0  }
0x1dd: {  	[sflag:s3] =	ssyncadd.s32 $0xFFFFC000  }
0x1de: {  	_ =	swait.ge [sflag:s3], $0x4000  }
0x1df: {  	[sflag:s3] =	ssyncset.done $0x0  }
0x1e0: {  	p1 =	sne.s32 s11, $0x1;
	s1 =	rddreg [dreg:$0x6];
	[sflag:s3] =	ssyncadd.s32 $0xFFFFC000  }
0x1e1: {  	[hbm4b:s1+s2] =	stream.linear.scatter [tilespmem:s4], [sflag:$0x3], $0x8000, $0x38;
	[tilespmem:$0x12800] =	vst v63  }
.Ltmp1:
0x1e2: {  	_ =	swait.ge [sflag:s6], $0x8000;
	(pc) =	sbr.rel @!p1 .LBB2_3-.Ltmp1, $4  }
0x1e3: {  	[sflag:s6] =	ssyncset.done $0x0  }
0x1e4: {  	[sflag:s6] =	ssyncadd.s32 $0xFFFF8000  }
0x1e5: {  	p0 =	por $0x1, $0x1;
	_ =	swait.ge [sflag:s5], $0x8000  }
0x1e6: {  	s1 =	sadd.s32 $0xFFFFFFFF, s11;
	s0 =	rddreg [dreg:$0x3];
	[sflag:s5] =	ssyncset.done $0x0  }
.LBB2_4:
0x1e7: {  	[sflag:s5] =	ssyncadd.s32 $0xFFFF8000  }
0x1e8: {  	[tilespmem:s2], [sflag:$0x4] =	stream.linear.gather [hbm4b:s0+s2], $0x2800, $0x38;
	[tilespmem:$0x12800] =	vst v63  }
0x1e9: {  	_ =	swait.ge [sflag:s31], $0x2800  }
0x1ea: {  	[sflag:s31] =	ssyncset.done $0x0  }
0x1eb: {  	[sflag:s31] =	ssyncadd.s32 $0xFFFFD800  }
0x1ec: {  	[tilespmem:s10], [sflag:$0x1] =	stream.indirect.gather [hbm4b:s7+s8], $0x80, s2, s8, $0xb8;
	[tilespmem:$0x12800] =	vst v63  }
0x1ed: {  	_ = 	snop  }
0x1ee: {  	[tilespmem:s29], [sflag:$0x1] =	stream.indirect.gather [hbm4b:s7+s8], $0x80, s8, s8, $0xb8;
	[tilespmem:$0x12800] =	vst v63  }
0x1ef: {  	_ =	swait.ge [sflag:s3], $0x4000  }
0x1f0: {  	[sflag:s3] =	ssyncset.done $0x0  }
0x1f1: {  	s0 =	rddreg [dreg:$0x7];
	[sflag:s3] =	ssyncadd.s32 $0xFFFFC000  }
0x1f2: {  	[tilespmem:s10], [sflag:$0x1] =	stream.indirect.gather.add.f32 [hbm:s7], $0x80, s0, s8, $0xb8;
	[tilespmem:$0x12800] =	vst v63  }
0x1f3: {  	s11 =	rddreg [dreg:$0x8]  }
0x1f4: {  	[tilespmem:s10], [sflag:$0x1] =	stream.indirect.gather.add.f32 [hbm:s7], $0x80, s11, s8, $0xb8;
	[tilespmem:$0x12800] =	vst v63  }
0x1f5: {  	s0 =	rddreg [dreg:$0x9]  }
0x1f6: {  	[tilespmem:s10], [sflag:$0x1] =	stream.indirect.gather.add.f32 [hbm:s7], $0x80, s0, s8, $0xb8;
	[tilespmem:$0x12800] =	vst v63  }
0x1f7: {  	s11 =	rddreg [dreg:$0xa]  }
0x1f8: {  	[tilespmem:s10], [sflag:$0x1] =	stream.indirect.gather.add.f32 [hbm:s7], $0x80, s11, s8, $0xb8;
	[tilespmem:$0x12800] =	vst v63  }
0x1f9: {  	s0 =	rddreg [dreg:$0xb]  }
0x1fa: {  	[tilespmem:s10], [sflag:$0x1] =	stream.indirect.gather.add.f32 [hbm:s7], $0x80, s0, s8, $0xb8;
	[tilespmem:$0x12800] =	vst v63  }
0x1fb: {  	s11 =	rddreg [dreg:$0xc]  }
0x1fc: {  	[tilespmem:s10], [sflag:$0x1] =	stream.indirect.gather.add.f32 [hbm:s7], $0x80, s11, s8, $0xb8;
	[tilespmem:$0x12800] =	vst v63  }
0x1fd: {  	s0 =	rddreg [dreg:$0xd]  }
0x1fe: {  	[tilespmem:s10], [sflag:$0x1] =	stream.indirect.gather.add.f32 [hbm:s7], $0x80, s0, s8, $0xb8;
	[tilespmem:$0x12800] =	vst v63  }
0x1ff: {  	s11 =	rddreg [dreg:$0xe]  }
0x200: {  	[tilespmem:s10], [sflag:$0x1] =	stream.indirect.gather.add.f32 [hbm:s7], $0x80, s11, s8, $0xb8;
	[tilespmem:$0x12800] =	vst v63  }
0x201: {  	s0 =	rddreg [dreg:$0xf]  }
0x202: {  	[tilespmem:s10], [sflag:$0x1] =	stream.indirect.gather.add.f32 [hbm:s7], $0x80, s0, s8, $0xb8;
	[tilespmem:$0x12800] =	vst v63  }
0x203: {  	_ =	swait.ge [sflag:s3], $0x4000  }
0x204: {  	[sflag:s3] =	ssyncset.done $0x0  }
0x205: {  	s0 =	rddreg [dreg:$0x10];
	[sflag:s3] =	ssyncadd.s32 $0xFFFFC000  }
0x206: {  	[tilespmem:s29], [sflag:$0x1] =	stream.indirect.gather.add.f32 [hbm:s7], $0x80, s0, s8, $0xb8;
	[tilespmem:$0x12800] =	vst v63  }
0x207: {  	s11 =	rddreg [dreg:$0x11]  }
0x208: {  	[tilespmem:s29], [sflag:$0x1] =	stream.indirect.gather.add.f32 [hbm:s7], $0x80, s11, s8, $0xb8;
	[tilespmem:$0x12800] =	vst v63  }
0x209: {  	s0 =	rddreg [dreg:$0x12]  }
0x20a: {  	[tilespmem:s29], [sflag:$0x1] =	stream.indirect.gather.add.f32 [hbm:s7], $0x80, s0, s8, $0xb8;
	[tilespmem:$0x12800] =	vst v63  }
0x20b: {  	s11 =	rddreg [dreg:$0x13]  }
0x20c: {  	[tilespmem:s29], [sflag:$0x1] =	stream.indirect.gather.add.f32 [hbm:s7], $0x80, s11, s8, $0xb8;
	[tilespmem:$0x12800] =	vst v63  }
0x20d: {  	s0 =	rddreg [dreg:$0x14]  }
0x20e: {  	[tilespmem:s29], [sflag:$0x1] =	stream.indirect.gather.add.f32 [hbm:s7], $0x80, s0, s8, $0xb8;
	[tilespmem:$0x12800] =	vst v63  }
0x20f: {  	s11 =	rddreg [dreg:$0x15]  }
0x210: {  	[tilespmem:s29], [sflag:$0x1] =	stream.indirect.gather.add.f32 [hbm:s7], $0x80, s11, s8, $0xb8;
	[tilespmem:$0x12800] =	vst v63  }
0x211: {  	s0 =	rddreg [dreg:$0x16]  }
0x212: {  	[tilespmem:s29], [sflag:$0x1] =	stream.indirect.gather.add.f32 [hbm:s7], $0x80, s0, s8, $0xb8;
	[tilespmem:$0x12800] =	vst v63  }
0x213: {  	s11 =	rddreg [dreg:$0x17]  }
0x214: {  	[tilespmem:s29], [sflag:$0x1] =	stream.indirect.gather.add.f32 [hbm:s7], $0x80, s11, s8, $0xb8;
	[tilespmem:$0x12800] =	vst v63  }
0x215: {  	s0 =	rddreg [dreg:$0x18]  }
0x216: {  	[tilespmem:s29], [sflag:$0x1] =	stream.indirect.gather.add.f32 [hbm:s7], $0x80, s0, s8, $0xb8;
	[tilespmem:$0x12800] =	vst v63  }
0x217: {  	_ =	swait.ge [sflag:s3], $0x4000  }
0x218: {  	[sflag:s3] =	ssyncset.done $0x0  }
0x219: {  	[sflag:s3] =	ssyncadd.s32 $0xFFFFC000  }
0x21a: {  	_ =	swait.ge [sflag:s3], $0x4000  }
0x21b: {  	[sflag:s3] =	ssyncset.done $0x0  }
0x21c: {  	[sflag:s3] =	ssyncadd.s32 $0xFFFFC000  }
0x21d: {  	_ =	swait.ge [sflag:s3], $0x4000  }
0x21e: {  	[sflag:s3] =	ssyncset.done $0x0  }
0x21f: {  	[sflag:s3] =	ssyncadd.s32 $0xFFFFC000  }
0x220: {  	_ =	swait.ge [sflag:s3], $0x4000  }
0x221: {  	[sflag:s3] =	ssyncset.done $0x0  }
0x222: {  	[sflag:s3] =	ssyncadd.s32 $0xFFFFC000  }
0x223: {  	_ =	swait.ge [sflag:s3], $0x4000  }
0x224: {  	[sflag:s3] =	ssyncset.done $0x0  }
0x225: {  	[sflag:s3] =	ssyncadd.s32 $0xFFFFC000  }
0x226: {  	_ =	swait.ge [sflag:s3], $0x4000  }
0x227: {  	[sflag:s3] =	ssyncset.done $0x0  }
0x228: {  	[sflag:s3] =	ssyncadd.s32 $0xFFFFC000  }
0x229: {  	_ =	swait.ge [sflag:s3], $0x4000  }
0x22a: {  	[sflag:s3] =	ssyncset.done $0x0  }
0x22b: {  	[sflag:s3] =	ssyncadd.s32 $0xFFFFC000  }
0x22c: {  	_ =	swait.ge [sflag:s3], $0x4000  }
0x22d: {  	[sflag:s3] =	ssyncset.done $0x0  }
0x22e: {  	[sflag:s3] =	ssyncadd.s32 $0xFFFFC000  }
0x22f: {  	_ =	swait.ge [sflag:s3], $0x4000  }
0x230: {  	[sflag:s3] =	ssyncset.done $0x0  }
0x231: {  	[sflag:s3] =	ssyncadd.s32 $0xFFFFC000  }
0x232: {  	_ =	swait.ge [sflag:s3], $0x4000  }
0x233: {  	[sflag:s3] =	ssyncset.done $0x0  }
0x234: {  	[sflag:s3] =	ssyncadd.s32 $0xFFFFC000  }
0x235: {  	_ =	swait.ge [sflag:s3], $0x4000  }
0x236: {  	[sflag:s3] =	ssyncset.done $0x0  }
0x237: {  	[sflag:s3] =	ssyncadd.s32 $0xFFFFC000  }
0x238: {  	_ =	swait.ge [sflag:s3], $0x4000  }
0x239: {  	[sflag:s3] =	ssyncset.done $0x0  }
0x23a: {  	[sflag:s3] =	ssyncadd.s32 $0xFFFFC000  }
0x23b: {  	_ =	swait.ge [sflag:s3], $0x4000  }
0x23c: {  	[sflag:s3] =	ssyncset.done $0x0  }
0x23d: {  	[sflag:s3] =	ssyncadd.s32 $0xFFFFC000  }
0x23e: {  	_ =	swait.ge [sflag:s3], $0x4000  }
0x23f: {  	[sflag:s3] =	ssyncset.done $0x0  }
0x240: {  	[sflag:s3] =	ssyncadd.s32 $0xFFFFC000  }
0x241: {  	_ =	swait.ge [sflag:s3], $0x4000  }
0x242: {  	[sflag:s3] =	ssyncset.done $0x0  }
0x243: {  	[sflag:s3] =	ssyncadd.s32 $0xFFFFC000  }
0x244: {  	_ =	swait.ge [sflag:s3], $0x4000  }
0x245: {  	[sflag:s3] =	ssyncset.done $0x0  }
0x246: {  	[sflag:s3] =	ssyncadd.s32 $0xFFFFC000  }
0x247: {  	_ =	swait.ge [sflag:s3], $0x4000  }
0x248: {  	[sflag:s3] =	ssyncset.done $0x0  }
0x249: {  	[sflag:s3] =	ssyncadd.s32 $0xFFFFC000  }
0x24a: {  	_ =	swait.ge [sflag:s3], $0x4000  }
0x24b: {  	[sflag:s3] =	ssyncset.done $0x0  }
0x24c: {  	[sflag:s3] =	ssyncadd.s32 $0xFFFFC000  }
0x24d: {  	[hbm4b:s30+s2] =	stream.linear.scatter [tilespmem:s10], [sflag:$0x2], $0x8000, $0x38;
	[tilespmem:$0x12800] =	vst v63  }
0x24e: {  	s0 =	rddreg [dreg:$0x19]  }
0x24f: {  	[tilespmem:s4], [sflag:$0x1] =	stream.indirect.gather [hbm4b:s7+s8], $0x80, s0, s8, $0xb8;
	[tilespmem:$0x12800] =	vst v63  }
0x250: {  	s11 =	rddreg [dreg:$0x1a]  }
0x251: {  	[tilespmem:s9], [sflag:$0x1] =	stream.indirect.gather [hbm4b:s7+s8], $0x80, s11, s8, $0xb8;
	[tilespmem:$0x12800] =	vst v63  }
0x252: {  	_ =	swait.ge [sflag:s3], $0x4000  }
0x253: {  	s0 =	rddreg [dreg:$0x1b];
	[sflag:s3] =	ssyncset.done $0x0  }
0x254: {  	s11 =	rddreg [dreg:$0x1c];
	[sflag:s3] =	ssyncadd.s32 $0xFFFFC000  }
0x255: {  	[tilespmem:s4], [sflag:$0x1] =	stream.indirect.gather.add.f32 [hbm:s7], $0x80, s0, s8, $0xb8;
	[tilespmem:$0x12800] =	vst v63  }
0x256: {  	s0 =	rddreg [dreg:$0x1d]  }
0x257: {  	[tilespmem:s4], [sflag:$0x1] =	stream.indirect.gather.add.f32 [hbm:s7], $0x80, s11, s8, $0xb8;
	[tilespmem:$0x12800] =	vst v63  }
0x258: {  	s11 =	rddreg [dreg:$0x1e]  }
0x259: {  	[tilespmem:s4], [sflag:$0x1] =	stream.indirect.gather.add.f32 [hbm:s7], $0x80, s0, s8, $0xb8;
	[tilespmem:$0x12800] =	vst v63  }
0x25a: {  	s0 =	rddreg [dreg:$0x1f]  }
0x25b: {  	[tilespmem:s4], [sflag:$0x1] =	stream.indirect.gather.add.f32 [hbm:s7], $0x80, s11, s8, $0xb8;
	[tilespmem:$0x12800] =	vst v63  }
0x25c: {  	s11 =	sld [smem:$0x7DA]  }
0x25d: {  	[tilespmem:s4], [sflag:$0x1] =	stream.indirect.gather.add.f32 [hbm:s7], $0x80, s0, s8, $0xb8;
	[tilespmem:$0x12800] =	vst v63  }
0x25e: {  	s0 =	sld [smem:$0x7DB]  }
0x25f: {  	[tilespmem:s4], [sflag:$0x1] =	stream.indirect.gather.add.f32 [hbm:s7], $0x80, s11, s8, $0xb8;
	[tilespmem:$0x12800] =	vst v63  }
0x260: {  	s11 =	sld [smem:$0x7DC]  }
0x261: {  	[tilespmem:s4], [sflag:$0x1] =	stream.indirect.gather.add.f32 [hbm:s7], $0x80, s0, s8, $0xb8;
	[tilespmem:$0x12800] =	vst v63  }
0x262: {  	s0 =	sld [smem:$0x7DD]  }
0x263: {  	[tilespmem:s4], [sflag:$0x1] =	stream.indirect.gather.add.f32 [hbm:s7], $0x80, s11, s8, $0xb8;
	[tilespmem:$0x12800] =	vst v63  }
0x264: {  	_ = 	snop  }
0x265: {  	[tilespmem:s4], [sflag:$0x1] =	stream.indirect.gather.add.f32 [hbm:s7], $0x80, s0, s8, $0xb8;
	[tilespmem:$0x12800] =	vst v63  }
0x266: {  	_ =	swait.ge [sflag:s3], $0x4000  }
0x267: {  	s0 =	sld [smem:$0x7DE]  }
0x268: {  	[sflag:s3] =	ssyncset.done $0x0  }
0x269: {  	s11 =	sld [smem:$0x7DF];
	[sflag:s3] =	ssyncadd.s32 $0xFFFFC000  }
0x26a: {  	[tilespmem:s9], [sflag:$0x1] =	stream.indirect.gather.add.f32 [hbm:s7], $0x80, s0, s8, $0xb8;
	[tilespmem:$0x12800] =	vst v63  }
0x26b: {  	s0 =	sld [smem:$0x7E0]  }
0x26c: {  	[tilespmem:s9], [sflag:$0x1] =	stream.indirect.gather.add.f32 [hbm:s7], $0x80, s11, s8, $0xb8;
	[tilespmem:$0x12800] =	vst v63  }
0x26d: {  	s11 =	sld [smem:$0x7E1]  }
0x26e: {  	[tilespmem:s9], [sflag:$0x1] =	stream.indirect.gather.add.f32 [hbm:s7], $0x80, s0, s8, $0xb8;
	[tilespmem:$0x12800] =	vst v63  }
0x26f: {  	s0 =	sld [smem:$0x7E2]  }
0x270: {  	[tilespmem:s9], [sflag:$0x1] =	stream.indirect.gather.add.f32 [hbm:s7], $0x80, s11, s8, $0xb8;
	[tilespmem:$0x12800] =	vst v63  }
0x271: {  	s11 =	sld [smem:$0x7E3]  }
0x272: {  	[tilespmem:s9], [sflag:$0x1] =	stream.indirect.gather.add.f32 [hbm:s7], $0x80, s0, s8, $0xb8;
	[tilespmem:$0x12800] =	vst v63  }
0x273: {  	s0 =	sld [smem:$0x7E4]  }
0x274: {  	[tilespmem:s9], [sflag:$0x1] =	stream.indirect.gather.add.f32 [hbm:s7], $0x80, s11, s8, $0xb8;
	[tilespmem:$0x12800] =	vst v63  }
0x275: {  	s11 =	sld [smem:$0x7E5]  }
0x276: {  	[tilespmem:s9], [sflag:$0x1] =	stream.indirect.gather.add.f32 [hbm:s7], $0x80, s0, s8, $0xb8;
	[tilespmem:$0x12800] =	vst v63  }
0x277: {  	s0 =	sld [smem:$0x7E6]  }
0x278: {  	[tilespmem:s9], [sflag:$0x1] =	stream.indirect.gather.add.f32 [hbm:s7], $0x80, s11, s8, $0xb8;
	[tilespmem:$0x12800] =	vst v63  }
0x279: {  	_ = 	snop  }
0x27a: {  	[tilespmem:s9], [sflag:$0x1] =	stream.indirect.gather.add.f32 [hbm:s7], $0x80, s0, s8, $0xb8;
	[tilespmem:$0x12800] =	vst v63  }
0x27b: {  	_ =	swait.ge [sflag:s3], $0x4000  }
0x27c: {  	[sflag:s3] =	ssyncset.done $0x0  }
0x27d: {  	[sflag:s3] =	ssyncadd.s32 $0xFFFFC000  }
0x27e: {  	_ =	swait.ge [sflag:s3], $0x4000  }
0x27f: {  	[sflag:s3] =	ssyncset.done $0x0  }
0x280: {  	[sflag:s3] =	ssyncadd.s32 $0xFFFFC000  }
0x281: {  	_ =	swait.ge [sflag:s3], $0x4000  }
0x282: {  	[sflag:s3] =	ssyncset.done $0x0  }
0x283: {  	[sflag:s3] =	ssyncadd.s32 $0xFFFFC000  }
0x284: {  	_ =	swait.ge [sflag:s3], $0x4000  }
0x285: {  	[sflag:s3] =	ssyncset.done $0x0  }
0x286: {  	[sflag:s3] =	ssyncadd.s32 $0xFFFFC000  }
0x287: {  	_ =	swait.ge [sflag:s3], $0x4000  }
0x288: {  	[sflag:s3] =	ssyncset.done $0x0  }
0x289: {  	[sflag:s3] =	ssyncadd.s32 $0xFFFFC000  }
0x28a: {  	_ =	swait.ge [sflag:s3], $0x4000  }
0x28b: {  	[sflag:s3] =	ssyncset.done $0x0  }
0x28c: {  	[sflag:s3] =	ssyncadd.s32 $0xFFFFC000  }
0x28d: {  	_ =	swait.ge [sflag:s3], $0x4000  }
0x28e: {  	[sflag:s3] =	ssyncset.done $0x0  }
0x28f: {  	[sflag:s3] =	ssyncadd.s32 $0xFFFFC000  }
0x290: {  	_ =	swait.ge [sflag:s3], $0x4000  }
0x291: {  	[sflag:s3] =	ssyncset.done $0x0  }
0x292: {  	[sflag:s3] =	ssyncadd.s32 $0xFFFFC000  }
0x293: {  	_ =	swait.ge [sflag:s3], $0x4000  }
0x294: {  	[sflag:s3] =	ssyncset.done $0x0  }
0x295: {  	[sflag:s3] =	ssyncadd.s32 $0xFFFFC000  }
0x296: {  	_ =	swait.ge [sflag:s3], $0x4000  }
0x297: {  	[sflag:s3] =	ssyncset.done $0x0  }
0x298: {  	[sflag:s3] =	ssyncadd.s32 $0xFFFFC000  }
0x299: {  	_ =	swait.ge [sflag:s3], $0x4000  }
0x29a: {  	[sflag:s3] =	ssyncset.done $0x0  }
0x29b: {  	[sflag:s3] =	ssyncadd.s32 $0xFFFFC000  }
0x29c: {  	_ =	swait.ge [sflag:s3], $0x4000  }
0x29d: {  	[sflag:s3] =	ssyncset.done $0x0  }
0x29e: {  	[sflag:s3] =	ssyncadd.s32 $0xFFFFC000  }
0x29f: {  	_ =	swait.ge [sflag:s3], $0x4000  }
0x2a0: {  	[sflag:s3] =	ssyncset.done $0x0  }
0x2a1: {  	[sflag:s3] =	ssyncadd.s32 $0xFFFFC000  }
0x2a2: {  	_ =	swait.ge [sflag:s3], $0x4000  }
0x2a3: {  	[sflag:s3] =	ssyncset.done $0x0  }
0x2a4: {  	[sflag:s3] =	ssyncadd.s32 $0xFFFFC000  }
0x2a5: {  	_ =	swait.ge [sflag:s3], $0x4000  }
0x2a6: {  	[sflag:s3] =	ssyncset.done $0x0  }
0x2a7: {  	[sflag:s3] =	ssyncadd.s32 $0xFFFFC000  }
0x2a8: {  	_ =	swait.ge [sflag:s3], $0x4000  }
0x2a9: {  	[sflag:s3] =	ssyncset.done $0x0  }
0x2aa: {  	[sflag:s3] =	ssyncadd.s32 $0xFFFFC000  }
0x2ab: {  	_ =	swait.ge [sflag:s3], $0x4000  }
0x2ac: {  	[sflag:s3] =	ssyncset.done $0x0  }
0x2ad: {  	[sflag:s3] =	ssyncadd.s32 $0xFFFFC000  }
0x2ae: {  	_ =	swait.ge [sflag:s3], $0x4000  }
0x2af: {  	[sflag:s3] =	ssyncset.done $0x0  }
0x2b0: {  	s11 =	rddreg [dreg:$0x4];
	[sflag:s3] =	ssyncadd.s32 $0xFFFFC000  }
0x2b1: {  	[hbm4b:s11+s2] =	stream.linear.scatter [tilespmem:s4], [sflag:$0x3], $0x8000, $0x38;
	[tilespmem:$0x12800] =	vst v63  }
0x2b2: {  	_ =	swait.ge [sflag:s6], $0x8000  }
0x2b3: {  	s0 =	sld [smem:$0x7E7]  }
0x2b4: {  	[sflag:s6] =	ssyncset.done $0x0  }
0x2b5: {  	s11 =	sld [smem:$0x7E8];
	[sflag:s6] =	ssyncadd.s32 $0xFFFF8000  }
0x2b6: {  	[tilespmem:s10], [sflag:$0x1] =	stream.indirect.gather [hbm4b:s7+s8], $0x80, s0, s8, $0xb8;
	[tilespmem:$0x12800] =	vst v63  }
0x2b7: {  	_ = 	snop  }
0x2b8: {  	[tilespmem:s29], [sflag:$0x1] =	stream.indirect.gather [hbm4b:s7+s8], $0x80, s11, s8, $0xb8;
	[tilespmem:$0x12800] =	vst v63  }
0x2b9: {  	_ =	swait.ge [sflag:s3], $0x4000  }
0x2ba: {  	s0 =	sld [smem:$0x7E9]  }
0x2bb: {  	[sflag:s3] =	ssyncset.done $0x0  }
0x2bc: {  	s11 =	sld [smem:$0x7EA];
	[sflag:s3] =	ssyncadd.s32 $0xFFFFC000  }
0x2bd: {  	[tilespmem:s10], [sflag:$0x1] =	stream.indirect.gather.add.f32 [hbm:s7], $0x80, s0, s8, $0xb8;
	[tilespmem:$0x12800] =	vst v63  }
0x2be: {  	s0 =	sld [smem:$0x7EB]  }
0x2bf: {  	[tilespmem:s10], [sflag:$0x1] =	stream.indirect.gather.add.f32 [hbm:s7], $0x80, s11, s8, $0xb8;
	[tilespmem:$0x12800] =	vst v63  }
0x2c0: {  	s11 =	sld [smem:$0x7EC]  }
0x2c1: {  	[tilespmem:s10], [sflag:$0x1] =	stream.indirect.gather.add.f32 [hbm:s7], $0x80, s0, s8, $0xb8;
	[tilespmem:$0x12800] =	vst v63  }
0x2c2: {  	s0 =	sld [smem:$0x7ED]  }
0x2c3: {  	[tilespmem:s10], [sflag:$0x1] =	stream.indirect.gather.add.f32 [hbm:s7], $0x80, s11, s8, $0xb8;
	[tilespmem:$0x12800] =	vst v63  }
0x2c4: {  	s11 =	sld [smem:$0x7EE]  }
0x2c5: {  	[tilespmem:s10], [sflag:$0x1] =	stream.indirect.gather.add.f32 [hbm:s7], $0x80, s0, s8, $0xb8;
	[tilespmem:$0x12800] =	vst v63  }
0x2c6: {  	s0 =	sld [smem:$0x7EF]  }
0x2c7: {  	[tilespmem:s10], [sflag:$0x1] =	stream.indirect.gather.add.f32 [hbm:s7], $0x80, s11, s8, $0xb8;
	[tilespmem:$0x12800] =	vst v63  }
0x2c8: {  	s11 =	sld [smem:$0x7F0]  }
0x2c9: {  	[tilespmem:s10], [sflag:$0x1] =	stream.indirect.gather.add.f32 [hbm:s7], $0x80, s0, s8, $0xb8;
	[tilespmem:$0x12800] =	vst v63  }
0x2ca: {  	s0 =	sld [smem:$0x7F1]  }
0x2cb: {  	[tilespmem:s10], [sflag:$0x1] =	stream.indirect.gather.add.f32 [hbm:s7], $0x80, s11, s8, $0xb8;
	[tilespmem:$0x12800] =	vst v63  }
0x2cc: {  	_ = 	snop  }
0x2cd: {  	[tilespmem:s10], [sflag:$0x1] =	stream.indirect.gather.add.f32 [hbm:s7], $0x80, s0, s8, $0xb8;
	[tilespmem:$0x12800] =	vst v63  }
0x2ce: {  	_ =	swait.ge [sflag:s3], $0x4000  }
0x2cf: {  	s0 =	sld [smem:$0x7F2]  }
0x2d0: {  	[sflag:s3] =	ssyncset.done $0x0  }
0x2d1: {  	s11 =	sld [smem:$0x7F3];
	[sflag:s3] =	ssyncadd.s32 $0xFFFFC000  }
0x2d2: {  	[tilespmem:s29], [sflag:$0x1] =	stream.indirect.gather.add.f32 [hbm:s7], $0x80, s0, s8, $0xb8;
	[tilespmem:$0x12800] =	vst v63  }
0x2d3: {  	s0 =	sld [smem:$0x7F4]  }
0x2d4: {  	[tilespmem:s29], [sflag:$0x1] =	stream.indirect.gather.add.f32 [hbm:s7], $0x80, s11, s8, $0xb8;
	[tilespmem:$0x12800] =	vst v63  }
0x2d5: {  	s11 =	sld [smem:$0x7F5]  }
0x2d6: {  	[tilespmem:s29], [sflag:$0x1] =	stream.indirect.gather.add.f32 [hbm:s7], $0x80, s0, s8, $0xb8;
	[tilespmem:$0x12800] =	vst v63  }
0x2d7: {  	s0 =	sld [smem:$0x7F6]  }
0x2d8: {  	[tilespmem:s29], [sflag:$0x1] =	stream.indirect.gather.add.f32 [hbm:s7], $0x80, s11, s8, $0xb8;
	[tilespmem:$0x12800] =	vst v63  }
0x2d9: {  	s11 =	sld [smem:$0x7F7]  }
0x2da: {  	[tilespmem:s29], [sflag:$0x1] =	stream.indirect.gather.add.f32 [hbm:s7], $0x80, s0, s8, $0xb8;
	[tilespmem:$0x12800] =	vst v63  }
0x2db: {  	s0 =	sld [smem:$0x7F8]  }
0x2dc: {  	[tilespmem:s29], [sflag:$0x1] =	stream.indirect.gather.add.f32 [hbm:s7], $0x80, s11, s8, $0xb8;
	[tilespmem:$0x12800] =	vst v63  }
0x2dd: {  	s11 =	sld [smem:$0x7F9]  }
0x2de: {  	[tilespmem:s29], [sflag:$0x1] =	stream.indirect.gather.add.f32 [hbm:s7], $0x80, s0, s8, $0xb8;
	[tilespmem:$0x12800] =	vst v63  }
0x2df: {  	s0 =	sld [smem:$0x7FA]  }
0x2e0: {  	[tilespmem:s29], [sflag:$0x1] =	stream.indirect.gather.add.f32 [hbm:s7], $0x80, s11, s8, $0xb8;
	[tilespmem:$0x12800] =	vst v63  }
0x2e1: {  	_ = 	snop  }
0x2e2: {  	[tilespmem:s29], [sflag:$0x1] =	stream.indirect.gather.add.f32 [hbm:s7], $0x80, s0, s8, $0xb8;
	[tilespmem:$0x12800] =	vst v63  }
0x2e3: {  	_ =	swait.ge [sflag:s3], $0x4000  }
0x2e4: {  	[sflag:s3] =	ssyncset.done $0x0  }
0x2e5: {  	[sflag:s3] =	ssyncadd.s32 $0xFFFFC000  }
0x2e6: {  	_ =	swait.ge [sflag:s3], $0x4000  }
0x2e7: {  	[sflag:s3] =	ssyncset.done $0x0  }
0x2e8: {  	[sflag:s3] =	ssyncadd.s32 $0xFFFFC000  }
0x2e9: {  	_ =	swait.ge [sflag:s3], $0x4000  }
0x2ea: {  	[sflag:s3] =	ssyncset.done $0x0  }
0x2eb: {  	[sflag:s3] =	ssyncadd.s32 $0xFFFFC000  }
0x2ec: {  	_ =	swait.ge [sflag:s3], $0x4000  }
0x2ed: {  	[sflag:s3] =	ssyncset.done $0x0  }
0x2ee: {  	[sflag:s3] =	ssyncadd.s32 $0xFFFFC000  }
0x2ef: {  	_ =	swait.ge [sflag:s3], $0x4000  }
0x2f0: {  	[sflag:s3] =	ssyncset.done $0x0  }
0x2f1: {  	[sflag:s3] =	ssyncadd.s32 $0xFFFFC000  }
0x2f2: {  	_ =	swait.ge [sflag:s3], $0x4000  }
0x2f3: {  	[sflag:s3] =	ssyncset.done $0x0  }
0x2f4: {  	[sflag:s3] =	ssyncadd.s32 $0xFFFFC000  }
0x2f5: {  	_ =	swait.ge [sflag:s3], $0x4000  }
0x2f6: {  	[sflag:s3] =	ssyncset.done $0x0  }
0x2f7: {  	[sflag:s3] =	ssyncadd.s32 $0xFFFFC000  }
0x2f8: {  	_ =	swait.ge [sflag:s3], $0x4000  }
0x2f9: {  	[sflag:s3] =	ssyncset.done $0x0  }
0x2fa: {  	[sflag:s3] =	ssyncadd.s32 $0xFFFFC000  }
0x2fb: {  	_ =	swait.ge [sflag:s3], $0x4000  }
0x2fc: {  	[sflag:s3] =	ssyncset.done $0x0  }
0x2fd: {  	[sflag:s3] =	ssyncadd.s32 $0xFFFFC000  }
0x2fe: {  	_ =	swait.ge [sflag:s3], $0x4000  }
0x2ff: {  	[sflag:s3] =	ssyncset.done $0x0  }
0x300: {  	[sflag:s3] =	ssyncadd.s32 $0xFFFFC000  }
0x301: {  	_ =	swait.ge [sflag:s3], $0x4000  }
0x302: {  	[sflag:s3] =	ssyncset.done $0x0  }
0x303: {  	[sflag:s3] =	ssyncadd.s32 $0xFFFFC000  }
0x304: {  	_ =	swait.ge [sflag:s3], $0x4000  }
0x305: {  	[sflag:s3] =	ssyncset.done $0x0  }
0x306: {  	[sflag:s3] =	ssyncadd.s32 $0xFFFFC000  }
0x307: {  	_ =	swait.ge [sflag:s3], $0x4000  }
0x308: {  	[sflag:s3] =	ssyncset.done $0x0  }
0x309: {  	[sflag:s3] =	ssyncadd.s32 $0xFFFFC000  }
0x30a: {  	_ =	swait.ge [sflag:s3], $0x4000  }
0x30b: {  	[sflag:s3] =	ssyncset.done $0x0  }
0x30c: {  	[sflag:s3] =	ssyncadd.s32 $0xFFFFC000  }
0x30d: {  	_ =	swait.ge [sflag:s3], $0x4000  }
0x30e: {  	[sflag:s3] =	ssyncset.done $0x0  }
0x30f: {  	[sflag:s3] =	ssyncadd.s32 $0xFFFFC000  }
0x310: {  	_ =	swait.ge [sflag:s3], $0x4000  }
0x311: {  	[sflag:s3] =	ssyncset.done $0x0  }
0x312: {  	[sflag:s3] =	ssyncadd.s32 $0xFFFFC000  }
0x313: {  	_ =	swait.ge [sflag:s3], $0x4000  }
0x314: {  	[sflag:s3] =	ssyncset.done $0x0  }
0x315: {  	[sflag:s3] =	ssyncadd.s32 $0xFFFFC000  }
0x316: {  	_ =	swait.ge [sflag:s3], $0x4000  }
0x317: {  	[sflag:s3] =	ssyncset.done $0x0  }
0x318: {  	s11 =	rddreg [dreg:$0x5];
	[sflag:s3] =	ssyncadd.s32 $0xFFFFC000  }
0x319: {  	[hbm4b:s11+s2] =	stream.linear.scatter [tilespmem:s10], [sflag:$0x2], $0x8000, $0x38;
	[tilespmem:$0x12800] =	vst v63  }
0x31a: {  	_ =	swait.ge [sflag:s5], $0x8000  }
0x31b: {  	s0 =	sld [smem:$0x7FB]  }
0x31c: {  	[sflag:s5] =	ssyncset.done $0x0  }
0x31d: {  	s11 =	sld [smem:$0x7FC];
	[sflag:s5] =	ssyncadd.s32 $0xFFFF8000  }
0x31e: {  	[tilespmem:s4], [sflag:$0x1] =	stream.indirect.gather [hbm4b:s7+s8], $0x80, s0, s8, $0xb8;
	[tilespmem:$0x12800] =	vst v63  }
0x31f: {  	_ = 	snop  }
0x320: {  	[tilespmem:s9], [sflag:$0x1] =	stream.indirect.gather [hbm4b:s7+s8], $0x80, s11, s8, $0xb8;
	[tilespmem:$0x12800] =	vst v63  }
0x321: {  	_ =	swait.ge [sflag:s3], $0x4000  }
0x322: {  	s11 =	sld [smem:$0x7FD]  }
0x323: {  	[sflag:s3] =	ssyncset.done $0x0  }
0x324: {  	[sflag:s3] =	ssyncadd.s32 $0xFFFFC000  }
0x325: {  	[tilespmem:s4], [sflag:$0x1] =	stream.indirect.gather.add.f32 [hbm:s7], $0x80, s11, s8, $0xb8;
	[tilespmem:$0x12800] =	vst v63  }
0x326: {  	s11 =	simm.s32 $0x2000  }
0x327: {  	[tilespmem:s4], [sflag:$0x1] =	stream.indirect.gather.add.f32 [hbm:s7], $0x80, s11, s8, $0xb8;
	[tilespmem:$0x12800] =	vst v63  }
0x328: {  	_ = 	snop  }
0x329: {  	[tilespmem:s4], [sflag:$0x1] =	stream.indirect.gather.add.f32 [hbm:s7], $0x80, s16, s8, $0xb8;
	[tilespmem:$0x12800] =	vst v63  }
0x32a: {  	_ = 	snop  }
0x32b: {  	[tilespmem:s4], [sflag:$0x1] =	stream.indirect.gather.add.f32 [hbm:s7], $0x80, s17, s8, $0xb8;
	[tilespmem:$0x12800] =	vst v63  }
0x32c: {  	_ = 	snop  }
0x32d: {  	[tilespmem:s4], [sflag:$0x1] =	stream.indirect.gather.add.f32 [hbm:s7], $0x80, s18, s8, $0xb8;
	[tilespmem:$0x12800] =	vst v63  }
0x32e: {  	_ = 	snop  }
0x32f: {  	[tilespmem:s4], [sflag:$0x1] =	stream.indirect.gather.add.f32 [hbm:s7], $0x80, s19, s8, $0xb8;
	[tilespmem:$0x12800] =	vst v63  }
0x330: {  	_ = 	snop  }
0x331: {  	[tilespmem:s4], [sflag:$0x1] =	stream.indirect.gather.add.f32 [hbm:s7], $0x80, s20, s8, $0xb8;
	[tilespmem:$0x12800] =	vst v63  }
0x332: {  	_ = 	snop  }
0x333: {  	[tilespmem:s4], [sflag:$0x1] =	stream.indirect.gather.add.f32 [hbm:s7], $0x80, s21, s8, $0xb8;
	[tilespmem:$0x12800] =	vst v63  }
0x334: {  	_ = 	snop  }
0x335: {  	[tilespmem:s4], [sflag:$0x1] =	stream.indirect.gather.add.f32 [hbm:s7], $0x80, s22, s8, $0xb8;
	[tilespmem:$0x12800] =	vst v63  }
0x336: {  	_ =	swait.ge [sflag:s3], $0x4000  }
0x337: {  	[sflag:s3] =	ssyncset.done $0x0  }
0x338: {  	[sflag:s3] =	ssyncadd.s32 $0xFFFFC000  }
0x339: {  	[tilespmem:s9], [sflag:$0x1] =	stream.indirect.gather.add.f32 [hbm:s7], $0x80, s12, s8, $0xb8;
	[tilespmem:$0x12800] =	vst v63  }
0x33a: {  	_ = 	snop  }
0x33b: {  	[tilespmem:s9], [sflag:$0x1] =	stream.indirect.gather.add.f32 [hbm:s7], $0x80, s13, s8, $0xb8;
	[tilespmem:$0x12800] =	vst v63  }
0x33c: {  	_ = 	snop  }
0x33d: {  	[tilespmem:s9], [sflag:$0x1] =	stream.indirect.gather.add.f32 [hbm:s7], $0x80, s14, s8, $0xb8;
	[tilespmem:$0x12800] =	vst v63  }
0x33e: {  	_ = 	snop  }
0x33f: {  	[tilespmem:s9], [sflag:$0x1] =	stream.indirect.gather.add.f32 [hbm:s7], $0x80, s23, s8, $0xb8;
	[tilespmem:$0x12800] =	vst v63  }
0x340: {  	_ = 	snop  }
0x341: {  	[tilespmem:s9], [sflag:$0x1] =	stream.indirect.gather.add.f32 [hbm:s7], $0x80, s24, s8, $0xb8;
	[tilespmem:$0x12800] =	vst v63  }
0x342: {  	_ = 	snop  }
0x343: {  	[tilespmem:s9], [sflag:$0x1] =	stream.indirect.gather.add.f32 [hbm:s7], $0x80, s25, s8, $0xb8;
	[tilespmem:$0x12800] =	vst v63  }
0x344: {  	_ = 	snop  }
0x345: {  	[tilespmem:s9], [sflag:$0x1] =	stream.indirect.gather.add.f32 [hbm:s7], $0x80, s26, s8, $0xb8;
	[tilespmem:$0x12800] =	vst v63  }
0x346: {  	_ = 	snop  }
0x347: {  	[tilespmem:s9], [sflag:$0x1] =	stream.indirect.gather.add.f32 [hbm:s7], $0x80, s28, s8, $0xb8;
	[tilespmem:$0x12800] =	vst v63  }
0x348: {  	_ = 	snop  }
0x349: {  	[tilespmem:s9], [sflag:$0x1] =	stream.indirect.gather.add.f32 [hbm:s7], $0x80, s15, s8, $0xb8;
	[tilespmem:$0x12800] =	vst v63  }
0x34a: {  	_ =	swait.ge [sflag:s3], $0x4000  }
0x34b: {  	[sflag:s3] =	ssyncset.done $0x0  }
0x34c: {  	[sflag:s3] =	ssyncadd.s32 $0xFFFFC000  }
0x34d: {  	_ =	swait.ge [sflag:s3], $0x4000  }
0x34e: {  	[sflag:s3] =	ssyncset.done $0x0  }
0x34f: {  	[sflag:s3] =	ssyncadd.s32 $0xFFFFC000  }
0x350: {  	_ =	swait.ge [sflag:s3], $0x4000  }
0x351: {  	[sflag:s3] =	ssyncset.done $0x0  }
0x352: {  	[sflag:s3] =	ssyncadd.s32 $0xFFFFC000  }
0x353: {  	_ =	swait.ge [sflag:s3], $0x4000  }
0x354: {  	[sflag:s3] =	ssyncset.done $0x0  }
0x355: {  	[sflag:s3] =	ssyncadd.s32 $0xFFFFC000  }
0x356: {  	_ =	swait.ge [sflag:s3], $0x4000  }
0x357: {  	[sflag:s3] =	ssyncset.done $0x0  }
0x358: {  	[sflag:s3] =	ssyncadd.s32 $0xFFFFC000  }
0x359: {  	_ =	swait.ge [sflag:s3], $0x4000  }
0x35a: {  	[sflag:s3] =	ssyncset.done $0x0  }
0x35b: {  	[sflag:s3] =	ssyncadd.s32 $0xFFFFC000  }
0x35c: {  	_ =	swait.ge [sflag:s3], $0x4000  }
0x35d: {  	[sflag:s3] =	ssyncset.done $0x0  }
0x35e: {  	[sflag:s3] =	ssyncadd.s32 $0xFFFFC000  }
0x35f: {  	_ =	swait.ge [sflag:s3], $0x4000  }
0x360: {  	[sflag:s3] =	ssyncset.done $0x0  }
0x361: {  	[sflag:s3] =	ssyncadd.s32 $0xFFFFC000  }
0x362: {  	_ =	swait.ge [sflag:s3], $0x4000  }
0x363: {  	[sflag:s3] =	ssyncset.done $0x0  }
0x364: {  	[sflag:s3] =	ssyncadd.s32 $0xFFFFC000  }
0x365: {  	_ =	swait.ge [sflag:s3], $0x4000  }
0x366: {  	[sflag:s3] =	ssyncset.done $0x0  }
0x367: {  	[sflag:s3] =	ssyncadd.s32 $0xFFFFC000  }
0x368: {  	_ =	swait.ge [sflag:s3], $0x4000  }
0x369: {  	[sflag:s3] =	ssyncset.done $0x0  }
0x36a: {  	[sflag:s3] =	ssyncadd.s32 $0xFFFFC000  }
0x36b: {  	_ =	swait.ge [sflag:s3], $0x4000  }
0x36c: {  	[sflag:s3] =	ssyncset.done $0x0  }
0x36d: {  	[sflag:s3] =	ssyncadd.s32 $0xFFFFC000  }
0x36e: {  	_ =	swait.ge [sflag:s3], $0x4000  }
0x36f: {  	[sflag:s3] =	ssyncset.done $0x0  }
0x370: {  	[sflag:s3] =	ssyncadd.s32 $0xFFFFC000  }
0x371: {  	_ =	swait.ge [sflag:s3], $0x4000  }
0x372: {  	[sflag:s3] =	ssyncset.done $0x0  }
0x373: {  	[sflag:s3] =	ssyncadd.s32 $0xFFFFC000  }
0x374: {  	_ =	swait.ge [sflag:s3], $0x4000  }
0x375: {  	[sflag:s3] =	ssyncset.done $0x0  }
0x376: {  	[sflag:s3] =	ssyncadd.s32 $0xFFFFC000  }
0x377: {  	_ =	swait.ge [sflag:s3], $0x4000  }
0x378: {  	[sflag:s3] =	ssyncset.done $0x0  }
0x379: {  	[sflag:s3] =	ssyncadd.s32 $0xFFFFC000  }
0x37a: {  	_ =	swait.ge [sflag:s3], $0x4000  }
0x37b: {  	[sflag:s3] =	ssyncset.done $0x0  }
0x37c: {  	[sflag:s3] =	ssyncadd.s32 $0xFFFFC000  }
0x37d: {  	_ =	swait.ge [sflag:s3], $0x4000  }
0x37e: {  	[sflag:s3] =	ssyncset.done $0x0  }
0x37f: {  	p1 =	sne.s32 s1, $0x1;
	s11 =	rddreg [dreg:$0x6];
	[sflag:s3] =	ssyncadd.s32 $0xFFFFC000  }
0x380: {  	[hbm4b:s11+s2] =	stream.linear.scatter [tilespmem:s4], [sflag:$0x3], $0x8000, $0x38;
	[tilespmem:$0x12800] =	vst v63  }
.Ltmp2:
0x381: {  	_ =	swait.ge [sflag:s6], $0x8000;
	(pc) =	sbr.rel @p1 .LBB2_4-.Ltmp2, $4  }
0x382: {  	[sflag:s6] =	ssyncset.done $0x0  }
0x383: {  	[sflag:s6] =	ssyncadd.s32 $0xFFFF8000  }
0x384: {  	_ =	swait.ge [sflag:s5], $0x8000  }
0x385: {  	s1 =	sadd.s32 $0xFFFFFFFF, s1;
	s0 =	rddreg [dreg:$0x3];
	[sflag:s5] =	ssyncset.done $0x0  }
0x386: {  	s28 =	simm.s32 $0x2680;
	s26 =	simm.s32 $0x2580  }
0x387: {  	s25 =	simm.s32 $0x2480;
	s24 =	simm.s32 $0x2380;
	s23 =	simm.s32 $0x2280  }
0x388: {  	s22 =	simm.s32 $0x2700;
	s21 =	simm.s32 $0x2600;
	s20 =	simm.s32 $0x2500  }
0x389: {  	s19 =	simm.s32 $0x2400;
	s18 =	simm.s32 $0x2300;
	s17 =	simm.s32 $0x2200  }
0x38a: {  	s16 =	simm.s32 $0x2100;
	s15 =	simm.s32 $0x2000;
	s14 =	simm.s32 $0x2180  }
0x38b: {  	s13 =	simm.s32 $0x2080;
	s12 =	simm.s32 $0x1F80;
	s11 =	stileid.u32  }
.LBB2_6:
0x38c: {  	[sflag:s5] =	ssyncadd.s32 @p0 $0xFFFF8000  }
0x38d: {  	[tilespmem:s2], [sflag:$0x4] =	stream.linear.gather [hbm4b:s0+s2], $0x2800, $0x38;
	[tilespmem:$0x12800] =	vst v63  }
0x38e: {  	_ =	swait.ge [sflag:s31], $0x2800  }
0x38f: {  	[sflag:s31] =	ssyncset.done $0x0  }
0x390: {  	[sflag:s31] =	ssyncadd.s32 $0xFFFFD800  }
0x391: {  	[tilespmem:s10], [sflag:$0x1] =	stream.indirect.gather [hbm4b:s7+s8], $0x80, s2, s8, $0xb8;
	[tilespmem:$0x12800] =	vst v63  }
0x392: {  	_ = 	snop  }
0x393: {  	[tilespmem:s29], [sflag:$0x1] =	stream.indirect.gather [hbm4b:s7+s8], $0x80, s8, s8, $0xb8;
	[tilespmem:$0x12800] =	vst v63  }
0x394: {  	_ =	swait.ge [sflag:s3], $0x4000  }
0x395: {  	[sflag:s3] =	ssyncset.done $0x0  }
0x396: {  	s31 =	rddreg [dreg:$0x7];
	[sflag:s3] =	ssyncadd.s32 $0xFFFFC000  }
0x397: {  	[tilespmem:s10], [sflag:$0x1] =	stream.indirect.gather.add.f32 [hbm:s7], $0x80, s31, s8, $0xb8;
	[tilespmem:$0x12800] =	vst v63  }
0x398: {  	s1 =	rddreg [dreg:$0x8]  }
0x399: {  	[tilespmem:s10], [sflag:$0x1] =	stream.indirect.gather.add.f32 [hbm:s7], $0x80, s1, s8, $0xb8;
	[tilespmem:$0x12800] =	vst v63  }
0x39a: {  	s31 =	rddreg [dreg:$0x9]  }
0x39b: {  	[tilespmem:s10], [sflag:$0x1] =	stream.indirect.gather.add.f32 [hbm:s7], $0x80, s31, s8, $0xb8;
	[tilespmem:$0x12800] =	vst v63  }
0x39c: {  	s1 =	rddreg [dreg:$0xa]  }
0x39d: {  	[tilespmem:s10], [sflag:$0x1] =	stream.indirect.gather.add.f32 [hbm:s7], $0x80, s1, s8, $0xb8;
	[tilespmem:$0x12800] =	vst v63  }
0x39e: {  	s31 =	rddreg [dreg:$0xb]  }
0x39f: {  	[tilespmem:s10], [sflag:$0x1] =	stream.indirect.gather.add.f32 [hbm:s7], $0x80, s31, s8, $0xb8;
	[tilespmem:$0x12800] =	vst v63  }
0x3a0: {  	s1 =	rddreg [dreg:$0xc]  }
0x3a1: {  	[tilespmem:s10], [sflag:$0x1] =	stream.indirect.gather.add.f32 [hbm:s7], $0x80, s1, s8, $0xb8;
	[tilespmem:$0x12800] =	vst v63  }
0x3a2: {  	s31 =	rddreg [dreg:$0xd]  }
0x3a3: {  	[tilespmem:s10], [sflag:$0x1] =	stream.indirect.gather.add.f32 [hbm:s7], $0x80, s31, s8, $0xb8;
	[tilespmem:$0x12800] =	vst v63  }
0x3a4: {  	s1 =	rddreg [dreg:$0xe]  }
0x3a5: {  	[tilespmem:s10], [sflag:$0x1] =	stream.indirect.gather.add.f32 [hbm:s7], $0x80, s1, s8, $0xb8;
	[tilespmem:$0x12800] =	vst v63  }
0x3a6: {  	s31 =	rddreg [dreg:$0xf]  }
0x3a7: {  	[tilespmem:s10], [sflag:$0x1] =	stream.indirect.gather.add.f32 [hbm:s7], $0x80, s31, s8, $0xb8;
	[tilespmem:$0x12800] =	vst v63  }
0x3a8: {  	_ =	swait.ge [sflag:s3], $0x4000  }
0x3a9: {  	[sflag:s3] =	ssyncset.done $0x0  }
0x3aa: {  	s31 =	rddreg [dreg:$0x10];
	[sflag:s3] =	ssyncadd.s32 $0xFFFFC000  }
0x3ab: {  	[tilespmem:s29], [sflag:$0x1] =	stream.indirect.gather.add.f32 [hbm:s7], $0x80, s31, s8, $0xb8;
	[tilespmem:$0x12800] =	vst v63  }
0x3ac: {  	s1 =	rddreg [dreg:$0x11]  }
0x3ad: {  	[tilespmem:s29], [sflag:$0x1] =	stream.indirect.gather.add.f32 [hbm:s7], $0x80, s1, s8, $0xb8;
	[tilespmem:$0x12800] =	vst v63  }
0x3ae: {  	s31 =	rddreg [dreg:$0x12]  }
0x3af: {  	[tilespmem:s29], [sflag:$0x1] =	stream.indirect.gather.add.f32 [hbm:s7], $0x80, s31, s8, $0xb8;
	[tilespmem:$0x12800] =	vst v63  }
0x3b0: {  	s1 =	rddreg [dreg:$0x13]  }
0x3b1: {  	[tilespmem:s29], [sflag:$0x1] =	stream.indirect.gather.add.f32 [hbm:s7], $0x80, s1, s8, $0xb8;
	[tilespmem:$0x12800] =	vst v63  }
0x3b2: {  	s31 =	rddreg [dreg:$0x14]  }
0x3b3: {  	[tilespmem:s29], [sflag:$0x1] =	stream.indirect.gather.add.f32 [hbm:s7], $0x80, s31, s8, $0xb8;
	[tilespmem:$0x12800] =	vst v63  }
0x3b4: {  	s1 =	rddreg [dreg:$0x15]  }
0x3b5: {  	[tilespmem:s29], [sflag:$0x1] =	stream.indirect.gather.add.f32 [hbm:s7], $0x80, s1, s8, $0xb8;
	[tilespmem:$0x12800] =	vst v63  }
0x3b6: {  	s31 =	rddreg [dreg:$0x16]  }
0x3b7: {  	[tilespmem:s29], [sflag:$0x1] =	stream.indirect.gather.add.f32 [hbm:s7], $0x80, s31, s8, $0xb8;
	[tilespmem:$0x12800] =	vst v63  }
0x3b8: {  	s1 =	rddreg [dreg:$0x17]  }
0x3b9: {  	[tilespmem:s29], [sflag:$0x1] =	stream.indirect.gather.add.f32 [hbm:s7], $0x80, s1, s8, $0xb8;
	[tilespmem:$0x12800] =	vst v63  }
0x3ba: {  	s31 =	rddreg [dreg:$0x18]  }
0x3bb: {  	[tilespmem:s29], [sflag:$0x1] =	stream.indirect.gather.add.f32 [hbm:s7], $0x80, s31, s8, $0xb8;
	[tilespmem:$0x12800] =	vst v63  }
0x3bc: {  	_ =	swait.ge [sflag:s3], $0x4000  }
0x3bd: {  	[sflag:s3] =	ssyncset.done $0x0  }
0x3be: {  	[sflag:s3] =	ssyncadd.s32 $0xFFFFC000  }
0x3bf: {  	_ =	swait.ge [sflag:s3], $0x4000  }
0x3c0: {  	[sflag:s3] =	ssyncset.done $0x0  }
0x3c1: {  	[sflag:s3] =	ssyncadd.s32 $0xFFFFC000  }
0x3c2: {  	_ =	swait.ge [sflag:s3], $0x4000  }
0x3c3: {  	[sflag:s3] =	ssyncset.done $0x0  }
0x3c4: {  	[sflag:s3] =	ssyncadd.s32 $0xFFFFC000  }
0x3c5: {  	_ =	swait.ge [sflag:s3], $0x4000  }
0x3c6: {  	[sflag:s3] =	ssyncset.done $0x0  }
0x3c7: {  	[sflag:s3] =	ssyncadd.s32 $0xFFFFC000  }
0x3c8: {  	_ =	swait.ge [sflag:s3], $0x4000  }
0x3c9: {  	[sflag:s3] =	ssyncset.done $0x0  }
0x3ca: {  	[sflag:s3] =	ssyncadd.s32 $0xFFFFC000  }
0x3cb: {  	_ =	swait.ge [sflag:s3], $0x4000  }
0x3cc: {  	[sflag:s3] =	ssyncset.done $0x0  }
0x3cd: {  	[sflag:s3] =	ssyncadd.s32 $0xFFFFC000  }
0x3ce: {  	_ =	swait.ge [sflag:s3], $0x4000  }
0x3cf: {  	[sflag:s3] =	ssyncset.done $0x0  }
0x3d0: {  	[sflag:s3] =	ssyncadd.s32 $0xFFFFC000  }
0x3d1: {  	_ =	swait.ge [sflag:s3], $0x4000  }
0x3d2: {  	[sflag:s3] =	ssyncset.done $0x0  }
0x3d3: {  	[sflag:s3] =	ssyncadd.s32 $0xFFFFC000  }
0x3d4: {  	_ =	swait.ge [sflag:s3], $0x4000  }
0x3d5: {  	[sflag:s3] =	ssyncset.done $0x0  }
0x3d6: {  	[sflag:s3] =	ssyncadd.s32 $0xFFFFC000  }
0x3d7: {  	_ =	swait.ge [sflag:s3], $0x4000  }
0x3d8: {  	[sflag:s3] =	ssyncset.done $0x0  }
0x3d9: {  	[sflag:s3] =	ssyncadd.s32 $0xFFFFC000  }
0x3da: {  	_ =	swait.ge [sflag:s3], $0x4000  }
0x3db: {  	[sflag:s3] =	ssyncset.done $0x0  }
0x3dc: {  	[sflag:s3] =	ssyncadd.s32 $0xFFFFC000  }
0x3dd: {  	_ =	swait.ge [sflag:s3], $0x4000  }
0x3de: {  	[sflag:s3] =	ssyncset.done $0x0  }
0x3df: {  	[sflag:s3] =	ssyncadd.s32 $0xFFFFC000  }
0x3e0: {  	_ =	swait.ge [sflag:s3], $0x4000  }
0x3e1: {  	[sflag:s3] =	ssyncset.done $0x0  }
0x3e2: {  	[sflag:s3] =	ssyncadd.s32 $0xFFFFC000  }
0x3e3: {  	_ =	swait.ge [sflag:s3], $0x4000  }
0x3e4: {  	[sflag:s3] =	ssyncset.done $0x0  }
0x3e5: {  	[sflag:s3] =	ssyncadd.s32 $0xFFFFC000  }
0x3e6: {  	_ =	swait.ge [sflag:s3], $0x4000  }
0x3e7: {  	[sflag:s3] =	ssyncset.done $0x0  }
0x3e8: {  	[sflag:s3] =	ssyncadd.s32 $0xFFFFC000  }
0x3e9: {  	_ =	swait.ge [sflag:s3], $0x4000  }
0x3ea: {  	[sflag:s3] =	ssyncset.done $0x0  }
0x3eb: {  	[sflag:s3] =	ssyncadd.s32 $0xFFFFC000  }
0x3ec: {  	_ =	swait.ge [sflag:s3], $0x4000  }
0x3ed: {  	[sflag:s3] =	ssyncset.done $0x0  }
0x3ee: {  	[sflag:s3] =	ssyncadd.s32 $0xFFFFC000  }
0x3ef: {  	_ =	swait.ge [sflag:s3], $0x4000  }
0x3f0: {  	[sflag:s3] =	ssyncset.done $0x0  }
0x3f1: {  	[sflag:s3] =	ssyncadd.s32 $0xFFFFC000  }
0x3f2: {  	[hbm4b:s30+s2] =	stream.linear.scatter [tilespmem:s10], [sflag:$0x2], $0x8000, $0x38;
	[tilespmem:$0x12800] =	vst v63  }
0x3f3: {  	s1 =	rddreg [dreg:$0x19]  }
0x3f4: {  	[tilespmem:s4], [sflag:$0x1] =	stream.indirect.gather [hbm4b:s7+s8], $0x80, s1, s8, $0xb8;
	[tilespmem:$0x12800] =	vst v63  }
0x3f5: {  	s31 =	rddreg [dreg:$0x1a]  }
0x3f6: {  	[tilespmem:s9], [sflag:$0x1] =	stream.indirect.gather [hbm4b:s7+s8], $0x80, s31, s8, $0xb8;
	[tilespmem:$0x12800] =	vst v63  }
0x3f7: {  	_ =	swait.ge [sflag:s3], $0x4000  }
0x3f8: {  	s1 =	rddreg [dreg:$0x1b];
	[sflag:s3] =	ssyncset.done $0x0  }
0x3f9: {  	s30 =	rddreg [dreg:$0x1c];
	[sflag:s3] =	ssyncadd.s32 $0xFFFFC000  }
0x3fa: {  	[tilespmem:s4], [sflag:$0x1] =	stream.indirect.gather.add.f32 [hbm:s7], $0x80, s1, s8, $0xb8;
	[tilespmem:$0x12800] =	vst v63  }
0x3fb: {  	s31 =	rddreg [dreg:$0x1d]  }
0x3fc: {  	[tilespmem:s4], [sflag:$0x1] =	stream.indirect.gather.add.f32 [hbm:s7], $0x80, s30, s8, $0xb8;
	[tilespmem:$0x12800] =	vst v63  }
0x3fd: {  	s30 =	rddreg [dreg:$0x1e]  }
0x3fe: {  	[tilespmem:s4], [sflag:$0x1] =	stream.indirect.gather.add.f32 [hbm:s7], $0x80, s31, s8, $0xb8;
	[tilespmem:$0x12800] =	vst v63  }
0x3ff: {  	s31 =	rddreg [dreg:$0x1f]  }
0x400: {  	[tilespmem:s4], [sflag:$0x1] =	stream.indirect.gather.add.f32 [hbm:s7], $0x80, s30, s8, $0xb8;
	[tilespmem:$0x12800] =	vst v63  }
0x401: {  	s30 =	sld [smem:$0x7DA]  }
0x402: {  	[tilespmem:s4], [sflag:$0x1] =	stream.indirect.gather.add.f32 [hbm:s7], $0x80, s31, s8, $0xb8;
	[tilespmem:$0x12800] =	vst v63  }
0x403: {  	s31 =	sld [smem:$0x7DB]  }
0x404: {  	[tilespmem:s4], [sflag:$0x1] =	stream.indirect.gather.add.f32 [hbm:s7], $0x80, s30, s8, $0xb8;
	[tilespmem:$0x12800] =	vst v63  }
0x405: {  	s30 =	sld [smem:$0x7DC]  }
0x406: {  	[tilespmem:s4], [sflag:$0x1] =	stream.indirect.gather.add.f32 [hbm:s7], $0x80, s31, s8, $0xb8;
	[tilespmem:$0x12800] =	vst v63  }
0x407: {  	s31 =	sld [smem:$0x7DD]  }
0x408: {  	[tilespmem:s4], [sflag:$0x1] =	stream.indirect.gather.add.f32 [hbm:s7], $0x80, s30, s8, $0xb8;
	[tilespmem:$0x12800] =	vst v63  }
0x409: {  	_ = 	snop  }
0x40a: {  	[tilespmem:s4], [sflag:$0x1] =	stream.indirect.gather.add.f32 [hbm:s7], $0x80, s31, s8, $0xb8;
	[tilespmem:$0x12800] =	vst v63  }
0x40b: {  	_ =	swait.ge [sflag:s3], $0x4000  }
0x40c: {  	s1 =	sld [smem:$0x7DE]  }
0x40d: {  	[sflag:s3] =	ssyncset.done $0x0  }
0x40e: {  	s30 =	sld [smem:$0x7DF];
	[sflag:s3] =	ssyncadd.s32 $0xFFFFC000  }
0x40f: {  	[tilespmem:s9], [sflag:$0x1] =	stream.indirect.gather.add.f32 [hbm:s7], $0x80, s1, s8, $0xb8;
	[tilespmem:$0x12800] =	vst v63  }
0x410: {  	s31 =	sld [smem:$0x7E0]  }
0x411: {  	[tilespmem:s9], [sflag:$0x1] =	stream.indirect.gather.add.f32 [hbm:s7], $0x80, s30, s8, $0xb8;
	[tilespmem:$0x12800] =	vst v63  }
0x412: {  	s30 =	sld [smem:$0x7E1]  }
0x413: {  	[tilespmem:s9], [sflag:$0x1] =	stream.indirect.gather.add.f32 [hbm:s7], $0x80, s31, s8, $0xb8;
	[tilespmem:$0x12800] =	vst v63  }
0x414: {  	s31 =	sld [smem:$0x7E2]  }
0x415: {  	[tilespmem:s9], [sflag:$0x1] =	stream.indirect.gather.add.f32 [hbm:s7], $0x80, s30, s8, $0xb8;
	[tilespmem:$0x12800] =	vst v63  }
0x416: {  	s30 =	sld [smem:$0x7E3]  }
0x417: {  	[tilespmem:s9], [sflag:$0x1] =	stream.indirect.gather.add.f32 [hbm:s7], $0x80, s31, s8, $0xb8;
	[tilespmem:$0x12800] =	vst v63  }
0x418: {  	s31 =	sld [smem:$0x7E4]  }
0x419: {  	[tilespmem:s9], [sflag:$0x1] =	stream.indirect.gather.add.f32 [hbm:s7], $0x80, s30, s8, $0xb8;
	[tilespmem:$0x12800] =	vst v63  }
0x41a: {  	s30 =	sld [smem:$0x7E5]  }
0x41b: {  	[tilespmem:s9], [sflag:$0x1] =	stream.indirect.gather.add.f32 [hbm:s7], $0x80, s31, s8, $0xb8;
	[tilespmem:$0x12800] =	vst v63  }
0x41c: {  	s31 =	sld [smem:$0x7E6]  }
0x41d: {  	[tilespmem:s9], [sflag:$0x1] =	stream.indirect.gather.add.f32 [hbm:s7], $0x80, s30, s8, $0xb8;
	[tilespmem:$0x12800] =	vst v63  }
0x41e: {  	_ = 	snop  }
0x41f: {  	[tilespmem:s9], [sflag:$0x1] =	stream.indirect.gather.add.f32 [hbm:s7], $0x80, s31, s8, $0xb8;
	[tilespmem:$0x12800] =	vst v63  }
0x420: {  	_ =	swait.ge [sflag:s3], $0x4000  }
0x421: {  	[sflag:s3] =	ssyncset.done $0x0  }
0x422: {  	[sflag:s3] =	ssyncadd.s32 $0xFFFFC000  }
0x423: {  	_ =	swait.ge [sflag:s3], $0x4000  }
0x424: {  	[sflag:s3] =	ssyncset.done $0x0  }
0x425: {  	[sflag:s3] =	ssyncadd.s32 $0xFFFFC000  }
0x426: {  	_ =	swait.ge [sflag:s3], $0x4000  }
0x427: {  	[sflag:s3] =	ssyncset.done $0x0  }
0x428: {  	[sflag:s3] =	ssyncadd.s32 $0xFFFFC000  }
0x429: {  	_ =	swait.ge [sflag:s3], $0x4000  }
0x42a: {  	[sflag:s3] =	ssyncset.done $0x0  }
0x42b: {  	[sflag:s3] =	ssyncadd.s32 $0xFFFFC000  }
0x42c: {  	_ =	swait.ge [sflag:s3], $0x4000  }
0x42d: {  	[sflag:s3] =	ssyncset.done $0x0  }
0x42e: {  	[sflag:s3] =	ssyncadd.s32 $0xFFFFC000  }
0x42f: {  	_ =	swait.ge [sflag:s3], $0x4000  }
0x430: {  	[sflag:s3] =	ssyncset.done $0x0  }
0x431: {  	[sflag:s3] =	ssyncadd.s32 $0xFFFFC000  }
0x432: {  	_ =	swait.ge [sflag:s3], $0x4000  }
0x433: {  	[sflag:s3] =	ssyncset.done $0x0  }
0x434: {  	[sflag:s3] =	ssyncadd.s32 $0xFFFFC000  }
0x435: {  	_ =	swait.ge [sflag:s3], $0x4000  }
0x436: {  	[sflag:s3] =	ssyncset.done $0x0  }
0x437: {  	[sflag:s3] =	ssyncadd.s32 $0xFFFFC000  }
0x438: {  	_ =	swait.ge [sflag:s3], $0x4000  }
0x439: {  	[sflag:s3] =	ssyncset.done $0x0  }
0x43a: {  	[sflag:s3] =	ssyncadd.s32 $0xFFFFC000  }
0x43b: {  	_ =	swait.ge [sflag:s3], $0x4000  }
0x43c: {  	[sflag:s3] =	ssyncset.done $0x0  }
0x43d: {  	[sflag:s3] =	ssyncadd.s32 $0xFFFFC000  }
0x43e: {  	_ =	swait.ge [sflag:s3], $0x4000  }
0x43f: {  	[sflag:s3] =	ssyncset.done $0x0  }
0x440: {  	[sflag:s3] =	ssyncadd.s32 $0xFFFFC000  }
0x441: {  	_ =	swait.ge [sflag:s3], $0x4000  }
0x442: {  	[sflag:s3] =	ssyncset.done $0x0  }
0x443: {  	[sflag:s3] =	ssyncadd.s32 $0xFFFFC000  }
0x444: {  	_ =	swait.ge [sflag:s3], $0x4000  }
0x445: {  	[sflag:s3] =	ssyncset.done $0x0  }
0x446: {  	[sflag:s3] =	ssyncadd.s32 $0xFFFFC000  }
0x447: {  	_ =	swait.ge [sflag:s3], $0x4000  }
0x448: {  	[sflag:s3] =	ssyncset.done $0x0  }
0x449: {  	[sflag:s3] =	ssyncadd.s32 $0xFFFFC000  }
0x44a: {  	_ =	swait.ge [sflag:s3], $0x4000  }
0x44b: {  	[sflag:s3] =	ssyncset.done $0x0  }
0x44c: {  	[sflag:s3] =	ssyncadd.s32 $0xFFFFC000  }
0x44d: {  	_ =	swait.ge [sflag:s3], $0x4000  }
0x44e: {  	[sflag:s3] =	ssyncset.done $0x0  }
0x44f: {  	[sflag:s3] =	ssyncadd.s32 $0xFFFFC000  }
0x450: {  	_ =	swait.ge [sflag:s3], $0x4000  }
0x451: {  	[sflag:s3] =	ssyncset.done $0x0  }
0x452: {  	[sflag:s3] =	ssyncadd.s32 $0xFFFFC000  }
0x453: {  	_ =	swait.ge [sflag:s3], $0x4000  }
0x454: {  	[sflag:s3] =	ssyncset.done $0x0  }
0x455: {  	s1 =	rddreg [dreg:$0x4];
	[sflag:s3] =	ssyncadd.s32 $0xFFFFC000  }
0x456: {  	[hbm4b:s1+s2] =	stream.linear.scatter [tilespmem:s4], [sflag:$0x3], $0x8000, $0x38;
	[tilespmem:$0x12800] =	vst v63  }
0x457: {  	_ =	swait.ge [sflag:s6], $0x8000  }
0x458: {  	s30 =	sld [smem:$0x7E7]  }
0x459: {  	[sflag:s6] =	ssyncset.done $0x0  }
0x45a: {  	s31 =	sld [smem:$0x7E8];
	[sflag:s6] =	ssyncadd.s32 $0xFFFF8000  }
0x45b: {  	[tilespmem:s10], [sflag:$0x1] =	stream.indirect.gather [hbm4b:s7+s8], $0x80, s30, s8, $0xb8;
	[tilespmem:$0x12800] =	vst v63  }
0x45c: {  	_ = 	snop  }
0x45d: {  	[tilespmem:s29], [sflag:$0x1] =	stream.indirect.gather [hbm4b:s7+s8], $0x80, s31, s8, $0xb8;
	[tilespmem:$0x12800] =	vst v63  }
0x45e: {  	_ =	swait.ge [sflag:s3], $0x4000  }
0x45f: {  	s1 =	sld [smem:$0x7E9]  }
0x460: {  	[sflag:s3] =	ssyncset.done $0x0  }
0x461: {  	s30 =	sld [smem:$0x7EA];
	[sflag:s3] =	ssyncadd.s32 $0xFFFFC000  }
0x462: {  	[tilespmem:s10], [sflag:$0x1] =	stream.indirect.gather.add.f32 [hbm:s7], $0x80, s1, s8, $0xb8;
	[tilespmem:$0x12800] =	vst v63  }
0x463: {  	s31 =	sld [smem:$0x7EB]  }
0x464: {  	[tilespmem:s10], [sflag:$0x1] =	stream.indirect.gather.add.f32 [hbm:s7], $0x80, s30, s8, $0xb8;
	[tilespmem:$0x12800] =	vst v63  }
0x465: {  	s30 =	sld [smem:$0x7EC]  }
0x466: {  	[tilespmem:s10], [sflag:$0x1] =	stream.indirect.gather.add.f32 [hbm:s7], $0x80, s31, s8, $0xb8;
	[tilespmem:$0x12800] =	vst v63  }
0x467: {  	s31 =	sld [smem:$0x7ED]  }
0x468: {  	[tilespmem:s10], [sflag:$0x1] =	stream.indirect.gather.add.f32 [hbm:s7], $0x80, s30, s8, $0xb8;
	[tilespmem:$0x12800] =	vst v63  }
0x469: {  	s30 =	sld [smem:$0x7EE]  }
0x46a: {  	[tilespmem:s10], [sflag:$0x1] =	stream.indirect.gather.add.f32 [hbm:s7], $0x80, s31, s8, $0xb8;
	[tilespmem:$0x12800] =	vst v63  }
0x46b: {  	s31 =	sld [smem:$0x7EF]  }
0x46c: {  	[tilespmem:s10], [sflag:$0x1] =	stream.indirect.gather.add.f32 [hbm:s7], $0x80, s30, s8, $0xb8;
	[tilespmem:$0x12800] =	vst v63  }
0x46d: {  	s30 =	sld [smem:$0x7F0]  }
0x46e: {  	[tilespmem:s10], [sflag:$0x1] =	stream.indirect.gather.add.f32 [hbm:s7], $0x80, s31, s8, $0xb8;
	[tilespmem:$0x12800] =	vst v63  }
0x46f: {  	s31 =	sld [smem:$0x7F1]  }
0x470: {  	[tilespmem:s10], [sflag:$0x1] =	stream.indirect.gather.add.f32 [hbm:s7], $0x80, s30, s8, $0xb8;
	[tilespmem:$0x12800] =	vst v63  }
0x471: {  	_ = 	snop  }
0x472: {  	[tilespmem:s10], [sflag:$0x1] =	stream.indirect.gather.add.f32 [hbm:s7], $0x80, s31, s8, $0xb8;
	[tilespmem:$0x12800] =	vst v63  }
0x473: {  	_ =	swait.ge [sflag:s3], $0x4000  }
0x474: {  	s30 =	sld [smem:$0x7F2]  }
0x475: {  	[sflag:s3] =	ssyncset.done $0x0  }
0x476: {  	s31 =	sld [smem:$0x7F3];
	[sflag:s3] =	ssyncadd.s32 $0xFFFFC000  }
0x477: {  	[tilespmem:s29], [sflag:$0x1] =	stream.indirect.gather.add.f32 [hbm:s7], $0x80, s30, s8, $0xb8;
	[tilespmem:$0x12800] =	vst v63  }
0x478: {  	s30 =	sld [smem:$0x7F4]  }
0x479: {  	[tilespmem:s29], [sflag:$0x1] =	stream.indirect.gather.add.f32 [hbm:s7], $0x80, s31, s8, $0xb8;
	[tilespmem:$0x12800] =	vst v63  }
0x47a: {  	s31 =	sld [smem:$0x7F5]  }
0x47b: {  	[tilespmem:s29], [sflag:$0x1] =	stream.indirect.gather.add.f32 [hbm:s7], $0x80, s30, s8, $0xb8;
	[tilespmem:$0x12800] =	vst v63  }
0x47c: {  	s30 =	sld [smem:$0x7F6]  }
0x47d: {  	[tilespmem:s29], [sflag:$0x1] =	stream.indirect.gather.add.f32 [hbm:s7], $0x80, s31, s8, $0xb8;
	[tilespmem:$0x12800] =	vst v63  }
0x47e: {  	s31 =	sld [smem:$0x7F7]  }
0x47f: {  	[tilespmem:s29], [sflag:$0x1] =	stream.indirect.gather.add.f32 [hbm:s7], $0x80, s30, s8, $0xb8;
	[tilespmem:$0x12800] =	vst v63  }
0x480: {  	s30 =	sld [smem:$0x7F8]  }
0x481: {  	[tilespmem:s29], [sflag:$0x1] =	stream.indirect.gather.add.f32 [hbm:s7], $0x80, s31, s8, $0xb8;
	[tilespmem:$0x12800] =	vst v63  }
0x482: {  	s31 =	sld [smem:$0x7F9]  }
0x483: {  	[tilespmem:s29], [sflag:$0x1] =	stream.indirect.gather.add.f32 [hbm:s7], $0x80, s30, s8, $0xb8;
	[tilespmem:$0x12800] =	vst v63  }
0x484: {  	s30 =	sld [smem:$0x7FA]  }
0x485: {  	[tilespmem:s29], [sflag:$0x1] =	stream.indirect.gather.add.f32 [hbm:s7], $0x80, s31, s8, $0xb8;
	[tilespmem:$0x12800] =	vst v63  }
0x486: {  	_ = 	snop  }
0x487: {  	[tilespmem:s29], [sflag:$0x1] =	stream.indirect.gather.add.f32 [hbm:s7], $0x80, s30, s8, $0xb8;
	[tilespmem:$0x12800] =	vst v63  }
0x488: {  	_ =	swait.ge [sflag:s3], $0x4000  }
0x489: {  	[sflag:s3] =	ssyncset.done $0x0  }
0x48a: {  	[sflag:s3] =	ssyncadd.s32 $0xFFFFC000  }
0x48b: {  	_ =	swait.ge [sflag:s3], $0x4000  }
0x48c: {  	[sflag:s3] =	ssyncset.done $0x0  }
0x48d: {  	[sflag:s3] =	ssyncadd.s32 $0xFFFFC000  }
0x48e: {  	_ =	swait.ge [sflag:s3], $0x4000  }
0x48f: {  	[sflag:s3] =	ssyncset.done $0x0  }
0x490: {  	[sflag:s3] =	ssyncadd.s32 $0xFFFFC000  }
0x491: {  	_ =	swait.ge [sflag:s3], $0x4000  }
0x492: {  	[sflag:s3] =	ssyncset.done $0x0  }
0x493: {  	[sflag:s3] =	ssyncadd.s32 $0xFFFFC000  }
0x494: {  	_ =	swait.ge [sflag:s3], $0x4000  }
0x495: {  	[sflag:s3] =	ssyncset.done $0x0  }
0x496: {  	[sflag:s3] =	ssyncadd.s32 $0xFFFFC000  }
0x497: {  	_ =	swait.ge [sflag:s3], $0x4000  }
0x498: {  	[sflag:s3] =	ssyncset.done $0x0  }
0x499: {  	[sflag:s3] =	ssyncadd.s32 $0xFFFFC000  }
0x49a: {  	_ =	swait.ge [sflag:s3], $0x4000  }
0x49b: {  	[sflag:s3] =	ssyncset.done $0x0  }
0x49c: {  	[sflag:s3] =	ssyncadd.s32 $0xFFFFC000  }
0x49d: {  	_ =	swait.ge [sflag:s3], $0x4000  }
0x49e: {  	[sflag:s3] =	ssyncset.done $0x0  }
0x49f: {  	[sflag:s3] =	ssyncadd.s32 $0xFFFFC000  }
0x4a0: {  	_ =	swait.ge [sflag:s3], $0x4000  }
0x4a1: {  	[sflag:s3] =	ssyncset.done $0x0  }
0x4a2: {  	[sflag:s3] =	ssyncadd.s32 $0xFFFFC000  }
0x4a3: {  	_ =	swait.ge [sflag:s3], $0x4000  }
0x4a4: {  	[sflag:s3] =	ssyncset.done $0x0  }
0x4a5: {  	[sflag:s3] =	ssyncadd.s32 $0xFFFFC000  }
0x4a6: {  	_ =	swait.ge [sflag:s3], $0x4000  }
0x4a7: {  	[sflag:s3] =	ssyncset.done $0x0  }
0x4a8: {  	[sflag:s3] =	ssyncadd.s32 $0xFFFFC000  }
0x4a9: {  	_ =	swait.ge [sflag:s3], $0x4000  }
0x4aa: {  	[sflag:s3] =	ssyncset.done $0x0  }
0x4ab: {  	[sflag:s3] =	ssyncadd.s32 $0xFFFFC000  }
0x4ac: {  	_ =	swait.ge [sflag:s3], $0x4000  }
0x4ad: {  	[sflag:s3] =	ssyncset.done $0x0  }
0x4ae: {  	[sflag:s3] =	ssyncadd.s32 $0xFFFFC000  }
0x4af: {  	_ =	swait.ge [sflag:s3], $0x4000  }
0x4b0: {  	[sflag:s3] =	ssyncset.done $0x0  }
0x4b1: {  	[sflag:s3] =	ssyncadd.s32 $0xFFFFC000  }
0x4b2: {  	_ =	swait.ge [sflag:s3], $0x4000  }
0x4b3: {  	[sflag:s3] =	ssyncset.done $0x0  }
0x4b4: {  	[sflag:s3] =	ssyncadd.s32 $0xFFFFC000  }
0x4b5: {  	_ =	swait.ge [sflag:s3], $0x4000  }
0x4b6: {  	[sflag:s3] =	ssyncset.done $0x0  }
0x4b7: {  	[sflag:s3] =	ssyncadd.s32 $0xFFFFC000  }
0x4b8: {  	_ =	swait.ge [sflag:s3], $0x4000  }
0x4b9: {  	[sflag:s3] =	ssyncset.done $0x0  }
0x4ba: {  	[sflag:s3] =	ssyncadd.s32 $0xFFFFC000  }
0x4bb: {  	_ =	swait.ge [sflag:s3], $0x4000  }
0x4bc: {  	[sflag:s3] =	ssyncset.done $0x0  }
0x4bd: {  	s31 =	rddreg [dreg:$0x5];
	[sflag:s3] =	ssyncadd.s32 $0xFFFFC000  }
0x4be: {  	[hbm4b:s31+s2] =	stream.linear.scatter [tilespmem:s10], [sflag:$0x2], $0x8000, $0x38;
	[tilespmem:$0x12800] =	vst v63  }
0x4bf: {  	_ =	swait.ge [sflag:s5], $0x8000  }
0x4c0: {  	s1 =	sld [smem:$0x7FB]  }
0x4c1: {  	[sflag:s5] =	ssyncset.done $0x0  }
0x4c2: {  	s10 =	sld [smem:$0x7FC];
	[sflag:s5] =	ssyncadd.s32 $0xFFFF8000  }
0x4c3: {  	[tilespmem:s4], [sflag:$0x1] =	stream.indirect.gather [hbm4b:s7+s8], $0x80, s1, s8, $0xb8;
	[tilespmem:$0x12800] =	vst v63  }
0x4c4: {  	_ = 	snop  }
0x4c5: {  	[tilespmem:s9], [sflag:$0x1] =	stream.indirect.gather [hbm4b:s7+s8], $0x80, s10, s8, $0xb8;
	[tilespmem:$0x12800] =	vst v63  }
0x4c6: {  	_ =	swait.ge [sflag:s3], $0x4000  }
0x4c7: {  	s29 =	sld [smem:$0x7FD]  }
0x4c8: {  	[sflag:s3] =	ssyncset.done $0x0  }
0x4c9: {  	[sflag:s3] =	ssyncadd.s32 $0xFFFFC000  }
0x4ca: {  	[tilespmem:s4], [sflag:$0x1] =	stream.indirect.gather.add.f32 [hbm:s7], $0x80, s29, s8, $0xb8;
	[tilespmem:$0x12800] =	vst v63  }
0x4cb: {  	_ = 	snop  }
0x4cc: {  	[tilespmem:s4], [sflag:$0x1] =	stream.indirect.gather.add.f32 [hbm:s7], $0x80, s15, s8, $0xb8;
	[tilespmem:$0x12800] =	vst v63  }
0x4cd: {  	_ = 	snop  }
0x4ce: {  	[tilespmem:s4], [sflag:$0x1] =	stream.indirect.gather.add.f32 [hbm:s7], $0x80, s16, s8, $0xb8;
	[tilespmem:$0x12800] =	vst v63  }
0x4cf: {  	_ = 	snop  }
0x4d0: {  	[tilespmem:s4], [sflag:$0x1] =	stream.indirect.gather.add.f32 [hbm:s7], $0x80, s17, s8, $0xb8;
	[tilespmem:$0x12800] =	vst v63  }
0x4d1: {  	_ = 	snop  }
0x4d2: {  	[tilespmem:s4], [sflag:$0x1] =	stream.indirect.gather.add.f32 [hbm:s7], $0x80, s18, s8, $0xb8;
	[tilespmem:$0x12800] =	vst v63  }
0x4d3: {  	_ = 	snop  }
0x4d4: {  	[tilespmem:s4], [sflag:$0x1] =	stream.indirect.gather.add.f32 [hbm:s7], $0x80, s19, s8, $0xb8;
	[tilespmem:$0x12800] =	vst v63  }
0x4d5: {  	_ = 	snop  }
0x4d6: {  	[tilespmem:s4], [sflag:$0x1] =	stream.indirect.gather.add.f32 [hbm:s7], $0x80, s20, s8, $0xb8;
	[tilespmem:$0x12800] =	vst v63  }
0x4d7: {  	_ = 	snop  }
0x4d8: {  	[tilespmem:s4], [sflag:$0x1] =	stream.indirect.gather.add.f32 [hbm:s7], $0x80, s21, s8, $0xb8;
	[tilespmem:$0x12800] =	vst v63  }
0x4d9: {  	_ = 	snop  }
0x4da: {  	[tilespmem:s4], [sflag:$0x1] =	stream.indirect.gather.add.f32 [hbm:s7], $0x80, s22, s8, $0xb8;
	[tilespmem:$0x12800] =	vst v63  }
0x4db: {  	_ =	swait.ge [sflag:s3], $0x4000  }
0x4dc: {  	[sflag:s3] =	ssyncset.done $0x0  }
0x4dd: {  	[sflag:s3] =	ssyncadd.s32 $0xFFFFC000  }
0x4de: {  	[tilespmem:s9], [sflag:$0x1] =	stream.indirect.gather.add.f32 [hbm:s7], $0x80, s12, s8, $0xb8;
	[tilespmem:$0x12800] =	vst v63  }
0x4df: {  	_ = 	snop  }
0x4e0: {  	[tilespmem:s9], [sflag:$0x1] =	stream.indirect.gather.add.f32 [hbm:s7], $0x80, s13, s8, $0xb8;
	[tilespmem:$0x12800] =	vst v63  }
0x4e1: {  	_ = 	snop  }
0x4e2: {  	[tilespmem:s9], [sflag:$0x1] =	stream.indirect.gather.add.f32 [hbm:s7], $0x80, s14, s8, $0xb8;
	[tilespmem:$0x12800] =	vst v63  }
0x4e3: {  	_ = 	snop  }
0x4e4: {  	[tilespmem:s9], [sflag:$0x1] =	stream.indirect.gather.add.f32 [hbm:s7], $0x80, s23, s8, $0xb8;
	[tilespmem:$0x12800] =	vst v63  }
0x4e5: {  	_ = 	snop  }
0x4e6: {  	[tilespmem:s9], [sflag:$0x1] =	stream.indirect.gather.add.f32 [hbm:s7], $0x80, s24, s8, $0xb8;
	[tilespmem:$0x12800] =	vst v63  }
0x4e7: {  	_ = 	snop  }
0x4e8: {  	[tilespmem:s9], [sflag:$0x1] =	stream.indirect.gather.add.f32 [hbm:s7], $0x80, s25, s8, $0xb8;
	[tilespmem:$0x12800] =	vst v63  }
0x4e9: {  	_ = 	snop  }
0x4ea: {  	[tilespmem:s9], [sflag:$0x1] =	stream.indirect.gather.add.f32 [hbm:s7], $0x80, s26, s8, $0xb8;
	[tilespmem:$0x12800] =	vst v63  }
0x4eb: {  	_ = 	snop  }
0x4ec: {  	[tilespmem:s9], [sflag:$0x1] =	stream.indirect.gather.add.f32 [hbm:s7], $0x80, s28, s8, $0xb8;
	[tilespmem:$0x12800] =	vst v63  }
0x4ed: {  	s30 =	simm.s32 $0x2780  }
0x4ee: {  	[tilespmem:s9], [sflag:$0x1] =	stream.indirect.gather.add.f32 [hbm:s7], $0x80, s30, s8, $0xb8;
	[tilespmem:$0x12800] =	vst v63  }
0x4ef: {  	_ =	swait.ge [sflag:s3], $0x4000  }
0x4f0: {  	[sflag:s3] =	ssyncset.done $0x0  }
0x4f1: {  	[sflag:s3] =	ssyncadd.s32 $0xFFFFC000  }
0x4f2: {  	_ =	swait.ge [sflag:s3], $0x4000  }
0x4f3: {  	[sflag:s3] =	ssyncset.done $0x0  }
0x4f4: {  	[sflag:s3] =	ssyncadd.s32 $0xFFFFC000  }
0x4f5: {  	_ =	swait.ge [sflag:s3], $0x4000  }
0x4f6: {  	[sflag:s3] =	ssyncset.done $0x0  }
0x4f7: {  	[sflag:s3] =	ssyncadd.s32 $0xFFFFC000  }
0x4f8: {  	_ =	swait.ge [sflag:s3], $0x4000  }
0x4f9: {  	[sflag:s3] =	ssyncset.done $0x0  }
0x4fa: {  	[sflag:s3] =	ssyncadd.s32 $0xFFFFC000  }
0x4fb: {  	_ =	swait.ge [sflag:s3], $0x4000  }
0x4fc: {  	[sflag:s3] =	ssyncset.done $0x0  }
0x4fd: {  	[sflag:s3] =	ssyncadd.s32 $0xFFFFC000  }
0x4fe: {  	_ =	swait.ge [sflag:s3], $0x4000  }
0x4ff: {  	[sflag:s3] =	ssyncset.done $0x0  }
0x500: {  	[sflag:s3] =	ssyncadd.s32 $0xFFFFC000  }
0x501: {  	_ =	swait.ge [sflag:s3], $0x4000  }
0x502: {  	[sflag:s3] =	ssyncset.done $0x0  }
0x503: {  	[sflag:s3] =	ssyncadd.s32 $0xFFFFC000  }
0x504: {  	_ =	swait.ge [sflag:s3], $0x4000  }
0x505: {  	[sflag:s3] =	ssyncset.done $0x0  }
0x506: {  	[sflag:s3] =	ssyncadd.s32 $0xFFFFC000  }
0x507: {  	_ =	swait.ge [sflag:s3], $0x4000  }
0x508: {  	[sflag:s3] =	ssyncset.done $0x0  }
0x509: {  	[sflag:s3] =	ssyncadd.s32 $0xFFFFC000  }
0x50a: {  	_ =	swait.ge [sflag:s3], $0x4000  }
0x50b: {  	[sflag:s3] =	ssyncset.done $0x0  }
0x50c: {  	[sflag:s3] =	ssyncadd.s32 $0xFFFFC000  }
0x50d: {  	_ =	swait.ge [sflag:s3], $0x4000  }
0x50e: {  	[sflag:s3] =	ssyncset.done $0x0  }
0x50f: {  	[sflag:s3] =	ssyncadd.s32 $0xFFFFC000  }
0x510: {  	_ =	swait.ge [sflag:s3], $0x4000  }
0x511: {  	[sflag:s3] =	ssyncset.done $0x0  }
0x512: {  	[sflag:s3] =	ssyncadd.s32 $0xFFFFC000  }
0x513: {  	_ =	swait.ge [sflag:s3], $0x4000  }
0x514: {  	[sflag:s3] =	ssyncset.done $0x0  }
0x515: {  	[sflag:s3] =	ssyncadd.s32 $0xFFFFC000  }
0x516: {  	_ =	swait.ge [sflag:s3], $0x4000  }
0x517: {  	[sflag:s3] =	ssyncset.done $0x0  }
0x518: {  	[sflag:s3] =	ssyncadd.s32 $0xFFFFC000  }
0x519: {  	_ =	swait.ge [sflag:s3], $0x4000  }
0x51a: {  	[sflag:s3] =	ssyncset.done $0x0  }
0x51b: {  	[sflag:s3] =	ssyncadd.s32 $0xFFFFC000  }
0x51c: {  	_ =	swait.ge [sflag:s3], $0x4000  }
0x51d: {  	[sflag:s3] =	ssyncset.done $0x0  }
0x51e: {  	[sflag:s3] =	ssyncadd.s32 $0xFFFFC000  }
0x51f: {  	_ =	swait.ge [sflag:s3], $0x4000  }
0x520: {  	[sflag:s3] =	ssyncset.done $0x0  }
0x521: {  	[sflag:s3] =	ssyncadd.s32 $0xFFFFC000  }
0x522: {  	_ =	swait.ge [sflag:s3], $0x4000  }
0x523: {  	[sflag:s3] =	ssyncset.done $0x0  }
0x524: {  	s31 =	rddreg [dreg:$0x6];
	[sflag:s3] =	ssyncadd.s32 $0xFFFFC000  }
0x525: {  	[hbm4b:s31+s2] =	stream.linear.scatter [tilespmem:s4], [sflag:$0x3], $0x8000, $0x38;
	[tilespmem:$0x12800] =	vst v63  }
0x526: {  	_ =	swait.ge [sflag:s6], $0x8000  }
0x527: {  	[sflag:s6] =	ssyncset.done $0x0  }
0x528: {  	[sflag:s6] =	ssyncadd.s32 $0xFFFF8000  }
0x529: {  	_ =	swait.ge [sflag:s5], $0x8000  }
0x52a: {  	[sflag:s5] =	ssyncset.done $0x0  }
0x52b: {  	[sflag:s5] =	ssyncadd.s32 $0xFFFF8000  }
0x52c: {  	_ =	sfence.sel $0x180000  }
0x52d: {  	[bflag:$0x0] =	sbarrier.arrive $0xFFFF  }
0x52e: {  	_ =	strace $0x90000047  }
0x52f: {  	[bflag:$0x2] =	sbarrier.arrive $0xFFFF  }
0x530: {  	p0 =	sne.s32 s11, $0x0;
	s0 =	rddreg [dreg:$0x2]  }
0x531: {  	s0 =	sadd.s32 @!p0 $0x100000, s0  }
0x532: {  	[sflag:s0] =	ssyncadd.tile.s32 @!p0 $0x1;
	_ =	shalt  }
.LBB2_1:
0x533: {  	s28 =	simm.s32 $0x2680;
	s26 =	simm.s32 $0x2580  }
.Ltmp3:
0x534: {  	s25 =	simm.s32 $0x2480;
	s24 =	simm.s32 $0x2380;
	(pc) =	sbr.rel .LBB2_6-.Ltmp3, $4  }
0x535: {  	s23 =	simm.s32 $0x2280;
	s22 =	simm.s32 $0x2700;
	s21 =	simm.s32 $0x2600  }
0x536: {  	s20 =	simm.s32 $0x2500;
	s19 =	simm.s32 $0x2400;
	s18 =	simm.s32 $0x2300  }
0x537: {  	s17 =	simm.s32 $0x2200;
	s16 =	simm.s32 $0x2100;
	s15 =	simm.s32 $0x2000  }
0x538: {  	s14 =	simm.s32 $0x2180;
	s13 =	simm.s32 $0x2080;
	s12 =	simm.s32 $0x1F80  }
.LBB2_3:
0x539: {  	s28 =	simm.s32 $0x2680;
	s26 =	simm.s32 $0x2580;
	s25 =	simm.s32 $0x2480  }
.Ltmp4:
0x53a: {  	s24 =	simm.s32 $0x2380;
	s23 =	simm.s32 $0x2280;
	(pc) =	sbr.rel .LBB2_6-.Ltmp4, $4  }
0x53b: {  	s22 =	simm.s32 $0x2700;
	s21 =	simm.s32 $0x2600;
	s20 =	simm.s32 $0x2500  }
0x53c: {  	s19 =	simm.s32 $0x2400;
	s18 =	simm.s32 $0x2300;
	s17 =	simm.s32 $0x2200  }
0x53d: {  	s16 =	simm.s32 $0x2100;
	s15 =	simm.s32 $0x2000;
	s14 =	simm.s32 $0x2180  }
0x53e: {  	s13 =	simm.s32 $0x2080;
	s12 =	simm.s32 $0x1F80;
	s11 =	stileid.u32  }
.Lfunc_end2:
_tile_overlayer_lowered:
.L_overlay_start_2:
0x53f: {  	(tag) =	ssettag $0x2  }
0x540: {  	s0 =	rddreg [dreg:$0x0];
	s2 =	stileid.u32  }
0x541: {  	s1 =	rddreg [dreg:$0x1];
	p0 =	sne.s32 s2, $0x0  }
0x542: {  	s3 =	rddreg [dreg:$0x2];
	[bflag:$0x3] =	sbarrier.arrive $0xFFFF;
	s2 =	simm.s32 @!p0 $0x1C04  }
0x543: {  	[timem:s3], [sflag:s2] =	dma.local @!p0 [hbm:s0], s1  }
0x544: {  	s0 =	simm.s32 @!p0 $0x4  }
0x545: {  	_ =	swait.ge @!p0 [sflag:s0], s1  }
0x546: {  	s1 =	ssub.s32 @!p0 $0x0, s1;
	[sflag:s0] =	ssyncset.done @!p0 $0x0  }
0x547: {  	[sflag:s0] =	ssyncadd.s32 @!p0 s1  }
0x548: {  	[bflag:$0x3] =	sbarrier.arrive $0xFFFF  }
0x549: {  	_ =	shalt  }

</sc_bundles>
